<compile_context>
chip_gen: v7x
topology: tpu7x:2x2x1
jax: 0.10.2.dev20260603
libtpu: 0.0.44.dev20260713+nightly
codegen_flags: <defaults>
</compile_context>

<pallas_src>
import dataclasses
import functools

import jax
import jax.numpy as jnp
from jax import lax
from jax.experimental import pallas as pl
from jax.experimental.pallas import tpu as pltpu
from jax.experimental.pallas import tpu_sc as plsc

N = 10000
NP = 10240
E = 320000
E1 = E + N
EP = 330240
CH = EP // 16
KA = 688
NCHA = CH // KA
KB = 120
NCHB = CH // KB
NEG = -1000.0


def _f32(x):
    return jnp.asarray(x, jnp.float32)



def _tc1_body(x_ref, w_ref, ms_ref, md_ref, hp_ref, as_ref, ad_ref):
    hb = jnp.dot(x_ref[...], w_ref[...], preferred_element_type=jnp.float32)
    hp_ref[0] = hb[:, :128]
    hp_ref[1] = hb[:, 128:]
    as_ref[...] = jnp.dot(hb, ms_ref[...], preferred_element_type=jnp.float32)
    ad_ref[...] = jnp.dot(hb, md_ref[...], preferred_element_type=jnp.float32)


def _tc1(x, W1, Ms, Md):
    bn = 1000
    return pl.pallas_call(
        _tc1_body,
        grid=(N // bn,),
        in_specs=[
            pl.BlockSpec((bn, 128), lambda i: (i, 0)),
            pl.BlockSpec((128, 256), lambda i: (0, 0)),
            pl.BlockSpec((256, 128), lambda i: (0, 0)),
            pl.BlockSpec((256, 128), lambda i: (0, 0)),
        ],
        out_specs=[
            pl.BlockSpec((2, bn, 128), lambda i: (0, i, 0)),
            pl.BlockSpec((bn, 128), lambda i: (i, 0)),
            pl.BlockSpec((bn, 128), lambda i: (i, 0)),
        ],
        out_shape=[
            jax.ShapeDtypeStruct((2, N, 128), jnp.float32),
            jax.ShapeDtypeStruct((N, 128), jnp.float32),
            jax.ShapeDtypeStruct((N, 128), jnp.float32),
        ],
    )(x, W1, Ms, Md)


def _tc2_body(h_ref, w_ref, ms_ref, md_ref, h2_ref, as_ref, ad_ref):
    hb = h_ref[...]
    g = jnp.maximum(hb, 0.01 * hb)
    h2 = jnp.dot(g, w_ref[...], preferred_element_type=jnp.float32)
    h2_ref[...] = h2
    as_ref[...] = jnp.dot(h2, ms_ref[...], preferred_element_type=jnp.float32)
    ad_ref[...] = jnp.dot(h2, md_ref[...], preferred_element_type=jnp.float32)


def _tc2(h, W2, Ms, Md):
    bn = 1000
    return pl.pallas_call(
        _tc2_body,
        grid=(N // bn,),
        in_specs=[
            pl.BlockSpec((bn, 256), lambda i: (i, 0)),
            pl.BlockSpec((256, 128), lambda i: (0, 0)),
            pl.BlockSpec((128, 128), lambda i: (0, 0)),
            pl.BlockSpec((128, 128), lambda i: (0, 0)),
        ],
        out_specs=[
            pl.BlockSpec((bn, 128), lambda i: (i, 0)),
            pl.BlockSpec((bn, 128), lambda i: (i, 0)),
            pl.BlockSpec((bn, 128), lambda i: (i, 0)),
        ],
        out_shape=[
            jax.ShapeDtypeStruct((N, 128), jnp.float32),
            jax.ShapeDtypeStruct((N, 128), jnp.float32),
            jax.ShapeDtypeStruct((N, 128), jnp.float32),
        ],
    )(h, W2, Ms, Md)



def _make_sc_layer(nh, chalf, nh_total, edge_split):
    cph = chalf // nh
    vregs = chalf // 16
    vph = cph // 16
    mesh = plsc.VectorSubcoreMesh(core_axis_name="c", subcore_axis_name="s",
                                  num_cores=2, num_subcores=16)

    def body(hsw, srcp, dstp, asrcf, adstf, bflat,
             o_hbm, exout,
             src_a, dst_a, val_a, val_b, bbuf, rbuf,
             srcB0, srcB1, dstB0, dstB1, gidx0, gidx1,
             hbuf0, hbuf1, exB, rdv, gsem0, gsem1,
             acc, *shared):
        den = shared[:nh]
        asp = shared[nh:2 * nh]
        adp = shared[2 * nh:3 * nh]
        c = lax.axis_index("c")
        sid = lax.axis_index("s")
        tb = sid * CH
        if edge_split:
            chb = CH // 2
            tbB = c * (EP // 2) + sid * chb
            cN = 0
        else:
            chb = CH
            tbB = tb
            cN = c * N
        nchb = chb // KB
        srcB = (srcB0, srcB1)
        dstB = (dstB0, dstB1)
        gidx = (gidx0, gidx1)
        hbuf = (hbuf0, hbuf1)
        gsem = (gsem0, gsem1)

        @pl.loop(0, KA, step=16)
        def _(i):
            val_a[pl.ds(i, 16)] = jnp.zeros((16,), jnp.float32)

        for i in range(nh):
            pltpu.sync_copy(val_a.at[pl.ds(0, 640)],
                            den[i].at[pl.ds(sid * 640, 640)])

        @pl.when(sid == 0)
        def _():
            for i in range(nh):
                th = lax.rem(c * nh + i, nh_total)
                pltpu.sync_copy(asrcf.at[pl.ds(th * NP, NP)], asp[i])
                pltpu.sync_copy(adstf.at[pl.ds(th * NP, NP)], adp[i])

        pltpu.sync_copy(bflat.at[pl.ds(c * chalf, chalf)], bbuf)

        @pl.loop(0, KB)
        def _(r):
            for j in range(vregs):
                hbuf0[r, pl.ds(16 * j, 16)] = bbuf[pl.ds(16 * j, 16)]

        base = sid * 640
        for q in range(5):
            pltpu.sync_copy(hbuf0.at[pl.ds(0, KB)],
                            acc.at[pl.ds(base + q * KB, KB)])
        pltpu.sync_copy(hbuf0.at[pl.ds(0, 640 - 5 * KB)],
                        acc.at[pl.ds(base + 5 * KB, 640 - 5 * KB)])
        plsc.subcore_barrier()

        @pl.loop(0, NCHA)
        def _(t):
            off = tb + t * KA
            pltpu.sync_copy(srcp.at[pl.ds(off, KA)], src_a)
            pltpu.sync_copy(dstp.at[pl.ds(off, KA)], dst_a)
            for i in range(nh):
                pltpu.sync_copy(asp[i].at[src_a], val_a)
                pltpu.sync_copy(adp[i].at[dst_a], val_b)

                @pl.loop(0, KA, step=16)
                def _(g):
                    al = val_a[pl.ds(g, 16)] + val_b[pl.ds(g, 16)]
                    al = jnp.maximum(al, 0.2 * al)
                    val_a[pl.ds(g, 16)] = jnp.exp(al)

                slot = c * nh + i
                pltpu.sync_copy(val_a, exout.at[pl.ds(slot * EP + off, KA)])
                pltpu.sync_copy(val_a, den[i].at[dst_a], add=True)

        plsc.subcore_barrier()

        for i in range(nh):
            pltpu.sync_copy(den[i].at[pl.ds(sid * 640, 640)], rbuf)

            @pl.loop(0, 640, step=16)
            def _(g):
                rbuf[pl.ds(g, 16)] = 1.0 / (rbuf[pl.ds(g, 16)] + 1e-16)

            pltpu.sync_copy(rbuf, den[i].at[pl.ds(sid * 640, 640)])
        plsc.subcore_barrier()

        def prep(t, b):
            off = tbB + t * KB
            pltpu.sync_copy(srcp.at[pl.ds(off, KB)], srcB[b])
            pltpu.sync_copy(dstp.at[pl.ds(off, KB)], dstB[b])

            @pl.loop(0, KB, step=16)
            def _(g):
                gidx[b][pl.ds(g, 16)] = srcB[b][pl.ds(g, 16)] + cN

            pltpu.async_copy(hsw.at[gidx[b]], hbuf[b], gsem[b])

        def process(cur, b):
            nb = 1 - b
            pltpu.make_async_copy(hsw.at[gidx[b]], hbuf[b], gsem[b]).wait()

            @pl.when(cur + 1 < nchb)
            def _():
                prep(cur + 1, nb)

            off = tbB + cur * KB
            for i in range(nh):
                slot = c * nh + i
                pltpu.sync_copy(exout.at[pl.ds(slot * EP + off, KB)],
                                exB.at[pl.ds(i * KB, KB)])
                pltpu.sync_copy(den[i].at[dstB[b]],
                                rdv.at[pl.ds(i * KB, KB)])

            @pl.loop(0, nh * KB, step=16)
            def _(g):
                exB[pl.ds(g, 16)] = exB[pl.ds(g, 16)] * rdv[pl.ds(g, 16)]

            @pl.loop(0, KB)
            def _(e):
                cfs = []
                for i in range(nh):
                    idx = jnp.full((16,), i * KB, jnp.int32) + e
                    cfs.append(plsc.load_gather(exB, [idx]))
                for j in range(vregs):
                    i = j // vph
                    v = hbuf[b][e, pl.ds(16 * j, 16)]
                    hbuf[b][e, pl.ds(16 * j, 16)] = v * cfs[i]

            pltpu.sync_copy(hbuf[b], acc.at[dstB[b]], add=True)

        prep(0, 0)

        @pl.loop(0, nchb, step=2)
        def _(g):
            process(g, 0)
            process(g + 1, 1)

        plsc.subcore_barrier()
        pltpu.sync_copy(acc.at[pl.ds(sid * 640, 640)],
                        o_hbm.at[pl.ds(c * NP + sid * 640, 640)])

    scratch = [
        pltpu.VMEM((KA,), jnp.int32),
        pltpu.VMEM((KA,), jnp.int32),
        pltpu.VMEM((KA,), jnp.float32),
        pltpu.VMEM((KA,), jnp.float32),
        pltpu.VMEM((chalf,), jnp.float32),
        pltpu.VMEM((640,), jnp.float32),
        pltpu.VMEM((KB,), jnp.int32),
        pltpu.VMEM((KB,), jnp.int32),
        pltpu.VMEM((KB,), jnp.int32),
        pltpu.VMEM((KB,), jnp.int32),
        pltpu.VMEM((KB,), jnp.int32),
        pltpu.VMEM((KB,), jnp.int32),
        pltpu.VMEM((KB, chalf), jnp.float32),
        pltpu.VMEM((KB, chalf), jnp.float32),
        pltpu.VMEM((nh * KB,), jnp.float32),
        pltpu.VMEM((nh * KB,), jnp.float32),
        pltpu.SemaphoreType.DMA,
        pltpu.SemaphoreType.DMA,
        pltpu.VMEM_SHARED((NP, chalf), jnp.float32),
    ] + ([pltpu.VMEM_SHARED((NP,), jnp.float32)] * (3 * nh))

    out_type = [
        jax.ShapeDtypeStruct((2 * NP, chalf), jnp.float32),
        jax.ShapeDtypeStruct((2 * nh * EP,), jnp.float32),
    ]
    cp = pltpu.CompilerParams()
    if "needs_layout_passes" in pltpu.CompilerParams.__dataclass_fields__:
        cp = dataclasses.replace(cp, needs_layout_passes=False)
    return pl.kernel(body, out_type=out_type, mesh=mesh,
                     scratch_types=scratch, compiler_params=cp)


@functools.cache
def _sc_layer(nh, chalf, nh_total, edge_split):
    return _make_sc_layer(nh, chalf, nh_total, edge_split)



def _att_mat(att, heads, ch):
    M = (att[:, :, None] * jnp.eye(heads, dtype=jnp.float32)[:, None, :])
    M = M.reshape(heads * ch, heads)
    return jnp.pad(M, ((0, 0), (0, 128 - heads)))


def _pad_table(a):
    return jnp.pad(a, (0, NP - N), constant_values=NEG)


def kernel(x, edge_index, W1, att_src1, att_dst1, b1, W2, att_src2,
           att_dst2, b2):
    x = _f32(x)
    src = edge_index[0].astype(jnp.int32)
    dst = edge_index[1].astype(jnp.int32)
    loops = jnp.arange(N, dtype=jnp.int32)
    padn = EP - E1
    srcp = jnp.concatenate([src, loops, jnp.zeros((padn,), jnp.int32)])
    dstp = jnp.concatenate([dst, loops, jnp.full((padn,), N, jnp.int32)])

    Ms1 = _att_mat(_f32(att_src1), 4, 64)
    Md1 = _att_mat(_f32(att_dst1), 4, 64)
    hpair, aS, aD = _tc1(x, _f32(W1), Ms1, Md1)
    hsw1 = hpair.reshape(2 * N, 128)
    asrc1 = jnp.concatenate([_pad_table(aS[:, h]) for h in range(4)])
    adst1 = jnp.concatenate([_pad_table(aD[:, h]) for h in range(4)])

    o1, _ = _sc_layer(2, 128, 4, False)(hsw1, srcp, dstp, asrc1, adst1, _f32(b1))
    h1 = jnp.concatenate([o1[:N], o1[NP:NP + N]], axis=1)

    Ms2 = jnp.pad(_f32(att_src2).T, ((0, 0), (0, 127)))
    Md2 = jnp.pad(_f32(att_dst2).T, ((0, 0), (0, 127)))
    h2, a2s, a2d = _tc2(h1, _f32(W2), Ms2, Md2)
    asrc2 = _pad_table(a2s[:, 0])
    adst2 = _pad_table(a2d[:, 0])

    b2c = jnp.concatenate([_f32(b2), jnp.zeros((128,), jnp.float32)])
    o2, _ = _sc_layer(1, 128, 1, True)(h2, srcp, dstp, asrc2, adst2, b2c)
    out = o2[:N] + o2[NP:NP + N]
    return out

# --- scband reference (transcript-rebuilt; emitter-appended) ---
"""Pipeline reference for scband-gat-46076409151706 (READ-ONLY COPY).

The authoritative reference and input builder live on the scoring server;
editing this copy changes nothing except your own understanding.
"""

import jax, jax.numpy as jnp
import numpy as np

N = 10000
E = 320000
D_IN = 128
HID = 64
HEADS = 4
D_OUT = 128


def setup_inputs(seed: int = 0) -> dict:
    key = jax.random.key(seed)
    ks = jax.random.split(key, 10)
    x = jax.random.normal(ks[0], (N, D_IN), dtype=jnp.float32)
    edge_index = jax.random.randint(ks[1], (2, E), 0, N)
    W1 = jax.random.normal(ks[2], (D_IN, HEADS * HID), dtype=jnp.float32) / np.sqrt(D_IN)
    att_src1 = jax.random.normal(ks[3], (HEADS, HID), dtype=jnp.float32) * 0.1
    att_dst1 = jax.random.normal(ks[4], (HEADS, HID), dtype=jnp.float32) * 0.1
    b1 = jnp.zeros((HEADS * HID,), dtype=jnp.float32)
    W2 = jax.random.normal(ks[5], (HEADS * HID, D_OUT), dtype=jnp.float32) / np.sqrt(HEADS * HID)
    att_src2 = jax.random.normal(ks[6], (1, D_OUT), dtype=jnp.float32) * 0.1
    att_dst2 = jax.random.normal(ks[7], (1, D_OUT), dtype=jnp.float32) * 0.1
    b2 = jnp.zeros((D_OUT,), dtype=jnp.float32)
    return {"x": x, "edge_index": edge_index, "W1": W1, "att_src1": att_src1,
            "att_dst1": att_dst1, "b1": b1, "W2": W2, "att_src2": att_src2,
            "att_dst2": att_dst2, "b2": b2}


def _gat_conv(x, src, dst, W, att_src, att_dst, bias, heads, ch, concat, num_nodes):
    # Linear projection, per-head view
    h = (x @ W).reshape(num_nodes, heads, ch)
    # Attention logits per node (source / destination parts)
    a_src = (h * att_src[None, :, :]).sum(-1)  # [N, H]
    a_dst = (h * att_dst[None, :, :]).sum(-1)  # [N, H]
    alpha = a_src[src] + a_dst[dst]            # [E, H] (gather)
    alpha = jax.nn.leaky_relu(alpha, negative_slope=0.2)
    # Segment softmax over incoming edges of each destination node
    amax = jax.ops.segment_max(alpha, dst, num_segments=num_nodes)
    amax = jnp.where(jnp.isfinite(amax), amax, 0.0)
    ex = jnp.exp(alpha - amax[dst])
    denom = jax.ops.segment_sum(ex, dst, num_segments=num_nodes)
    coef = ex / (denom[dst] + 1e-16)           # [E, H]
    # Weighted message aggregation (gather + scatter-add)
    msg = h[src] * coef[:, :, None]            # [E, H, C]
    out = jax.ops.segment_sum(msg, dst, num_segments=num_nodes)  # [N, H, C]
    if concat:
        out = out.reshape(num_nodes, heads * ch)
    else:
        out = out.mean(axis=1)
    return out + bias


def reference(x, edge_index, W1, att_src1, att_dst1, b1, W2, att_src2, att_dst2, b2):
    num_nodes = x.shape[0]
    # PyG GATConv adds self-loops by default
    loops = jnp.arange(num_nodes, dtype=edge_index.dtype)
    src = jnp.concatenate([edge_index[0], loops])
    dst = jnp.concatenate([edge_index[1], loops])
    # dropout p=0.0 -> identity
    h = _gat_conv(x, src, dst, W1, att_src1, att_dst1, b1, HEADS, HID, True, num_nodes)
    h = jax.nn.leaky_relu(h, negative_slope=0.01)  # F.leaky_relu default slope
    out = _gat_conv(h, src, dst, W2, att_src2, att_dst2, b2, 1, D_OUT, False, num_nodes)
    return out

if __name__ == "__main__":
    import jax
    _d = setup_inputs()
    print(jax.jit(kernel)(*tuple(_d.values())))

</pallas_src>

<mosaic_0001>
#map = affine_map<(d0, d1) -> (0, 0)>
#map1 = affine_map<(d0, d1) -> (0)>
module attributes {stable_mosaic.version = 14 : i64} {
  func.func @body(%arg0: i32, %arg1: i32, %arg2: memref<20000x128xf32, #tpu.memory_space<hbm>>, %arg3: memref<330240xi32, #tpu.memory_space<hbm>>, %arg4: memref<330240xi32, #tpu.memory_space<hbm>>, %arg5: memref<40960xf32, #tpu.memory_space<hbm>>, %arg6: memref<40960xf32, #tpu.memory_space<hbm>>, %arg7: memref<256xf32, #tpu.memory_space<hbm>>, %arg8: memref<20480x128xf32, #tpu.memory_space<hbm>>, %arg9: memref<1320960xf32, #tpu.memory_space<hbm>>, %arg10: memref<688xi32, #tpu.memory_space<vmem>>, %arg11: memref<688xi32, #tpu.memory_space<vmem>>, %arg12: memref<688xf32, #tpu.memory_space<vmem>>, %arg13: memref<688xf32, #tpu.memory_space<vmem>>, %arg14: memref<128xf32, #tpu.memory_space<vmem>>, %arg15: memref<640xf32, #tpu.memory_space<vmem>>, %arg16: memref<120xi32, #tpu.memory_space<vmem>>, %arg17: memref<120xi32, #tpu.memory_space<vmem>>, %arg18: memref<120xi32, #tpu.memory_space<vmem>>, %arg19: memref<120xi32, #tpu.memory_space<vmem>>, %arg20: memref<120xi32, #tpu.memory_space<vmem>>, %arg21: memref<120xi32, #tpu.memory_space<vmem>>, %arg22: memref<120x128xf32, #tpu.memory_space<vmem>>, %arg23: memref<120x128xf32, #tpu.memory_space<vmem>>, %arg24: memref<240xf32, #tpu.memory_space<vmem>>, %arg25: memref<240xf32, #tpu.memory_space<vmem>>, %arg26: memref<!tpu.dma_semaphore, #tpu.memory_space<semaphore_mem>>, %arg27: memref<!tpu.dma_semaphore, #tpu.memory_space<semaphore_mem>>, %arg28: memref<10240x128xf32, #tpu.memory_space<vmem_shared>>, %arg29: memref<10240xf32, #tpu.memory_space<vmem_shared>>, %arg30: memref<10240xf32, #tpu.memory_space<vmem_shared>>, %arg31: memref<10240xf32, #tpu.memory_space<vmem_shared>>, %arg32: memref<10240xf32, #tpu.memory_space<vmem_shared>>, %arg33: memref<10240xf32, #tpu.memory_space<vmem_shared>>, %arg34: memref<10240xf32, #tpu.memory_space<vmem_shared>>) attributes {dimension_semantics = [#tpu.dimension_semantics<core_parallel>, #tpu.dimension_semantics<subcore_parallel>], iteration_bounds = array<i64: 2, 16>, scalar_prefetch = 0 : i64, scratch_operands = 25 : i64, tpu.core_type = #tpu.core_type<sc_vector_subcore>, window_params = [{transform_indices = #map}, {transform_indices = #map1}, {transform_indices = #map1}, {transform_indices = #map1}, {transform_indices = #map1}, {transform_indices = #map1}, {transform_indices = #map}, {transform_indices = #map1}]} {
    %mul3A = arith.constant 20640 : i32
    %mul3A_0 = arith.muli %arg1, %mul3A : i32
    %mul3A_1 = arith.constant 10000 : i32
    %mul3A_2 = arith.muli %arg0, %mul3A_1 : i32
    %scan3A = arith.constant 0 : i32
    %scan3A_3 = arith.constant 43 : i32
    %scan3A_4 = arith.addi %scan3A, %scan3A_3 : i32
    %scan3A_5 = arith.constant 1 : i32
    scf.for %scan3A_80 = %scan3A to %scan3A_4 step %scan3A_5  : i32 {
      %mul3A_81 = arith.constant 16 : i32
      %mul3A_82 = arith.muli %scan3A_80, %mul3A_81 : i32
      %add3A_83 = arith.constant 0 : i32
      %add3A_84 = arith.addi %add3A_83, %mul3A_82 : i32
      %broadcast_in_dim3A = arith.constant 0.000000e+00 : f32
      %broadcast_in_dim3A_85 = vector.broadcast %broadcast_in_dim3A : f32 to vector<16xf32>
      %swap3A = arith.index_cast %add3A_84 : i32 to index
      %swap3A_86 = tpu.vector_load %arg12[%swap3A] {strides = array<i32>} : memref<688xf32, #tpu.memory_space<vmem>>, vector<16xf32>,
      tpu.vector_store %arg12[%swap3A], %broadcast_in_dim3A_85 {strides = array<i32>} : memref<688xf32, #tpu.memory_space<vmem>>, vector<16xf32>,
    }
    %scan3A_6 = arith.constant 43 : i32
    %mul3A_7 = arith.constant 640 : i32
    %mul3A_8 = arith.muli %arg1, %mul3A_7 : i32
    "tpu.region"() ({
      %run_scoped3A = tpu.sem_alloc : memref<!tpu.dma_semaphore, #tpu.memory_space<semaphore_mem>>
      %dma_start3A_80 = arith.constant 0 : i32
      %dma_start3A_81 = tpu.memref_slice %arg12[%dma_start3A_80] : memref<688xf32, #tpu.memory_space<vmem>> -> memref<640xf32, #tpu.memory_space<vmem>>
      %dma_start3A_82 = tpu.memref_slice %arg29[%mul3A_8] : memref<10240xf32, #tpu.memory_space<vmem_shared>> -> memref<640xf32, #tpu.memory_space<vmem_shared>>
      %dma_start3A_83 = tpu.memref_slice %arg29[%mul3A_8] : memref<10240xf32, #tpu.memory_space<vmem_shared>> -> memref<640xf32, #tpu.memory_space<vmem_shared>>
      %dma_start3A_84 = arith.constant 0 : i32
      %dma_start3A_85 = tpu.memref_slice %arg12[%dma_start3A_84] : memref<688xf32, #tpu.memory_space<vmem>> -> memref<640xf32, #tpu.memory_space<vmem>>
      tpu.enqueue_dma source(%dma_start3A_85 : memref<640xf32, #tpu.memory_space<vmem>>) target(%dma_start3A_83 : memref<640xf32, #tpu.memory_space<vmem_shared>>) target_semaphore(%run_scoped3A : memref<!tpu.dma_semaphore, #tpu.memory_space<semaphore_mem>>)
      %dma_wait3A = arith.constant 0 : i32
      %dma_wait3A_86 = tpu.memref_slice %arg12[%dma_wait3A] : memref<688xf32, #tpu.memory_space<vmem>> -> memref<640xf32, #tpu.memory_space<vmem>>
      %dma_wait3A_87 = tpu.memref_slice %arg29[%mul3A_8] : memref<10240xf32, #tpu.memory_space<vmem_shared>> -> memref<640xf32, #tpu.memory_space<vmem_shared>>
      %dma_wait3A_88 = tpu.memref_slice %arg29[%mul3A_8] : memref<10240xf32, #tpu.memory_space<vmem_shared>> -> memref<640xf32, #tpu.memory_space<vmem_shared>>
      %dma_wait3A_89 = arith.constant 0 : i32
      %dma_wait3A_90 = tpu.memref_slice %arg12[%dma_wait3A_89] : memref<688xf32, #tpu.memory_space<vmem>> -> memref<640xf32, #tpu.memory_space<vmem>>
      tpu.wait_dma2 semaphore(%run_scoped3A : memref<!tpu.dma_semaphore, #tpu.memory_space<semaphore_mem>>) src(%dma_wait3A_90 : memref<640xf32, #tpu.memory_space<vmem>>) dst(%dma_wait3A_88 : memref<640xf32, #tpu.memory_space<vmem_shared>>)
      tpu.yield
    }) : () -> ()
    %mul3A_9 = arith.constant 640 : i32
    %mul3A_10 = arith.muli %arg1, %mul3A_9 : i32
    "tpu.region"() ({
      %run_scoped3A = tpu.sem_alloc : memref<!tpu.dma_semaphore, #tpu.memory_space<semaphore_mem>>
      %dma_start3A_80 = arith.constant 0 : i32
      %dma_start3A_81 = tpu.memref_slice %arg12[%dma_start3A_80] : memref<688xf32, #tpu.memory_space<vmem>> -> memref<640xf32, #tpu.memory_space<vmem>>
      %dma_start3A_82 = tpu.memref_slice %arg30[%mul3A_10] : memref<10240xf32, #tpu.memory_space<vmem_shared>> -> memref<640xf32, #tpu.memory_space<vmem_shared>>
      %dma_start3A_83 = tpu.memref_slice %arg30[%mul3A_10] : memref<10240xf32, #tpu.memory_space<vmem_shared>> -> memref<640xf32, #tpu.memory_space<vmem_shared>>
      %dma_start3A_84 = arith.constant 0 : i32
      %dma_start3A_85 = tpu.memref_slice %arg12[%dma_start3A_84] : memref<688xf32, #tpu.memory_space<vmem>> -> memref<640xf32, #tpu.memory_space<vmem>>
      tpu.enqueue_dma source(%dma_start3A_85 : memref<640xf32, #tpu.memory_space<vmem>>) target(%dma_start3A_83 : memref<640xf32, #tpu.memory_space<vmem_shared>>) target_semaphore(%run_scoped3A : memref<!tpu.dma_semaphore, #tpu.memory_space<semaphore_mem>>)
      %dma_wait3A = arith.constant 0 : i32
      %dma_wait3A_86 = tpu.memref_slice %arg12[%dma_wait3A] : memref<688xf32, #tpu.memory_space<vmem>> -> memref<640xf32, #tpu.memory_space<vmem>>
      %dma_wait3A_87 = tpu.memref_slice %arg30[%mul3A_10] : memref<10240xf32, #tpu.memory_space<vmem_shared>> -> memref<640xf32, #tpu.memory_space<vmem_shared>>
      %dma_wait3A_88 = tpu.memref_slice %arg30[%mul3A_10] : memref<10240xf32, #tpu.memory_space<vmem_shared>> -> memref<640xf32, #tpu.memory_space<vmem_shared>>
      %dma_wait3A_89 = arith.constant 0 : i32
      %dma_wait3A_90 = tpu.memref_slice %arg12[%dma_wait3A_89] : memref<688xf32, #tpu.memory_space<vmem>> -> memref<640xf32, #tpu.memory_space<vmem>>
      tpu.wait_dma2 semaphore(%run_scoped3A : memref<!tpu.dma_semaphore, #tpu.memory_space<semaphore_mem>>) src(%dma_wait3A_90 : memref<640xf32, #tpu.memory_space<vmem>>) dst(%dma_wait3A_88 : memref<640xf32, #tpu.memory_space<vmem_shared>>)
      tpu.yield
    }) : () -> ()
    %eq3A = arith.constant 0 : i32
    %eq3A_11 = arith.cmpi eq, %arg1, %eq3A : i32
    %convert_element_type3A = arith.extui %eq3A_11 : i1 to i32
    %cond3A = arith.constant 0 : i32
    %cond3A_12 = arith.cmpi ne, %convert_element_type3A, %cond3A : i32
    scf.if %cond3A_12 {
      %mul3A_80 = arith.constant 2 : i32
      %mul3A_81 = arith.muli %arg0, %mul3A_80 : i32
      %add3A_82 = arith.constant 0 : i32
      %add3A_83 = arith.addi %mul3A_81, %add3A_82 : i32
      %rem3A = arith.constant 4 : i32
      %rem3A_84 = arith.remsi %add3A_83, %rem3A : i32
      %mul3A_85 = arith.constant 10240 : i32
      %mul3A_86 = arith.muli %rem3A_84, %mul3A_85 : i32
      "tpu.region"() ({
        %run_scoped3A = tpu.sem_alloc : memref<!tpu.dma_semaphore, #tpu.memory_space<semaphore_mem>>
        %dma_start3A_99 = tpu.memref_slice %arg5[%mul3A_86] : memref<40960xf32, #tpu.memory_space<hbm>> -> memref<10240xf32, #tpu.memory_space<hbm>>
        tpu.enqueue_dma source(%dma_start3A_99 : memref<10240xf32, #tpu.memory_space<hbm>>) target(%arg31 : memref<10240xf32, #tpu.memory_space<vmem_shared>>) target_semaphore(%run_scoped3A : memref<!tpu.dma_semaphore, #tpu.memory_space<semaphore_mem>>)
        %dma_wait3A = tpu.memref_slice %arg5[%mul3A_86] : memref<40960xf32, #tpu.memory_space<hbm>> -> memref<10240xf32, #tpu.memory_space<hbm>>
        tpu.wait_dma2 semaphore(%run_scoped3A : memref<!tpu.dma_semaphore, #tpu.memory_space<semaphore_mem>>) src(%dma_wait3A : memref<10240xf32, #tpu.memory_space<hbm>>) dst(%arg31 : memref<10240xf32, #tpu.memory_space<vmem_shared>>)
        tpu.yield
      }) : () -> ()
      %mul3A_87 = arith.constant 10240 : i32
      %mul3A_88 = arith.muli %rem3A_84, %mul3A_87 : i32
      "tpu.region"() ({
        %run_scoped3A = tpu.sem_alloc : memref<!tpu.dma_semaphore, #tpu.memory_space<semaphore_mem>>
        %dma_start3A_99 = tpu.memref_slice %arg6[%mul3A_88] : memref<40960xf32, #tpu.memory_space<hbm>> -> memref<10240xf32, #tpu.memory_space<hbm>>
        tpu.enqueue_dma source(%dma_start3A_99 : memref<10240xf32, #tpu.memory_space<hbm>>) target(%arg33 : memref<10240xf32, #tpu.memory_space<vmem_shared>>) target_semaphore(%run_scoped3A : memref<!tpu.dma_semaphore, #tpu.memory_space<semaphore_mem>>)
        %dma_wait3A = tpu.memref_slice %arg6[%mul3A_88] : memref<40960xf32, #tpu.memory_space<hbm>> -> memref<10240xf32, #tpu.memory_space<hbm>>
        tpu.wait_dma2 semaphore(%run_scoped3A : memref<!tpu.dma_semaphore, #tpu.memory_space<semaphore_mem>>) src(%dma_wait3A : memref<10240xf32, #tpu.memory_space<hbm>>) dst(%arg33 : memref<10240xf32, #tpu.memory_space<vmem_shared>>)
        tpu.yield
      }) : () -> ()
      %mul3A_89 = arith.constant 2 : i32
      %mul3A_90 = arith.muli %arg0, %mul3A_89 : i32
      %add3A_91 = arith.constant 1 : i32
      %add3A_92 = arith.addi %mul3A_90, %add3A_91 : i32
      %rem3A_93 = arith.constant 4 : i32
      %rem3A_94 = arith.remsi %add3A_92, %rem3A_93 : i32
      %mul3A_95 = arith.constant 10240 : i32
      %mul3A_96 = arith.muli %rem3A_94, %mul3A_95 : i32
      "tpu.region"() ({
        %run_scoped3A = tpu.sem_alloc : memref<!tpu.dma_semaphore, #tpu.memory_space<semaphore_mem>>
        %dma_start3A_99 = tpu.memref_slice %arg5[%mul3A_96] : memref<40960xf32, #tpu.memory_space<hbm>> -> memref<10240xf32, #tpu.memory_space<hbm>>
        tpu.enqueue_dma source(%dma_start3A_99 : memref<10240xf32, #tpu.memory_space<hbm>>) target(%arg32 : memref<10240xf32, #tpu.memory_space<vmem_shared>>) target_semaphore(%run_scoped3A : memref<!tpu.dma_semaphore, #tpu.memory_space<semaphore_mem>>)
        %dma_wait3A = tpu.memref_slice %arg5[%mul3A_96] : memref<40960xf32, #tpu.memory_space<hbm>> -> memref<10240xf32, #tpu.memory_space<hbm>>
        tpu.wait_dma2 semaphore(%run_scoped3A : memref<!tpu.dma_semaphore, #tpu.memory_space<semaphore_mem>>) src(%dma_wait3A : memref<10240xf32, #tpu.memory_space<hbm>>) dst(%arg32 : memref<10240xf32, #tpu.memory_space<vmem_shared>>)
        tpu.yield
      }) : () -> ()
      %mul3A_97 = arith.constant 10240 : i32
      %mul3A_98 = arith.muli %rem3A_94, %mul3A_97 : i32
      "tpu.region"() ({
        %run_scoped3A = tpu.sem_alloc : memref<!tpu.dma_semaphore, #tpu.memory_space<semaphore_mem>>
        %dma_start3A_99 = tpu.memref_slice %arg6[%mul3A_98] : memref<40960xf32, #tpu.memory_space<hbm>> -> memref<10240xf32, #tpu.memory_space<hbm>>
        tpu.enqueue_dma source(%dma_start3A_99 : memref<10240xf32, #tpu.memory_space<hbm>>) target(%arg34 : memref<10240xf32, #tpu.memory_space<vmem_shared>>) target_semaphore(%run_scoped3A : memref<!tpu.dma_semaphore, #tpu.memory_space<semaphore_mem>>)
        %dma_wait3A = tpu.memref_slice %arg6[%mul3A_98] : memref<40960xf32, #tpu.memory_space<hbm>> -> memref<10240xf32, #tpu.memory_space<hbm>>
        tpu.wait_dma2 semaphore(%run_scoped3A : memref<!tpu.dma_semaphore, #tpu.memory_space<semaphore_mem>>) src(%dma_wait3A : memref<10240xf32, #tpu.memory_space<hbm>>) dst(%arg34 : memref<10240xf32, #tpu.memory_space<vmem_shared>>)
        tpu.yield
      }) : () -> ()
    } else {
    }
    %mul3A_13 = arith.constant 128 : i32
    %mul3A_14 = arith.muli %arg0, %mul3A_13 : i32
    "tpu.region"() ({
      %run_scoped3A = tpu.sem_alloc : memref<!tpu.dma_semaphore, #tpu.memory_space<semaphore_mem>>
      %dma_start3A_80 = tpu.memref_slice %arg7[%mul3A_14] : memref<256xf32, #tpu.memory_space<hbm>> -> memref<128xf32, #tpu.memory_space<hbm>>
      %dma_start3A_81 = tpu.memref_slice %arg7[%mul3A_14] : memref<256xf32, #tpu.memory_space<hbm>> -> memref<128xf32, #tpu.memory_space<hbm>>
      tpu.enqueue_dma source(%dma_start3A_81 : memref<128xf32, #tpu.memory_space<hbm>>) target(%arg14 : memref<128xf32, #tpu.memory_space<vmem>>) target_semaphore(%run_scoped3A : memref<!tpu.dma_semaphore, #tpu.memory_space<semaphore_mem>>)
      %dma_wait3A = tpu.memref_slice %arg7[%mul3A_14] : memref<256xf32, #tpu.memory_space<hbm>> -> memref<128xf32, #tpu.memory_space<hbm>>
      %dma_wait3A_82 = tpu.memref_slice %arg7[%mul3A_14] : memref<256xf32, #tpu.memory_space<hbm>> -> memref<128xf32, #tpu.memory_space<hbm>>
      tpu.wait_dma2 semaphore(%run_scoped3A : memref<!tpu.dma_semaphore, #tpu.memory_space<semaphore_mem>>) src(%dma_wait3A_82 : memref<128xf32, #tpu.memory_space<hbm>>) dst(%arg14 : memref<128xf32, #tpu.memory_space<vmem>>)
      tpu.yield
    }) : () -> ()
    %scan3A_15 = arith.constant 0 : i32
    %scan3A_16 = arith.constant 120 : i32
    %scan3A_17 = arith.addi %scan3A_15, %scan3A_16 : i32
    %scan3A_18 = arith.constant 1 : i32
    scf.for %scan3A_80 = %scan3A_15 to %scan3A_17 step %scan3A_18  : i32 {
      %mul3A_81 = arith.constant 1 : i32
      %mul3A_82 = arith.muli %scan3A_80, %mul3A_81 : i32
      %add3A_83 = arith.constant 0 : i32
      %add3A_84 = arith.addi %add3A_83, %mul3A_82 : i32
      %get3A = arith.constant 0 : index
      %get3A_85 = tpu.vector_load %arg14[%get3A] {strides = array<i32>} : memref<128xf32, #tpu.memory_space<vmem>>, vector<16xf32>,
      %swap3A = arith.index_cast %add3A_84 : i32 to index
      %swap3A_86 = arith.constant 0 : index
      %swap3A_87 = tpu.vector_load %arg22[%swap3A, %swap3A_86] {strides = array<i32>} : memref<120x128xf32, #tpu.memory_space<vmem>>, vector<16xf32>,
      tpu.vector_store %arg22[%swap3A, %swap3A_86], %get3A_85 {strides = array<i32>} : memref<120x128xf32, #tpu.memory_space<vmem>>, vector<16xf32>,
      %get3A_88 = arith.constant 16 : index
      %get3A_89 = tpu.vector_load %arg14[%get3A_88] {strides = array<i32>} : memref<128xf32, #tpu.memory_space<vmem>>, vector<16xf32>,
      %swap3A_90 = arith.index_cast %add3A_84 : i32 to index
      %swap3A_91 = arith.constant 16 : index
      %swap3A_92 = tpu.vector_load %arg22[%swap3A_90, %swap3A_91] {strides = array<i32>} : memref<120x128xf32, #tpu.memory_space<vmem>>, vector<16xf32>,
      tpu.vector_store %arg22[%swap3A_90, %swap3A_91], %get3A_89 {strides = array<i32>} : memref<120x128xf32, #tpu.memory_space<vmem>>, vector<16xf32>,
      %get3A_93 = arith.constant 32 : index
      %get3A_94 = tpu.vector_load %arg14[%get3A_93] {strides = array<i32>} : memref<128xf32, #tpu.memory_space<vmem>>, vector<16xf32>,
      %swap3A_95 = arith.index_cast %add3A_84 : i32 to index
      %swap3A_96 = arith.constant 32 : index
      %swap3A_97 = tpu.vector_load %arg22[%swap3A_95, %swap3A_96] {strides = array<i32>} : memref<120x128xf32, #tpu.memory_space<vmem>>, vector<16xf32>,
      tpu.vector_store %arg22[%swap3A_95, %swap3A_96], %get3A_94 {strides = array<i32>} : memref<120x128xf32, #tpu.memory_space<vmem>>, vector<16xf32>,
      %get3A_98 = arith.constant 48 : index
      %get3A_99 = tpu.vector_load %arg14[%get3A_98] {strides = array<i32>} : memref<128xf32, #tpu.memory_space<vmem>>, vector<16xf32>,
      %swap3A_100 = arith.index_cast %add3A_84 : i32 to index
      %swap3A_101 = arith.constant 48 : index
      %swap3A_102 = tpu.vector_load %arg22[%swap3A_100, %swap3A_101] {strides = array<i32>} : memref<120x128xf32, #tpu.memory_space<vmem>>, vector<16xf32>,
      tpu.vector_store %arg22[%swap3A_100, %swap3A_101], %get3A_99 {strides = array<i32>} : memref<120x128xf32, #tpu.memory_space<vmem>>, vector<16xf32>,
      %get3A_103 = arith.constant 64 : index
      %get3A_104 = tpu.vector_load %arg14[%get3A_103] {strides = array<i32>} : memref<128xf32, #tpu.memory_space<vmem>>, vector<16xf32>,
      %swap3A_105 = arith.index_cast %add3A_84 : i32 to index
      %swap3A_106 = arith.constant 64 : index
      %swap3A_107 = tpu.vector_load %arg22[%swap3A_105, %swap3A_106] {strides = array<i32>} : memref<120x128xf32, #tpu.memory_space<vmem>>, vector<16xf32>,
      tpu.vector_store %arg22[%swap3A_105, %swap3A_106], %get3A_104 {strides = array<i32>} : memref<120x128xf32, #tpu.memory_space<vmem>>, vector<16xf32>,
      %get3A_108 = arith.constant 80 : index
      %get3A_109 = tpu.vector_load %arg14[%get3A_108] {strides = array<i32>} : memref<128xf32, #tpu.memory_space<vmem>>, vector<16xf32>,
      %swap3A_110 = arith.index_cast %add3A_84 : i32 to index
      %swap3A_111 = arith.constant 80 : index
      %swap3A_112 = tpu.vector_load %arg22[%swap3A_110, %swap3A_111] {strides = array<i32>} : memref<120x128xf32, #tpu.memory_space<vmem>>, vector<16xf32>,
      tpu.vector_store %arg22[%swap3A_110, %swap3A_111], %get3A_109 {strides = array<i32>} : memref<120x128xf32, #tpu.memory_space<vmem>>, vector<16xf32>,
      %get3A_113 = arith.constant 96 : index
      %get3A_114 = tpu.vector_load %arg14[%get3A_113] {strides = array<i32>} : memref<128xf32, #tpu.memory_space<vmem>>, vector<16xf32>,
      %swap3A_115 = arith.index_cast %add3A_84 : i32 to index
      %swap3A_116 = arith.constant 96 : index
      %swap3A_117 = tpu.vector_load %arg22[%swap3A_115, %swap3A_116] {strides = array<i32>} : memref<120x128xf32, #tpu.memory_space<vmem>>, vector<16xf32>,
      tpu.vector_store %arg22[%swap3A_115, %swap3A_116], %get3A_114 {strides = array<i32>} : memref<120x128xf32, #tpu.memory_space<vmem>>, vector<16xf32>,
      %get3A_118 = arith.constant 112 : index
      %get3A_119 = tpu.vector_load %arg14[%get3A_118] {strides = array<i32>} : memref<128xf32, #tpu.memory_space<vmem>>, vector<16xf32>,
      %swap3A_120 = arith.index_cast %add3A_84 : i32 to index
      %swap3A_121 = arith.constant 112 : index
      %swap3A_122 = tpu.vector_load %arg22[%swap3A_120, %swap3A_121] {strides = array<i32>} : memref<120x128xf32, #tpu.memory_space<vmem>>, vector<16xf32>,
      tpu.vector_store %arg22[%swap3A_120, %swap3A_121], %get3A_119 {strides = array<i32>} : memref<120x128xf32, #tpu.memory_space<vmem>>, vector<16xf32>,
    }
    %scan3A_19 = arith.constant 120 : i32
    %mul3A_20 = arith.constant 640 : i32
    %mul3A_21 = arith.muli %arg1, %mul3A_20 : i32
    %add3A = arith.constant 0 : i32
    %add3A_22 = arith.addi %mul3A_21, %add3A : i32
    "tpu.region"() ({
      %run_scoped3A = tpu.sem_alloc : memref<!tpu.dma_semaphore, #tpu.memory_space<semaphore_mem>>
      %dma_start3A_80 = arith.constant 0 : i32
      %dma_start3A_81 = arith.constant 0 : i32
      %dma_start3A_82 = tpu.memref_slice %arg22[%dma_start3A_80, %dma_start3A_81] : memref<120x128xf32, #tpu.memory_space<vmem>> -> memref<120x128xf32, #tpu.memory_space<vmem>>
      %dma_start3A_83 = arith.constant 0 : i32
      %dma_start3A_84 = tpu.memref_slice %arg28[%add3A_22, %dma_start3A_83] : memref<10240x128xf32, #tpu.memory_space<vmem_shared>> -> memref<120x128xf32, #tpu.memory_space<vmem_shared>>
      %dma_start3A_85 = arith.constant 0 : i32
      %dma_start3A_86 = tpu.memref_slice %arg28[%add3A_22, %dma_start3A_85] : memref<10240x128xf32, #tpu.memory_space<vmem_shared>> -> memref<120x128xf32, #tpu.memory_space<vmem_shared>>
      %dma_start3A_87 = arith.constant 0 : i32
      %dma_start3A_88 = arith.constant 0 : i32
      %dma_start3A_89 = tpu.memref_slice %arg22[%dma_start3A_87, %dma_start3A_88] : memref<120x128xf32, #tpu.memory_space<vmem>> -> memref<120x128xf32, #tpu.memory_space<vmem>>
      tpu.enqueue_dma source(%dma_start3A_89 : memref<120x128xf32, #tpu.memory_space<vmem>>) target(%dma_start3A_86 : memref<120x128xf32, #tpu.memory_space<vmem_shared>>) target_semaphore(%run_scoped3A : memref<!tpu.dma_semaphore, #tpu.memory_space<semaphore_mem>>)
      %dma_wait3A = arith.constant 0 : i32
      %dma_wait3A_90 = arith.constant 0 : i32
      %dma_wait3A_91 = tpu.memref_slice %arg22[%dma_wait3A, %dma_wait3A_90] : memref<120x128xf32, #tpu.memory_space<vmem>> -> memref<120x128xf32, #tpu.memory_space<vmem>>
      %dma_wait3A_92 = arith.constant 0 : i32
      %dma_wait3A_93 = tpu.memref_slice %arg28[%add3A_22, %dma_wait3A_92] : memref<10240x128xf32, #tpu.memory_space<vmem_shared>> -> memref<120x128xf32, #tpu.memory_space<vmem_shared>>
      %dma_wait3A_94 = arith.constant 0 : i32
      %dma_wait3A_95 = tpu.memref_slice %arg28[%add3A_22, %dma_wait3A_94] : memref<10240x128xf32, #tpu.memory_space<vmem_shared>> -> memref<120x128xf32, #tpu.memory_space<vmem_shared>>
      %dma_wait3A_96 = arith.constant 0 : i32
      %dma_wait3A_97 = arith.constant 0 : i32
      %dma_wait3A_98 = tpu.memref_slice %arg22[%dma_wait3A_96, %dma_wait3A_97] : memref<120x128xf32, #tpu.memory_space<vmem>> -> memref<120x128xf32, #tpu.memory_space<vmem>>
      tpu.wait_dma2 semaphore(%run_scoped3A : memref<!tpu.dma_semaphore, #tpu.memory_space<semaphore_mem>>) src(%dma_wait3A_98 : memref<120x128xf32, #tpu.memory_space<vmem>>) dst(%dma_wait3A_95 : memref<120x128xf32, #tpu.memory_space<vmem_shared>>)
      tpu.yield
    }) : () -> ()
    %add3A_23 = arith.constant 120 : i32
    %add3A_24 = arith.addi %mul3A_21, %add3A_23 : i32
    "tpu.region"() ({
      %run_scoped3A = tpu.sem_alloc : memref<!tpu.dma_semaphore, #tpu.memory_space<semaphore_mem>>
      %dma_start3A_80 = arith.constant 0 : i32
      %dma_start3A_81 = arith.constant 0 : i32
      %dma_start3A_82 = tpu.memref_slice %arg22[%dma_start3A_80, %dma_start3A_81] : memref<120x128xf32, #tpu.memory_space<vmem>> -> memref<120x128xf32, #tpu.memory_space<vmem>>
      %dma_start3A_83 = arith.constant 0 : i32
      %dma_start3A_84 = tpu.memref_slice %arg28[%add3A_24, %dma_start3A_83] : memref<10240x128xf32, #tpu.memory_space<vmem_shared>> -> memref<120x128xf32, #tpu.memory_space<vmem_shared>>
      %dma_start3A_85 = arith.constant 0 : i32
      %dma_start3A_86 = tpu.memref_slice %arg28[%add3A_24, %dma_start3A_85] : memref<10240x128xf32, #tpu.memory_space<vmem_shared>> -> memref<120x128xf32, #tpu.memory_space<vmem_shared>>
      %dma_start3A_87 = arith.constant 0 : i32
      %dma_start3A_88 = arith.constant 0 : i32
      %dma_start3A_89 = tpu.memref_slice %arg22[%dma_start3A_87, %dma_start3A_88] : memref<120x128xf32, #tpu.memory_space<vmem>> -> memref<120x128xf32, #tpu.memory_space<vmem>>
      tpu.enqueue_dma source(%dma_start3A_89 : memref<120x128xf32, #tpu.memory_space<vmem>>) target(%dma_start3A_86 : memref<120x128xf32, #tpu.memory_space<vmem_shared>>) target_semaphore(%run_scoped3A : memref<!tpu.dma_semaphore, #tpu.memory_space<semaphore_mem>>)
      %dma_wait3A = arith.constant 0 : i32
      %dma_wait3A_90 = arith.constant 0 : i32
      %dma_wait3A_91 = tpu.memref_slice %arg22[%dma_wait3A, %dma_wait3A_90] : memref<120x128xf32, #tpu.memory_space<vmem>> -> memref<120x128xf32, #tpu.memory_space<vmem>>
      %dma_wait3A_92 = arith.constant 0 : i32
      %dma_wait3A_93 = tpu.memref_slice %arg28[%add3A_24, %dma_wait3A_92] : memref<10240x128xf32, #tpu.memory_space<vmem_shared>> -> memref<120x128xf32, #tpu.memory_space<vmem_shared>>
      %dma_wait3A_94 = arith.constant 0 : i32
      %dma_wait3A_95 = tpu.memref_slice %arg28[%add3A_24, %dma_wait3A_94] : memref<10240x128xf32, #tpu.memory_space<vmem_shared>> -> memref<120x128xf32, #tpu.memory_space<vmem_shared>>
      %dma_wait3A_96 = arith.constant 0 : i32
      %dma_wait3A_97 = arith.constant 0 : i32
      %dma_wait3A_98 = tpu.memref_slice %arg22[%dma_wait3A_96, %dma_wait3A_97] : memref<120x128xf32, #tpu.memory_space<vmem>> -> memref<120x128xf32, #tpu.memory_space<vmem>>
      tpu.wait_dma2 semaphore(%run_scoped3A : memref<!tpu.dma_semaphore, #tpu.memory_space<semaphore_mem>>) src(%dma_wait3A_98 : memref<120x128xf32, #tpu.memory_space<vmem>>) dst(%dma_wait3A_95 : memref<120x128xf32, #tpu.memory_space<vmem_shared>>)
      tpu.yield
    }) : () -> ()
    %add3A_25 = arith.constant 240 : i32
    %add3A_26 = arith.addi %mul3A_21, %add3A_25 : i32
    "tpu.region"() ({
      %run_scoped3A = tpu.sem_alloc : memref<!tpu.dma_semaphore, #tpu.memory_space<semaphore_mem>>
      %dma_start3A_80 = arith.constant 0 : i32
      %dma_start3A_81 = arith.constant 0 : i32
      %dma_start3A_82 = tpu.memref_slice %arg22[%dma_start3A_80, %dma_start3A_81] : memref<120x128xf32, #tpu.memory_space<vmem>> -> memref<120x128xf32, #tpu.memory_space<vmem>>
      %dma_start3A_83 = arith.constant 0 : i32
      %dma_start3A_84 = tpu.memref_slice %arg28[%add3A_26, %dma_start3A_83] : memref<10240x128xf32, #tpu.memory_space<vmem_shared>> -> memref<120x128xf32, #tpu.memory_space<vmem_shared>>
      %dma_start3A_85 = arith.constant 0 : i32
      %dma_start3A_86 = tpu.memref_slice %arg28[%add3A_26, %dma_start3A_85] : memref<10240x128xf32, #tpu.memory_space<vmem_shared>> -> memref<120x128xf32, #tpu.memory_space<vmem_shared>>
      %dma_start3A_87 = arith.constant 0 : i32
      %dma_start3A_88 = arith.constant 0 : i32
      %dma_start3A_89 = tpu.memref_slice %arg22[%dma_start3A_87, %dma_start3A_88] : memref<120x128xf32, #tpu.memory_space<vmem>> -> memref<120x128xf32, #tpu.memory_space<vmem>>
      tpu.enqueue_dma source(%dma_start3A_89 : memref<120x128xf32, #tpu.memory_space<vmem>>) target(%dma_start3A_86 : memref<120x128xf32, #tpu.memory_space<vmem_shared>>) target_semaphore(%run_scoped3A : memref<!tpu.dma_semaphore, #tpu.memory_space<semaphore_mem>>)
      %dma_wait3A = arith.constant 0 : i32
      %dma_wait3A_90 = arith.constant 0 : i32
      %dma_wait3A_91 = tpu.memref_slice %arg22[%dma_wait3A, %dma_wait3A_90] : memref<120x128xf32, #tpu.memory_space<vmem>> -> memref<120x128xf32, #tpu.memory_space<vmem>>
      %dma_wait3A_92 = arith.constant 0 : i32
      %dma_wait3A_93 = tpu.memref_slice %arg28[%add3A_26, %dma_wait3A_92] : memref<10240x128xf32, #tpu.memory_space<vmem_shared>> -> memref<120x128xf32, #tpu.memory_space<vmem_shared>>
      %dma_wait3A_94 = arith.constant 0 : i32
      %dma_wait3A_95 = tpu.memref_slice %arg28[%add3A_26, %dma_wait3A_94] : memref<10240x128xf32, #tpu.memory_space<vmem_shared>> -> memref<120x128xf32, #tpu.memory_space<vmem_shared>>
      %dma_wait3A_96 = arith.constant 0 : i32
      %dma_wait3A_97 = arith.constant 0 : i32
      %dma_wait3A_98 = tpu.memref_slice %arg22[%dma_wait3A_96, %dma_wait3A_97] : memref<120x128xf32, #tpu.memory_space<vmem>> -> memref<120x128xf32, #tpu.memory_space<vmem>>
      tpu.wait_dma2 semaphore(%run_scoped3A : memref<!tpu.dma_semaphore, #tpu.memory_space<semaphore_mem>>) src(%dma_wait3A_98 : memref<120x128xf32, #tpu.memory_space<vmem>>) dst(%dma_wait3A_95 : memref<120x128xf32, #tpu.memory_space<vmem_shared>>)
      tpu.yield
    }) : () -> ()
    %add3A_27 = arith.constant 360 : i32
    %add3A_28 = arith.addi %mul3A_21, %add3A_27 : i32
    "tpu.region"() ({
      %run_scoped3A = tpu.sem_alloc : memref<!tpu.dma_semaphore, #tpu.memory_space<semaphore_mem>>
      %dma_start3A_80 = arith.constant 0 : i32
      %dma_start3A_81 = arith.constant 0 : i32
      %dma_start3A_82 = tpu.memref_slice %arg22[%dma_start3A_80, %dma_start3A_81] : memref<120x128xf32, #tpu.memory_space<vmem>> -> memref<120x128xf32, #tpu.memory_space<vmem>>
      %dma_start3A_83 = arith.constant 0 : i32
      %dma_start3A_84 = tpu.memref_slice %arg28[%add3A_28, %dma_start3A_83] : memref<10240x128xf32, #tpu.memory_space<vmem_shared>> -> memref<120x128xf32, #tpu.memory_space<vmem_shared>>
      %dma_start3A_85 = arith.constant 0 : i32
      %dma_start3A_86 = tpu.memref_slice %arg28[%add3A_28, %dma_start3A_85] : memref<10240x128xf32, #tpu.memory_space<vmem_shared>> -> memref<120x128xf32, #tpu.memory_space<vmem_shared>>
      %dma_start3A_87 = arith.constant 0 : i32
      %dma_start3A_88 = arith.constant 0 : i32
      %dma_start3A_89 = tpu.memref_slice %arg22[%dma_start3A_87, %dma_start3A_88] : memref<120x128xf32, #tpu.memory_space<vmem>> -> memref<120x128xf32, #tpu.memory_space<vmem>>
      tpu.enqueue_dma source(%dma_start3A_89 : memref<120x128xf32, #tpu.memory_space<vmem>>) target(%dma_start3A_86 : memref<120x128xf32, #tpu.memory_space<vmem_shared>>) target_semaphore(%run_scoped3A : memref<!tpu.dma_semaphore, #tpu.memory_space<semaphore_mem>>)
      %dma_wait3A = arith.constant 0 : i32
      %dma_wait3A_90 = arith.constant 0 : i32
      %dma_wait3A_91 = tpu.memref_slice %arg22[%dma_wait3A, %dma_wait3A_90] : memref<120x128xf32, #tpu.memory_space<vmem>> -> memref<120x128xf32, #tpu.memory_space<vmem>>
      %dma_wait3A_92 = arith.constant 0 : i32
      %dma_wait3A_93 = tpu.memref_slice %arg28[%add3A_28, %dma_wait3A_92] : memref<10240x128xf32, #tpu.memory_space<vmem_shared>> -> memref<120x128xf32, #tpu.memory_space<vmem_shared>>
      %dma_wait3A_94 = arith.constant 0 : i32
      %dma_wait3A_95 = tpu.memref_slice %arg28[%add3A_28, %dma_wait3A_94] : memref<10240x128xf32, #tpu.memory_space<vmem_shared>> -> memref<120x128xf32, #tpu.memory_space<vmem_shared>>
      %dma_wait3A_96 = arith.constant 0 : i32
      %dma_wait3A_97 = arith.constant 0 : i32
      %dma_wait3A_98 = tpu.memref_slice %arg22[%dma_wait3A_96, %dma_wait3A_97] : memref<120x128xf32, #tpu.memory_space<vmem>> -> memref<120x128xf32, #tpu.memory_space<vmem>>
      tpu.wait_dma2 semaphore(%run_scoped3A : memref<!tpu.dma_semaphore, #tpu.memory_space<semaphore_mem>>) src(%dma_wait3A_98 : memref<120x128xf32, #tpu.memory_space<vmem>>) dst(%dma_wait3A_95 : memref<120x128xf32, #tpu.memory_space<vmem_shared>>)
      tpu.yield
    }) : () -> ()
    %add3A_29 = arith.constant 480 : i32
    %add3A_30 = arith.addi %mul3A_21, %add3A_29 : i32
    "tpu.region"() ({
      %run_scoped3A = tpu.sem_alloc : memref<!tpu.dma_semaphore, #tpu.memory_space<semaphore_mem>>
      %dma_start3A_80 = arith.constant 0 : i32
      %dma_start3A_81 = arith.constant 0 : i32
      %dma_start3A_82 = tpu.memref_slice %arg22[%dma_start3A_80, %dma_start3A_81] : memref<120x128xf32, #tpu.memory_space<vmem>> -> memref<120x128xf32, #tpu.memory_space<vmem>>
      %dma_start3A_83 = arith.constant 0 : i32
      %dma_start3A_84 = tpu.memref_slice %arg28[%add3A_30, %dma_start3A_83] : memref<10240x128xf32, #tpu.memory_space<vmem_shared>> -> memref<120x128xf32, #tpu.memory_space<vmem_shared>>
      %dma_start3A_85 = arith.constant 0 : i32
      %dma_start3A_86 = tpu.memref_slice %arg28[%add3A_30, %dma_start3A_85] : memref<10240x128xf32, #tpu.memory_space<vmem_shared>> -> memref<120x128xf32, #tpu.memory_space<vmem_shared>>
      %dma_start3A_87 = arith.constant 0 : i32
      %dma_start3A_88 = arith.constant 0 : i32
      %dma_start3A_89 = tpu.memref_slice %arg22[%dma_start3A_87, %dma_start3A_88] : memref<120x128xf32, #tpu.memory_space<vmem>> -> memref<120x128xf32, #tpu.memory_space<vmem>>
      tpu.enqueue_dma source(%dma_start3A_89 : memref<120x128xf32, #tpu.memory_space<vmem>>) target(%dma_start3A_86 : memref<120x128xf32, #tpu.memory_space<vmem_shared>>) target_semaphore(%run_scoped3A : memref<!tpu.dma_semaphore, #tpu.memory_space<semaphore_mem>>)
      %dma_wait3A = arith.constant 0 : i32
      %dma_wait3A_90 = arith.constant 0 : i32
      %dma_wait3A_91 = tpu.memref_slice %arg22[%dma_wait3A, %dma_wait3A_90] : memref<120x128xf32, #tpu.memory_space<vmem>> -> memref<120x128xf32, #tpu.memory_space<vmem>>
      %dma_wait3A_92 = arith.constant 0 : i32
      %dma_wait3A_93 = tpu.memref_slice %arg28[%add3A_30, %dma_wait3A_92] : memref<10240x128xf32, #tpu.memory_space<vmem_shared>> -> memref<120x128xf32, #tpu.memory_space<vmem_shared>>
      %dma_wait3A_94 = arith.constant 0 : i32
      %dma_wait3A_95 = tpu.memref_slice %arg28[%add3A_30, %dma_wait3A_94] : memref<10240x128xf32, #tpu.memory_space<vmem_shared>> -> memref<120x128xf32, #tpu.memory_space<vmem_shared>>
      %dma_wait3A_96 = arith.constant 0 : i32
      %dma_wait3A_97 = arith.constant 0 : i32
      %dma_wait3A_98 = tpu.memref_slice %arg22[%dma_wait3A_96, %dma_wait3A_97] : memref<120x128xf32, #tpu.memory_space<vmem>> -> memref<120x128xf32, #tpu.memory_space<vmem>>
      tpu.wait_dma2 semaphore(%run_scoped3A : memref<!tpu.dma_semaphore, #tpu.memory_space<semaphore_mem>>) src(%dma_wait3A_98 : memref<120x128xf32, #tpu.memory_space<vmem>>) dst(%dma_wait3A_95 : memref<120x128xf32, #tpu.memory_space<vmem_shared>>)
      tpu.yield
    }) : () -> ()
    %add3A_31 = arith.constant 600 : i32
    %add3A_32 = arith.addi %mul3A_21, %add3A_31 : i32
    "tpu.region"() ({
      %run_scoped3A = tpu.sem_alloc : memref<!tpu.dma_semaphore, #tpu.memory_space<semaphore_mem>>
      %dma_start3A_80 = arith.constant 0 : i32
      %dma_start3A_81 = arith.constant 0 : i32
      %dma_start3A_82 = tpu.memref_slice %arg22[%dma_start3A_80, %dma_start3A_81] : memref<120x128xf32, #tpu.memory_space<vmem>> -> memref<40x128xf32, #tpu.memory_space<vmem>>
      %dma_start3A_83 = arith.constant 0 : i32
      %dma_start3A_84 = tpu.memref_slice %arg28[%add3A_32, %dma_start3A_83] : memref<10240x128xf32, #tpu.memory_space<vmem_shared>> -> memref<40x128xf32, #tpu.memory_space<vmem_shared>>
      %dma_start3A_85 = arith.constant 0 : i32
      %dma_start3A_86 = tpu.memref_slice %arg28[%add3A_32, %dma_start3A_85] : memref<10240x128xf32, #tpu.memory_space<vmem_shared>> -> memref<40x128xf32, #tpu.memory_space<vmem_shared>>
      %dma_start3A_87 = arith.constant 0 : i32
      %dma_start3A_88 = arith.constant 0 : i32
      %dma_start3A_89 = tpu.memref_slice %arg22[%dma_start3A_87, %dma_start3A_88] : memref<120x128xf32, #tpu.memory_space<vmem>> -> memref<40x128xf32, #tpu.memory_space<vmem>>
      tpu.enqueue_dma source(%dma_start3A_89 : memref<40x128xf32, #tpu.memory_space<vmem>>) target(%dma_start3A_86 : memref<40x128xf32, #tpu.memory_space<vmem_shared>>) target_semaphore(%run_scoped3A : memref<!tpu.dma_semaphore, #tpu.memory_space<semaphore_mem>>)
      %dma_wait3A = arith.constant 0 : i32
      %dma_wait3A_90 = arith.constant 0 : i32
      %dma_wait3A_91 = tpu.memref_slice %arg22[%dma_wait3A, %dma_wait3A_90] : memref<120x128xf32, #tpu.memory_space<vmem>> -> memref<40x128xf32, #tpu.memory_space<vmem>>
      %dma_wait3A_92 = arith.constant 0 : i32
      %dma_wait3A_93 = tpu.memref_slice %arg28[%add3A_32, %dma_wait3A_92] : memref<10240x128xf32, #tpu.memory_space<vmem_shared>> -> memref<40x128xf32, #tpu.memory_space<vmem_shared>>
      %dma_wait3A_94 = arith.constant 0 : i32
      %dma_wait3A_95 = tpu.memref_slice %arg28[%add3A_32, %dma_wait3A_94] : memref<10240x128xf32, #tpu.memory_space<vmem_shared>> -> memref<40x128xf32, #tpu.memory_space<vmem_shared>>
      %dma_wait3A_96 = arith.constant 0 : i32
      %dma_wait3A_97 = arith.constant 0 : i32
      %dma_wait3A_98 = tpu.memref_slice %arg22[%dma_wait3A_96, %dma_wait3A_97] : memref<120x128xf32, #tpu.memory_space<vmem>> -> memref<40x128xf32, #tpu.memory_space<vmem>>
      tpu.wait_dma2 semaphore(%run_scoped3A : memref<!tpu.dma_semaphore, #tpu.memory_space<semaphore_mem>>) src(%dma_wait3A_98 : memref<40x128xf32, #tpu.memory_space<vmem>>) dst(%dma_wait3A_95 : memref<40x128xf32, #tpu.memory_space<vmem_shared>>)
      tpu.yield
    }) : () -> ()
    %barrier3A = arith.constant 0 : index
    tpu.barrier barrier_id(%barrier3A)
    %scan3A_33 = arith.constant 0 : i32
    %scan3A_34 = arith.constant 30 : i32
    %scan3A_35 = arith.addi %scan3A_33, %scan3A_34 : i32
    %scan3A_36 = arith.constant 1 : i32
    scf.for %scan3A_80 = %scan3A_33 to %scan3A_35 step %scan3A_36  : i32 {
      %mul3A_81 = arith.constant 1 : i32
      %mul3A_82 = arith.muli %scan3A_80, %mul3A_81 : i32
      %add3A_83 = arith.constant 0 : i32
      %add3A_84 = arith.addi %add3A_83, %mul3A_82 : i32
      %mul3A_85 = arith.constant 688 : i32
      %mul3A_86 = arith.muli %add3A_84, %mul3A_85 : i32
      %add3A_87 = arith.addi %mul3A_0, %mul3A_86 : i32
      "tpu.region"() ({
        %run_scoped3A = tpu.sem_alloc : memref<!tpu.dma_semaphore, #tpu.memory_space<semaphore_mem>>
        %dma_start3A_112 = tpu.memref_slice %arg3[%add3A_87] : memref<330240xi32, #tpu.memory_space<hbm>> -> memref<688xi32, #tpu.memory_space<hbm>>
        %dma_start3A_113 = tpu.memref_slice %arg3[%add3A_87] : memref<330240xi32, #tpu.memory_space<hbm>> -> memref<688xi32, #tpu.memory_space<hbm>>
        tpu.enqueue_dma source(%dma_start3A_113 : memref<688xi32, #tpu.memory_space<hbm>>) target(%arg10 : memref<688xi32, #tpu.memory_space<vmem>>) target_semaphore(%run_scoped3A : memref<!tpu.dma_semaphore, #tpu.memory_space<semaphore_mem>>)
        %dma_wait3A = tpu.memref_slice %arg3[%add3A_87] : memref<330240xi32, #tpu.memory_space<hbm>> -> memref<688xi32, #tpu.memory_space<hbm>>
        %dma_wait3A_114 = tpu.memref_slice %arg3[%add3A_87] : memref<330240xi32, #tpu.memory_space<hbm>> -> memref<688xi32, #tpu.memory_space<hbm>>
        tpu.wait_dma2 semaphore(%run_scoped3A : memref<!tpu.dma_semaphore, #tpu.memory_space<semaphore_mem>>) src(%dma_wait3A_114 : memref<688xi32, #tpu.memory_space<hbm>>) dst(%arg10 : memref<688xi32, #tpu.memory_space<vmem>>)
        tpu.yield
      }) : () -> ()
      "tpu.region"() ({
        %run_scoped3A = tpu.sem_alloc : memref<!tpu.dma_semaphore, #tpu.memory_space<semaphore_mem>>
        %dma_start3A_112 = tpu.memref_slice %arg4[%add3A_87] : memref<330240xi32, #tpu.memory_space<hbm>> -> memref<688xi32, #tpu.memory_space<hbm>>
        %dma_start3A_113 = tpu.memref_slice %arg4[%add3A_87] : memref<330240xi32, #tpu.memory_space<hbm>> -> memref<688xi32, #tpu.memory_space<hbm>>
        tpu.enqueue_dma source(%dma_start3A_113 : memref<688xi32, #tpu.memory_space<hbm>>) target(%arg11 : memref<688xi32, #tpu.memory_space<vmem>>) target_semaphore(%run_scoped3A : memref<!tpu.dma_semaphore, #tpu.memory_space<semaphore_mem>>)
        %dma_wait3A = tpu.memref_slice %arg4[%add3A_87] : memref<330240xi32, #tpu.memory_space<hbm>> -> memref<688xi32, #tpu.memory_space<hbm>>
        %dma_wait3A_114 = tpu.memref_slice %arg4[%add3A_87] : memref<330240xi32, #tpu.memory_space<hbm>> -> memref<688xi32, #tpu.memory_space<hbm>>
        tpu.wait_dma2 semaphore(%run_scoped3A : memref<!tpu.dma_semaphore, #tpu.memory_space<semaphore_mem>>) src(%dma_wait3A_114 : memref<688xi32, #tpu.memory_space<hbm>>) dst(%arg11 : memref<688xi32, #tpu.memory_space<vmem>>)
        tpu.yield
      }) : () -> ()
      "tpu.region"() ({
        %run_scoped3A = tpu.sem_alloc : memref<!tpu.dma_semaphore, #tpu.memory_space<semaphore_mem>>
        %dma_start3A_112 = arith.constant 0 : i32
        %dma_start3A_113 = tpu.memref_slice %arg31[%dma_start3A_112] : memref<10240xf32, #tpu.memory_space<vmem_shared>> -> memref<10240xf32, #tpu.memory_space<vmem_shared>>
        tpu.enqueue_indirect_dma source(%dma_start3A_113 : memref<10240xf32, #tpu.memory_space<vmem_shared>>) target(%arg12 : memref<688xf32, #tpu.memory_space<vmem>>) offsets(%arg10 : memref<688xi32, #tpu.memory_space<vmem>>) semaphore(%run_scoped3A : memref<!tpu.dma_semaphore, #tpu.memory_space<semaphore_mem>>)
        %dma_wait3A = arith.constant 0 : i32
        %dma_wait3A_114 = tpu.memref_slice %arg31[%dma_wait3A] : memref<10240xf32, #tpu.memory_space<vmem_shared>> -> memref<10240xf32, #tpu.memory_space<vmem_shared>>
        tpu.wait_indirect_dma semaphore(%run_scoped3A : memref<!tpu.dma_semaphore, #tpu.memory_space<semaphore_mem>>) src(%dma_wait3A_114 : memref<10240xf32, #tpu.memory_space<vmem_shared>>) dst(%arg12 : memref<688xf32, #tpu.memory_space<vmem>>)
        tpu.yield
      }) : () -> ()
      "tpu.region"() ({
        %run_scoped3A = tpu.sem_alloc : memref<!tpu.dma_semaphore, #tpu.memory_space<semaphore_mem>>
        %dma_start3A_112 = arith.constant 0 : i32
        %dma_start3A_113 = tpu.memref_slice %arg33[%dma_start3A_112] : memref<10240xf32, #tpu.memory_space<vmem_shared>> -> memref<10240xf32, #tpu.memory_space<vmem_shared>>
        tpu.enqueue_indirect_dma source(%dma_start3A_113 : memref<10240xf32, #tpu.memory_space<vmem_shared>>) target(%arg13 : memref<688xf32, #tpu.memory_space<vmem>>) offsets(%arg11 : memref<688xi32, #tpu.memory_space<vmem>>) semaphore(%run_scoped3A : memref<!tpu.dma_semaphore, #tpu.memory_space<semaphore_mem>>)
        %dma_wait3A = arith.constant 0 : i32
        %dma_wait3A_114 = tpu.memref_slice %arg33[%dma_wait3A] : memref<10240xf32, #tpu.memory_space<vmem_shared>> -> memref<10240xf32, #tpu.memory_space<vmem_shared>>
        tpu.wait_indirect_dma semaphore(%run_scoped3A : memref<!tpu.dma_semaphore, #tpu.memory_space<semaphore_mem>>) src(%dma_wait3A_114 : memref<10240xf32, #tpu.memory_space<vmem_shared>>) dst(%arg13 : memref<688xf32, #tpu.memory_space<vmem>>)
        tpu.yield
      }) : () -> ()
      %scan3A_88 = arith.constant 0 : i32
      %scan3A_89 = arith.constant 43 : i32
      %scan3A_90 = arith.addi %scan3A_88, %scan3A_89 : i32
      %scan3A_91 = arith.constant 1 : i32
      scf.for %scan3A_112 = %scan3A_88 to %scan3A_90 step %scan3A_91  : i32 {
        %mul3A_113 = arith.constant 16 : i32
        %mul3A_114 = arith.muli %scan3A_112, %mul3A_113 : i32
        %add3A_115 = arith.constant 0 : i32
        %add3A_116 = arith.addi %add3A_115, %mul3A_114 : i32
        %get3A = arith.index_cast %add3A_116 : i32 to index
        %get3A_117 = tpu.vector_load %arg12[%get3A] {strides = array<i32>} : memref<688xf32, #tpu.memory_space<vmem>>, vector<16xf32>,
        %get3A_118 = arith.index_cast %add3A_116 : i32 to index
        %get3A_119 = tpu.vector_load %arg13[%get3A_118] {strides = array<i32>} : memref<688xf32, #tpu.memory_space<vmem>>, vector<16xf32>,
        %add3A_120 = arith.addf %get3A_117, %get3A_119 : vector<16xf32>
        %mul3A_121 = arith.constant 2.000000e-01 : f32
        %mul3A_122 = vector.broadcast %mul3A_121 : f32 to vector<16xf32>
        %mul3A_123 = arith.mulf %mul3A_122, %add3A_120 : vector<16xf32>
        %max3A = arith.maximumf %add3A_120, %mul3A_123 : vector<16xf32>
        %exp3A = math.exp %max3A : vector<16xf32>
        %swap3A = arith.index_cast %add3A_116 : i32 to index
        %swap3A_124 = tpu.vector_load %arg12[%swap3A] {strides = array<i32>} : memref<688xf32, #tpu.memory_space<vmem>>, vector<16xf32>,
        tpu.vector_store %arg12[%swap3A], %exp3A {strides = array<i32>} : memref<688xf32, #tpu.memory_space<vmem>>, vector<16xf32>,
      }
      %scan3A_92 = arith.constant 43 : i32
      %mul3A_93 = arith.constant 2 : i32
      %mul3A_94 = arith.muli %arg0, %mul3A_93 : i32
      %add3A_95 = arith.constant 0 : i32
      %add3A_96 = arith.addi %mul3A_94, %add3A_95 : i32
      %mul3A_97 = arith.constant 330240 : i32
      %mul3A_98 = arith.muli %add3A_96, %mul3A_97 : i32
      %add3A_99 = arith.addi %mul3A_98, %add3A_87 : i32
      "tpu.region"() ({
        %run_scoped3A = tpu.sem_alloc : memref<!tpu.dma_semaphore, #tpu.memory_space<semaphore_mem>>
        %dma_start3A_112 = tpu.memref_slice %arg9[%add3A_99] : memref<1320960xf32, #tpu.memory_space<hbm>> -> memref<688xf32, #tpu.memory_space<hbm>>
        %dma_start3A_113 = tpu.memref_slice %arg9[%add3A_99] : memref<1320960xf32, #tpu.memory_space<hbm>> -> memref<688xf32, #tpu.memory_space<hbm>>
        tpu.enqueue_dma source(%arg12 : memref<688xf32, #tpu.memory_space<vmem>>) target(%dma_start3A_113 : memref<688xf32, #tpu.memory_space<hbm>>) target_semaphore(%run_scoped3A : memref<!tpu.dma_semaphore, #tpu.memory_space<semaphore_mem>>)
        %dma_wait3A = tpu.memref_slice %arg9[%add3A_99] : memref<1320960xf32, #tpu.memory_space<hbm>> -> memref<688xf32, #tpu.memory_space<hbm>>
        %dma_wait3A_114 = tpu.memref_slice %arg9[%add3A_99] : memref<1320960xf32, #tpu.memory_space<hbm>> -> memref<688xf32, #tpu.memory_space<hbm>>
        tpu.wait_dma2 semaphore(%run_scoped3A : memref<!tpu.dma_semaphore, #tpu.memory_space<semaphore_mem>>) src(%arg12 : memref<688xf32, #tpu.memory_space<vmem>>) dst(%dma_wait3A_114 : memref<688xf32, #tpu.memory_space<hbm>>)
        tpu.yield
      }) : () -> ()
      "tpu.region"() ({
        %run_scoped3A = tpu.sem_alloc : memref<!tpu.dma_semaphore, #tpu.memory_space<semaphore_mem>>
        %dma_start3A_112 = arith.constant 0 : i32
        %dma_start3A_113 = tpu.memref_slice %arg29[%dma_start3A_112] : memref<10240xf32, #tpu.memory_space<vmem_shared>> -> memref<10240xf32, #tpu.memory_space<vmem_shared>>
        tpu.enqueue_indirect_dma source(%arg12 : memref<688xf32, #tpu.memory_space<vmem>>) target(%dma_start3A_113 : memref<10240xf32, #tpu.memory_space<vmem_shared>>) offsets(%arg11 : memref<688xi32, #tpu.memory_space<vmem>>) semaphore(%run_scoped3A : memref<!tpu.dma_semaphore, #tpu.memory_space<semaphore_mem>>) {add = true}
        %dma_wait3A = arith.constant 0 : i32
        %dma_wait3A_114 = tpu.memref_slice %arg29[%dma_wait3A] : memref<10240xf32, #tpu.memory_space<vmem_shared>> -> memref<10240xf32, #tpu.memory_space<vmem_shared>>
        tpu.wait_indirect_dma semaphore(%run_scoped3A : memref<!tpu.dma_semaphore, #tpu.memory_space<semaphore_mem>>) src(%arg12 : memref<688xf32, #tpu.memory_space<vmem>>) dst(%dma_wait3A_114 : memref<10240xf32, #tpu.memory_space<vmem_shared>>)
        tpu.yield
      }) : () -> ()
      "tpu.region"() ({
        %run_scoped3A = tpu.sem_alloc : memref<!tpu.dma_semaphore, #tpu.memory_space<semaphore_mem>>
        %dma_start3A_112 = arith.constant 0 : i32
        %dma_start3A_113 = tpu.memref_slice %arg32[%dma_start3A_112] : memref<10240xf32, #tpu.memory_space<vmem_shared>> -> memref<10240xf32, #tpu.memory_space<vmem_shared>>
        tpu.enqueue_indirect_dma source(%dma_start3A_113 : memref<10240xf32, #tpu.memory_space<vmem_shared>>) target(%arg12 : memref<688xf32, #tpu.memory_space<vmem>>) offsets(%arg10 : memref<688xi32, #tpu.memory_space<vmem>>) semaphore(%run_scoped3A : memref<!tpu.dma_semaphore, #tpu.memory_space<semaphore_mem>>)
        %dma_wait3A = arith.constant 0 : i32
        %dma_wait3A_114 = tpu.memref_slice %arg32[%dma_wait3A] : memref<10240xf32, #tpu.memory_space<vmem_shared>> -> memref<10240xf32, #tpu.memory_space<vmem_shared>>
        tpu.wait_indirect_dma semaphore(%run_scoped3A : memref<!tpu.dma_semaphore, #tpu.memory_space<semaphore_mem>>) src(%dma_wait3A_114 : memref<10240xf32, #tpu.memory_space<vmem_shared>>) dst(%arg12 : memref<688xf32, #tpu.memory_space<vmem>>)
        tpu.yield
      }) : () -> ()
      "tpu.region"() ({
        %run_scoped3A = tpu.sem_alloc : memref<!tpu.dma_semaphore, #tpu.memory_space<semaphore_mem>>
        %dma_start3A_112 = arith.constant 0 : i32
        %dma_start3A_113 = tpu.memref_slice %arg34[%dma_start3A_112] : memref<10240xf32, #tpu.memory_space<vmem_shared>> -> memref<10240xf32, #tpu.memory_space<vmem_shared>>
        tpu.enqueue_indirect_dma source(%dma_start3A_113 : memref<10240xf32, #tpu.memory_space<vmem_shared>>) target(%arg13 : memref<688xf32, #tpu.memory_space<vmem>>) offsets(%arg11 : memref<688xi32, #tpu.memory_space<vmem>>) semaphore(%run_scoped3A : memref<!tpu.dma_semaphore, #tpu.memory_space<semaphore_mem>>)
        %dma_wait3A = arith.constant 0 : i32
        %dma_wait3A_114 = tpu.memref_slice %arg34[%dma_wait3A] : memref<10240xf32, #tpu.memory_space<vmem_shared>> -> memref<10240xf32, #tpu.memory_space<vmem_shared>>
        tpu.wait_indirect_dma semaphore(%run_scoped3A : memref<!tpu.dma_semaphore, #tpu.memory_space<semaphore_mem>>) src(%dma_wait3A_114 : memref<10240xf32, #tpu.memory_space<vmem_shared>>) dst(%arg13 : memref<688xf32, #tpu.memory_space<vmem>>)
        tpu.yield
      }) : () -> ()
      %scan3A_100 = arith.constant 0 : i32
      %scan3A_101 = arith.constant 43 : i32
      %scan3A_102 = arith.addi %scan3A_100, %scan3A_101 : i32
      %scan3A_103 = arith.constant 1 : i32
      scf.for %scan3A_112 = %scan3A_100 to %scan3A_102 step %scan3A_103  : i32 {
        %mul3A_113 = arith.constant 16 : i32
        %mul3A_114 = arith.muli %scan3A_112, %mul3A_113 : i32
        %add3A_115 = arith.constant 0 : i32
        %add3A_116 = arith.addi %add3A_115, %mul3A_114 : i32
        %get3A = arith.index_cast %add3A_116 : i32 to index
        %get3A_117 = tpu.vector_load %arg12[%get3A] {strides = array<i32>} : memref<688xf32, #tpu.memory_space<vmem>>, vector<16xf32>,
        %get3A_118 = arith.index_cast %add3A_116 : i32 to index
        %get3A_119 = tpu.vector_load %arg13[%get3A_118] {strides = array<i32>} : memref<688xf32, #tpu.memory_space<vmem>>, vector<16xf32>,
        %add3A_120 = arith.addf %get3A_117, %get3A_119 : vector<16xf32>
        %mul3A_121 = arith.constant 2.000000e-01 : f32
        %mul3A_122 = vector.broadcast %mul3A_121 : f32 to vector<16xf32>
        %mul3A_123 = arith.mulf %mul3A_122, %add3A_120 : vector<16xf32>
        %max3A = arith.maximumf %add3A_120, %mul3A_123 : vector<16xf32>
        %exp3A = math.exp %max3A : vector<16xf32>
        %swap3A = arith.index_cast %add3A_116 : i32 to index
        %swap3A_124 = tpu.vector_load %arg12[%swap3A] {strides = array<i32>} : memref<688xf32, #tpu.memory_space<vmem>>, vector<16xf32>,
        tpu.vector_store %arg12[%swap3A], %exp3A {strides = array<i32>} : memref<688xf32, #tpu.memory_space<vmem>>, vector<16xf32>,
      }
      %scan3A_104 = arith.constant 43 : i32
      %mul3A_105 = arith.constant 2 : i32
      %mul3A_106 = arith.muli %arg0, %mul3A_105 : i32
      %add3A_107 = arith.constant 1 : i32
      %add3A_108 = arith.addi %mul3A_106, %add3A_107 : i32
      %mul3A_109 = arith.constant 330240 : i32
      %mul3A_110 = arith.muli %add3A_108, %mul3A_109 : i32
      %add3A_111 = arith.addi %mul3A_110, %add3A_87 : i32
      "tpu.region"() ({
        %run_scoped3A = tpu.sem_alloc : memref<!tpu.dma_semaphore, #tpu.memory_space<semaphore_mem>>
        %dma_start3A_112 = tpu.memref_slice %arg9[%add3A_111] : memref<1320960xf32, #tpu.memory_space<hbm>> -> memref<688xf32, #tpu.memory_space<hbm>>
        %dma_start3A_113 = tpu.memref_slice %arg9[%add3A_111] : memref<1320960xf32, #tpu.memory_space<hbm>> -> memref<688xf32, #tpu.memory_space<hbm>>
        tpu.enqueue_dma source(%arg12 : memref<688xf32, #tpu.memory_space<vmem>>) target(%dma_start3A_113 : memref<688xf32, #tpu.memory_space<hbm>>) target_semaphore(%run_scoped3A : memref<!tpu.dma_semaphore, #tpu.memory_space<semaphore_mem>>)
        %dma_wait3A = tpu.memref_slice %arg9[%add3A_111] : memref<1320960xf32, #tpu.memory_space<hbm>> -> memref<688xf32, #tpu.memory_space<hbm>>
        %dma_wait3A_114 = tpu.memref_slice %arg9[%add3A_111] : memref<1320960xf32, #tpu.memory_space<hbm>> -> memref<688xf32, #tpu.memory_space<hbm>>
        tpu.wait_dma2 semaphore(%run_scoped3A : memref<!tpu.dma_semaphore, #tpu.memory_space<semaphore_mem>>) src(%arg12 : memref<688xf32, #tpu.memory_space<vmem>>) dst(%dma_wait3A_114 : memref<688xf32, #tpu.memory_space<hbm>>)
        tpu.yield
      }) : () -> ()
      "tpu.region"() ({
        %run_scoped3A = tpu.sem_alloc : memref<!tpu.dma_semaphore, #tpu.memory_space<semaphore_mem>>
        %dma_start3A_112 = arith.constant 0 : i32
        %dma_start3A_113 = tpu.memref_slice %arg30[%dma_start3A_112] : memref<10240xf32, #tpu.memory_space<vmem_shared>> -> memref<10240xf32, #tpu.memory_space<vmem_shared>>
        tpu.enqueue_indirect_dma source(%arg12 : memref<688xf32, #tpu.memory_space<vmem>>) target(%dma_start3A_113 : memref<10240xf32, #tpu.memory_space<vmem_shared>>) offsets(%arg11 : memref<688xi32, #tpu.memory_space<vmem>>) semaphore(%run_scoped3A : memref<!tpu.dma_semaphore, #tpu.memory_space<semaphore_mem>>) {add = true}
        %dma_wait3A = arith.constant 0 : i32
        %dma_wait3A_114 = tpu.memref_slice %arg30[%dma_wait3A] : memref<10240xf32, #tpu.memory_space<vmem_shared>> -> memref<10240xf32, #tpu.memory_space<vmem_shared>>
        tpu.wait_indirect_dma semaphore(%run_scoped3A : memref<!tpu.dma_semaphore, #tpu.memory_space<semaphore_mem>>) src(%arg12 : memref<688xf32, #tpu.memory_space<vmem>>) dst(%dma_wait3A_114 : memref<10240xf32, #tpu.memory_space<vmem_shared>>)
        tpu.yield
      }) : () -> ()
    }
    %scan3A_37 = arith.constant 30 : i32
    %barrier3A_38 = arith.constant 0 : index
    tpu.barrier barrier_id(%barrier3A_38)
    %mul3A_39 = arith.constant 640 : i32
    %mul3A_40 = arith.muli %arg1, %mul3A_39 : i32
    "tpu.region"() ({
      %run_scoped3A = tpu.sem_alloc : memref<!tpu.dma_semaphore, #tpu.memory_space<semaphore_mem>>
      %dma_start3A_80 = tpu.memref_slice %arg29[%mul3A_40] : memref<10240xf32, #tpu.memory_space<vmem_shared>> -> memref<640xf32, #tpu.memory_space<vmem_shared>>
      %dma_start3A_81 = tpu.memref_slice %arg29[%mul3A_40] : memref<10240xf32, #tpu.memory_space<vmem_shared>> -> memref<640xf32, #tpu.memory_space<vmem_shared>>
      tpu.enqueue_dma source(%dma_start3A_81 : memref<640xf32, #tpu.memory_space<vmem_shared>>) target(%arg15 : memref<640xf32, #tpu.memory_space<vmem>>) target_semaphore(%run_scoped3A : memref<!tpu.dma_semaphore, #tpu.memory_space<semaphore_mem>>)
      %dma_wait3A = tpu.memref_slice %arg29[%mul3A_40] : memref<10240xf32, #tpu.memory_space<vmem_shared>> -> memref<640xf32, #tpu.memory_space<vmem_shared>>
      %dma_wait3A_82 = tpu.memref_slice %arg29[%mul3A_40] : memref<10240xf32, #tpu.memory_space<vmem_shared>> -> memref<640xf32, #tpu.memory_space<vmem_shared>>
      tpu.wait_dma2 semaphore(%run_scoped3A : memref<!tpu.dma_semaphore, #tpu.memory_space<semaphore_mem>>) src(%dma_wait3A_82 : memref<640xf32, #tpu.memory_space<vmem_shared>>) dst(%arg15 : memref<640xf32, #tpu.memory_space<vmem>>)
      tpu.yield
    }) : () -> ()
    %scan3A_41 = arith.constant 0 : i32
    %scan3A_42 = arith.constant 40 : i32
    %scan3A_43 = arith.addi %scan3A_41, %scan3A_42 : i32
    %scan3A_44 = arith.constant 1 : i32
    scf.for %scan3A_80 = %scan3A_41 to %scan3A_43 step %scan3A_44  : i32 {
      %mul3A_81 = arith.constant 16 : i32
      %mul3A_82 = arith.muli %scan3A_80, %mul3A_81 : i32
      %add3A_83 = arith.constant 0 : i32
      %add3A_84 = arith.addi %add3A_83, %mul3A_82 : i32
      %get3A = arith.index_cast %add3A_84 : i32 to index
      %get3A_85 = tpu.vector_load %arg15[%get3A] {strides = array<i32>} : memref<640xf32, #tpu.memory_space<vmem>>, vector<16xf32>,
      %add3A_86 = arith.constant 1.000000e-16 : f32
      %add3A_87 = vector.broadcast %add3A_86 : f32 to vector<16xf32>
      %add3A_88 = arith.addf %get3A_85, %add3A_87 : vector<16xf32>
      %div3A = arith.constant 1.000000e+00 : f32
      %div3A_89 = vector.broadcast %div3A : f32 to vector<16xf32>
      %div3A_90 = arith.divf %div3A_89, %add3A_88 : vector<16xf32>
      %swap3A = arith.index_cast %add3A_84 : i32 to index
      %swap3A_91 = tpu.vector_load %arg15[%swap3A] {strides = array<i32>} : memref<640xf32, #tpu.memory_space<vmem>>, vector<16xf32>,
      tpu.vector_store %arg15[%swap3A], %div3A_90 {strides = array<i32>} : memref<640xf32, #tpu.memory_space<vmem>>, vector<16xf32>,
    }
    %scan3A_45 = arith.constant 40 : i32
    %mul3A_46 = arith.constant 640 : i32
    %mul3A_47 = arith.muli %arg1, %mul3A_46 : i32
    "tpu.region"() ({
      %run_scoped3A = tpu.sem_alloc : memref<!tpu.dma_semaphore, #tpu.memory_space<semaphore_mem>>
      %dma_start3A_80 = tpu.memref_slice %arg29[%mul3A_47] : memref<10240xf32, #tpu.memory_space<vmem_shared>> -> memref<640xf32, #tpu.memory_space<vmem_shared>>
      %dma_start3A_81 = tpu.memref_slice %arg29[%mul3A_47] : memref<10240xf32, #tpu.memory_space<vmem_shared>> -> memref<640xf32, #tpu.memory_space<vmem_shared>>
      tpu.enqueue_dma source(%arg15 : memref<640xf32, #tpu.memory_space<vmem>>) target(%dma_start3A_81 : memref<640xf32, #tpu.memory_space<vmem_shared>>) target_semaphore(%run_scoped3A : memref<!tpu.dma_semaphore, #tpu.memory_space<semaphore_mem>>)
      %dma_wait3A = tpu.memref_slice %arg29[%mul3A_47] : memref<10240xf32, #tpu.memory_space<vmem_shared>> -> memref<640xf32, #tpu.memory_space<vmem_shared>>
      %dma_wait3A_82 = tpu.memref_slice %arg29[%mul3A_47] : memref<10240xf32, #tpu.memory_space<vmem_shared>> -> memref<640xf32, #tpu.memory_space<vmem_shared>>
      tpu.wait_dma2 semaphore(%run_scoped3A : memref<!tpu.dma_semaphore, #tpu.memory_space<semaphore_mem>>) src(%arg15 : memref<640xf32, #tpu.memory_space<vmem>>) dst(%dma_wait3A_82 : memref<640xf32, #tpu.memory_space<vmem_shared>>)
      tpu.yield
    }) : () -> ()
    %mul3A_48 = arith.constant 640 : i32
    %mul3A_49 = arith.muli %arg1, %mul3A_48 : i32
    "tpu.region"() ({
      %run_scoped3A = tpu.sem_alloc : memref<!tpu.dma_semaphore, #tpu.memory_space<semaphore_mem>>
      %dma_start3A_80 = tpu.memref_slice %arg30[%mul3A_49] : memref<10240xf32, #tpu.memory_space<vmem_shared>> -> memref<640xf32, #tpu.memory_space<vmem_shared>>
      %dma_start3A_81 = tpu.memref_slice %arg30[%mul3A_49] : memref<10240xf32, #tpu.memory_space<vmem_shared>> -> memref<640xf32, #tpu.memory_space<vmem_shared>>
      tpu.enqueue_dma source(%dma_start3A_81 : memref<640xf32, #tpu.memory_space<vmem_shared>>) target(%arg15 : memref<640xf32, #tpu.memory_space<vmem>>) target_semaphore(%run_scoped3A : memref<!tpu.dma_semaphore, #tpu.memory_space<semaphore_mem>>)
      %dma_wait3A = tpu.memref_slice %arg30[%mul3A_49] : memref<10240xf32, #tpu.memory_space<vmem_shared>> -> memref<640xf32, #tpu.memory_space<vmem_shared>>
      %dma_wait3A_82 = tpu.memref_slice %arg30[%mul3A_49] : memref<10240xf32, #tpu.memory_space<vmem_shared>> -> memref<640xf32, #tpu.memory_space<vmem_shared>>
      tpu.wait_dma2 semaphore(%run_scoped3A : memref<!tpu.dma_semaphore, #tpu.memory_space<semaphore_mem>>) src(%dma_wait3A_82 : memref<640xf32, #tpu.memory_space<vmem_shared>>) dst(%arg15 : memref<640xf32, #tpu.memory_space<vmem>>)
      tpu.yield
    }) : () -> ()
    %scan3A_50 = arith.constant 0 : i32
    %scan3A_51 = arith.constant 40 : i32
    %scan3A_52 = arith.addi %scan3A_50, %scan3A_51 : i32
    %scan3A_53 = arith.constant 1 : i32
    scf.for %scan3A_80 = %scan3A_50 to %scan3A_52 step %scan3A_53  : i32 {
      %mul3A_81 = arith.constant 16 : i32
      %mul3A_82 = arith.muli %scan3A_80, %mul3A_81 : i32
      %add3A_83 = arith.constant 0 : i32
      %add3A_84 = arith.addi %add3A_83, %mul3A_82 : i32
      %get3A = arith.index_cast %add3A_84 : i32 to index
      %get3A_85 = tpu.vector_load %arg15[%get3A] {strides = array<i32>} : memref<640xf32, #tpu.memory_space<vmem>>, vector<16xf32>,
      %add3A_86 = arith.constant 1.000000e-16 : f32
      %add3A_87 = vector.broadcast %add3A_86 : f32 to vector<16xf32>
      %add3A_88 = arith.addf %get3A_85, %add3A_87 : vector<16xf32>
      %div3A = arith.constant 1.000000e+00 : f32
      %div3A_89 = vector.broadcast %div3A : f32 to vector<16xf32>
      %div3A_90 = arith.divf %div3A_89, %add3A_88 : vector<16xf32>
      %swap3A = arith.index_cast %add3A_84 : i32 to index
      %swap3A_91 = tpu.vector_load %arg15[%swap3A] {strides = array<i32>} : memref<640xf32, #tpu.memory_space<vmem>>, vector<16xf32>,
      tpu.vector_store %arg15[%swap3A], %div3A_90 {strides = array<i32>} : memref<640xf32, #tpu.memory_space<vmem>>, vector<16xf32>,
    }
    %scan3A_54 = arith.constant 40 : i32
    %mul3A_55 = arith.constant 640 : i32
    %mul3A_56 = arith.muli %arg1, %mul3A_55 : i32
    "tpu.region"() ({
      %run_scoped3A = tpu.sem_alloc : memref<!tpu.dma_semaphore, #tpu.memory_space<semaphore_mem>>
      %dma_start3A_80 = tpu.memref_slice %arg30[%mul3A_56] : memref<10240xf32, #tpu.memory_space<vmem_shared>> -> memref<640xf32, #tpu.memory_space<vmem_shared>>
      %dma_start3A_81 = tpu.memref_slice %arg30[%mul3A_56] : memref<10240xf32, #tpu.memory_space<vmem_shared>> -> memref<640xf32, #tpu.memory_space<vmem_shared>>
      tpu.enqueue_dma source(%arg15 : memref<640xf32, #tpu.memory_space<vmem>>) target(%dma_start3A_81 : memref<640xf32, #tpu.memory_space<vmem_shared>>) target_semaphore(%run_scoped3A : memref<!tpu.dma_semaphore, #tpu.memory_space<semaphore_mem>>)
      %dma_wait3A = tpu.memref_slice %arg30[%mul3A_56] : memref<10240xf32, #tpu.memory_space<vmem_shared>> -> memref<640xf32, #tpu.memory_space<vmem_shared>>
      %dma_wait3A_82 = tpu.memref_slice %arg30[%mul3A_56] : memref<10240xf32, #tpu.memory_space<vmem_shared>> -> memref<640xf32, #tpu.memory_space<vmem_shared>>
      tpu.wait_dma2 semaphore(%run_scoped3A : memref<!tpu.dma_semaphore, #tpu.memory_space<semaphore_mem>>) src(%arg15 : memref<640xf32, #tpu.memory_space<vmem>>) dst(%dma_wait3A_82 : memref<640xf32, #tpu.memory_space<vmem_shared>>)
      tpu.yield
    }) : () -> ()
    %barrier3A_57 = arith.constant 0 : index
    tpu.barrier barrier_id(%barrier3A_57)
    %add3A_58 = arith.constant 0 : i32
    %add3A_59 = arith.addi %mul3A_0, %add3A_58 : i32
    "tpu.region"() ({
      %run_scoped3A = tpu.sem_alloc : memref<!tpu.dma_semaphore, #tpu.memory_space<semaphore_mem>>
      %dma_start3A_80 = tpu.memref_slice %arg3[%add3A_59] : memref<330240xi32, #tpu.memory_space<hbm>> -> memref<120xi32, #tpu.memory_space<hbm>>
      %dma_start3A_81 = tpu.memref_slice %arg3[%add3A_59] : memref<330240xi32, #tpu.memory_space<hbm>> -> memref<120xi32, #tpu.memory_space<hbm>>
      tpu.enqueue_dma source(%dma_start3A_81 : memref<120xi32, #tpu.memory_space<hbm>>) target(%arg16 : memref<120xi32, #tpu.memory_space<vmem>>) target_semaphore(%run_scoped3A : memref<!tpu.dma_semaphore, #tpu.memory_space<semaphore_mem>>)
      %dma_wait3A = tpu.memref_slice %arg3[%add3A_59] : memref<330240xi32, #tpu.memory_space<hbm>> -> memref<120xi32, #tpu.memory_space<hbm>>
      %dma_wait3A_82 = tpu.memref_slice %arg3[%add3A_59] : memref<330240xi32, #tpu.memory_space<hbm>> -> memref<120xi32, #tpu.memory_space<hbm>>
      tpu.wait_dma2 semaphore(%run_scoped3A : memref<!tpu.dma_semaphore, #tpu.memory_space<semaphore_mem>>) src(%dma_wait3A_82 : memref<120xi32, #tpu.memory_space<hbm>>) dst(%arg16 : memref<120xi32, #tpu.memory_space<vmem>>)
      tpu.yield
    }) : () -> ()
    "tpu.region"() ({
      %run_scoped3A = tpu.sem_alloc : memref<!tpu.dma_semaphore, #tpu.memory_space<semaphore_mem>>
      %dma_start3A_80 = tpu.memref_slice %arg4[%add3A_59] : memref<330240xi32, #tpu.memory_space<hbm>> -> memref<120xi32, #tpu.memory_space<hbm>>
      %dma_start3A_81 = tpu.memref_slice %arg4[%add3A_59] : memref<330240xi32, #tpu.memory_space<hbm>> -> memref<120xi32, #tpu.memory_space<hbm>>
      tpu.enqueue_dma source(%dma_start3A_81 : memref<120xi32, #tpu.memory_space<hbm>>) target(%arg18 : memref<120xi32, #tpu.memory_space<vmem>>) target_semaphore(%run_scoped3A : memref<!tpu.dma_semaphore, #tpu.memory_space<semaphore_mem>>)
      %dma_wait3A = tpu.memref_slice %arg4[%add3A_59] : memref<330240xi32, #tpu.memory_space<hbm>> -> memref<120xi32, #tpu.memory_space<hbm>>
      %dma_wait3A_82 = tpu.memref_slice %arg4[%add3A_59] : memref<330240xi32, #tpu.memory_space<hbm>> -> memref<120xi32, #tpu.memory_space<hbm>>
      tpu.wait_dma2 semaphore(%run_scoped3A : memref<!tpu.dma_semaphore, #tpu.memory_space<semaphore_mem>>) src(%dma_wait3A_82 : memref<120xi32, #tpu.memory_space<hbm>>) dst(%arg18 : memref<120xi32, #tpu.memory_space<vmem>>)
      tpu.yield
    }) : () -> ()
    %scan3A_60 = arith.constant 0 : i32
    %scan3A_61 = arith.constant 8 : i32
    %scan3A_62 = arith.addi %scan3A_60, %scan3A_61 : i32
    %scan3A_63 = arith.constant 1 : i32
    scf.for %scan3A_80 = %scan3A_60 to %scan3A_62 step %scan3A_63  : i32 {
      %mul3A_81 = arith.constant 16 : i32
      %mul3A_82 = arith.muli %scan3A_80, %mul3A_81 : i32
      %add3A_83 = arith.constant 0 : i32
      %add3A_84 = arith.addi %add3A_83, %mul3A_82 : i32
      %get3A = arith.index_cast %add3A_84 : i32 to index
      %get3A_85 = tpu.vector_load %arg16[%get3A] {strides = array<i32>} : memref<120xi32, #tpu.memory_space<vmem>>, vector<16xi32>,
      %add3A_86 = vector.broadcast %mul3A_2 : i32 to vector<16xi32>
      %add3A_87 = arith.addi %get3A_85, %add3A_86 : vector<16xi32>
      %swap3A = arith.index_cast %add3A_84 : i32 to index
      %swap3A_88 = tpu.vector_load %arg20[%swap3A] {strides = array<i32>} : memref<120xi32, #tpu.memory_space<vmem>>, vector<16xi32>,
      tpu.vector_store %arg20[%swap3A], %add3A_87 {strides = array<i32>} : memref<120xi32, #tpu.memory_space<vmem>>, vector<16xi32>,
    }
    %scan3A_64 = arith.constant 8 : i32
    %dma_start3A = arith.constant 0 : i32
    %dma_start3A_65 = arith.constant 0 : i32
    %dma_start3A_66 = tpu.memref_slice %arg2[%dma_start3A, %dma_start3A_65] : memref<20000x128xf32, #tpu.memory_space<hbm>> -> memref<20000x128xf32, #tpu.memory_space<hbm>>
    tpu.enqueue_indirect_dma source(%dma_start3A_66 : memref<20000x128xf32, #tpu.memory_space<hbm>>) target(%arg22 : memref<120x128xf32, #tpu.memory_space<vmem>>) offsets(%arg20 : memref<120xi32, #tpu.memory_space<vmem>>) semaphore(%arg26 : memref<!tpu.dma_semaphore, #tpu.memory_space<semaphore_mem>>)
    %scan3A_67 = arith.constant 0 : i32
    %scan3A_68 = arith.constant 86 : i32
    %scan3A_69 = arith.addi %scan3A_67, %scan3A_68 : i32
    %scan3A_70 = arith.constant 1 : i32
    scf.for %scan3A_80 = %scan3A_67 to %scan3A_69 step %scan3A_70  : i32 {
      %mul3A_81 = arith.constant 2 : i32
      %mul3A_82 = arith.muli %scan3A_80, %mul3A_81 : i32
      %add3A_83 = arith.constant 0 : i32
      %add3A_84 = arith.addi %add3A_83, %mul3A_82 : i32
      %dma_wait3A = arith.constant 0 : i32
      %dma_wait3A_85 = arith.constant 0 : i32
      %dma_wait3A_86 = tpu.memref_slice %arg2[%dma_wait3A, %dma_wait3A_85] : memref<20000x128xf32, #tpu.memory_space<hbm>> -> memref<20000x128xf32, #tpu.memory_space<hbm>>
      tpu.wait_indirect_dma semaphore(%arg26 : memref<!tpu.dma_semaphore, #tpu.memory_space<semaphore_mem>>) src(%dma_wait3A_86 : memref<20000x128xf32, #tpu.memory_space<hbm>>) dst(%arg22 : memref<120x128xf32, #tpu.memory_space<vmem>>)
      %add3A_87 = arith.constant 1 : i32
      %add3A_88 = arith.addi %add3A_84, %add3A_87 : i32
      %lt3A = arith.constant 172 : i32
      %lt3A_89 = arith.cmpi slt, %add3A_88, %lt3A : i32
      %convert_element_type3A_90 = arith.extui %lt3A_89 : i1 to i32
      %cond3A_91 = arith.constant 0 : i32
      %cond3A_92 = arith.cmpi ne, %convert_element_type3A_90, %cond3A_91 : i32
      scf.if %cond3A_92 {
        %add3A_159 = arith.constant 1 : i32
        %add3A_160 = arith.addi %add3A_84, %add3A_159 : i32
        %mul3A_161 = arith.constant 120 : i32
        %mul3A_162 = arith.muli %add3A_160, %mul3A_161 : i32
        %add3A_163 = arith.addi %mul3A_0, %mul3A_162 : i32
        "tpu.region"() ({
          %run_scoped3A = tpu.sem_alloc : memref<!tpu.dma_semaphore, #tpu.memory_space<semaphore_mem>>
          %dma_start3A_172 = tpu.memref_slice %arg3[%add3A_163] : memref<330240xi32, #tpu.memory_space<hbm>> -> memref<120xi32, #tpu.memory_space<hbm>>
          %dma_start3A_173 = tpu.memref_slice %arg3[%add3A_163] : memref<330240xi32, #tpu.memory_space<hbm>> -> memref<120xi32, #tpu.memory_space<hbm>>
          tpu.enqueue_dma source(%dma_start3A_173 : memref<120xi32, #tpu.memory_space<hbm>>) target(%arg17 : memref<120xi32, #tpu.memory_space<vmem>>) target_semaphore(%run_scoped3A : memref<!tpu.dma_semaphore, #tpu.memory_space<semaphore_mem>>)
          %dma_wait3A_174 = tpu.memref_slice %arg3[%add3A_163] : memref<330240xi32, #tpu.memory_space<hbm>> -> memref<120xi32, #tpu.memory_space<hbm>>
          %dma_wait3A_175 = tpu.memref_slice %arg3[%add3A_163] : memref<330240xi32, #tpu.memory_space<hbm>> -> memref<120xi32, #tpu.memory_space<hbm>>
          tpu.wait_dma2 semaphore(%run_scoped3A : memref<!tpu.dma_semaphore, #tpu.memory_space<semaphore_mem>>) src(%dma_wait3A_175 : memref<120xi32, #tpu.memory_space<hbm>>) dst(%arg17 : memref<120xi32, #tpu.memory_space<vmem>>)
          tpu.yield
        }) : () -> ()
        "tpu.region"() ({
          %run_scoped3A = tpu.sem_alloc : memref<!tpu.dma_semaphore, #tpu.memory_space<semaphore_mem>>
          %dma_start3A_172 = tpu.memref_slice %arg4[%add3A_163] : memref<330240xi32, #tpu.memory_space<hbm>> -> memref<120xi32, #tpu.memory_space<hbm>>
          %dma_start3A_173 = tpu.memref_slice %arg4[%add3A_163] : memref<330240xi32, #tpu.memory_space<hbm>> -> memref<120xi32, #tpu.memory_space<hbm>>
          tpu.enqueue_dma source(%dma_start3A_173 : memref<120xi32, #tpu.memory_space<hbm>>) target(%arg19 : memref<120xi32, #tpu.memory_space<vmem>>) target_semaphore(%run_scoped3A : memref<!tpu.dma_semaphore, #tpu.memory_space<semaphore_mem>>)
          %dma_wait3A_174 = tpu.memref_slice %arg4[%add3A_163] : memref<330240xi32, #tpu.memory_space<hbm>> -> memref<120xi32, #tpu.memory_space<hbm>>
          %dma_wait3A_175 = tpu.memref_slice %arg4[%add3A_163] : memref<330240xi32, #tpu.memory_space<hbm>> -> memref<120xi32, #tpu.memory_space<hbm>>
          tpu.wait_dma2 semaphore(%run_scoped3A : memref<!tpu.dma_semaphore, #tpu.memory_space<semaphore_mem>>) src(%dma_wait3A_175 : memref<120xi32, #tpu.memory_space<hbm>>) dst(%arg19 : memref<120xi32, #tpu.memory_space<vmem>>)
          tpu.yield
        }) : () -> ()
        %scan3A_164 = arith.constant 0 : i32
        %scan3A_165 = arith.constant 8 : i32
        %scan3A_166 = arith.addi %scan3A_164, %scan3A_165 : i32
        %scan3A_167 = arith.constant 1 : i32
        scf.for %scan3A_172 = %scan3A_164 to %scan3A_166 step %scan3A_167  : i32 {
          %mul3A_173 = arith.constant 16 : i32
          %mul3A_174 = arith.muli %scan3A_172, %mul3A_173 : i32
          %add3A_175 = arith.constant 0 : i32
          %add3A_176 = arith.addi %add3A_175, %mul3A_174 : i32
          %get3A = arith.index_cast %add3A_176 : i32 to index
          %get3A_177 = tpu.vector_load %arg17[%get3A] {strides = array<i32>} : memref<120xi32, #tpu.memory_space<vmem>>, vector<16xi32>,
          %add3A_178 = vector.broadcast %mul3A_2 : i32 to vector<16xi32>
          %add3A_179 = arith.addi %get3A_177, %add3A_178 : vector<16xi32>
          %swap3A = arith.index_cast %add3A_176 : i32 to index
          %swap3A_180 = tpu.vector_load %arg21[%swap3A] {strides = array<i32>} : memref<120xi32, #tpu.memory_space<vmem>>, vector<16xi32>,
          tpu.vector_store %arg21[%swap3A], %add3A_179 {strides = array<i32>} : memref<120xi32, #tpu.memory_space<vmem>>, vector<16xi32>,
        }
        %scan3A_168 = arith.constant 8 : i32
        %dma_start3A_169 = arith.constant 0 : i32
        %dma_start3A_170 = arith.constant 0 : i32
        %dma_start3A_171 = tpu.memref_slice %arg2[%dma_start3A_169, %dma_start3A_170] : memref<20000x128xf32, #tpu.memory_space<hbm>> -> memref<20000x128xf32, #tpu.memory_space<hbm>>
        tpu.enqueue_indirect_dma source(%dma_start3A_171 : memref<20000x128xf32, #tpu.memory_space<hbm>>) target(%arg23 : memref<120x128xf32, #tpu.memory_space<vmem>>) offsets(%arg21 : memref<120xi32, #tpu.memory_space<vmem>>) semaphore(%arg27 : memref<!tpu.dma_semaphore, #tpu.memory_space<semaphore_mem>>)
      } else {
      }
      %mul3A_93 = arith.constant 120 : i32
      %mul3A_94 = arith.muli %add3A_84, %mul3A_93 : i32
      %add3A_95 = arith.addi %mul3A_0, %mul3A_94 : i32
      %mul3A_96 = arith.constant 2 : i32
      %mul3A_97 = arith.muli %arg0, %mul3A_96 : i32
      %add3A_98 = arith.constant 0 : i32
      %add3A_99 = arith.addi %mul3A_97, %add3A_98 : i32
      %mul3A_100 = arith.constant 330240 : i32
      %mul3A_101 = arith.muli %add3A_99, %mul3A_100 : i32
      %add3A_102 = arith.addi %mul3A_101, %add3A_95 : i32
      "tpu.region"() ({
        %run_scoped3A = tpu.sem_alloc : memref<!tpu.dma_semaphore, #tpu.memory_space<semaphore_mem>>
        %dma_start3A_159 = arith.constant 0 : i32
        %dma_start3A_160 = tpu.memref_slice %arg24[%dma_start3A_159] : memref<240xf32, #tpu.memory_space<vmem>> -> memref<120xf32, #tpu.memory_space<vmem>>
        %dma_start3A_161 = tpu.memref_slice %arg9[%add3A_102] : memref<1320960xf32, #tpu.memory_space<hbm>> -> memref<120xf32, #tpu.memory_space<hbm>>
        %dma_start3A_162 = arith.constant 0 : i32
        %dma_start3A_163 = tpu.memref_slice %arg24[%dma_start3A_162] : memref<240xf32, #tpu.memory_space<vmem>> -> memref<120xf32, #tpu.memory_space<vmem>>
        %dma_start3A_164 = tpu.memref_slice %arg9[%add3A_102] : memref<1320960xf32, #tpu.memory_space<hbm>> -> memref<120xf32, #tpu.memory_space<hbm>>
        tpu.enqueue_dma source(%dma_start3A_164 : memref<120xf32, #tpu.memory_space<hbm>>) target(%dma_start3A_163 : memref<120xf32, #tpu.memory_space<vmem>>) target_semaphore(%run_scoped3A : memref<!tpu.dma_semaphore, #tpu.memory_space<semaphore_mem>>)
        %dma_wait3A_165 = arith.constant 0 : i32
        %dma_wait3A_166 = tpu.memref_slice %arg24[%dma_wait3A_165] : memref<240xf32, #tpu.memory_space<vmem>> -> memref<120xf32, #tpu.memory_space<vmem>>
        %dma_wait3A_167 = tpu.memref_slice %arg9[%add3A_102] : memref<1320960xf32, #tpu.memory_space<hbm>> -> memref<120xf32, #tpu.memory_space<hbm>>
        %dma_wait3A_168 = arith.constant 0 : i32
        %dma_wait3A_169 = tpu.memref_slice %arg24[%dma_wait3A_168] : memref<240xf32, #tpu.memory_space<vmem>> -> memref<120xf32, #tpu.memory_space<vmem>>
        %dma_wait3A_170 = tpu.memref_slice %arg9[%add3A_102] : memref<1320960xf32, #tpu.memory_space<hbm>> -> memref<120xf32, #tpu.memory_space<hbm>>
        tpu.wait_dma2 semaphore(%run_scoped3A : memref<!tpu.dma_semaphore, #tpu.memory_space<semaphore_mem>>) src(%dma_wait3A_170 : memref<120xf32, #tpu.memory_space<hbm>>) dst(%dma_wait3A_169 : memref<120xf32, #tpu.memory_space<vmem>>)
        tpu.yield
      }) : () -> ()
      "tpu.region"() ({
        %run_scoped3A = tpu.sem_alloc : memref<!tpu.dma_semaphore, #tpu.memory_space<semaphore_mem>>
        %dma_start3A_159 = arith.constant 0 : i32
        %dma_start3A_160 = tpu.memref_slice %arg25[%dma_start3A_159] : memref<240xf32, #tpu.memory_space<vmem>> -> memref<120xf32, #tpu.memory_space<vmem>>
        %dma_start3A_161 = arith.constant 0 : i32
        %dma_start3A_162 = tpu.memref_slice %arg29[%dma_start3A_161] : memref<10240xf32, #tpu.memory_space<vmem_shared>> -> memref<10240xf32, #tpu.memory_space<vmem_shared>>
        tpu.enqueue_indirect_dma source(%dma_start3A_162 : memref<10240xf32, #tpu.memory_space<vmem_shared>>) target(%dma_start3A_160 : memref<120xf32, #tpu.memory_space<vmem>>) offsets(%arg18 : memref<120xi32, #tpu.memory_space<vmem>>) semaphore(%run_scoped3A : memref<!tpu.dma_semaphore, #tpu.memory_space<semaphore_mem>>)
        %dma_wait3A_163 = arith.constant 0 : i32
        %dma_wait3A_164 = tpu.memref_slice %arg25[%dma_wait3A_163] : memref<240xf32, #tpu.memory_space<vmem>> -> memref<120xf32, #tpu.memory_space<vmem>>
        %dma_wait3A_165 = arith.constant 0 : i32
        %dma_wait3A_166 = tpu.memref_slice %arg29[%dma_wait3A_165] : memref<10240xf32, #tpu.memory_space<vmem_shared>> -> memref<10240xf32, #tpu.memory_space<vmem_shared>>
        tpu.wait_indirect_dma semaphore(%run_scoped3A : memref<!tpu.dma_semaphore, #tpu.memory_space<semaphore_mem>>) src(%dma_wait3A_166 : memref<10240xf32, #tpu.memory_space<vmem_shared>>) dst(%dma_wait3A_164 : memref<120xf32, #tpu.memory_space<vmem>>)
        tpu.yield
      }) : () -> ()
      %mul3A_103 = arith.constant 2 : i32
      %mul3A_104 = arith.muli %arg0, %mul3A_103 : i32
      %add3A_105 = arith.constant 1 : i32
      %add3A_106 = arith.addi %mul3A_104, %add3A_105 : i32
      %mul3A_107 = arith.constant 330240 : i32
      %mul3A_108 = arith.muli %add3A_106, %mul3A_107 : i32
      %add3A_109 = arith.addi %mul3A_108, %add3A_95 : i32
      "tpu.region"() ({
        %run_scoped3A = tpu.sem_alloc : memref<!tpu.dma_semaphore, #tpu.memory_space<semaphore_mem>>
        %dma_start3A_159 = arith.constant 120 : i32
        %dma_start3A_160 = tpu.memref_slice %arg24[%dma_start3A_159] : memref<240xf32, #tpu.memory_space<vmem>> -> memref<120xf32, #tpu.memory_space<vmem>>
        %dma_start3A_161 = tpu.memref_slice %arg9[%add3A_109] : memref<1320960xf32, #tpu.memory_space<hbm>> -> memref<120xf32, #tpu.memory_space<hbm>>
        %dma_start3A_162 = arith.constant 120 : i32
        %dma_start3A_163 = tpu.memref_slice %arg24[%dma_start3A_162] : memref<240xf32, #tpu.memory_space<vmem>> -> memref<120xf32, #tpu.memory_space<vmem>>
        %dma_start3A_164 = tpu.memref_slice %arg9[%add3A_109] : memref<1320960xf32, #tpu.memory_space<hbm>> -> memref<120xf32, #tpu.memory_space<hbm>>
        tpu.enqueue_dma source(%dma_start3A_164 : memref<120xf32, #tpu.memory_space<hbm>>) target(%dma_start3A_163 : memref<120xf32, #tpu.memory_space<vmem>>) target_semaphore(%run_scoped3A : memref<!tpu.dma_semaphore, #tpu.memory_space<semaphore_mem>>)
        %dma_wait3A_165 = arith.constant 120 : i32
        %dma_wait3A_166 = tpu.memref_slice %arg24[%dma_wait3A_165] : memref<240xf32, #tpu.memory_space<vmem>> -> memref<120xf32, #tpu.memory_space<vmem>>
        %dma_wait3A_167 = tpu.memref_slice %arg9[%add3A_109] : memref<1320960xf32, #tpu.memory_space<hbm>> -> memref<120xf32, #tpu.memory_space<hbm>>
        %dma_wait3A_168 = arith.constant 120 : i32
        %dma_wait3A_169 = tpu.memref_slice %arg24[%dma_wait3A_168] : memref<240xf32, #tpu.memory_space<vmem>> -> memref<120xf32, #tpu.memory_space<vmem>>
        %dma_wait3A_170 = tpu.memref_slice %arg9[%add3A_109] : memref<1320960xf32, #tpu.memory_space<hbm>> -> memref<120xf32, #tpu.memory_space<hbm>>
        tpu.wait_dma2 semaphore(%run_scoped3A : memref<!tpu.dma_semaphore, #tpu.memory_space<semaphore_mem>>) src(%dma_wait3A_170 : memref<120xf32, #tpu.memory_space<hbm>>) dst(%dma_wait3A_169 : memref<120xf32, #tpu.memory_space<vmem>>)
        tpu.yield
      }) : () -> ()
      "tpu.region"() ({
        %run_scoped3A = tpu.sem_alloc : memref<!tpu.dma_semaphore, #tpu.memory_space<semaphore_mem>>
        %dma_start3A_159 = arith.constant 120 : i32
        %dma_start3A_160 = tpu.memref_slice %arg25[%dma_start3A_159] : memref<240xf32, #tpu.memory_space<vmem>> -> memref<120xf32, #tpu.memory_space<vmem>>
        %dma_start3A_161 = arith.constant 0 : i32
        %dma_start3A_162 = tpu.memref_slice %arg30[%dma_start3A_161] : memref<10240xf32, #tpu.memory_space<vmem_shared>> -> memref<10240xf32, #tpu.memory_space<vmem_shared>>
        tpu.enqueue_indirect_dma source(%dma_start3A_162 : memref<10240xf32, #tpu.memory_space<vmem_shared>>) target(%dma_start3A_160 : memref<120xf32, #tpu.memory_space<vmem>>) offsets(%arg18 : memref<120xi32, #tpu.memory_space<vmem>>) semaphore(%run_scoped3A : memref<!tpu.dma_semaphore, #tpu.memory_space<semaphore_mem>>)
        %dma_wait3A_163 = arith.constant 120 : i32
        %dma_wait3A_164 = tpu.memref_slice %arg25[%dma_wait3A_163] : memref<240xf32, #tpu.memory_space<vmem>> -> memref<120xf32, #tpu.memory_space<vmem>>
        %dma_wait3A_165 = arith.constant 0 : i32
        %dma_wait3A_166 = tpu.memref_slice %arg30[%dma_wait3A_165] : memref<10240xf32, #tpu.memory_space<vmem_shared>> -> memref<10240xf32, #tpu.memory_space<vmem_shared>>
        tpu.wait_indirect_dma semaphore(%run_scoped3A : memref<!tpu.dma_semaphore, #tpu.memory_space<semaphore_mem>>) src(%dma_wait3A_166 : memref<10240xf32, #tpu.memory_space<vmem_shared>>) dst(%dma_wait3A_164 : memref<120xf32, #tpu.memory_space<vmem>>)
        tpu.yield
      }) : () -> ()
      %scan3A_110 = arith.constant 0 : i32
      %scan3A_111 = arith.constant 15 : i32
      %scan3A_112 = arith.addi %scan3A_110, %scan3A_111 : i32
      %scan3A_113 = arith.constant 1 : i32
      scf.for %scan3A_159 = %scan3A_110 to %scan3A_112 step %scan3A_113  : i32 {
        %mul3A_160 = arith.constant 16 : i32
        %mul3A_161 = arith.muli %scan3A_159, %mul3A_160 : i32
        %add3A_162 = arith.constant 0 : i32
        %add3A_163 = arith.addi %add3A_162, %mul3A_161 : i32
        %get3A = arith.index_cast %add3A_163 : i32 to index
        %get3A_164 = tpu.vector_load %arg24[%get3A] {strides = array<i32>} : memref<240xf32, #tpu.memory_space<vmem>>, vector<16xf32>,
        %get3A_165 = arith.index_cast %add3A_163 : i32 to index
        %get3A_166 = tpu.vector_load %arg25[%get3A_165] {strides = array<i32>} : memref<240xf32, #tpu.memory_space<vmem>>, vector<16xf32>,
        %mul3A_167 = arith.mulf %get3A_164, %get3A_166 : vector<16xf32>
        %swap3A = arith.index_cast %add3A_163 : i32 to index
        %swap3A_168 = tpu.vector_load %arg24[%swap3A] {strides = array<i32>} : memref<240xf32, #tpu.memory_space<vmem>>, vector<16xf32>,
        tpu.vector_store %arg24[%swap3A], %mul3A_167 {strides = array<i32>} : memref<240xf32, #tpu.memory_space<vmem>>, vector<16xf32>,
      }
      %scan3A_114 = arith.constant 15 : i32
      %scan3A_115 = arith.constant 0 : i32
      %scan3A_116 = arith.constant 120 : i32
      %scan3A_117 = arith.addi %scan3A_115, %scan3A_116 : i32
      %scan3A_118 = arith.constant 1 : i32
      scf.for %scan3A_159 = %scan3A_115 to %scan3A_117 step %scan3A_118  : i32 {
        %mul3A_160 = arith.constant 1 : i32
        %mul3A_161 = arith.muli %scan3A_159, %mul3A_160 : i32
        %add3A_162 = arith.constant 0 : i32
        %add3A_163 = arith.addi %add3A_162, %mul3A_161 : i32
        %broadcast_in_dim3A = arith.constant 0 : i32
        %broadcast_in_dim3A_164 = vector.broadcast %broadcast_in_dim3A : i32 to vector<16xi32>
        %add3A_165 = vector.broadcast %add3A_163 : i32 to vector<16xi32>
        %add3A_166 = arith.addi %broadcast_in_dim3A_164, %add3A_165 : vector<16xi32>
        %gather3A = tpu.vector_load_idx %arg24[%add3A_166] : memref<240xf32, #tpu.memory_space<vmem>>[vector<16xi32>], vector<16xf32>,
        %broadcast_in_dim3A_167 = arith.constant 120 : i32
        %broadcast_in_dim3A_168 = vector.broadcast %broadcast_in_dim3A_167 : i32 to vector<16xi32>
        %add3A_169 = vector.broadcast %add3A_163 : i32 to vector<16xi32>
        %add3A_170 = arith.addi %broadcast_in_dim3A_168, %add3A_169 : vector<16xi32>
        %gather3A_171 = tpu.vector_load_idx %arg24[%add3A_170] : memref<240xf32, #tpu.memory_space<vmem>>[vector<16xi32>], vector<16xf32>,
        %get3A = arith.index_cast %add3A_163 : i32 to index
        %get3A_172 = arith.constant 0 : index
        %get3A_173 = tpu.vector_load %arg22[%get3A, %get3A_172] {strides = array<i32>} : memref<120x128xf32, #tpu.memory_space<vmem>>, vector<16xf32>,
        %mul3A_174 = arith.mulf %get3A_173, %gather3A : vector<16xf32>
        %swap3A = arith.index_cast %add3A_163 : i32 to index
        %swap3A_175 = arith.constant 0 : index
        %swap3A_176 = tpu.vector_load %arg22[%swap3A, %swap3A_175] {strides = array<i32>} : memref<120x128xf32, #tpu.memory_space<vmem>>, vector<16xf32>,
        tpu.vector_store %arg22[%swap3A, %swap3A_175], %mul3A_174 {strides = array<i32>} : memref<120x128xf32, #tpu.memory_space<vmem>>, vector<16xf32>,
        %get3A_177 = arith.index_cast %add3A_163 : i32 to index
        %get3A_178 = arith.constant 16 : index
        %get3A_179 = tpu.vector_load %arg22[%get3A_177, %get3A_178] {strides = array<i32>} : memref<120x128xf32, #tpu.memory_space<vmem>>, vector<16xf32>,
        %mul3A_180 = arith.mulf %get3A_179, %gather3A : vector<16xf32>
        %swap3A_181 = arith.index_cast %add3A_163 : i32 to index
        %swap3A_182 = arith.constant 16 : index
        %swap3A_183 = tpu.vector_load %arg22[%swap3A_181, %swap3A_182] {strides = array<i32>} : memref<120x128xf32, #tpu.memory_space<vmem>>, vector<16xf32>,
        tpu.vector_store %arg22[%swap3A_181, %swap3A_182], %mul3A_180 {strides = array<i32>} : memref<120x128xf32, #tpu.memory_space<vmem>>, vector<16xf32>,
        %get3A_184 = arith.index_cast %add3A_163 : i32 to index
        %get3A_185 = arith.constant 32 : index
        %get3A_186 = tpu.vector_load %arg22[%get3A_184, %get3A_185] {strides = array<i32>} : memref<120x128xf32, #tpu.memory_space<vmem>>, vector<16xf32>,
        %mul3A_187 = arith.mulf %get3A_186, %gather3A : vector<16xf32>
        %swap3A_188 = arith.index_cast %add3A_163 : i32 to index
        %swap3A_189 = arith.constant 32 : index
        %swap3A_190 = tpu.vector_load %arg22[%swap3A_188, %swap3A_189] {strides = array<i32>} : memref<120x128xf32, #tpu.memory_space<vmem>>, vector<16xf32>,
        tpu.vector_store %arg22[%swap3A_188, %swap3A_189], %mul3A_187 {strides = array<i32>} : memref<120x128xf32, #tpu.memory_space<vmem>>, vector<16xf32>,
        %get3A_191 = arith.index_cast %add3A_163 : i32 to index
        %get3A_192 = arith.constant 48 : index
        %get3A_193 = tpu.vector_load %arg22[%get3A_191, %get3A_192] {strides = array<i32>} : memref<120x128xf32, #tpu.memory_space<vmem>>, vector<16xf32>,
        %mul3A_194 = arith.mulf %get3A_193, %gather3A : vector<16xf32>
        %swap3A_195 = arith.index_cast %add3A_163 : i32 to index
        %swap3A_196 = arith.constant 48 : index
        %swap3A_197 = tpu.vector_load %arg22[%swap3A_195, %swap3A_196] {strides = array<i32>} : memref<120x128xf32, #tpu.memory_space<vmem>>, vector<16xf32>,
        tpu.vector_store %arg22[%swap3A_195, %swap3A_196], %mul3A_194 {strides = array<i32>} : memref<120x128xf32, #tpu.memory_space<vmem>>, vector<16xf32>,
        %get3A_198 = arith.index_cast %add3A_163 : i32 to index
        %get3A_199 = arith.constant 64 : index
        %get3A_200 = tpu.vector_load %arg22[%get3A_198, %get3A_199] {strides = array<i32>} : memref<120x128xf32, #tpu.memory_space<vmem>>, vector<16xf32>,
        %mul3A_201 = arith.mulf %get3A_200, %gather3A_171 : vector<16xf32>
        %swap3A_202 = arith.index_cast %add3A_163 : i32 to index
        %swap3A_203 = arith.constant 64 : index
        %swap3A_204 = tpu.vector_load %arg22[%swap3A_202, %swap3A_203] {strides = array<i32>} : memref<120x128xf32, #tpu.memory_space<vmem>>, vector<16xf32>,
        tpu.vector_store %arg22[%swap3A_202, %swap3A_203], %mul3A_201 {strides = array<i32>} : memref<120x128xf32, #tpu.memory_space<vmem>>, vector<16xf32>,
        %get3A_205 = arith.index_cast %add3A_163 : i32 to index
        %get3A_206 = arith.constant 80 : index
        %get3A_207 = tpu.vector_load %arg22[%get3A_205, %get3A_206] {strides = array<i32>} : memref<120x128xf32, #tpu.memory_space<vmem>>, vector<16xf32>,
        %mul3A_208 = arith.mulf %get3A_207, %gather3A_171 : vector<16xf32>
        %swap3A_209 = arith.index_cast %add3A_163 : i32 to index
        %swap3A_210 = arith.constant 80 : index
        %swap3A_211 = tpu.vector_load %arg22[%swap3A_209, %swap3A_210] {strides = array<i32>} : memref<120x128xf32, #tpu.memory_space<vmem>>, vector<16xf32>,
        tpu.vector_store %arg22[%swap3A_209, %swap3A_210], %mul3A_208 {strides = array<i32>} : memref<120x128xf32, #tpu.memory_space<vmem>>, vector<16xf32>,
        %get3A_212 = arith.index_cast %add3A_163 : i32 to index
        %get3A_213 = arith.constant 96 : index
        %get3A_214 = tpu.vector_load %arg22[%get3A_212, %get3A_213] {strides = array<i32>} : memref<120x128xf32, #tpu.memory_space<vmem>>, vector<16xf32>,
        %mul3A_215 = arith.mulf %get3A_214, %gather3A_171 : vector<16xf32>
        %swap3A_216 = arith.index_cast %add3A_163 : i32 to index
        %swap3A_217 = arith.constant 96 : index
        %swap3A_218 = tpu.vector_load %arg22[%swap3A_216, %swap3A_217] {strides = array<i32>} : memref<120x128xf32, #tpu.memory_space<vmem>>, vector<16xf32>,
        tpu.vector_store %arg22[%swap3A_216, %swap3A_217], %mul3A_215 {strides = array<i32>} : memref<120x128xf32, #tpu.memory_space<vmem>>, vector<16xf32>,
        %get3A_219 = arith.index_cast %add3A_163 : i32 to index
        %get3A_220 = arith.constant 112 : index
        %get3A_221 = tpu.vector_load %arg22[%get3A_219, %get3A_220] {strides = array<i32>} : memref<120x128xf32, #tpu.memory_space<vmem>>, vector<16xf32>,
        %mul3A_222 = arith.mulf %get3A_221, %gather3A_171 : vector<16xf32>
        %swap3A_223 = arith.index_cast %add3A_163 : i32 to index
        %swap3A_224 = arith.constant 112 : index
        %swap3A_225 = tpu.vector_load %arg22[%swap3A_223, %swap3A_224] {strides = array<i32>} : memref<120x128xf32, #tpu.memory_space<vmem>>, vector<16xf32>,
        tpu.vector_store %arg22[%swap3A_223, %swap3A_224], %mul3A_222 {strides = array<i32>} : memref<120x128xf32, #tpu.memory_space<vmem>>, vector<16xf32>,
      }
      %scan3A_119 = arith.constant 120 : i32
      "tpu.region"() ({
        %run_scoped3A = tpu.sem_alloc : memref<!tpu.dma_semaphore, #tpu.memory_space<semaphore_mem>>
        %dma_start3A_159 = arith.constant 0 : i32
        %dma_start3A_160 = arith.constant 0 : i32
        %dma_start3A_161 = tpu.memref_slice %arg28[%dma_start3A_159, %dma_start3A_160] : memref<10240x128xf32, #tpu.memory_space<vmem_shared>> -> memref<10240x128xf32, #tpu.memory_space<vmem_shared>>
        tpu.enqueue_indirect_dma source(%arg22 : memref<120x128xf32, #tpu.memory_space<vmem>>) target(%dma_start3A_161 : memref<10240x128xf32, #tpu.memory_space<vmem_shared>>) offsets(%arg18 : memref<120xi32, #tpu.memory_space<vmem>>) semaphore(%run_scoped3A : memref<!tpu.dma_semaphore, #tpu.memory_space<semaphore_mem>>) {add = true}
        %dma_wait3A_162 = arith.constant 0 : i32
        %dma_wait3A_163 = arith.constant 0 : i32
        %dma_wait3A_164 = tpu.memref_slice %arg28[%dma_wait3A_162, %dma_wait3A_163] : memref<10240x128xf32, #tpu.memory_space<vmem_shared>> -> memref<10240x128xf32, #tpu.memory_space<vmem_shared>>
        tpu.wait_indirect_dma semaphore(%run_scoped3A : memref<!tpu.dma_semaphore, #tpu.memory_space<semaphore_mem>>) src(%arg22 : memref<120x128xf32, #tpu.memory_space<vmem>>) dst(%dma_wait3A_164 : memref<10240x128xf32, #tpu.memory_space<vmem_shared>>)
        tpu.yield
      }) : () -> ()
      %add3A_120 = arith.constant 1 : i32
      %add3A_121 = arith.addi %add3A_84, %add3A_120 : i32
      %dma_wait3A_122 = arith.constant 0 : i32
      %dma_wait3A_123 = arith.constant 0 : i32
      %dma_wait3A_124 = tpu.memref_slice %arg2[%dma_wait3A_122, %dma_wait3A_123] : memref<20000x128xf32, #tpu.memory_space<hbm>> -> memref<20000x128xf32, #tpu.memory_space<hbm>>
      tpu.wait_indirect_dma semaphore(%arg27 : memref<!tpu.dma_semaphore, #tpu.memory_space<semaphore_mem>>) src(%dma_wait3A_124 : memref<20000x128xf32, #tpu.memory_space<hbm>>) dst(%arg23 : memref<120x128xf32, #tpu.memory_space<vmem>>)
      %add3A_125 = arith.constant 1 : i32
      %add3A_126 = arith.addi %add3A_121, %add3A_125 : i32
      %lt3A_127 = arith.constant 172 : i32
      %lt3A_128 = arith.cmpi slt, %add3A_126, %lt3A_127 : i32
      %convert_element_type3A_129 = arith.extui %lt3A_128 : i1 to i32
      %cond3A_130 = arith.constant 0 : i32
      %cond3A_131 = arith.cmpi ne, %convert_element_type3A_129, %cond3A_130 : i32
      scf.if %cond3A_131 {
        %add3A_159 = arith.constant 1 : i32
        %add3A_160 = arith.addi %add3A_121, %add3A_159 : i32
        %mul3A_161 = arith.constant 120 : i32
        %mul3A_162 = arith.muli %add3A_160, %mul3A_161 : i32
        %add3A_163 = arith.addi %mul3A_0, %mul3A_162 : i32
        "tpu.region"() ({
          %run_scoped3A = tpu.sem_alloc : memref<!tpu.dma_semaphore, #tpu.memory_space<semaphore_mem>>
          %dma_start3A_172 = tpu.memref_slice %arg3[%add3A_163] : memref<330240xi32, #tpu.memory_space<hbm>> -> memref<120xi32, #tpu.memory_space<hbm>>
          %dma_start3A_173 = tpu.memref_slice %arg3[%add3A_163] : memref<330240xi32, #tpu.memory_space<hbm>> -> memref<120xi32, #tpu.memory_space<hbm>>
          tpu.enqueue_dma source(%dma_start3A_173 : memref<120xi32, #tpu.memory_space<hbm>>) target(%arg16 : memref<120xi32, #tpu.memory_space<vmem>>) target_semaphore(%run_scoped3A : memref<!tpu.dma_semaphore, #tpu.memory_space<semaphore_mem>>)
          %dma_wait3A_174 = tpu.memref_slice %arg3[%add3A_163] : memref<330240xi32, #tpu.memory_space<hbm>> -> memref<120xi32, #tpu.memory_space<hbm>>
          %dma_wait3A_175 = tpu.memref_slice %arg3[%add3A_163] : memref<330240xi32, #tpu.memory_space<hbm>> -> memref<120xi32, #tpu.memory_space<hbm>>
          tpu.wait_dma2 semaphore(%run_scoped3A : memref<!tpu.dma_semaphore, #tpu.memory_space<semaphore_mem>>) src(%dma_wait3A_175 : memref<120xi32, #tpu.memory_space<hbm>>) dst(%arg16 : memref<120xi32, #tpu.memory_space<vmem>>)
          tpu.yield
        }) : () -> ()
        "tpu.region"() ({
          %run_scoped3A = tpu.sem_alloc : memref<!tpu.dma_semaphore, #tpu.memory_space<semaphore_mem>>
          %dma_start3A_172 = tpu.memref_slice %arg4[%add3A_163] : memref<330240xi32, #tpu.memory_space<hbm>> -> memref<120xi32, #tpu.memory_space<hbm>>
          %dma_start3A_173 = tpu.memref_slice %arg4[%add3A_163] : memref<330240xi32, #tpu.memory_space<hbm>> -> memref<120xi32, #tpu.memory_space<hbm>>
          tpu.enqueue_dma source(%dma_start3A_173 : memref<120xi32, #tpu.memory_space<hbm>>) target(%arg18 : memref<120xi32, #tpu.memory_space<vmem>>) target_semaphore(%run_scoped3A : memref<!tpu.dma_semaphore, #tpu.memory_space<semaphore_mem>>)
          %dma_wait3A_174 = tpu.memref_slice %arg4[%add3A_163] : memref<330240xi32, #tpu.memory_space<hbm>> -> memref<120xi32, #tpu.memory_space<hbm>>
          %dma_wait3A_175 = tpu.memref_slice %arg4[%add3A_163] : memref<330240xi32, #tpu.memory_space<hbm>> -> memref<120xi32, #tpu.memory_space<hbm>>
          tpu.wait_dma2 semaphore(%run_scoped3A : memref<!tpu.dma_semaphore, #tpu.memory_space<semaphore_mem>>) src(%dma_wait3A_175 : memref<120xi32, #tpu.memory_space<hbm>>) dst(%arg18 : memref<120xi32, #tpu.memory_space<vmem>>)
          tpu.yield
        }) : () -> ()
        %scan3A_164 = arith.constant 0 : i32
        %scan3A_165 = arith.constant 8 : i32
        %scan3A_166 = arith.addi %scan3A_164, %scan3A_165 : i32
        %scan3A_167 = arith.constant 1 : i32
        scf.for %scan3A_172 = %scan3A_164 to %scan3A_166 step %scan3A_167  : i32 {
          %mul3A_173 = arith.constant 16 : i32
          %mul3A_174 = arith.muli %scan3A_172, %mul3A_173 : i32
          %add3A_175 = arith.constant 0 : i32
          %add3A_176 = arith.addi %add3A_175, %mul3A_174 : i32
          %get3A = arith.index_cast %add3A_176 : i32 to index
          %get3A_177 = tpu.vector_load %arg16[%get3A] {strides = array<i32>} : memref<120xi32, #tpu.memory_space<vmem>>, vector<16xi32>,
          %add3A_178 = vector.broadcast %mul3A_2 : i32 to vector<16xi32>
          %add3A_179 = arith.addi %get3A_177, %add3A_178 : vector<16xi32>
          %swap3A = arith.index_cast %add3A_176 : i32 to index
          %swap3A_180 = tpu.vector_load %arg20[%swap3A] {strides = array<i32>} : memref<120xi32, #tpu.memory_space<vmem>>, vector<16xi32>,
          tpu.vector_store %arg20[%swap3A], %add3A_179 {strides = array<i32>} : memref<120xi32, #tpu.memory_space<vmem>>, vector<16xi32>,
        }
        %scan3A_168 = arith.constant 8 : i32
        %dma_start3A_169 = arith.constant 0 : i32
        %dma_start3A_170 = arith.constant 0 : i32
        %dma_start3A_171 = tpu.memref_slice %arg2[%dma_start3A_169, %dma_start3A_170] : memref<20000x128xf32, #tpu.memory_space<hbm>> -> memref<20000x128xf32, #tpu.memory_space<hbm>>
        tpu.enqueue_indirect_dma source(%dma_start3A_171 : memref<20000x128xf32, #tpu.memory_space<hbm>>) target(%arg22 : memref<120x128xf32, #tpu.memory_space<vmem>>) offsets(%arg20 : memref<120xi32, #tpu.memory_space<vmem>>) semaphore(%arg26 : memref<!tpu.dma_semaphore, #tpu.memory_space<semaphore_mem>>)
      } else {
      }
      %mul3A_132 = arith.constant 120 : i32
      %mul3A_133 = arith.muli %add3A_121, %mul3A_132 : i32
      %add3A_134 = arith.addi %mul3A_0, %mul3A_133 : i32
      %mul3A_135 = arith.constant 2 : i32
      %mul3A_136 = arith.muli %arg0, %mul3A_135 : i32
      %add3A_137 = arith.constant 0 : i32
      %add3A_138 = arith.addi %mul3A_136, %add3A_137 : i32
      %mul3A_139 = arith.constant 330240 : i32
      %mul3A_140 = arith.muli %add3A_138, %mul3A_139 : i32
      %add3A_141 = arith.addi %mul3A_140, %add3A_134 : i32
      "tpu.region"() ({
        %run_scoped3A = tpu.sem_alloc : memref<!tpu.dma_semaphore, #tpu.memory_space<semaphore_mem>>
        %dma_start3A_159 = arith.constant 0 : i32
        %dma_start3A_160 = tpu.memref_slice %arg24[%dma_start3A_159] : memref<240xf32, #tpu.memory_space<vmem>> -> memref<120xf32, #tpu.memory_space<vmem>>
        %dma_start3A_161 = tpu.memref_slice %arg9[%add3A_141] : memref<1320960xf32, #tpu.memory_space<hbm>> -> memref<120xf32, #tpu.memory_space<hbm>>
        %dma_start3A_162 = arith.constant 0 : i32
        %dma_start3A_163 = tpu.memref_slice %arg24[%dma_start3A_162] : memref<240xf32, #tpu.memory_space<vmem>> -> memref<120xf32, #tpu.memory_space<vmem>>
        %dma_start3A_164 = tpu.memref_slice %arg9[%add3A_141] : memref<1320960xf32, #tpu.memory_space<hbm>> -> memref<120xf32, #tpu.memory_space<hbm>>
        tpu.enqueue_dma source(%dma_start3A_164 : memref<120xf32, #tpu.memory_space<hbm>>) target(%dma_start3A_163 : memref<120xf32, #tpu.memory_space<vmem>>) target_semaphore(%run_scoped3A : memref<!tpu.dma_semaphore, #tpu.memory_space<semaphore_mem>>)
        %dma_wait3A_165 = arith.constant 0 : i32
        %dma_wait3A_166 = tpu.memref_slice %arg24[%dma_wait3A_165] : memref<240xf32, #tpu.memory_space<vmem>> -> memref<120xf32, #tpu.memory_space<vmem>>
        %dma_wait3A_167 = tpu.memref_slice %arg9[%add3A_141] : memref<1320960xf32, #tpu.memory_space<hbm>> -> memref<120xf32, #tpu.memory_space<hbm>>
        %dma_wait3A_168 = arith.constant 0 : i32
        %dma_wait3A_169 = tpu.memref_slice %arg24[%dma_wait3A_168] : memref<240xf32, #tpu.memory_space<vmem>> -> memref<120xf32, #tpu.memory_space<vmem>>
        %dma_wait3A_170 = tpu.memref_slice %arg9[%add3A_141] : memref<1320960xf32, #tpu.memory_space<hbm>> -> memref<120xf32, #tpu.memory_space<hbm>>
        tpu.wait_dma2 semaphore(%run_scoped3A : memref<!tpu.dma_semaphore, #tpu.memory_space<semaphore_mem>>) src(%dma_wait3A_170 : memref<120xf32, #tpu.memory_space<hbm>>) dst(%dma_wait3A_169 : memref<120xf32, #tpu.memory_space<vmem>>)
        tpu.yield
      }) : () -> ()
      "tpu.region"() ({
        %run_scoped3A = tpu.sem_alloc : memref<!tpu.dma_semaphore, #tpu.memory_space<semaphore_mem>>
        %dma_start3A_159 = arith.constant 0 : i32
        %dma_start3A_160 = tpu.memref_slice %arg25[%dma_start3A_159] : memref<240xf32, #tpu.memory_space<vmem>> -> memref<120xf32, #tpu.memory_space<vmem>>
        %dma_start3A_161 = arith.constant 0 : i32
        %dma_start3A_162 = tpu.memref_slice %arg29[%dma_start3A_161] : memref<10240xf32, #tpu.memory_space<vmem_shared>> -> memref<10240xf32, #tpu.memory_space<vmem_shared>>
        tpu.enqueue_indirect_dma source(%dma_start3A_162 : memref<10240xf32, #tpu.memory_space<vmem_shared>>) target(%dma_start3A_160 : memref<120xf32, #tpu.memory_space<vmem>>) offsets(%arg19 : memref<120xi32, #tpu.memory_space<vmem>>) semaphore(%run_scoped3A : memref<!tpu.dma_semaphore, #tpu.memory_space<semaphore_mem>>)
        %dma_wait3A_163 = arith.constant 0 : i32
        %dma_wait3A_164 = tpu.memref_slice %arg25[%dma_wait3A_163] : memref<240xf32, #tpu.memory_space<vmem>> -> memref<120xf32, #tpu.memory_space<vmem>>
        %dma_wait3A_165 = arith.constant 0 : i32
        %dma_wait3A_166 = tpu.memref_slice %arg29[%dma_wait3A_165] : memref<10240xf32, #tpu.memory_space<vmem_shared>> -> memref<10240xf32, #tpu.memory_space<vmem_shared>>
        tpu.wait_indirect_dma semaphore(%run_scoped3A : memref<!tpu.dma_semaphore, #tpu.memory_space<semaphore_mem>>) src(%dma_wait3A_166 : memref<10240xf32, #tpu.memory_space<vmem_shared>>) dst(%dma_wait3A_164 : memref<120xf32, #tpu.memory_space<vmem>>)
        tpu.yield
      }) : () -> ()
      %mul3A_142 = arith.constant 2 : i32
      %mul3A_143 = arith.muli %arg0, %mul3A_142 : i32
      %add3A_144 = arith.constant 1 : i32
      %add3A_145 = arith.addi %mul3A_143, %add3A_144 : i32
      %mul3A_146 = arith.constant 330240 : i32
      %mul3A_147 = arith.muli %add3A_145, %mul3A_146 : i32
      %add3A_148 = arith.addi %mul3A_147, %add3A_134 : i32
      "tpu.region"() ({
        %run_scoped3A = tpu.sem_alloc : memref<!tpu.dma_semaphore, #tpu.memory_space<semaphore_mem>>
        %dma_start3A_159 = arith.constant 120 : i32
        %dma_start3A_160 = tpu.memref_slice %arg24[%dma_start3A_159] : memref<240xf32, #tpu.memory_space<vmem>> -> memref<120xf32, #tpu.memory_space<vmem>>
        %dma_start3A_161 = tpu.memref_slice %arg9[%add3A_148] : memref<1320960xf32, #tpu.memory_space<hbm>> -> memref<120xf32, #tpu.memory_space<hbm>>
        %dma_start3A_162 = arith.constant 120 : i32
        %dma_start3A_163 = tpu.memref_slice %arg24[%dma_start3A_162] : memref<240xf32, #tpu.memory_space<vmem>> -> memref<120xf32, #tpu.memory_space<vmem>>
        %dma_start3A_164 = tpu.memref_slice %arg9[%add3A_148] : memref<1320960xf32, #tpu.memory_space<hbm>> -> memref<120xf32, #tpu.memory_space<hbm>>
        tpu.enqueue_dma source(%dma_start3A_164 : memref<120xf32, #tpu.memory_space<hbm>>) target(%dma_start3A_163 : memref<120xf32, #tpu.memory_space<vmem>>) target_semaphore(%run_scoped3A : memref<!tpu.dma_semaphore, #tpu.memory_space<semaphore_mem>>)
        %dma_wait3A_165 = arith.constant 120 : i32
        %dma_wait3A_166 = tpu.memref_slice %arg24[%dma_wait3A_165] : memref<240xf32, #tpu.memory_space<vmem>> -> memref<120xf32, #tpu.memory_space<vmem>>
        %dma_wait3A_167 = tpu.memref_slice %arg9[%add3A_148] : memref<1320960xf32, #tpu.memory_space<hbm>> -> memref<120xf32, #tpu.memory_space<hbm>>
        %dma_wait3A_168 = arith.constant 120 : i32
        %dma_wait3A_169 = tpu.memref_slice %arg24[%dma_wait3A_168] : memref<240xf32, #tpu.memory_space<vmem>> -> memref<120xf32, #tpu.memory_space<vmem>>
        %dma_wait3A_170 = tpu.memref_slice %arg9[%add3A_148] : memref<1320960xf32, #tpu.memory_space<hbm>> -> memref<120xf32, #tpu.memory_space<hbm>>
        tpu.wait_dma2 semaphore(%run_scoped3A : memref<!tpu.dma_semaphore, #tpu.memory_space<semaphore_mem>>) src(%dma_wait3A_170 : memref<120xf32, #tpu.memory_space<hbm>>) dst(%dma_wait3A_169 : memref<120xf32, #tpu.memory_space<vmem>>)
        tpu.yield
      }) : () -> ()
      "tpu.region"() ({
        %run_scoped3A = tpu.sem_alloc : memref<!tpu.dma_semaphore, #tpu.memory_space<semaphore_mem>>
        %dma_start3A_159 = arith.constant 120 : i32
        %dma_start3A_160 = tpu.memref_slice %arg25[%dma_start3A_159] : memref<240xf32, #tpu.memory_space<vmem>> -> memref<120xf32, #tpu.memory_space<vmem>>
        %dma_start3A_161 = arith.constant 0 : i32
        %dma_start3A_162 = tpu.memref_slice %arg30[%dma_start3A_161] : memref<10240xf32, #tpu.memory_space<vmem_shared>> -> memref<10240xf32, #tpu.memory_space<vmem_shared>>
        tpu.enqueue_indirect_dma source(%dma_start3A_162 : memref<10240xf32, #tpu.memory_space<vmem_shared>>) target(%dma_start3A_160 : memref<120xf32, #tpu.memory_space<vmem>>) offsets(%arg19 : memref<120xi32, #tpu.memory_space<vmem>>) semaphore(%run_scoped3A : memref<!tpu.dma_semaphore, #tpu.memory_space<semaphore_mem>>)
        %dma_wait3A_163 = arith.constant 120 : i32
        %dma_wait3A_164 = tpu.memref_slice %arg25[%dma_wait3A_163] : memref<240xf32, #tpu.memory_space<vmem>> -> memref<120xf32, #tpu.memory_space<vmem>>
        %dma_wait3A_165 = arith.constant 0 : i32
        %dma_wait3A_166 = tpu.memref_slice %arg30[%dma_wait3A_165] : memref<10240xf32, #tpu.memory_space<vmem_shared>> -> memref<10240xf32, #tpu.memory_space<vmem_shared>>
        tpu.wait_indirect_dma semaphore(%run_scoped3A : memref<!tpu.dma_semaphore, #tpu.memory_space<semaphore_mem>>) src(%dma_wait3A_166 : memref<10240xf32, #tpu.memory_space<vmem_shared>>) dst(%dma_wait3A_164 : memref<120xf32, #tpu.memory_space<vmem>>)
        tpu.yield
      }) : () -> ()
      %scan3A_149 = arith.constant 0 : i32
      %scan3A_150 = arith.constant 15 : i32
      %scan3A_151 = arith.addi %scan3A_149, %scan3A_150 : i32
      %scan3A_152 = arith.constant 1 : i32
      scf.for %scan3A_159 = %scan3A_149 to %scan3A_151 step %scan3A_152  : i32 {
        %mul3A_160 = arith.constant 16 : i32
        %mul3A_161 = arith.muli %scan3A_159, %mul3A_160 : i32
        %add3A_162 = arith.constant 0 : i32
        %add3A_163 = arith.addi %add3A_162, %mul3A_161 : i32
        %get3A = arith.index_cast %add3A_163 : i32 to index
        %get3A_164 = tpu.vector_load %arg24[%get3A] {strides = array<i32>} : memref<240xf32, #tpu.memory_space<vmem>>, vector<16xf32>,
        %get3A_165 = arith.index_cast %add3A_163 : i32 to index
        %get3A_166 = tpu.vector_load %arg25[%get3A_165] {strides = array<i32>} : memref<240xf32, #tpu.memory_space<vmem>>, vector<16xf32>,
        %mul3A_167 = arith.mulf %get3A_164, %get3A_166 : vector<16xf32>
        %swap3A = arith.index_cast %add3A_163 : i32 to index
        %swap3A_168 = tpu.vector_load %arg24[%swap3A] {strides = array<i32>} : memref<240xf32, #tpu.memory_space<vmem>>, vector<16xf32>,
        tpu.vector_store %arg24[%swap3A], %mul3A_167 {strides = array<i32>} : memref<240xf32, #tpu.memory_space<vmem>>, vector<16xf32>,
      }
      %scan3A_153 = arith.constant 15 : i32
      %scan3A_154 = arith.constant 0 : i32
      %scan3A_155 = arith.constant 120 : i32
      %scan3A_156 = arith.addi %scan3A_154, %scan3A_155 : i32
      %scan3A_157 = arith.constant 1 : i32
      scf.for %scan3A_159 = %scan3A_154 to %scan3A_156 step %scan3A_157  : i32 {
        %mul3A_160 = arith.constant 1 : i32
        %mul3A_161 = arith.muli %scan3A_159, %mul3A_160 : i32
        %add3A_162 = arith.constant 0 : i32
        %add3A_163 = arith.addi %add3A_162, %mul3A_161 : i32
        %broadcast_in_dim3A = arith.constant 0 : i32
        %broadcast_in_dim3A_164 = vector.broadcast %broadcast_in_dim3A : i32 to vector<16xi32>
        %add3A_165 = vector.broadcast %add3A_163 : i32 to vector<16xi32>
        %add3A_166 = arith.addi %broadcast_in_dim3A_164, %add3A_165 : vector<16xi32>
        %gather3A = tpu.vector_load_idx %arg24[%add3A_166] : memref<240xf32, #tpu.memory_space<vmem>>[vector<16xi32>], vector<16xf32>,
        %broadcast_in_dim3A_167 = arith.constant 120 : i32
        %broadcast_in_dim3A_168 = vector.broadcast %broadcast_in_dim3A_167 : i32 to vector<16xi32>
        %add3A_169 = vector.broadcast %add3A_163 : i32 to vector<16xi32>
        %add3A_170 = arith.addi %broadcast_in_dim3A_168, %add3A_169 : vector<16xi32>
        %gather3A_171 = tpu.vector_load_idx %arg24[%add3A_170] : memref<240xf32, #tpu.memory_space<vmem>>[vector<16xi32>], vector<16xf32>,
        %get3A = arith.index_cast %add3A_163 : i32 to index
        %get3A_172 = arith.constant 0 : index
        %get3A_173 = tpu.vector_load %arg23[%get3A, %get3A_172] {strides = array<i32>} : memref<120x128xf32, #tpu.memory_space<vmem>>, vector<16xf32>,
        %mul3A_174 = arith.mulf %get3A_173, %gather3A : vector<16xf32>
        %swap3A = arith.index_cast %add3A_163 : i32 to index
        %swap3A_175 = arith.constant 0 : index
        %swap3A_176 = tpu.vector_load %arg23[%swap3A, %swap3A_175] {strides = array<i32>} : memref<120x128xf32, #tpu.memory_space<vmem>>, vector<16xf32>,
        tpu.vector_store %arg23[%swap3A, %swap3A_175], %mul3A_174 {strides = array<i32>} : memref<120x128xf32, #tpu.memory_space<vmem>>, vector<16xf32>,
        %get3A_177 = arith.index_cast %add3A_163 : i32 to index
        %get3A_178 = arith.constant 16 : index
        %get3A_179 = tpu.vector_load %arg23[%get3A_177, %get3A_178] {strides = array<i32>} : memref<120x128xf32, #tpu.memory_space<vmem>>, vector<16xf32>,
        %mul3A_180 = arith.mulf %get3A_179, %gather3A : vector<16xf32>
        %swap3A_181 = arith.index_cast %add3A_163 : i32 to index
        %swap3A_182 = arith.constant 16 : index
        %swap3A_183 = tpu.vector_load %arg23[%swap3A_181, %swap3A_182] {strides = array<i32>} : memref<120x128xf32, #tpu.memory_space<vmem>>, vector<16xf32>,
        tpu.vector_store %arg23[%swap3A_181, %swap3A_182], %mul3A_180 {strides = array<i32>} : memref<120x128xf32, #tpu.memory_space<vmem>>, vector<16xf32>,
        %get3A_184 = arith.index_cast %add3A_163 : i32 to index
        %get3A_185 = arith.constant 32 : index
        %get3A_186 = tpu.vector_load %arg23[%get3A_184, %get3A_185] {strides = array<i32>} : memref<120x128xf32, #tpu.memory_space<vmem>>, vector<16xf32>,
        %mul3A_187 = arith.mulf %get3A_186, %gather3A : vector<16xf32>
        %swap3A_188 = arith.index_cast %add3A_163 : i32 to index
        %swap3A_189 = arith.constant 32 : index
        %swap3A_190 = tpu.vector_load %arg23[%swap3A_188, %swap3A_189] {strides = array<i32>} : memref<120x128xf32, #tpu.memory_space<vmem>>, vector<16xf32>,
        tpu.vector_store %arg23[%swap3A_188, %swap3A_189], %mul3A_187 {strides = array<i32>} : memref<120x128xf32, #tpu.memory_space<vmem>>, vector<16xf32>,
        %get3A_191 = arith.index_cast %add3A_163 : i32 to index
        %get3A_192 = arith.constant 48 : index
        %get3A_193 = tpu.vector_load %arg23[%get3A_191, %get3A_192] {strides = array<i32>} : memref<120x128xf32, #tpu.memory_space<vmem>>, vector<16xf32>,
        %mul3A_194 = arith.mulf %get3A_193, %gather3A : vector<16xf32>
        %swap3A_195 = arith.index_cast %add3A_163 : i32 to index
        %swap3A_196 = arith.constant 48 : index
        %swap3A_197 = tpu.vector_load %arg23[%swap3A_195, %swap3A_196] {strides = array<i32>} : memref<120x128xf32, #tpu.memory_space<vmem>>, vector<16xf32>,
        tpu.vector_store %arg23[%swap3A_195, %swap3A_196], %mul3A_194 {strides = array<i32>} : memref<120x128xf32, #tpu.memory_space<vmem>>, vector<16xf32>,
        %get3A_198 = arith.index_cast %add3A_163 : i32 to index
        %get3A_199 = arith.constant 64 : index
        %get3A_200 = tpu.vector_load %arg23[%get3A_198, %get3A_199] {strides = array<i32>} : memref<120x128xf32, #tpu.memory_space<vmem>>, vector<16xf32>,
        %mul3A_201 = arith.mulf %get3A_200, %gather3A_171 : vector<16xf32>
        %swap3A_202 = arith.index_cast %add3A_163 : i32 to index
        %swap3A_203 = arith.constant 64 : index
        %swap3A_204 = tpu.vector_load %arg23[%swap3A_202, %swap3A_203] {strides = array<i32>} : memref<120x128xf32, #tpu.memory_space<vmem>>, vector<16xf32>,
        tpu.vector_store %arg23[%swap3A_202, %swap3A_203], %mul3A_201 {strides = array<i32>} : memref<120x128xf32, #tpu.memory_space<vmem>>, vector<16xf32>,
        %get3A_205 = arith.index_cast %add3A_163 : i32 to index
        %get3A_206 = arith.constant 80 : index
        %get3A_207 = tpu.vector_load %arg23[%get3A_205, %get3A_206] {strides = array<i32>} : memref<120x128xf32, #tpu.memory_space<vmem>>, vector<16xf32>,
        %mul3A_208 = arith.mulf %get3A_207, %gather3A_171 : vector<16xf32>
        %swap3A_209 = arith.index_cast %add3A_163 : i32 to index
        %swap3A_210 = arith.constant 80 : index
        %swap3A_211 = tpu.vector_load %arg23[%swap3A_209, %swap3A_210] {strides = array<i32>} : memref<120x128xf32, #tpu.memory_space<vmem>>, vector<16xf32>,
        tpu.vector_store %arg23[%swap3A_209, %swap3A_210], %mul3A_208 {strides = array<i32>} : memref<120x128xf32, #tpu.memory_space<vmem>>, vector<16xf32>,
        %get3A_212 = arith.index_cast %add3A_163 : i32 to index
        %get3A_213 = arith.constant 96 : index
        %get3A_214 = tpu.vector_load %arg23[%get3A_212, %get3A_213] {strides = array<i32>} : memref<120x128xf32, #tpu.memory_space<vmem>>, vector<16xf32>,
        %mul3A_215 = arith.mulf %get3A_214, %gather3A_171 : vector<16xf32>
        %swap3A_216 = arith.index_cast %add3A_163 : i32 to index
        %swap3A_217 = arith.constant 96 : index
        %swap3A_218 = tpu.vector_load %arg23[%swap3A_216, %swap3A_217] {strides = array<i32>} : memref<120x128xf32, #tpu.memory_space<vmem>>, vector<16xf32>,
        tpu.vector_store %arg23[%swap3A_216, %swap3A_217], %mul3A_215 {strides = array<i32>} : memref<120x128xf32, #tpu.memory_space<vmem>>, vector<16xf32>,
        %get3A_219 = arith.index_cast %add3A_163 : i32 to index
        %get3A_220 = arith.constant 112 : index
        %get3A_221 = tpu.vector_load %arg23[%get3A_219, %get3A_220] {strides = array<i32>} : memref<120x128xf32, #tpu.memory_space<vmem>>, vector<16xf32>,
        %mul3A_222 = arith.mulf %get3A_221, %gather3A_171 : vector<16xf32>
        %swap3A_223 = arith.index_cast %add3A_163 : i32 to index
        %swap3A_224 = arith.constant 112 : index
        %swap3A_225 = tpu.vector_load %arg23[%swap3A_223, %swap3A_224] {strides = array<i32>} : memref<120x128xf32, #tpu.memory_space<vmem>>, vector<16xf32>,
        tpu.vector_store %arg23[%swap3A_223, %swap3A_224], %mul3A_222 {strides = array<i32>} : memref<120x128xf32, #tpu.memory_space<vmem>>, vector<16xf32>,
      }
      %scan3A_158 = arith.constant 120 : i32
      "tpu.region"() ({
        %run_scoped3A = tpu.sem_alloc : memref<!tpu.dma_semaphore, #tpu.memory_space<semaphore_mem>>
        %dma_start3A_159 = arith.constant 0 : i32
        %dma_start3A_160 = arith.constant 0 : i32
        %dma_start3A_161 = tpu.memref_slice %arg28[%dma_start3A_159, %dma_start3A_160] : memref<10240x128xf32, #tpu.memory_space<vmem_shared>> -> memref<10240x128xf32, #tpu.memory_space<vmem_shared>>
        tpu.enqueue_indirect_dma source(%arg23 : memref<120x128xf32, #tpu.memory_space<vmem>>) target(%dma_start3A_161 : memref<10240x128xf32, #tpu.memory_space<vmem_shared>>) offsets(%arg19 : memref<120xi32, #tpu.memory_space<vmem>>) semaphore(%run_scoped3A : memref<!tpu.dma_semaphore, #tpu.memory_space<semaphore_mem>>) {add = true}
        %dma_wait3A_162 = arith.constant 0 : i32
        %dma_wait3A_163 = arith.constant 0 : i32
        %dma_wait3A_164 = tpu.memref_slice %arg28[%dma_wait3A_162, %dma_wait3A_163] : memref<10240x128xf32, #tpu.memory_space<vmem_shared>> -> memref<10240x128xf32, #tpu.memory_space<vmem_shared>>
        tpu.wait_indirect_dma semaphore(%run_scoped3A : memref<!tpu.dma_semaphore, #tpu.memory_space<semaphore_mem>>) src(%arg23 : memref<120x128xf32, #tpu.memory_space<vmem>>) dst(%dma_wait3A_164 : memref<10240x128xf32, #tpu.memory_space<vmem_shared>>)
        tpu.yield
      }) : () -> ()
    }
    %scan3A_71 = arith.constant 86 : i32
    %barrier3A_72 = arith.constant 0 : index
    tpu.barrier barrier_id(%barrier3A_72)
    %mul3A_73 = arith.constant 640 : i32
    %mul3A_74 = arith.muli %arg1, %mul3A_73 : i32
    %mul3A_75 = arith.constant 10240 : i32
    %mul3A_76 = arith.muli %arg0, %mul3A_75 : i32
    %mul3A_77 = arith.constant 640 : i32
    %mul3A_78 = arith.muli %arg1, %mul3A_77 : i32
    %add3A_79 = arith.addi %mul3A_76, %mul3A_78 : i32
    "tpu.region"() ({
      %run_scoped3A = tpu.sem_alloc : memref<!tpu.dma_semaphore, #tpu.memory_space<semaphore_mem>>
      %dma_start3A_80 = arith.constant 0 : i32
      %dma_start3A_81 = tpu.memref_slice %arg8[%add3A_79, %dma_start3A_80] : memref<20480x128xf32, #tpu.memory_space<hbm>> -> memref<640x128xf32, #tpu.memory_space<hbm>>
      %dma_start3A_82 = arith.constant 0 : i32
      %dma_start3A_83 = tpu.memref_slice %arg28[%mul3A_74, %dma_start3A_82] : memref<10240x128xf32, #tpu.memory_space<vmem_shared>> -> memref<640x128xf32, #tpu.memory_space<vmem_shared>>
      tpu.enqueue_dma source(%dma_start3A_83 : memref<640x128xf32, #tpu.memory_space<vmem_shared>>) target(%dma_start3A_81 : memref<640x128xf32, #tpu.memory_space<hbm>>) target_semaphore(%run_scoped3A : memref<!tpu.dma_semaphore, #tpu.memory_space<semaphore_mem>>)
      %dma_wait3A = arith.constant 0 : i32
      %dma_wait3A_84 = tpu.memref_slice %arg8[%add3A_79, %dma_wait3A] : memref<20480x128xf32, #tpu.memory_space<hbm>> -> memref<640x128xf32, #tpu.memory_space<hbm>>
      %dma_wait3A_85 = arith.constant 0 : i32
      %dma_wait3A_86 = tpu.memref_slice %arg28[%mul3A_74, %dma_wait3A_85] : memref<10240x128xf32, #tpu.memory_space<vmem_shared>> -> memref<640x128xf32, #tpu.memory_space<vmem_shared>>
      tpu.wait_dma2 semaphore(%run_scoped3A : memref<!tpu.dma_semaphore, #tpu.memory_space<semaphore_mem>>) src(%dma_wait3A_86 : memref<640x128xf32, #tpu.memory_space<vmem_shared>>) dst(%dma_wait3A_84 : memref<640x128xf32, #tpu.memory_space<hbm>>)
      tpu.yield
    }) : () -> ()
    return
  }
}

#map = affine_map<(d0, d1) -> (0, 0)>
#map1 = affine_map<(d0, d1) -> (0)>
module attributes {stable_mosaic.version = 14 : i64} {
  func.func @body(%arg0: i32, %arg1: i32, %arg2: memref<10000x128xf32, #tpu.memory_space<hbm>>, %arg3: memref<330240xi32, #tpu.memory_space<hbm>>, %arg4: memref<330240xi32, #tpu.memory_space<hbm>>, %arg5: memref<10240xf32, #tpu.memory_space<hbm>>, %arg6: memref<10240xf32, #tpu.memory_space<hbm>>, %arg7: memref<256xf32, #tpu.memory_space<hbm>>, %arg8: memref<20480x128xf32, #tpu.memory_space<hbm>>, %arg9: memref<660480xf32, #tpu.memory_space<hbm>>, %arg10: memref<688xi32, #tpu.memory_space<vmem>>, %arg11: memref<688xi32, #tpu.memory_space<vmem>>, %arg12: memref<688xf32, #tpu.memory_space<vmem>>, %arg13: memref<688xf32, #tpu.memory_space<vmem>>, %arg14: memref<128xf32, #tpu.memory_space<vmem>>, %arg15: memref<640xf32, #tpu.memory_space<vmem>>, %arg16: memref<120xi32, #tpu.memory_space<vmem>>, %arg17: memref<120xi32, #tpu.memory_space<vmem>>, %arg18: memref<120xi32, #tpu.memory_space<vmem>>, %arg19: memref<120xi32, #tpu.memory_space<vmem>>, %arg20: memref<120xi32, #tpu.memory_space<vmem>>, %arg21: memref<120xi32, #tpu.memory_space<vmem>>, %arg22: memref<120x128xf32, #tpu.memory_space<vmem>>, %arg23: memref<120x128xf32, #tpu.memory_space<vmem>>, %arg24: memref<120xf32, #tpu.memory_space<vmem>>, %arg25: memref<120xf32, #tpu.memory_space<vmem>>, %arg26: memref<!tpu.dma_semaphore, #tpu.memory_space<semaphore_mem>>, %arg27: memref<!tpu.dma_semaphore, #tpu.memory_space<semaphore_mem>>, %arg28: memref<10240x128xf32, #tpu.memory_space<vmem_shared>>, %arg29: memref<10240xf32, #tpu.memory_space<vmem_shared>>, %arg30: memref<10240xf32, #tpu.memory_space<vmem_shared>>, %arg31: memref<10240xf32, #tpu.memory_space<vmem_shared>>) attributes {dimension_semantics = [#tpu.dimension_semantics<core_parallel>, #tpu.dimension_semantics<subcore_parallel>], iteration_bounds = array<i64: 2, 16>, scalar_prefetch = 0 : i64, scratch_operands = 22 : i64, tpu.core_type = #tpu.core_type<sc_vector_subcore>, window_params = [{transform_indices = #map}, {transform_indices = #map1}, {transform_indices = #map1}, {transform_indices = #map1}, {transform_indices = #map1}, {transform_indices = #map1}, {transform_indices = #map}, {transform_indices = #map1}]} {
    %mul3A = arith.constant 20640 : i32
    %mul3A_0 = arith.muli %arg1, %mul3A : i32
    %mul3A_1 = arith.constant 165120 : i32
    %mul3A_2 = arith.muli %arg0, %mul3A_1 : i32
    %mul3A_3 = arith.constant 10320 : i32
    %mul3A_4 = arith.muli %arg1, %mul3A_3 : i32
    %add3A = arith.addi %mul3A_2, %mul3A_4 : i32
    %scan3A = arith.constant 0 : i32
    %scan3A_5 = arith.constant 43 : i32
    %scan3A_6 = arith.addi %scan3A, %scan3A_5 : i32
    %scan3A_7 = arith.constant 1 : i32
    scf.for %scan3A_72 = %scan3A to %scan3A_6 step %scan3A_7  : i32 {
      %mul3A_73 = arith.constant 16 : i32
      %mul3A_74 = arith.muli %scan3A_72, %mul3A_73 : i32
      %add3A_75 = arith.constant 0 : i32
      %add3A_76 = arith.addi %add3A_75, %mul3A_74 : i32
      %broadcast_in_dim3A = arith.constant 0.000000e+00 : f32
      %broadcast_in_dim3A_77 = vector.broadcast %broadcast_in_dim3A : f32 to vector<16xf32>
      %swap3A = arith.index_cast %add3A_76 : i32 to index
      %swap3A_78 = tpu.vector_load %arg12[%swap3A] {strides = array<i32>} : memref<688xf32, #tpu.memory_space<vmem>>, vector<16xf32>,
      tpu.vector_store %arg12[%swap3A], %broadcast_in_dim3A_77 {strides = array<i32>} : memref<688xf32, #tpu.memory_space<vmem>>, vector<16xf32>,
    }
    %scan3A_8 = arith.constant 43 : i32
    %mul3A_9 = arith.constant 640 : i32
    %mul3A_10 = arith.muli %arg1, %mul3A_9 : i32
    "tpu.region"() ({
      %run_scoped3A = tpu.sem_alloc : memref<!tpu.dma_semaphore, #tpu.memory_space<semaphore_mem>>
      %dma_start3A_72 = arith.constant 0 : i32
      %dma_start3A_73 = tpu.memref_slice %arg12[%dma_start3A_72] : memref<688xf32, #tpu.memory_space<vmem>> -> memref<640xf32, #tpu.memory_space<vmem>>
      %dma_start3A_74 = tpu.memref_slice %arg29[%mul3A_10] : memref<10240xf32, #tpu.memory_space<vmem_shared>> -> memref<640xf32, #tpu.memory_space<vmem_shared>>
      %dma_start3A_75 = tpu.memref_slice %arg29[%mul3A_10] : memref<10240xf32, #tpu.memory_space<vmem_shared>> -> memref<640xf32, #tpu.memory_space<vmem_shared>>
      %dma_start3A_76 = arith.constant 0 : i32
      %dma_start3A_77 = tpu.memref_slice %arg12[%dma_start3A_76] : memref<688xf32, #tpu.memory_space<vmem>> -> memref<640xf32, #tpu.memory_space<vmem>>
      tpu.enqueue_dma source(%dma_start3A_77 : memref<640xf32, #tpu.memory_space<vmem>>) target(%dma_start3A_75 : memref<640xf32, #tpu.memory_space<vmem_shared>>) target_semaphore(%run_scoped3A : memref<!tpu.dma_semaphore, #tpu.memory_space<semaphore_mem>>)
      %dma_wait3A = arith.constant 0 : i32
      %dma_wait3A_78 = tpu.memref_slice %arg12[%dma_wait3A] : memref<688xf32, #tpu.memory_space<vmem>> -> memref<640xf32, #tpu.memory_space<vmem>>
      %dma_wait3A_79 = tpu.memref_slice %arg29[%mul3A_10] : memref<10240xf32, #tpu.memory_space<vmem_shared>> -> memref<640xf32, #tpu.memory_space<vmem_shared>>
      %dma_wait3A_80 = tpu.memref_slice %arg29[%mul3A_10] : memref<10240xf32, #tpu.memory_space<vmem_shared>> -> memref<640xf32, #tpu.memory_space<vmem_shared>>
      %dma_wait3A_81 = arith.constant 0 : i32
      %dma_wait3A_82 = tpu.memref_slice %arg12[%dma_wait3A_81] : memref<688xf32, #tpu.memory_space<vmem>> -> memref<640xf32, #tpu.memory_space<vmem>>
      tpu.wait_dma2 semaphore(%run_scoped3A : memref<!tpu.dma_semaphore, #tpu.memory_space<semaphore_mem>>) src(%dma_wait3A_82 : memref<640xf32, #tpu.memory_space<vmem>>) dst(%dma_wait3A_80 : memref<640xf32, #tpu.memory_space<vmem_shared>>)
      tpu.yield
    }) : () -> ()
    %eq3A = arith.constant 0 : i32
    %eq3A_11 = arith.cmpi eq, %arg1, %eq3A : i32
    %convert_element_type3A = arith.extui %eq3A_11 : i1 to i32
    %cond3A = arith.constant 0 : i32
    %cond3A_12 = arith.cmpi ne, %convert_element_type3A, %cond3A : i32
    scf.if %cond3A_12 {
      %mul3A_72 = arith.constant 1 : i32
      %mul3A_73 = arith.muli %arg0, %mul3A_72 : i32
      %add3A_74 = arith.constant 0 : i32
      %add3A_75 = arith.addi %mul3A_73, %add3A_74 : i32
      %rem3A = arith.constant 1 : i32
      %rem3A_76 = arith.remsi %add3A_75, %rem3A : i32
      %mul3A_77 = arith.constant 10240 : i32
      %mul3A_78 = arith.muli %rem3A_76, %mul3A_77 : i32
      "tpu.region"() ({
        %run_scoped3A = tpu.sem_alloc : memref<!tpu.dma_semaphore, #tpu.memory_space<semaphore_mem>>
        %dma_start3A_81 = tpu.memref_slice %arg5[%mul3A_78] : memref<10240xf32, #tpu.memory_space<hbm>> -> memref<10240xf32, #tpu.memory_space<hbm>>
        tpu.enqueue_dma source(%dma_start3A_81 : memref<10240xf32, #tpu.memory_space<hbm>>) target(%arg30 : memref<10240xf32, #tpu.memory_space<vmem_shared>>) target_semaphore(%run_scoped3A : memref<!tpu.dma_semaphore, #tpu.memory_space<semaphore_mem>>)
        %dma_wait3A = tpu.memref_slice %arg5[%mul3A_78] : memref<10240xf32, #tpu.memory_space<hbm>> -> memref<10240xf32, #tpu.memory_space<hbm>>
        tpu.wait_dma2 semaphore(%run_scoped3A : memref<!tpu.dma_semaphore, #tpu.memory_space<semaphore_mem>>) src(%dma_wait3A : memref<10240xf32, #tpu.memory_space<hbm>>) dst(%arg30 : memref<10240xf32, #tpu.memory_space<vmem_shared>>)
        tpu.yield
      }) : () -> ()
      %mul3A_79 = arith.constant 10240 : i32
      %mul3A_80 = arith.muli %rem3A_76, %mul3A_79 : i32
      "tpu.region"() ({
        %run_scoped3A = tpu.sem_alloc : memref<!tpu.dma_semaphore, #tpu.memory_space<semaphore_mem>>
        %dma_start3A_81 = tpu.memref_slice %arg6[%mul3A_80] : memref<10240xf32, #tpu.memory_space<hbm>> -> memref<10240xf32, #tpu.memory_space<hbm>>
        tpu.enqueue_dma source(%dma_start3A_81 : memref<10240xf32, #tpu.memory_space<hbm>>) target(%arg31 : memref<10240xf32, #tpu.memory_space<vmem_shared>>) target_semaphore(%run_scoped3A : memref<!tpu.dma_semaphore, #tpu.memory_space<semaphore_mem>>)
        %dma_wait3A = tpu.memref_slice %arg6[%mul3A_80] : memref<10240xf32, #tpu.memory_space<hbm>> -> memref<10240xf32, #tpu.memory_space<hbm>>
        tpu.wait_dma2 semaphore(%run_scoped3A : memref<!tpu.dma_semaphore, #tpu.memory_space<semaphore_mem>>) src(%dma_wait3A : memref<10240xf32, #tpu.memory_space<hbm>>) dst(%arg31 : memref<10240xf32, #tpu.memory_space<vmem_shared>>)
        tpu.yield
      }) : () -> ()
    } else {
    }
    %mul3A_13 = arith.constant 128 : i32
    %mul3A_14 = arith.muli %arg0, %mul3A_13 : i32
    "tpu.region"() ({
      %run_scoped3A = tpu.sem_alloc : memref<!tpu.dma_semaphore, #tpu.memory_space<semaphore_mem>>
      %dma_start3A_72 = tpu.memref_slice %arg7[%mul3A_14] : memref<256xf32, #tpu.memory_space<hbm>> -> memref<128xf32, #tpu.memory_space<hbm>>
      %dma_start3A_73 = tpu.memref_slice %arg7[%mul3A_14] : memref<256xf32, #tpu.memory_space<hbm>> -> memref<128xf32, #tpu.memory_space<hbm>>
      tpu.enqueue_dma source(%dma_start3A_73 : memref<128xf32, #tpu.memory_space<hbm>>) target(%arg14 : memref<128xf32, #tpu.memory_space<vmem>>) target_semaphore(%run_scoped3A : memref<!tpu.dma_semaphore, #tpu.memory_space<semaphore_mem>>)
      %dma_wait3A = tpu.memref_slice %arg7[%mul3A_14] : memref<256xf32, #tpu.memory_space<hbm>> -> memref<128xf32, #tpu.memory_space<hbm>>
      %dma_wait3A_74 = tpu.memref_slice %arg7[%mul3A_14] : memref<256xf32, #tpu.memory_space<hbm>> -> memref<128xf32, #tpu.memory_space<hbm>>
      tpu.wait_dma2 semaphore(%run_scoped3A : memref<!tpu.dma_semaphore, #tpu.memory_space<semaphore_mem>>) src(%dma_wait3A_74 : memref<128xf32, #tpu.memory_space<hbm>>) dst(%arg14 : memref<128xf32, #tpu.memory_space<vmem>>)
      tpu.yield
    }) : () -> ()
    %scan3A_15 = arith.constant 0 : i32
    %scan3A_16 = arith.constant 120 : i32
    %scan3A_17 = arith.addi %scan3A_15, %scan3A_16 : i32
    %scan3A_18 = arith.constant 1 : i32
    scf.for %scan3A_72 = %scan3A_15 to %scan3A_17 step %scan3A_18  : i32 {
      %mul3A_73 = arith.constant 1 : i32
      %mul3A_74 = arith.muli %scan3A_72, %mul3A_73 : i32
      %add3A_75 = arith.constant 0 : i32
      %add3A_76 = arith.addi %add3A_75, %mul3A_74 : i32
      %get3A = arith.constant 0 : index
      %get3A_77 = tpu.vector_load %arg14[%get3A] {strides = array<i32>} : memref<128xf32, #tpu.memory_space<vmem>>, vector<16xf32>,
      %swap3A = arith.index_cast %add3A_76 : i32 to index
      %swap3A_78 = arith.constant 0 : index
      %swap3A_79 = tpu.vector_load %arg22[%swap3A, %swap3A_78] {strides = array<i32>} : memref<120x128xf32, #tpu.memory_space<vmem>>, vector<16xf32>,
      tpu.vector_store %arg22[%swap3A, %swap3A_78], %get3A_77 {strides = array<i32>} : memref<120x128xf32, #tpu.memory_space<vmem>>, vector<16xf32>,
      %get3A_80 = arith.constant 16 : index
      %get3A_81 = tpu.vector_load %arg14[%get3A_80] {strides = array<i32>} : memref<128xf32, #tpu.memory_space<vmem>>, vector<16xf32>,
      %swap3A_82 = arith.index_cast %add3A_76 : i32 to index
      %swap3A_83 = arith.constant 16 : index
      %swap3A_84 = tpu.vector_load %arg22[%swap3A_82, %swap3A_83] {strides = array<i32>} : memref<120x128xf32, #tpu.memory_space<vmem>>, vector<16xf32>,
      tpu.vector_store %arg22[%swap3A_82, %swap3A_83], %get3A_81 {strides = array<i32>} : memref<120x128xf32, #tpu.memory_space<vmem>>, vector<16xf32>,
      %get3A_85 = arith.constant 32 : index
      %get3A_86 = tpu.vector_load %arg14[%get3A_85] {strides = array<i32>} : memref<128xf32, #tpu.memory_space<vmem>>, vector<16xf32>,
      %swap3A_87 = arith.index_cast %add3A_76 : i32 to index
      %swap3A_88 = arith.constant 32 : index
      %swap3A_89 = tpu.vector_load %arg22[%swap3A_87, %swap3A_88] {strides = array<i32>} : memref<120x128xf32, #tpu.memory_space<vmem>>, vector<16xf32>,
      tpu.vector_store %arg22[%swap3A_87, %swap3A_88], %get3A_86 {strides = array<i32>} : memref<120x128xf32, #tpu.memory_space<vmem>>, vector<16xf32>,
      %get3A_90 = arith.constant 48 : index
      %get3A_91 = tpu.vector_load %arg14[%get3A_90] {strides = array<i32>} : memref<128xf32, #tpu.memory_space<vmem>>, vector<16xf32>,
      %swap3A_92 = arith.index_cast %add3A_76 : i32 to index
      %swap3A_93 = arith.constant 48 : index
      %swap3A_94 = tpu.vector_load %arg22[%swap3A_92, %swap3A_93] {strides = array<i32>} : memref<120x128xf32, #tpu.memory_space<vmem>>, vector<16xf32>,
      tpu.vector_store %arg22[%swap3A_92, %swap3A_93], %get3A_91 {strides = array<i32>} : memref<120x128xf32, #tpu.memory_space<vmem>>, vector<16xf32>,
      %get3A_95 = arith.constant 64 : index
      %get3A_96 = tpu.vector_load %arg14[%get3A_95] {strides = array<i32>} : memref<128xf32, #tpu.memory_space<vmem>>, vector<16xf32>,
      %swap3A_97 = arith.index_cast %add3A_76 : i32 to index
      %swap3A_98 = arith.constant 64 : index
      %swap3A_99 = tpu.vector_load %arg22[%swap3A_97, %swap3A_98] {strides = array<i32>} : memref<120x128xf32, #tpu.memory_space<vmem>>, vector<16xf32>,
      tpu.vector_store %arg22[%swap3A_97, %swap3A_98], %get3A_96 {strides = array<i32>} : memref<120x128xf32, #tpu.memory_space<vmem>>, vector<16xf32>,
      %get3A_100 = arith.constant 80 : index
      %get3A_101 = tpu.vector_load %arg14[%get3A_100] {strides = array<i32>} : memref<128xf32, #tpu.memory_space<vmem>>, vector<16xf32>,
      %swap3A_102 = arith.index_cast %add3A_76 : i32 to index
      %swap3A_103 = arith.constant 80 : index
      %swap3A_104 = tpu.vector_load %arg22[%swap3A_102, %swap3A_103] {strides = array<i32>} : memref<120x128xf32, #tpu.memory_space<vmem>>, vector<16xf32>,
      tpu.vector_store %arg22[%swap3A_102, %swap3A_103], %get3A_101 {strides = array<i32>} : memref<120x128xf32, #tpu.memory_space<vmem>>, vector<16xf32>,
      %get3A_105 = arith.constant 96 : index
      %get3A_106 = tpu.vector_load %arg14[%get3A_105] {strides = array<i32>} : memref<128xf32, #tpu.memory_space<vmem>>, vector<16xf32>,
      %swap3A_107 = arith.index_cast %add3A_76 : i32 to index
      %swap3A_108 = arith.constant 96 : index
      %swap3A_109 = tpu.vector_load %arg22[%swap3A_107, %swap3A_108] {strides = array<i32>} : memref<120x128xf32, #tpu.memory_space<vmem>>, vector<16xf32>,
      tpu.vector_store %arg22[%swap3A_107, %swap3A_108], %get3A_106 {strides = array<i32>} : memref<120x128xf32, #tpu.memory_space<vmem>>, vector<16xf32>,
      %get3A_110 = arith.constant 112 : index
      %get3A_111 = tpu.vector_load %arg14[%get3A_110] {strides = array<i32>} : memref<128xf32, #tpu.memory_space<vmem>>, vector<16xf32>,
      %swap3A_112 = arith.index_cast %add3A_76 : i32 to index
      %swap3A_113 = arith.constant 112 : index
      %swap3A_114 = tpu.vector_load %arg22[%swap3A_112, %swap3A_113] {strides = array<i32>} : memref<120x128xf32, #tpu.memory_space<vmem>>, vector<16xf32>,
      tpu.vector_store %arg22[%swap3A_112, %swap3A_113], %get3A_111 {strides = array<i32>} : memref<120x128xf32, #tpu.memory_space<vmem>>, vector<16xf32>,
    }
    %scan3A_19 = arith.constant 120 : i32
    %mul3A_20 = arith.constant 640 : i32
    %mul3A_21 = arith.muli %arg1, %mul3A_20 : i32
    %add3A_22 = arith.constant 0 : i32
    %add3A_23 = arith.addi %mul3A_21, %add3A_22 : i32
    "tpu.region"() ({
      %run_scoped3A = tpu.sem_alloc : memref<!tpu.dma_semaphore, #tpu.memory_space<semaphore_mem>>
      %dma_start3A_72 = arith.constant 0 : i32
      %dma_start3A_73 = arith.constant 0 : i32
      %dma_start3A_74 = tpu.memref_slice %arg22[%dma_start3A_72, %dma_start3A_73] : memref<120x128xf32, #tpu.memory_space<vmem>> -> memref<120x128xf32, #tpu.memory_space<vmem>>
      %dma_start3A_75 = arith.constant 0 : i32
      %dma_start3A_76 = tpu.memref_slice %arg28[%add3A_23, %dma_start3A_75] : memref<10240x128xf32, #tpu.memory_space<vmem_shared>> -> memref<120x128xf32, #tpu.memory_space<vmem_shared>>
      %dma_start3A_77 = arith.constant 0 : i32
      %dma_start3A_78 = tpu.memref_slice %arg28[%add3A_23, %dma_start3A_77] : memref<10240x128xf32, #tpu.memory_space<vmem_shared>> -> memref<120x128xf32, #tpu.memory_space<vmem_shared>>
      %dma_start3A_79 = arith.constant 0 : i32
      %dma_start3A_80 = arith.constant 0 : i32
      %dma_start3A_81 = tpu.memref_slice %arg22[%dma_start3A_79, %dma_start3A_80] : memref<120x128xf32, #tpu.memory_space<vmem>> -> memref<120x128xf32, #tpu.memory_space<vmem>>
      tpu.enqueue_dma source(%dma_start3A_81 : memref<120x128xf32, #tpu.memory_space<vmem>>) target(%dma_start3A_78 : memref<120x128xf32, #tpu.memory_space<vmem_shared>>) target_semaphore(%run_scoped3A : memref<!tpu.dma_semaphore, #tpu.memory_space<semaphore_mem>>)
      %dma_wait3A = arith.constant 0 : i32
      %dma_wait3A_82 = arith.constant 0 : i32
      %dma_wait3A_83 = tpu.memref_slice %arg22[%dma_wait3A, %dma_wait3A_82] : memref<120x128xf32, #tpu.memory_space<vmem>> -> memref<120x128xf32, #tpu.memory_space<vmem>>
      %dma_wait3A_84 = arith.constant 0 : i32
      %dma_wait3A_85 = tpu.memref_slice %arg28[%add3A_23, %dma_wait3A_84] : memref<10240x128xf32, #tpu.memory_space<vmem_shared>> -> memref<120x128xf32, #tpu.memory_space<vmem_shared>>
      %dma_wait3A_86 = arith.constant 0 : i32
      %dma_wait3A_87 = tpu.memref_slice %arg28[%add3A_23, %dma_wait3A_86] : memref<10240x128xf32, #tpu.memory_space<vmem_shared>> -> memref<120x128xf32, #tpu.memory_space<vmem_shared>>
      %dma_wait3A_88 = arith.constant 0 : i32
      %dma_wait3A_89 = arith.constant 0 : i32
      %dma_wait3A_90 = tpu.memref_slice %arg22[%dma_wait3A_88, %dma_wait3A_89] : memref<120x128xf32, #tpu.memory_space<vmem>> -> memref<120x128xf32, #tpu.memory_space<vmem>>
      tpu.wait_dma2 semaphore(%run_scoped3A : memref<!tpu.dma_semaphore, #tpu.memory_space<semaphore_mem>>) src(%dma_wait3A_90 : memref<120x128xf32, #tpu.memory_space<vmem>>) dst(%dma_wait3A_87 : memref<120x128xf32, #tpu.memory_space<vmem_shared>>)
      tpu.yield
    }) : () -> ()
    %add3A_24 = arith.constant 120 : i32
    %add3A_25 = arith.addi %mul3A_21, %add3A_24 : i32
    "tpu.region"() ({
      %run_scoped3A = tpu.sem_alloc : memref<!tpu.dma_semaphore, #tpu.memory_space<semaphore_mem>>
      %dma_start3A_72 = arith.constant 0 : i32
      %dma_start3A_73 = arith.constant 0 : i32
      %dma_start3A_74 = tpu.memref_slice %arg22[%dma_start3A_72, %dma_start3A_73] : memref<120x128xf32, #tpu.memory_space<vmem>> -> memref<120x128xf32, #tpu.memory_space<vmem>>
      %dma_start3A_75 = arith.constant 0 : i32
      %dma_start3A_76 = tpu.memref_slice %arg28[%add3A_25, %dma_start3A_75] : memref<10240x128xf32, #tpu.memory_space<vmem_shared>> -> memref<120x128xf32, #tpu.memory_space<vmem_shared>>
      %dma_start3A_77 = arith.constant 0 : i32
      %dma_start3A_78 = tpu.memref_slice %arg28[%add3A_25, %dma_start3A_77] : memref<10240x128xf32, #tpu.memory_space<vmem_shared>> -> memref<120x128xf32, #tpu.memory_space<vmem_shared>>
      %dma_start3A_79 = arith.constant 0 : i32
      %dma_start3A_80 = arith.constant 0 : i32
      %dma_start3A_81 = tpu.memref_slice %arg22[%dma_start3A_79, %dma_start3A_80] : memref<120x128xf32, #tpu.memory_space<vmem>> -> memref<120x128xf32, #tpu.memory_space<vmem>>
      tpu.enqueue_dma source(%dma_start3A_81 : memref<120x128xf32, #tpu.memory_space<vmem>>) target(%dma_start3A_78 : memref<120x128xf32, #tpu.memory_space<vmem_shared>>) target_semaphore(%run_scoped3A : memref<!tpu.dma_semaphore, #tpu.memory_space<semaphore_mem>>)
      %dma_wait3A = arith.constant 0 : i32
      %dma_wait3A_82 = arith.constant 0 : i32
      %dma_wait3A_83 = tpu.memref_slice %arg22[%dma_wait3A, %dma_wait3A_82] : memref<120x128xf32, #tpu.memory_space<vmem>> -> memref<120x128xf32, #tpu.memory_space<vmem>>
      %dma_wait3A_84 = arith.constant 0 : i32
      %dma_wait3A_85 = tpu.memref_slice %arg28[%add3A_25, %dma_wait3A_84] : memref<10240x128xf32, #tpu.memory_space<vmem_shared>> -> memref<120x128xf32, #tpu.memory_space<vmem_shared>>
      %dma_wait3A_86 = arith.constant 0 : i32
      %dma_wait3A_87 = tpu.memref_slice %arg28[%add3A_25, %dma_wait3A_86] : memref<10240x128xf32, #tpu.memory_space<vmem_shared>> -> memref<120x128xf32, #tpu.memory_space<vmem_shared>>
      %dma_wait3A_88 = arith.constant 0 : i32
      %dma_wait3A_89 = arith.constant 0 : i32
      %dma_wait3A_90 = tpu.memref_slice %arg22[%dma_wait3A_88, %dma_wait3A_89] : memref<120x128xf32, #tpu.memory_space<vmem>> -> memref<120x128xf32, #tpu.memory_space<vmem>>
      tpu.wait_dma2 semaphore(%run_scoped3A : memref<!tpu.dma_semaphore, #tpu.memory_space<semaphore_mem>>) src(%dma_wait3A_90 : memref<120x128xf32, #tpu.memory_space<vmem>>) dst(%dma_wait3A_87 : memref<120x128xf32, #tpu.memory_space<vmem_shared>>)
      tpu.yield
    }) : () -> ()
    %add3A_26 = arith.constant 240 : i32
    %add3A_27 = arith.addi %mul3A_21, %add3A_26 : i32
    "tpu.region"() ({
      %run_scoped3A = tpu.sem_alloc : memref<!tpu.dma_semaphore, #tpu.memory_space<semaphore_mem>>
      %dma_start3A_72 = arith.constant 0 : i32
      %dma_start3A_73 = arith.constant 0 : i32
      %dma_start3A_74 = tpu.memref_slice %arg22[%dma_start3A_72, %dma_start3A_73] : memref<120x128xf32, #tpu.memory_space<vmem>> -> memref<120x128xf32, #tpu.memory_space<vmem>>
      %dma_start3A_75 = arith.constant 0 : i32
      %dma_start3A_76 = tpu.memref_slice %arg28[%add3A_27, %dma_start3A_75] : memref<10240x128xf32, #tpu.memory_space<vmem_shared>> -> memref<120x128xf32, #tpu.memory_space<vmem_shared>>
      %dma_start3A_77 = arith.constant 0 : i32
      %dma_start3A_78 = tpu.memref_slice %arg28[%add3A_27, %dma_start3A_77] : memref<10240x128xf32, #tpu.memory_space<vmem_shared>> -> memref<120x128xf32, #tpu.memory_space<vmem_shared>>
      %dma_start3A_79 = arith.constant 0 : i32
      %dma_start3A_80 = arith.constant 0 : i32
      %dma_start3A_81 = tpu.memref_slice %arg22[%dma_start3A_79, %dma_start3A_80] : memref<120x128xf32, #tpu.memory_space<vmem>> -> memref<120x128xf32, #tpu.memory_space<vmem>>
      tpu.enqueue_dma source(%dma_start3A_81 : memref<120x128xf32, #tpu.memory_space<vmem>>) target(%dma_start3A_78 : memref<120x128xf32, #tpu.memory_space<vmem_shared>>) target_semaphore(%run_scoped3A : memref<!tpu.dma_semaphore, #tpu.memory_space<semaphore_mem>>)
      %dma_wait3A = arith.constant 0 : i32
      %dma_wait3A_82 = arith.constant 0 : i32
      %dma_wait3A_83 = tpu.memref_slice %arg22[%dma_wait3A, %dma_wait3A_82] : memref<120x128xf32, #tpu.memory_space<vmem>> -> memref<120x128xf32, #tpu.memory_space<vmem>>
      %dma_wait3A_84 = arith.constant 0 : i32
      %dma_wait3A_85 = tpu.memref_slice %arg28[%add3A_27, %dma_wait3A_84] : memref<10240x128xf32, #tpu.memory_space<vmem_shared>> -> memref<120x128xf32, #tpu.memory_space<vmem_shared>>
      %dma_wait3A_86 = arith.constant 0 : i32
      %dma_wait3A_87 = tpu.memref_slice %arg28[%add3A_27, %dma_wait3A_86] : memref<10240x128xf32, #tpu.memory_space<vmem_shared>> -> memref<120x128xf32, #tpu.memory_space<vmem_shared>>
      %dma_wait3A_88 = arith.constant 0 : i32
      %dma_wait3A_89 = arith.constant 0 : i32
      %dma_wait3A_90 = tpu.memref_slice %arg22[%dma_wait3A_88, %dma_wait3A_89] : memref<120x128xf32, #tpu.memory_space<vmem>> -> memref<120x128xf32, #tpu.memory_space<vmem>>
      tpu.wait_dma2 semaphore(%run_scoped3A : memref<!tpu.dma_semaphore, #tpu.memory_space<semaphore_mem>>) src(%dma_wait3A_90 : memref<120x128xf32, #tpu.memory_space<vmem>>) dst(%dma_wait3A_87 : memref<120x128xf32, #tpu.memory_space<vmem_shared>>)
      tpu.yield
    }) : () -> ()
    %add3A_28 = arith.constant 360 : i32
    %add3A_29 = arith.addi %mul3A_21, %add3A_28 : i32
    "tpu.region"() ({
      %run_scoped3A = tpu.sem_alloc : memref<!tpu.dma_semaphore, #tpu.memory_space<semaphore_mem>>
      %dma_start3A_72 = arith.constant 0 : i32
      %dma_start3A_73 = arith.constant 0 : i32
      %dma_start3A_74 = tpu.memref_slice %arg22[%dma_start3A_72, %dma_start3A_73] : memref<120x128xf32, #tpu.memory_space<vmem>> -> memref<120x128xf32, #tpu.memory_space<vmem>>
      %dma_start3A_75 = arith.constant 0 : i32
      %dma_start3A_76 = tpu.memref_slice %arg28[%add3A_29, %dma_start3A_75] : memref<10240x128xf32, #tpu.memory_space<vmem_shared>> -> memref<120x128xf32, #tpu.memory_space<vmem_shared>>
      %dma_start3A_77 = arith.constant 0 : i32
      %dma_start3A_78 = tpu.memref_slice %arg28[%add3A_29, %dma_start3A_77] : memref<10240x128xf32, #tpu.memory_space<vmem_shared>> -> memref<120x128xf32, #tpu.memory_space<vmem_shared>>
      %dma_start3A_79 = arith.constant 0 : i32
      %dma_start3A_80 = arith.constant 0 : i32
      %dma_start3A_81 = tpu.memref_slice %arg22[%dma_start3A_79, %dma_start3A_80] : memref<120x128xf32, #tpu.memory_space<vmem>> -> memref<120x128xf32, #tpu.memory_space<vmem>>
      tpu.enqueue_dma source(%dma_start3A_81 : memref<120x128xf32, #tpu.memory_space<vmem>>) target(%dma_start3A_78 : memref<120x128xf32, #tpu.memory_space<vmem_shared>>) target_semaphore(%run_scoped3A : memref<!tpu.dma_semaphore, #tpu.memory_space<semaphore_mem>>)
      %dma_wait3A = arith.constant 0 : i32
      %dma_wait3A_82 = arith.constant 0 : i32
      %dma_wait3A_83 = tpu.memref_slice %arg22[%dma_wait3A, %dma_wait3A_82] : memref<120x128xf32, #tpu.memory_space<vmem>> -> memref<120x128xf32, #tpu.memory_space<vmem>>
      %dma_wait3A_84 = arith.constant 0 : i32
      %dma_wait3A_85 = tpu.memref_slice %arg28[%add3A_29, %dma_wait3A_84] : memref<10240x128xf32, #tpu.memory_space<vmem_shared>> -> memref<120x128xf32, #tpu.memory_space<vmem_shared>>
      %dma_wait3A_86 = arith.constant 0 : i32
      %dma_wait3A_87 = tpu.memref_slice %arg28[%add3A_29, %dma_wait3A_86] : memref<10240x128xf32, #tpu.memory_space<vmem_shared>> -> memref<120x128xf32, #tpu.memory_space<vmem_shared>>
      %dma_wait3A_88 = arith.constant 0 : i32
      %dma_wait3A_89 = arith.constant 0 : i32
      %dma_wait3A_90 = tpu.memref_slice %arg22[%dma_wait3A_88, %dma_wait3A_89] : memref<120x128xf32, #tpu.memory_space<vmem>> -> memref<120x128xf32, #tpu.memory_space<vmem>>
      tpu.wait_dma2 semaphore(%run_scoped3A : memref<!tpu.dma_semaphore, #tpu.memory_space<semaphore_mem>>) src(%dma_wait3A_90 : memref<120x128xf32, #tpu.memory_space<vmem>>) dst(%dma_wait3A_87 : memref<120x128xf32, #tpu.memory_space<vmem_shared>>)
      tpu.yield
    }) : () -> ()
    %add3A_30 = arith.constant 480 : i32
    %add3A_31 = arith.addi %mul3A_21, %add3A_30 : i32
    "tpu.region"() ({
      %run_scoped3A = tpu.sem_alloc : memref<!tpu.dma_semaphore, #tpu.memory_space<semaphore_mem>>
      %dma_start3A_72 = arith.constant 0 : i32
      %dma_start3A_73 = arith.constant 0 : i32
      %dma_start3A_74 = tpu.memref_slice %arg22[%dma_start3A_72, %dma_start3A_73] : memref<120x128xf32, #tpu.memory_space<vmem>> -> memref<120x128xf32, #tpu.memory_space<vmem>>
      %dma_start3A_75 = arith.constant 0 : i32
      %dma_start3A_76 = tpu.memref_slice %arg28[%add3A_31, %dma_start3A_75] : memref<10240x128xf32, #tpu.memory_space<vmem_shared>> -> memref<120x128xf32, #tpu.memory_space<vmem_shared>>
      %dma_start3A_77 = arith.constant 0 : i32
      %dma_start3A_78 = tpu.memref_slice %arg28[%add3A_31, %dma_start3A_77] : memref<10240x128xf32, #tpu.memory_space<vmem_shared>> -> memref<120x128xf32, #tpu.memory_space<vmem_shared>>
      %dma_start3A_79 = arith.constant 0 : i32
      %dma_start3A_80 = arith.constant 0 : i32
      %dma_start3A_81 = tpu.memref_slice %arg22[%dma_start3A_79, %dma_start3A_80] : memref<120x128xf32, #tpu.memory_space<vmem>> -> memref<120x128xf32, #tpu.memory_space<vmem>>
      tpu.enqueue_dma source(%dma_start3A_81 : memref<120x128xf32, #tpu.memory_space<vmem>>) target(%dma_start3A_78 : memref<120x128xf32, #tpu.memory_space<vmem_shared>>) target_semaphore(%run_scoped3A : memref<!tpu.dma_semaphore, #tpu.memory_space<semaphore_mem>>)
      %dma_wait3A = arith.constant 0 : i32
      %dma_wait3A_82 = arith.constant 0 : i32
      %dma_wait3A_83 = tpu.memref_slice %arg22[%dma_wait3A, %dma_wait3A_82] : memref<120x128xf32, #tpu.memory_space<vmem>> -> memref<120x128xf32, #tpu.memory_space<vmem>>
      %dma_wait3A_84 = arith.constant 0 : i32
      %dma_wait3A_85 = tpu.memref_slice %arg28[%add3A_31, %dma_wait3A_84] : memref<10240x128xf32, #tpu.memory_space<vmem_shared>> -> memref<120x128xf32, #tpu.memory_space<vmem_shared>>
      %dma_wait3A_86 = arith.constant 0 : i32
      %dma_wait3A_87 = tpu.memref_slice %arg28[%add3A_31, %dma_wait3A_86] : memref<10240x128xf32, #tpu.memory_space<vmem_shared>> -> memref<120x128xf32, #tpu.memory_space<vmem_shared>>
      %dma_wait3A_88 = arith.constant 0 : i32
      %dma_wait3A_89 = arith.constant 0 : i32
      %dma_wait3A_90 = tpu.memref_slice %arg22[%dma_wait3A_88, %dma_wait3A_89] : memref<120x128xf32, #tpu.memory_space<vmem>> -> memref<120x128xf32, #tpu.memory_space<vmem>>
      tpu.wait_dma2 semaphore(%run_scoped3A : memref<!tpu.dma_semaphore, #tpu.memory_space<semaphore_mem>>) src(%dma_wait3A_90 : memref<120x128xf32, #tpu.memory_space<vmem>>) dst(%dma_wait3A_87 : memref<120x128xf32, #tpu.memory_space<vmem_shared>>)
      tpu.yield
    }) : () -> ()
    %add3A_32 = arith.constant 600 : i32
    %add3A_33 = arith.addi %mul3A_21, %add3A_32 : i32
    "tpu.region"() ({
      %run_scoped3A = tpu.sem_alloc : memref<!tpu.dma_semaphore, #tpu.memory_space<semaphore_mem>>
      %dma_start3A_72 = arith.constant 0 : i32
      %dma_start3A_73 = arith.constant 0 : i32
      %dma_start3A_74 = tpu.memref_slice %arg22[%dma_start3A_72, %dma_start3A_73] : memref<120x128xf32, #tpu.memory_space<vmem>> -> memref<40x128xf32, #tpu.memory_space<vmem>>
      %dma_start3A_75 = arith.constant 0 : i32
      %dma_start3A_76 = tpu.memref_slice %arg28[%add3A_33, %dma_start3A_75] : memref<10240x128xf32, #tpu.memory_space<vmem_shared>> -> memref<40x128xf32, #tpu.memory_space<vmem_shared>>
      %dma_start3A_77 = arith.constant 0 : i32
      %dma_start3A_78 = tpu.memref_slice %arg28[%add3A_33, %dma_start3A_77] : memref<10240x128xf32, #tpu.memory_space<vmem_shared>> -> memref<40x128xf32, #tpu.memory_space<vmem_shared>>
      %dma_start3A_79 = arith.constant 0 : i32
      %dma_start3A_80 = arith.constant 0 : i32
      %dma_start3A_81 = tpu.memref_slice %arg22[%dma_start3A_79, %dma_start3A_80] : memref<120x128xf32, #tpu.memory_space<vmem>> -> memref<40x128xf32, #tpu.memory_space<vmem>>
      tpu.enqueue_dma source(%dma_start3A_81 : memref<40x128xf32, #tpu.memory_space<vmem>>) target(%dma_start3A_78 : memref<40x128xf32, #tpu.memory_space<vmem_shared>>) target_semaphore(%run_scoped3A : memref<!tpu.dma_semaphore, #tpu.memory_space<semaphore_mem>>)
      %dma_wait3A = arith.constant 0 : i32
      %dma_wait3A_82 = arith.constant 0 : i32
      %dma_wait3A_83 = tpu.memref_slice %arg22[%dma_wait3A, %dma_wait3A_82] : memref<120x128xf32, #tpu.memory_space<vmem>> -> memref<40x128xf32, #tpu.memory_space<vmem>>
      %dma_wait3A_84 = arith.constant 0 : i32
      %dma_wait3A_85 = tpu.memref_slice %arg28[%add3A_33, %dma_wait3A_84] : memref<10240x128xf32, #tpu.memory_space<vmem_shared>> -> memref<40x128xf32, #tpu.memory_space<vmem_shared>>
      %dma_wait3A_86 = arith.constant 0 : i32
      %dma_wait3A_87 = tpu.memref_slice %arg28[%add3A_33, %dma_wait3A_86] : memref<10240x128xf32, #tpu.memory_space<vmem_shared>> -> memref<40x128xf32, #tpu.memory_space<vmem_shared>>
      %dma_wait3A_88 = arith.constant 0 : i32
      %dma_wait3A_89 = arith.constant 0 : i32
      %dma_wait3A_90 = tpu.memref_slice %arg22[%dma_wait3A_88, %dma_wait3A_89] : memref<120x128xf32, #tpu.memory_space<vmem>> -> memref<40x128xf32, #tpu.memory_space<vmem>>
      tpu.wait_dma2 semaphore(%run_scoped3A : memref<!tpu.dma_semaphore, #tpu.memory_space<semaphore_mem>>) src(%dma_wait3A_90 : memref<40x128xf32, #tpu.memory_space<vmem>>) dst(%dma_wait3A_87 : memref<40x128xf32, #tpu.memory_space<vmem_shared>>)
      tpu.yield
    }) : () -> ()
    %barrier3A = arith.constant 0 : index
    tpu.barrier barrier_id(%barrier3A)
    %scan3A_34 = arith.constant 0 : i32
    %scan3A_35 = arith.constant 30 : i32
    %scan3A_36 = arith.addi %scan3A_34, %scan3A_35 : i32
    %scan3A_37 = arith.constant 1 : i32
    scf.for %scan3A_72 = %scan3A_34 to %scan3A_36 step %scan3A_37  : i32 {
      %mul3A_73 = arith.constant 1 : i32
      %mul3A_74 = arith.muli %scan3A_72, %mul3A_73 : i32
      %add3A_75 = arith.constant 0 : i32
      %add3A_76 = arith.addi %add3A_75, %mul3A_74 : i32
      %mul3A_77 = arith.constant 688 : i32
      %mul3A_78 = arith.muli %add3A_76, %mul3A_77 : i32
      %add3A_79 = arith.addi %mul3A_0, %mul3A_78 : i32
      "tpu.region"() ({
        %run_scoped3A = tpu.sem_alloc : memref<!tpu.dma_semaphore, #tpu.memory_space<semaphore_mem>>
        %dma_start3A_92 = tpu.memref_slice %arg3[%add3A_79] : memref<330240xi32, #tpu.memory_space<hbm>> -> memref<688xi32, #tpu.memory_space<hbm>>
        %dma_start3A_93 = tpu.memref_slice %arg3[%add3A_79] : memref<330240xi32, #tpu.memory_space<hbm>> -> memref<688xi32, #tpu.memory_space<hbm>>
        tpu.enqueue_dma source(%dma_start3A_93 : memref<688xi32, #tpu.memory_space<hbm>>) target(%arg10 : memref<688xi32, #tpu.memory_space<vmem>>) target_semaphore(%run_scoped3A : memref<!tpu.dma_semaphore, #tpu.memory_space<semaphore_mem>>)
        %dma_wait3A = tpu.memref_slice %arg3[%add3A_79] : memref<330240xi32, #tpu.memory_space<hbm>> -> memref<688xi32, #tpu.memory_space<hbm>>
        %dma_wait3A_94 = tpu.memref_slice %arg3[%add3A_79] : memref<330240xi32, #tpu.memory_space<hbm>> -> memref<688xi32, #tpu.memory_space<hbm>>
        tpu.wait_dma2 semaphore(%run_scoped3A : memref<!tpu.dma_semaphore, #tpu.memory_space<semaphore_mem>>) src(%dma_wait3A_94 : memref<688xi32, #tpu.memory_space<hbm>>) dst(%arg10 : memref<688xi32, #tpu.memory_space<vmem>>)
        tpu.yield
      }) : () -> ()
      "tpu.region"() ({
        %run_scoped3A = tpu.sem_alloc : memref<!tpu.dma_semaphore, #tpu.memory_space<semaphore_mem>>
        %dma_start3A_92 = tpu.memref_slice %arg4[%add3A_79] : memref<330240xi32, #tpu.memory_space<hbm>> -> memref<688xi32, #tpu.memory_space<hbm>>
        %dma_start3A_93 = tpu.memref_slice %arg4[%add3A_79] : memref<330240xi32, #tpu.memory_space<hbm>> -> memref<688xi32, #tpu.memory_space<hbm>>
        tpu.enqueue_dma source(%dma_start3A_93 : memref<688xi32, #tpu.memory_space<hbm>>) target(%arg11 : memref<688xi32, #tpu.memory_space<vmem>>) target_semaphore(%run_scoped3A : memref<!tpu.dma_semaphore, #tpu.memory_space<semaphore_mem>>)
        %dma_wait3A = tpu.memref_slice %arg4[%add3A_79] : memref<330240xi32, #tpu.memory_space<hbm>> -> memref<688xi32, #tpu.memory_space<hbm>>
        %dma_wait3A_94 = tpu.memref_slice %arg4[%add3A_79] : memref<330240xi32, #tpu.memory_space<hbm>> -> memref<688xi32, #tpu.memory_space<hbm>>
        tpu.wait_dma2 semaphore(%run_scoped3A : memref<!tpu.dma_semaphore, #tpu.memory_space<semaphore_mem>>) src(%dma_wait3A_94 : memref<688xi32, #tpu.memory_space<hbm>>) dst(%arg11 : memref<688xi32, #tpu.memory_space<vmem>>)
        tpu.yield
      }) : () -> ()
      "tpu.region"() ({
        %run_scoped3A = tpu.sem_alloc : memref<!tpu.dma_semaphore, #tpu.memory_space<semaphore_mem>>
        %dma_start3A_92 = arith.constant 0 : i32
        %dma_start3A_93 = tpu.memref_slice %arg30[%dma_start3A_92] : memref<10240xf32, #tpu.memory_space<vmem_shared>> -> memref<10240xf32, #tpu.memory_space<vmem_shared>>
        tpu.enqueue_indirect_dma source(%dma_start3A_93 : memref<10240xf32, #tpu.memory_space<vmem_shared>>) target(%arg12 : memref<688xf32, #tpu.memory_space<vmem>>) offsets(%arg10 : memref<688xi32, #tpu.memory_space<vmem>>) semaphore(%run_scoped3A : memref<!tpu.dma_semaphore, #tpu.memory_space<semaphore_mem>>)
        %dma_wait3A = arith.constant 0 : i32
        %dma_wait3A_94 = tpu.memref_slice %arg30[%dma_wait3A] : memref<10240xf32, #tpu.memory_space<vmem_shared>> -> memref<10240xf32, #tpu.memory_space<vmem_shared>>
        tpu.wait_indirect_dma semaphore(%run_scoped3A : memref<!tpu.dma_semaphore, #tpu.memory_space<semaphore_mem>>) src(%dma_wait3A_94 : memref<10240xf32, #tpu.memory_space<vmem_shared>>) dst(%arg12 : memref<688xf32, #tpu.memory_space<vmem>>)
        tpu.yield
      }) : () -> ()
      "tpu.region"() ({
        %run_scoped3A = tpu.sem_alloc : memref<!tpu.dma_semaphore, #tpu.memory_space<semaphore_mem>>
        %dma_start3A_92 = arith.constant 0 : i32
        %dma_start3A_93 = tpu.memref_slice %arg31[%dma_start3A_92] : memref<10240xf32, #tpu.memory_space<vmem_shared>> -> memref<10240xf32, #tpu.memory_space<vmem_shared>>
        tpu.enqueue_indirect_dma source(%dma_start3A_93 : memref<10240xf32, #tpu.memory_space<vmem_shared>>) target(%arg13 : memref<688xf32, #tpu.memory_space<vmem>>) offsets(%arg11 : memref<688xi32, #tpu.memory_space<vmem>>) semaphore(%run_scoped3A : memref<!tpu.dma_semaphore, #tpu.memory_space<semaphore_mem>>)
        %dma_wait3A = arith.constant 0 : i32
        %dma_wait3A_94 = tpu.memref_slice %arg31[%dma_wait3A] : memref<10240xf32, #tpu.memory_space<vmem_shared>> -> memref<10240xf32, #tpu.memory_space<vmem_shared>>
        tpu.wait_indirect_dma semaphore(%run_scoped3A : memref<!tpu.dma_semaphore, #tpu.memory_space<semaphore_mem>>) src(%dma_wait3A_94 : memref<10240xf32, #tpu.memory_space<vmem_shared>>) dst(%arg13 : memref<688xf32, #tpu.memory_space<vmem>>)
        tpu.yield
      }) : () -> ()
      %scan3A_80 = arith.constant 0 : i32
      %scan3A_81 = arith.constant 43 : i32
      %scan3A_82 = arith.addi %scan3A_80, %scan3A_81 : i32
      %scan3A_83 = arith.constant 1 : i32
      scf.for %scan3A_92 = %scan3A_80 to %scan3A_82 step %scan3A_83  : i32 {
        %mul3A_93 = arith.constant 16 : i32
        %mul3A_94 = arith.muli %scan3A_92, %mul3A_93 : i32
        %add3A_95 = arith.constant 0 : i32
        %add3A_96 = arith.addi %add3A_95, %mul3A_94 : i32
        %get3A = arith.index_cast %add3A_96 : i32 to index
        %get3A_97 = tpu.vector_load %arg12[%get3A] {strides = array<i32>} : memref<688xf32, #tpu.memory_space<vmem>>, vector<16xf32>,
        %get3A_98 = arith.index_cast %add3A_96 : i32 to index
        %get3A_99 = tpu.vector_load %arg13[%get3A_98] {strides = array<i32>} : memref<688xf32, #tpu.memory_space<vmem>>, vector<16xf32>,
        %add3A_100 = arith.addf %get3A_97, %get3A_99 : vector<16xf32>
        %mul3A_101 = arith.constant 2.000000e-01 : f32
        %mul3A_102 = vector.broadcast %mul3A_101 : f32 to vector<16xf32>
        %mul3A_103 = arith.mulf %mul3A_102, %add3A_100 : vector<16xf32>
        %max3A = arith.maximumf %add3A_100, %mul3A_103 : vector<16xf32>
        %exp3A = math.exp %max3A : vector<16xf32>
        %swap3A = arith.index_cast %add3A_96 : i32 to index
        %swap3A_104 = tpu.vector_load %arg12[%swap3A] {strides = array<i32>} : memref<688xf32, #tpu.memory_space<vmem>>, vector<16xf32>,
        tpu.vector_store %arg12[%swap3A], %exp3A {strides = array<i32>} : memref<688xf32, #tpu.memory_space<vmem>>, vector<16xf32>,
      }
      %scan3A_84 = arith.constant 43 : i32
      %mul3A_85 = arith.constant 1 : i32
      %mul3A_86 = arith.muli %arg0, %mul3A_85 : i32
      %add3A_87 = arith.constant 0 : i32
      %add3A_88 = arith.addi %mul3A_86, %add3A_87 : i32
      %mul3A_89 = arith.constant 330240 : i32
      %mul3A_90 = arith.muli %add3A_88, %mul3A_89 : i32
      %add3A_91 = arith.addi %mul3A_90, %add3A_79 : i32
      "tpu.region"() ({
        %run_scoped3A = tpu.sem_alloc : memref<!tpu.dma_semaphore, #tpu.memory_space<semaphore_mem>>
        %dma_start3A_92 = tpu.memref_slice %arg9[%add3A_91] : memref<660480xf32, #tpu.memory_space<hbm>> -> memref<688xf32, #tpu.memory_space<hbm>>
        %dma_start3A_93 = tpu.memref_slice %arg9[%add3A_91] : memref<660480xf32, #tpu.memory_space<hbm>> -> memref<688xf32, #tpu.memory_space<hbm>>
        tpu.enqueue_dma source(%arg12 : memref<688xf32, #tpu.memory_space<vmem>>) target(%dma_start3A_93 : memref<688xf32, #tpu.memory_space<hbm>>) target_semaphore(%run_scoped3A : memref<!tpu.dma_semaphore, #tpu.memory_space<semaphore_mem>>)
        %dma_wait3A = tpu.memref_slice %arg9[%add3A_91] : memref<660480xf32, #tpu.memory_space<hbm>> -> memref<688xf32, #tpu.memory_space<hbm>>
        %dma_wait3A_94 = tpu.memref_slice %arg9[%add3A_91] : memref<660480xf32, #tpu.memory_space<hbm>> -> memref<688xf32, #tpu.memory_space<hbm>>
        tpu.wait_dma2 semaphore(%run_scoped3A : memref<!tpu.dma_semaphore, #tpu.memory_space<semaphore_mem>>) src(%arg12 : memref<688xf32, #tpu.memory_space<vmem>>) dst(%dma_wait3A_94 : memref<688xf32, #tpu.memory_space<hbm>>)
        tpu.yield
      }) : () -> ()
      "tpu.region"() ({
        %run_scoped3A = tpu.sem_alloc : memref<!tpu.dma_semaphore, #tpu.memory_space<semaphore_mem>>
        %dma_start3A_92 = arith.constant 0 : i32
        %dma_start3A_93 = tpu.memref_slice %arg29[%dma_start3A_92] : memref<10240xf32, #tpu.memory_space<vmem_shared>> -> memref<10240xf32, #tpu.memory_space<vmem_shared>>
        tpu.enqueue_indirect_dma source(%arg12 : memref<688xf32, #tpu.memory_space<vmem>>) target(%dma_start3A_93 : memref<10240xf32, #tpu.memory_space<vmem_shared>>) offsets(%arg11 : memref<688xi32, #tpu.memory_space<vmem>>) semaphore(%run_scoped3A : memref<!tpu.dma_semaphore, #tpu.memory_space<semaphore_mem>>) {add = true}
        %dma_wait3A = arith.constant 0 : i32
        %dma_wait3A_94 = tpu.memref_slice %arg29[%dma_wait3A] : memref<10240xf32, #tpu.memory_space<vmem_shared>> -> memref<10240xf32, #tpu.memory_space<vmem_shared>>
        tpu.wait_indirect_dma semaphore(%run_scoped3A : memref<!tpu.dma_semaphore, #tpu.memory_space<semaphore_mem>>) src(%arg12 : memref<688xf32, #tpu.memory_space<vmem>>) dst(%dma_wait3A_94 : memref<10240xf32, #tpu.memory_space<vmem_shared>>)
        tpu.yield
      }) : () -> ()
    }
    %scan3A_38 = arith.constant 30 : i32
    %barrier3A_39 = arith.constant 0 : index
    tpu.barrier barrier_id(%barrier3A_39)
    %mul3A_40 = arith.constant 640 : i32
    %mul3A_41 = arith.muli %arg1, %mul3A_40 : i32
    "tpu.region"() ({
      %run_scoped3A = tpu.sem_alloc : memref<!tpu.dma_semaphore, #tpu.memory_space<semaphore_mem>>
      %dma_start3A_72 = tpu.memref_slice %arg29[%mul3A_41] : memref<10240xf32, #tpu.memory_space<vmem_shared>> -> memref<640xf32, #tpu.memory_space<vmem_shared>>
      %dma_start3A_73 = tpu.memref_slice %arg29[%mul3A_41] : memref<10240xf32, #tpu.memory_space<vmem_shared>> -> memref<640xf32, #tpu.memory_space<vmem_shared>>
      tpu.enqueue_dma source(%dma_start3A_73 : memref<640xf32, #tpu.memory_space<vmem_shared>>) target(%arg15 : memref<640xf32, #tpu.memory_space<vmem>>) target_semaphore(%run_scoped3A : memref<!tpu.dma_semaphore, #tpu.memory_space<semaphore_mem>>)
      %dma_wait3A = tpu.memref_slice %arg29[%mul3A_41] : memref<10240xf32, #tpu.memory_space<vmem_shared>> -> memref<640xf32, #tpu.memory_space<vmem_shared>>
      %dma_wait3A_74 = tpu.memref_slice %arg29[%mul3A_41] : memref<10240xf32, #tpu.memory_space<vmem_shared>> -> memref<640xf32, #tpu.memory_space<vmem_shared>>
      tpu.wait_dma2 semaphore(%run_scoped3A : memref<!tpu.dma_semaphore, #tpu.memory_space<semaphore_mem>>) src(%dma_wait3A_74 : memref<640xf32, #tpu.memory_space<vmem_shared>>) dst(%arg15 : memref<640xf32, #tpu.memory_space<vmem>>)
      tpu.yield
    }) : () -> ()
    %scan3A_42 = arith.constant 0 : i32
    %scan3A_43 = arith.constant 40 : i32
    %scan3A_44 = arith.addi %scan3A_42, %scan3A_43 : i32
    %scan3A_45 = arith.constant 1 : i32
    scf.for %scan3A_72 = %scan3A_42 to %scan3A_44 step %scan3A_45  : i32 {
      %mul3A_73 = arith.constant 16 : i32
      %mul3A_74 = arith.muli %scan3A_72, %mul3A_73 : i32
      %add3A_75 = arith.constant 0 : i32
      %add3A_76 = arith.addi %add3A_75, %mul3A_74 : i32
      %get3A = arith.index_cast %add3A_76 : i32 to index
      %get3A_77 = tpu.vector_load %arg15[%get3A] {strides = array<i32>} : memref<640xf32, #tpu.memory_space<vmem>>, vector<16xf32>,
      %add3A_78 = arith.constant 1.000000e-16 : f32
      %add3A_79 = vector.broadcast %add3A_78 : f32 to vector<16xf32>
      %add3A_80 = arith.addf %get3A_77, %add3A_79 : vector<16xf32>
      %div3A = arith.constant 1.000000e+00 : f32
      %div3A_81 = vector.broadcast %div3A : f32 to vector<16xf32>
      %div3A_82 = arith.divf %div3A_81, %add3A_80 : vector<16xf32>
      %swap3A = arith.index_cast %add3A_76 : i32 to index
      %swap3A_83 = tpu.vector_load %arg15[%swap3A] {strides = array<i32>} : memref<640xf32, #tpu.memory_space<vmem>>, vector<16xf32>,
      tpu.vector_store %arg15[%swap3A], %div3A_82 {strides = array<i32>} : memref<640xf32, #tpu.memory_space<vmem>>, vector<16xf32>,
    }
    %scan3A_46 = arith.constant 40 : i32
    %mul3A_47 = arith.constant 640 : i32
    %mul3A_48 = arith.muli %arg1, %mul3A_47 : i32
    "tpu.region"() ({
      %run_scoped3A = tpu.sem_alloc : memref<!tpu.dma_semaphore, #tpu.memory_space<semaphore_mem>>
      %dma_start3A_72 = tpu.memref_slice %arg29[%mul3A_48] : memref<10240xf32, #tpu.memory_space<vmem_shared>> -> memref<640xf32, #tpu.memory_space<vmem_shared>>
      %dma_start3A_73 = tpu.memref_slice %arg29[%mul3A_48] : memref<10240xf32, #tpu.memory_space<vmem_shared>> -> memref<640xf32, #tpu.memory_space<vmem_shared>>
      tpu.enqueue_dma source(%arg15 : memref<640xf32, #tpu.memory_space<vmem>>) target(%dma_start3A_73 : memref<640xf32, #tpu.memory_space<vmem_shared>>) target_semaphore(%run_scoped3A : memref<!tpu.dma_semaphore, #tpu.memory_space<semaphore_mem>>)
      %dma_wait3A = tpu.memref_slice %arg29[%mul3A_48] : memref<10240xf32, #tpu.memory_space<vmem_shared>> -> memref<640xf32, #tpu.memory_space<vmem_shared>>
      %dma_wait3A_74 = tpu.memref_slice %arg29[%mul3A_48] : memref<10240xf32, #tpu.memory_space<vmem_shared>> -> memref<640xf32, #tpu.memory_space<vmem_shared>>
      tpu.wait_dma2 semaphore(%run_scoped3A : memref<!tpu.dma_semaphore, #tpu.memory_space<semaphore_mem>>) src(%arg15 : memref<640xf32, #tpu.memory_space<vmem>>) dst(%dma_wait3A_74 : memref<640xf32, #tpu.memory_space<vmem_shared>>)
      tpu.yield
    }) : () -> ()
    %barrier3A_49 = arith.constant 0 : index
    tpu.barrier barrier_id(%barrier3A_49)
    %add3A_50 = arith.constant 0 : i32
    %add3A_51 = arith.addi %add3A, %add3A_50 : i32
    "tpu.region"() ({
      %run_scoped3A = tpu.sem_alloc : memref<!tpu.dma_semaphore, #tpu.memory_space<semaphore_mem>>
      %dma_start3A_72 = tpu.memref_slice %arg3[%add3A_51] : memref<330240xi32, #tpu.memory_space<hbm>> -> memref<120xi32, #tpu.memory_space<hbm>>
      %dma_start3A_73 = tpu.memref_slice %arg3[%add3A_51] : memref<330240xi32, #tpu.memory_space<hbm>> -> memref<120xi32, #tpu.memory_space<hbm>>
      tpu.enqueue_dma source(%dma_start3A_73 : memref<120xi32, #tpu.memory_space<hbm>>) target(%arg16 : memref<120xi32, #tpu.memory_space<vmem>>) target_semaphore(%run_scoped3A : memref<!tpu.dma_semaphore, #tpu.memory_space<semaphore_mem>>)
      %dma_wait3A = tpu.memref_slice %arg3[%add3A_51] : memref<330240xi32, #tpu.memory_space<hbm>> -> memref<120xi32, #tpu.memory_space<hbm>>
      %dma_wait3A_74 = tpu.memref_slice %arg3[%add3A_51] : memref<330240xi32, #tpu.memory_space<hbm>> -> memref<120xi32, #tpu.memory_space<hbm>>
      tpu.wait_dma2 semaphore(%run_scoped3A : memref<!tpu.dma_semaphore, #tpu.memory_space<semaphore_mem>>) src(%dma_wait3A_74 : memref<120xi32, #tpu.memory_space<hbm>>) dst(%arg16 : memref<120xi32, #tpu.memory_space<vmem>>)
      tpu.yield
    }) : () -> ()
    "tpu.region"() ({
      %run_scoped3A = tpu.sem_alloc : memref<!tpu.dma_semaphore, #tpu.memory_space<semaphore_mem>>
      %dma_start3A_72 = tpu.memref_slice %arg4[%add3A_51] : memref<330240xi32, #tpu.memory_space<hbm>> -> memref<120xi32, #tpu.memory_space<hbm>>
      %dma_start3A_73 = tpu.memref_slice %arg4[%add3A_51] : memref<330240xi32, #tpu.memory_space<hbm>> -> memref<120xi32, #tpu.memory_space<hbm>>
      tpu.enqueue_dma source(%dma_start3A_73 : memref<120xi32, #tpu.memory_space<hbm>>) target(%arg18 : memref<120xi32, #tpu.memory_space<vmem>>) target_semaphore(%run_scoped3A : memref<!tpu.dma_semaphore, #tpu.memory_space<semaphore_mem>>)
      %dma_wait3A = tpu.memref_slice %arg4[%add3A_51] : memref<330240xi32, #tpu.memory_space<hbm>> -> memref<120xi32, #tpu.memory_space<hbm>>
      %dma_wait3A_74 = tpu.memref_slice %arg4[%add3A_51] : memref<330240xi32, #tpu.memory_space<hbm>> -> memref<120xi32, #tpu.memory_space<hbm>>
      tpu.wait_dma2 semaphore(%run_scoped3A : memref<!tpu.dma_semaphore, #tpu.memory_space<semaphore_mem>>) src(%dma_wait3A_74 : memref<120xi32, #tpu.memory_space<hbm>>) dst(%arg18 : memref<120xi32, #tpu.memory_space<vmem>>)
      tpu.yield
    }) : () -> ()
    %scan3A_52 = arith.constant 0 : i32
    %scan3A_53 = arith.constant 8 : i32
    %scan3A_54 = arith.addi %scan3A_52, %scan3A_53 : i32
    %scan3A_55 = arith.constant 1 : i32
    scf.for %scan3A_72 = %scan3A_52 to %scan3A_54 step %scan3A_55  : i32 {
      %mul3A_73 = arith.constant 16 : i32
      %mul3A_74 = arith.muli %scan3A_72, %mul3A_73 : i32
      %add3A_75 = arith.constant 0 : i32
      %add3A_76 = arith.addi %add3A_75, %mul3A_74 : i32
      %get3A = arith.index_cast %add3A_76 : i32 to index
      %get3A_77 = tpu.vector_load %arg16[%get3A] {strides = array<i32>} : memref<120xi32, #tpu.memory_space<vmem>>, vector<16xi32>,
      %add3A_78 = arith.constant 0 : i32
      %add3A_79 = vector.broadcast %add3A_78 : i32 to vector<16xi32>
      %add3A_80 = arith.addi %get3A_77, %add3A_79 : vector<16xi32>
      %swap3A = arith.index_cast %add3A_76 : i32 to index
      %swap3A_81 = tpu.vector_load %arg20[%swap3A] {strides = array<i32>} : memref<120xi32, #tpu.memory_space<vmem>>, vector<16xi32>,
      tpu.vector_store %arg20[%swap3A], %add3A_80 {strides = array<i32>} : memref<120xi32, #tpu.memory_space<vmem>>, vector<16xi32>,
    }
    %scan3A_56 = arith.constant 8 : i32
    %dma_start3A = arith.constant 0 : i32
    %dma_start3A_57 = arith.constant 0 : i32
    %dma_start3A_58 = tpu.memref_slice %arg2[%dma_start3A, %dma_start3A_57] : memref<10000x128xf32, #tpu.memory_space<hbm>> -> memref<10000x128xf32, #tpu.memory_space<hbm>>
    tpu.enqueue_indirect_dma source(%dma_start3A_58 : memref<10000x128xf32, #tpu.memory_space<hbm>>) target(%arg22 : memref<120x128xf32, #tpu.memory_space<vmem>>) offsets(%arg20 : memref<120xi32, #tpu.memory_space<vmem>>) semaphore(%arg26 : memref<!tpu.dma_semaphore, #tpu.memory_space<semaphore_mem>>)
    %scan3A_59 = arith.constant 0 : i32
    %scan3A_60 = arith.constant 43 : i32
    %scan3A_61 = arith.addi %scan3A_59, %scan3A_60 : i32
    %scan3A_62 = arith.constant 1 : i32
    scf.for %scan3A_72 = %scan3A_59 to %scan3A_61 step %scan3A_62  : i32 {
      %mul3A_73 = arith.constant 2 : i32
      %mul3A_74 = arith.muli %scan3A_72, %mul3A_73 : i32
      %add3A_75 = arith.constant 0 : i32
      %add3A_76 = arith.addi %add3A_75, %mul3A_74 : i32
      %dma_wait3A = arith.constant 0 : i32
      %dma_wait3A_77 = arith.constant 0 : i32
      %dma_wait3A_78 = tpu.memref_slice %arg2[%dma_wait3A, %dma_wait3A_77] : memref<10000x128xf32, #tpu.memory_space<hbm>> -> memref<10000x128xf32, #tpu.memory_space<hbm>>
      tpu.wait_indirect_dma semaphore(%arg26 : memref<!tpu.dma_semaphore, #tpu.memory_space<semaphore_mem>>) src(%dma_wait3A_78 : memref<10000x128xf32, #tpu.memory_space<hbm>>) dst(%arg22 : memref<120x128xf32, #tpu.memory_space<vmem>>)
      %add3A_79 = arith.constant 1 : i32
      %add3A_80 = arith.addi %add3A_76, %add3A_79 : i32
      %lt3A = arith.constant 86 : i32
      %lt3A_81 = arith.cmpi slt, %add3A_80, %lt3A : i32
      %convert_element_type3A_82 = arith.extui %lt3A_81 : i1 to i32
      %cond3A_83 = arith.constant 0 : i32
      %cond3A_84 = arith.cmpi ne, %convert_element_type3A_82, %cond3A_83 : i32
      scf.if %cond3A_84 {
        %add3A_137 = arith.constant 1 : i32
        %add3A_138 = arith.addi %add3A_76, %add3A_137 : i32
        %mul3A_139 = arith.constant 120 : i32
        %mul3A_140 = arith.muli %add3A_138, %mul3A_139 : i32
        %add3A_141 = arith.addi %add3A, %mul3A_140 : i32
        "tpu.region"() ({
          %run_scoped3A = tpu.sem_alloc : memref<!tpu.dma_semaphore, #tpu.memory_space<semaphore_mem>>
          %dma_start3A_150 = tpu.memref_slice %arg3[%add3A_141] : memref<330240xi32, #tpu.memory_space<hbm>> -> memref<120xi32, #tpu.memory_space<hbm>>
          %dma_start3A_151 = tpu.memref_slice %arg3[%add3A_141] : memref<330240xi32, #tpu.memory_space<hbm>> -> memref<120xi32, #tpu.memory_space<hbm>>
          tpu.enqueue_dma source(%dma_start3A_151 : memref<120xi32, #tpu.memory_space<hbm>>) target(%arg17 : memref<120xi32, #tpu.memory_space<vmem>>) target_semaphore(%run_scoped3A : memref<!tpu.dma_semaphore, #tpu.memory_space<semaphore_mem>>)
          %dma_wait3A_152 = tpu.memref_slice %arg3[%add3A_141] : memref<330240xi32, #tpu.memory_space<hbm>> -> memref<120xi32, #tpu.memory_space<hbm>>
          %dma_wait3A_153 = tpu.memref_slice %arg3[%add3A_141] : memref<330240xi32, #tpu.memory_space<hbm>> -> memref<120xi32, #tpu.memory_space<hbm>>
          tpu.wait_dma2 semaphore(%run_scoped3A : memref<!tpu.dma_semaphore, #tpu.memory_space<semaphore_mem>>) src(%dma_wait3A_153 : memref<120xi32, #tpu.memory_space<hbm>>) dst(%arg17 : memref<120xi32, #tpu.memory_space<vmem>>)
          tpu.yield
        }) : () -> ()
        "tpu.region"() ({
          %run_scoped3A = tpu.sem_alloc : memref<!tpu.dma_semaphore, #tpu.memory_space<semaphore_mem>>
          %dma_start3A_150 = tpu.memref_slice %arg4[%add3A_141] : memref<330240xi32, #tpu.memory_space<hbm>> -> memref<120xi32, #tpu.memory_space<hbm>>
          %dma_start3A_151 = tpu.memref_slice %arg4[%add3A_141] : memref<330240xi32, #tpu.memory_space<hbm>> -> memref<120xi32, #tpu.memory_space<hbm>>
          tpu.enqueue_dma source(%dma_start3A_151 : memref<120xi32, #tpu.memory_space<hbm>>) target(%arg19 : memref<120xi32, #tpu.memory_space<vmem>>) target_semaphore(%run_scoped3A : memref<!tpu.dma_semaphore, #tpu.memory_space<semaphore_mem>>)
          %dma_wait3A_152 = tpu.memref_slice %arg4[%add3A_141] : memref<330240xi32, #tpu.memory_space<hbm>> -> memref<120xi32, #tpu.memory_space<hbm>>
          %dma_wait3A_153 = tpu.memref_slice %arg4[%add3A_141] : memref<330240xi32, #tpu.memory_space<hbm>> -> memref<120xi32, #tpu.memory_space<hbm>>
          tpu.wait_dma2 semaphore(%run_scoped3A : memref<!tpu.dma_semaphore, #tpu.memory_space<semaphore_mem>>) src(%dma_wait3A_153 : memref<120xi32, #tpu.memory_space<hbm>>) dst(%arg19 : memref<120xi32, #tpu.memory_space<vmem>>)
          tpu.yield
        }) : () -> ()
        %scan3A_142 = arith.constant 0 : i32
        %scan3A_143 = arith.constant 8 : i32
        %scan3A_144 = arith.addi %scan3A_142, %scan3A_143 : i32
        %scan3A_145 = arith.constant 1 : i32
        scf.for %scan3A_150 = %scan3A_142 to %scan3A_144 step %scan3A_145  : i32 {
          %mul3A_151 = arith.constant 16 : i32
          %mul3A_152 = arith.muli %scan3A_150, %mul3A_151 : i32
          %add3A_153 = arith.constant 0 : i32
          %add3A_154 = arith.addi %add3A_153, %mul3A_152 : i32
          %get3A = arith.index_cast %add3A_154 : i32 to index
          %get3A_155 = tpu.vector_load %arg17[%get3A] {strides = array<i32>} : memref<120xi32, #tpu.memory_space<vmem>>, vector<16xi32>,
          %add3A_156 = arith.constant 0 : i32
          %add3A_157 = vector.broadcast %add3A_156 : i32 to vector<16xi32>
          %add3A_158 = arith.addi %get3A_155, %add3A_157 : vector<16xi32>
          %swap3A = arith.index_cast %add3A_154 : i32 to index
          %swap3A_159 = tpu.vector_load %arg21[%swap3A] {strides = array<i32>} : memref<120xi32, #tpu.memory_space<vmem>>, vector<16xi32>,
          tpu.vector_store %arg21[%swap3A], %add3A_158 {strides = array<i32>} : memref<120xi32, #tpu.memory_space<vmem>>, vector<16xi32>,
        }
        %scan3A_146 = arith.constant 8 : i32
        %dma_start3A_147 = arith.constant 0 : i32
        %dma_start3A_148 = arith.constant 0 : i32
        %dma_start3A_149 = tpu.memref_slice %arg2[%dma_start3A_147, %dma_start3A_148] : memref<10000x128xf32, #tpu.memory_space<hbm>> -> memref<10000x128xf32, #tpu.memory_space<hbm>>
        tpu.enqueue_indirect_dma source(%dma_start3A_149 : memref<10000x128xf32, #tpu.memory_space<hbm>>) target(%arg23 : memref<120x128xf32, #tpu.memory_space<vmem>>) offsets(%arg21 : memref<120xi32, #tpu.memory_space<vmem>>) semaphore(%arg27 : memref<!tpu.dma_semaphore, #tpu.memory_space<semaphore_mem>>)
      } else {
      }
      %mul3A_85 = arith.constant 120 : i32
      %mul3A_86 = arith.muli %add3A_76, %mul3A_85 : i32
      %add3A_87 = arith.addi %add3A, %mul3A_86 : i32
      %mul3A_88 = arith.constant 1 : i32
      %mul3A_89 = arith.muli %arg0, %mul3A_88 : i32
      %add3A_90 = arith.constant 0 : i32
      %add3A_91 = arith.addi %mul3A_89, %add3A_90 : i32
      %mul3A_92 = arith.constant 330240 : i32
      %mul3A_93 = arith.muli %add3A_91, %mul3A_92 : i32
      %add3A_94 = arith.addi %mul3A_93, %add3A_87 : i32
      "tpu.region"() ({
        %run_scoped3A = tpu.sem_alloc : memref<!tpu.dma_semaphore, #tpu.memory_space<semaphore_mem>>
        %dma_start3A_137 = arith.constant 0 : i32
        %dma_start3A_138 = tpu.memref_slice %arg24[%dma_start3A_137] : memref<120xf32, #tpu.memory_space<vmem>> -> memref<120xf32, #tpu.memory_space<vmem>>
        %dma_start3A_139 = tpu.memref_slice %arg9[%add3A_94] : memref<660480xf32, #tpu.memory_space<hbm>> -> memref<120xf32, #tpu.memory_space<hbm>>
        %dma_start3A_140 = arith.constant 0 : i32
        %dma_start3A_141 = tpu.memref_slice %arg24[%dma_start3A_140] : memref<120xf32, #tpu.memory_space<vmem>> -> memref<120xf32, #tpu.memory_space<vmem>>
        %dma_start3A_142 = tpu.memref_slice %arg9[%add3A_94] : memref<660480xf32, #tpu.memory_space<hbm>> -> memref<120xf32, #tpu.memory_space<hbm>>
        tpu.enqueue_dma source(%dma_start3A_142 : memref<120xf32, #tpu.memory_space<hbm>>) target(%dma_start3A_141 : memref<120xf32, #tpu.memory_space<vmem>>) target_semaphore(%run_scoped3A : memref<!tpu.dma_semaphore, #tpu.memory_space<semaphore_mem>>)
        %dma_wait3A_143 = arith.constant 0 : i32
        %dma_wait3A_144 = tpu.memref_slice %arg24[%dma_wait3A_143] : memref<120xf32, #tpu.memory_space<vmem>> -> memref<120xf32, #tpu.memory_space<vmem>>
        %dma_wait3A_145 = tpu.memref_slice %arg9[%add3A_94] : memref<660480xf32, #tpu.memory_space<hbm>> -> memref<120xf32, #tpu.memory_space<hbm>>
        %dma_wait3A_146 = arith.constant 0 : i32
        %dma_wait3A_147 = tpu.memref_slice %arg24[%dma_wait3A_146] : memref<120xf32, #tpu.memory_space<vmem>> -> memref<120xf32, #tpu.memory_space<vmem>>
        %dma_wait3A_148 = tpu.memref_slice %arg9[%add3A_94] : memref<660480xf32, #tpu.memory_space<hbm>> -> memref<120xf32, #tpu.memory_space<hbm>>
        tpu.wait_dma2 semaphore(%run_scoped3A : memref<!tpu.dma_semaphore, #tpu.memory_space<semaphore_mem>>) src(%dma_wait3A_148 : memref<120xf32, #tpu.memory_space<hbm>>) dst(%dma_wait3A_147 : memref<120xf32, #tpu.memory_space<vmem>>)
        tpu.yield
      }) : () -> ()
      "tpu.region"() ({
        %run_scoped3A = tpu.sem_alloc : memref<!tpu.dma_semaphore, #tpu.memory_space<semaphore_mem>>
        %dma_start3A_137 = arith.constant 0 : i32
        %dma_start3A_138 = tpu.memref_slice %arg25[%dma_start3A_137] : memref<120xf32, #tpu.memory_space<vmem>> -> memref<120xf32, #tpu.memory_space<vmem>>
        %dma_start3A_139 = arith.constant 0 : i32
        %dma_start3A_140 = tpu.memref_slice %arg29[%dma_start3A_139] : memref<10240xf32, #tpu.memory_space<vmem_shared>> -> memref<10240xf32, #tpu.memory_space<vmem_shared>>
        tpu.enqueue_indirect_dma source(%dma_start3A_140 : memref<10240xf32, #tpu.memory_space<vmem_shared>>) target(%dma_start3A_138 : memref<120xf32, #tpu.memory_space<vmem>>) offsets(%arg18 : memref<120xi32, #tpu.memory_space<vmem>>) semaphore(%run_scoped3A : memref<!tpu.dma_semaphore, #tpu.memory_space<semaphore_mem>>)
        %dma_wait3A_141 = arith.constant 0 : i32
        %dma_wait3A_142 = tpu.memref_slice %arg25[%dma_wait3A_141] : memref<120xf32, #tpu.memory_space<vmem>> -> memref<120xf32, #tpu.memory_space<vmem>>
        %dma_wait3A_143 = arith.constant 0 : i32
        %dma_wait3A_144 = tpu.memref_slice %arg29[%dma_wait3A_143] : memref<10240xf32, #tpu.memory_space<vmem_shared>> -> memref<10240xf32, #tpu.memory_space<vmem_shared>>
        tpu.wait_indirect_dma semaphore(%run_scoped3A : memref<!tpu.dma_semaphore, #tpu.memory_space<semaphore_mem>>) src(%dma_wait3A_144 : memref<10240xf32, #tpu.memory_space<vmem_shared>>) dst(%dma_wait3A_142 : memref<120xf32, #tpu.memory_space<vmem>>)
        tpu.yield
      }) : () -> ()
      %scan3A_95 = arith.constant 0 : i32
      %scan3A_96 = arith.constant 8 : i32
      %scan3A_97 = arith.addi %scan3A_95, %scan3A_96 : i32
      %scan3A_98 = arith.constant 1 : i32
      scf.for %scan3A_137 = %scan3A_95 to %scan3A_97 step %scan3A_98  : i32 {
        %mul3A_138 = arith.constant 16 : i32
        %mul3A_139 = arith.muli %scan3A_137, %mul3A_138 : i32
        %add3A_140 = arith.constant 0 : i32
        %add3A_141 = arith.addi %add3A_140, %mul3A_139 : i32
        %get3A = arith.index_cast %add3A_141 : i32 to index
        %get3A_142 = tpu.vector_load %arg24[%get3A] {strides = array<i32>} : memref<120xf32, #tpu.memory_space<vmem>>, vector<16xf32>,
        %get3A_143 = arith.index_cast %add3A_141 : i32 to index
        %get3A_144 = tpu.vector_load %arg25[%get3A_143] {strides = array<i32>} : memref<120xf32, #tpu.memory_space<vmem>>, vector<16xf32>,
        %mul3A_145 = arith.mulf %get3A_142, %get3A_144 : vector<16xf32>
        %swap3A = arith.index_cast %add3A_141 : i32 to index
        %swap3A_146 = tpu.vector_load %arg24[%swap3A] {strides = array<i32>} : memref<120xf32, #tpu.memory_space<vmem>>, vector<16xf32>,
        tpu.vector_store %arg24[%swap3A], %mul3A_145 {strides = array<i32>} : memref<120xf32, #tpu.memory_space<vmem>>, vector<16xf32>,
      }
      %scan3A_99 = arith.constant 8 : i32
      %scan3A_100 = arith.constant 0 : i32
      %scan3A_101 = arith.constant 120 : i32
      %scan3A_102 = arith.addi %scan3A_100, %scan3A_101 : i32
      %scan3A_103 = arith.constant 1 : i32
      scf.for %scan3A_137 = %scan3A_100 to %scan3A_102 step %scan3A_103  : i32 {
        %mul3A_138 = arith.constant 1 : i32
        %mul3A_139 = arith.muli %scan3A_137, %mul3A_138 : i32
        %add3A_140 = arith.constant 0 : i32
        %add3A_141 = arith.addi %add3A_140, %mul3A_139 : i32
        %broadcast_in_dim3A = arith.constant 0 : i32
        %broadcast_in_dim3A_142 = vector.broadcast %broadcast_in_dim3A : i32 to vector<16xi32>
        %add3A_143 = vector.broadcast %add3A_141 : i32 to vector<16xi32>
        %add3A_144 = arith.addi %broadcast_in_dim3A_142, %add3A_143 : vector<16xi32>
        %gather3A = tpu.vector_load_idx %arg24[%add3A_144] : memref<120xf32, #tpu.memory_space<vmem>>[vector<16xi32>], vector<16xf32>,
        %get3A = arith.index_cast %add3A_141 : i32 to index
        %get3A_145 = arith.constant 0 : index
        %get3A_146 = tpu.vector_load %arg22[%get3A, %get3A_145] {strides = array<i32>} : memref<120x128xf32, #tpu.memory_space<vmem>>, vector<16xf32>,
        %mul3A_147 = arith.mulf %get3A_146, %gather3A : vector<16xf32>
        %swap3A = arith.index_cast %add3A_141 : i32 to index
        %swap3A_148 = arith.constant 0 : index
        %swap3A_149 = tpu.vector_load %arg22[%swap3A, %swap3A_148] {strides = array<i32>} : memref<120x128xf32, #tpu.memory_space<vmem>>, vector<16xf32>,
        tpu.vector_store %arg22[%swap3A, %swap3A_148], %mul3A_147 {strides = array<i32>} : memref<120x128xf32, #tpu.memory_space<vmem>>, vector<16xf32>,
        %get3A_150 = arith.index_cast %add3A_141 : i32 to index
        %get3A_151 = arith.constant 16 : index
        %get3A_152 = tpu.vector_load %arg22[%get3A_150, %get3A_151] {strides = array<i32>} : memref<120x128xf32, #tpu.memory_space<vmem>>, vector<16xf32>,
        %mul3A_153 = arith.mulf %get3A_152, %gather3A : vector<16xf32>
        %swap3A_154 = arith.index_cast %add3A_141 : i32 to index
        %swap3A_155 = arith.constant 16 : index
        %swap3A_156 = tpu.vector_load %arg22[%swap3A_154, %swap3A_155] {strides = array<i32>} : memref<120x128xf32, #tpu.memory_space<vmem>>, vector<16xf32>,
        tpu.vector_store %arg22[%swap3A_154, %swap3A_155], %mul3A_153 {strides = array<i32>} : memref<120x128xf32, #tpu.memory_space<vmem>>, vector<16xf32>,
        %get3A_157 = arith.index_cast %add3A_141 : i32 to index
        %get3A_158 = arith.constant 32 : index
        %get3A_159 = tpu.vector_load %arg22[%get3A_157, %get3A_158] {strides = array<i32>} : memref<120x128xf32, #tpu.memory_space<vmem>>, vector<16xf32>,
        %mul3A_160 = arith.mulf %get3A_159, %gather3A : vector<16xf32>
        %swap3A_161 = arith.index_cast %add3A_141 : i32 to index
        %swap3A_162 = arith.constant 32 : index
        %swap3A_163 = tpu.vector_load %arg22[%swap3A_161, %swap3A_162] {strides = array<i32>} : memref<120x128xf32, #tpu.memory_space<vmem>>, vector<16xf32>,
        tpu.vector_store %arg22[%swap3A_161, %swap3A_162], %mul3A_160 {strides = array<i32>} : memref<120x128xf32, #tpu.memory_space<vmem>>, vector<16xf32>,
        %get3A_164 = arith.index_cast %add3A_141 : i32 to index
        %get3A_165 = arith.constant 48 : index
        %get3A_166 = tpu.vector_load %arg22[%get3A_164, %get3A_165] {strides = array<i32>} : memref<120x128xf32, #tpu.memory_space<vmem>>, vector<16xf32>,
        %mul3A_167 = arith.mulf %get3A_166, %gather3A : vector<16xf32>
        %swap3A_168 = arith.index_cast %add3A_141 : i32 to index
        %swap3A_169 = arith.constant 48 : index
        %swap3A_170 = tpu.vector_load %arg22[%swap3A_168, %swap3A_169] {strides = array<i32>} : memref<120x128xf32, #tpu.memory_space<vmem>>, vector<16xf32>,
        tpu.vector_store %arg22[%swap3A_168, %swap3A_169], %mul3A_167 {strides = array<i32>} : memref<120x128xf32, #tpu.memory_space<vmem>>, vector<16xf32>,
        %get3A_171 = arith.index_cast %add3A_141 : i32 to index
        %get3A_172 = arith.constant 64 : index
        %get3A_173 = tpu.vector_load %arg22[%get3A_171, %get3A_172] {strides = array<i32>} : memref<120x128xf32, #tpu.memory_space<vmem>>, vector<16xf32>,
        %mul3A_174 = arith.mulf %get3A_173, %gather3A : vector<16xf32>
        %swap3A_175 = arith.index_cast %add3A_141 : i32 to index
        %swap3A_176 = arith.constant 64 : index
        %swap3A_177 = tpu.vector_load %arg22[%swap3A_175, %swap3A_176] {strides = array<i32>} : memref<120x128xf32, #tpu.memory_space<vmem>>, vector<16xf32>,
        tpu.vector_store %arg22[%swap3A_175, %swap3A_176], %mul3A_174 {strides = array<i32>} : memref<120x128xf32, #tpu.memory_space<vmem>>, vector<16xf32>,
        %get3A_178 = arith.index_cast %add3A_141 : i32 to index
        %get3A_179 = arith.constant 80 : index
        %get3A_180 = tpu.vector_load %arg22[%get3A_178, %get3A_179] {strides = array<i32>} : memref<120x128xf32, #tpu.memory_space<vmem>>, vector<16xf32>,
        %mul3A_181 = arith.mulf %get3A_180, %gather3A : vector<16xf32>
        %swap3A_182 = arith.index_cast %add3A_141 : i32 to index
        %swap3A_183 = arith.constant 80 : index
        %swap3A_184 = tpu.vector_load %arg22[%swap3A_182, %swap3A_183] {strides = array<i32>} : memref<120x128xf32, #tpu.memory_space<vmem>>, vector<16xf32>,
        tpu.vector_store %arg22[%swap3A_182, %swap3A_183], %mul3A_181 {strides = array<i32>} : memref<120x128xf32, #tpu.memory_space<vmem>>, vector<16xf32>,
        %get3A_185 = arith.index_cast %add3A_141 : i32 to index
        %get3A_186 = arith.constant 96 : index
        %get3A_187 = tpu.vector_load %arg22[%get3A_185, %get3A_186] {strides = array<i32>} : memref<120x128xf32, #tpu.memory_space<vmem>>, vector<16xf32>,
        %mul3A_188 = arith.mulf %get3A_187, %gather3A : vector<16xf32>
        %swap3A_189 = arith.index_cast %add3A_141 : i32 to index
        %swap3A_190 = arith.constant 96 : index
        %swap3A_191 = tpu.vector_load %arg22[%swap3A_189, %swap3A_190] {strides = array<i32>} : memref<120x128xf32, #tpu.memory_space<vmem>>, vector<16xf32>,
        tpu.vector_store %arg22[%swap3A_189, %swap3A_190], %mul3A_188 {strides = array<i32>} : memref<120x128xf32, #tpu.memory_space<vmem>>, vector<16xf32>,
        %get3A_192 = arith.index_cast %add3A_141 : i32 to index
        %get3A_193 = arith.constant 112 : index
        %get3A_194 = tpu.vector_load %arg22[%get3A_192, %get3A_193] {strides = array<i32>} : memref<120x128xf32, #tpu.memory_space<vmem>>, vector<16xf32>,
        %mul3A_195 = arith.mulf %get3A_194, %gather3A : vector<16xf32>
        %swap3A_196 = arith.index_cast %add3A_141 : i32 to index
        %swap3A_197 = arith.constant 112 : index
        %swap3A_198 = tpu.vector_load %arg22[%swap3A_196, %swap3A_197] {strides = array<i32>} : memref<120x128xf32, #tpu.memory_space<vmem>>, vector<16xf32>,
        tpu.vector_store %arg22[%swap3A_196, %swap3A_197], %mul3A_195 {strides = array<i32>} : memref<120x128xf32, #tpu.memory_space<vmem>>, vector<16xf32>,
      }
      %scan3A_104 = arith.constant 120 : i32
      "tpu.region"() ({
        %run_scoped3A = tpu.sem_alloc : memref<!tpu.dma_semaphore, #tpu.memory_space<semaphore_mem>>
        %dma_start3A_137 = arith.constant 0 : i32
        %dma_start3A_138 = arith.constant 0 : i32
        %dma_start3A_139 = tpu.memref_slice %arg28[%dma_start3A_137, %dma_start3A_138] : memref<10240x128xf32, #tpu.memory_space<vmem_shared>> -> memref<10240x128xf32, #tpu.memory_space<vmem_shared>>
        tpu.enqueue_indirect_dma source(%arg22 : memref<120x128xf32, #tpu.memory_space<vmem>>) target(%dma_start3A_139 : memref<10240x128xf32, #tpu.memory_space<vmem_shared>>) offsets(%arg18 : memref<120xi32, #tpu.memory_space<vmem>>) semaphore(%run_scoped3A : memref<!tpu.dma_semaphore, #tpu.memory_space<semaphore_mem>>) {add = true}
        %dma_wait3A_140 = arith.constant 0 : i32
        %dma_wait3A_141 = arith.constant 0 : i32
        %dma_wait3A_142 = tpu.memref_slice %arg28[%dma_wait3A_140, %dma_wait3A_141] : memref<10240x128xf32, #tpu.memory_space<vmem_shared>> -> memref<10240x128xf32, #tpu.memory_space<vmem_shared>>
        tpu.wait_indirect_dma semaphore(%run_scoped3A : memref<!tpu.dma_semaphore, #tpu.memory_space<semaphore_mem>>) src(%arg22 : memref<120x128xf32, #tpu.memory_space<vmem>>) dst(%dma_wait3A_142 : memref<10240x128xf32, #tpu.memory_space<vmem_shared>>)
        tpu.yield
      }) : () -> ()
      %add3A_105 = arith.constant 1 : i32
      %add3A_106 = arith.addi %add3A_76, %add3A_105 : i32
      %dma_wait3A_107 = arith.constant 0 : i32
      %dma_wait3A_108 = arith.constant 0 : i32
      %dma_wait3A_109 = tpu.memref_slice %arg2[%dma_wait3A_107, %dma_wait3A_108] : memref<10000x128xf32, #tpu.memory_space<hbm>> -> memref<10000x128xf32, #tpu.memory_space<hbm>>
      tpu.wait_indirect_dma semaphore(%arg27 : memref<!tpu.dma_semaphore, #tpu.memory_space<semaphore_mem>>) src(%dma_wait3A_109 : memref<10000x128xf32, #tpu.memory_space<hbm>>) dst(%arg23 : memref<120x128xf32, #tpu.memory_space<vmem>>)
      %add3A_110 = arith.constant 1 : i32
      %add3A_111 = arith.addi %add3A_106, %add3A_110 : i32
      %lt3A_112 = arith.constant 86 : i32
      %lt3A_113 = arith.cmpi slt, %add3A_111, %lt3A_112 : i32
      %convert_element_type3A_114 = arith.extui %lt3A_113 : i1 to i32
      %cond3A_115 = arith.constant 0 : i32
      %cond3A_116 = arith.cmpi ne, %convert_element_type3A_114, %cond3A_115 : i32
      scf.if %cond3A_116 {
        %add3A_137 = arith.constant 1 : i32
        %add3A_138 = arith.addi %add3A_106, %add3A_137 : i32
        %mul3A_139 = arith.constant 120 : i32
        %mul3A_140 = arith.muli %add3A_138, %mul3A_139 : i32
        %add3A_141 = arith.addi %add3A, %mul3A_140 : i32
        "tpu.region"() ({
          %run_scoped3A = tpu.sem_alloc : memref<!tpu.dma_semaphore, #tpu.memory_space<semaphore_mem>>
          %dma_start3A_150 = tpu.memref_slice %arg3[%add3A_141] : memref<330240xi32, #tpu.memory_space<hbm>> -> memref<120xi32, #tpu.memory_space<hbm>>
          %dma_start3A_151 = tpu.memref_slice %arg3[%add3A_141] : memref<330240xi32, #tpu.memory_space<hbm>> -> memref<120xi32, #tpu.memory_space<hbm>>
          tpu.enqueue_dma source(%dma_start3A_151 : memref<120xi32, #tpu.memory_space<hbm>>) target(%arg16 : memref<120xi32, #tpu.memory_space<vmem>>) target_semaphore(%run_scoped3A : memref<!tpu.dma_semaphore, #tpu.memory_space<semaphore_mem>>)
          %dma_wait3A_152 = tpu.memref_slice %arg3[%add3A_141] : memref<330240xi32, #tpu.memory_space<hbm>> -> memref<120xi32, #tpu.memory_space<hbm>>
          %dma_wait3A_153 = tpu.memref_slice %arg3[%add3A_141] : memref<330240xi32, #tpu.memory_space<hbm>> -> memref<120xi32, #tpu.memory_space<hbm>>
          tpu.wait_dma2 semaphore(%run_scoped3A : memref<!tpu.dma_semaphore, #tpu.memory_space<semaphore_mem>>) src(%dma_wait3A_153 : memref<120xi32, #tpu.memory_space<hbm>>) dst(%arg16 : memref<120xi32, #tpu.memory_space<vmem>>)
          tpu.yield
        }) : () -> ()
        "tpu.region"() ({
          %run_scoped3A = tpu.sem_alloc : memref<!tpu.dma_semaphore, #tpu.memory_space<semaphore_mem>>
          %dma_start3A_150 = tpu.memref_slice %arg4[%add3A_141] : memref<330240xi32, #tpu.memory_space<hbm>> -> memref<120xi32, #tpu.memory_space<hbm>>
          %dma_start3A_151 = tpu.memref_slice %arg4[%add3A_141] : memref<330240xi32, #tpu.memory_space<hbm>> -> memref<120xi32, #tpu.memory_space<hbm>>
          tpu.enqueue_dma source(%dma_start3A_151 : memref<120xi32, #tpu.memory_space<hbm>>) target(%arg18 : memref<120xi32, #tpu.memory_space<vmem>>) target_semaphore(%run_scoped3A : memref<!tpu.dma_semaphore, #tpu.memory_space<semaphore_mem>>)
          %dma_wait3A_152 = tpu.memref_slice %arg4[%add3A_141] : memref<330240xi32, #tpu.memory_space<hbm>> -> memref<120xi32, #tpu.memory_space<hbm>>
          %dma_wait3A_153 = tpu.memref_slice %arg4[%add3A_141] : memref<330240xi32, #tpu.memory_space<hbm>> -> memref<120xi32, #tpu.memory_space<hbm>>
          tpu.wait_dma2 semaphore(%run_scoped3A : memref<!tpu.dma_semaphore, #tpu.memory_space<semaphore_mem>>) src(%dma_wait3A_153 : memref<120xi32, #tpu.memory_space<hbm>>) dst(%arg18 : memref<120xi32, #tpu.memory_space<vmem>>)
          tpu.yield
        }) : () -> ()
        %scan3A_142 = arith.constant 0 : i32
        %scan3A_143 = arith.constant 8 : i32
        %scan3A_144 = arith.addi %scan3A_142, %scan3A_143 : i32
        %scan3A_145 = arith.constant 1 : i32
        scf.for %scan3A_150 = %scan3A_142 to %scan3A_144 step %scan3A_145  : i32 {
          %mul3A_151 = arith.constant 16 : i32
          %mul3A_152 = arith.muli %scan3A_150, %mul3A_151 : i32
          %add3A_153 = arith.constant 0 : i32
          %add3A_154 = arith.addi %add3A_153, %mul3A_152 : i32
          %get3A = arith.index_cast %add3A_154 : i32 to index
          %get3A_155 = tpu.vector_load %arg16[%get3A] {strides = array<i32>} : memref<120xi32, #tpu.memory_space<vmem>>, vector<16xi32>,
          %add3A_156 = arith.constant 0 : i32
          %add3A_157 = vector.broadcast %add3A_156 : i32 to vector<16xi32>
          %add3A_158 = arith.addi %get3A_155, %add3A_157 : vector<16xi32>
          %swap3A = arith.index_cast %add3A_154 : i32 to index
          %swap3A_159 = tpu.vector_load %arg20[%swap3A] {strides = array<i32>} : memref<120xi32, #tpu.memory_space<vmem>>, vector<16xi32>,
          tpu.vector_store %arg20[%swap3A], %add3A_158 {strides = array<i32>} : memref<120xi32, #tpu.memory_space<vmem>>, vector<16xi32>,
        }
        %scan3A_146 = arith.constant 8 : i32
        %dma_start3A_147 = arith.constant 0 : i32
        %dma_start3A_148 = arith.constant 0 : i32
        %dma_start3A_149 = tpu.memref_slice %arg2[%dma_start3A_147, %dma_start3A_148] : memref<10000x128xf32, #tpu.memory_space<hbm>> -> memref<10000x128xf32, #tpu.memory_space<hbm>>
        tpu.enqueue_indirect_dma source(%dma_start3A_149 : memref<10000x128xf32, #tpu.memory_space<hbm>>) target(%arg22 : memref<120x128xf32, #tpu.memory_space<vmem>>) offsets(%arg20 : memref<120xi32, #tpu.memory_space<vmem>>) semaphore(%arg26 : memref<!tpu.dma_semaphore, #tpu.memory_space<semaphore_mem>>)
      } else {
      }
      %mul3A_117 = arith.constant 120 : i32
      %mul3A_118 = arith.muli %add3A_106, %mul3A_117 : i32
      %add3A_119 = arith.addi %add3A, %mul3A_118 : i32
      %mul3A_120 = arith.constant 1 : i32
      %mul3A_121 = arith.muli %arg0, %mul3A_120 : i32
      %add3A_122 = arith.constant 0 : i32
      %add3A_123 = arith.addi %mul3A_121, %add3A_122 : i32
      %mul3A_124 = arith.constant 330240 : i32
      %mul3A_125 = arith.muli %add3A_123, %mul3A_124 : i32
      %add3A_126 = arith.addi %mul3A_125, %add3A_119 : i32
      "tpu.region"() ({
        %run_scoped3A = tpu.sem_alloc : memref<!tpu.dma_semaphore, #tpu.memory_space<semaphore_mem>>
        %dma_start3A_137 = arith.constant 0 : i32
        %dma_start3A_138 = tpu.memref_slice %arg24[%dma_start3A_137] : memref<120xf32, #tpu.memory_space<vmem>> -> memref<120xf32, #tpu.memory_space<vmem>>
        %dma_start3A_139 = tpu.memref_slice %arg9[%add3A_126] : memref<660480xf32, #tpu.memory_space<hbm>> -> memref<120xf32, #tpu.memory_space<hbm>>
        %dma_start3A_140 = arith.constant 0 : i32
        %dma_start3A_141 = tpu.memref_slice %arg24[%dma_start3A_140] : memref<120xf32, #tpu.memory_space<vmem>> -> memref<120xf32, #tpu.memory_space<vmem>>
        %dma_start3A_142 = tpu.memref_slice %arg9[%add3A_126] : memref<660480xf32, #tpu.memory_space<hbm>> -> memref<120xf32, #tpu.memory_space<hbm>>
        tpu.enqueue_dma source(%dma_start3A_142 : memref<120xf32, #tpu.memory_space<hbm>>) target(%dma_start3A_141 : memref<120xf32, #tpu.memory_space<vmem>>) target_semaphore(%run_scoped3A : memref<!tpu.dma_semaphore, #tpu.memory_space<semaphore_mem>>)
        %dma_wait3A_143 = arith.constant 0 : i32
        %dma_wait3A_144 = tpu.memref_slice %arg24[%dma_wait3A_143] : memref<120xf32, #tpu.memory_space<vmem>> -> memref<120xf32, #tpu.memory_space<vmem>>
        %dma_wait3A_145 = tpu.memref_slice %arg9[%add3A_126] : memref<660480xf32, #tpu.memory_space<hbm>> -> memref<120xf32, #tpu.memory_space<hbm>>
        %dma_wait3A_146 = arith.constant 0 : i32
        %dma_wait3A_147 = tpu.memref_slice %arg24[%dma_wait3A_146] : memref<120xf32, #tpu.memory_space<vmem>> -> memref<120xf32, #tpu.memory_space<vmem>>
        %dma_wait3A_148 = tpu.memref_slice %arg9[%add3A_126] : memref<660480xf32, #tpu.memory_space<hbm>> -> memref<120xf32, #tpu.memory_space<hbm>>
        tpu.wait_dma2 semaphore(%run_scoped3A : memref<!tpu.dma_semaphore, #tpu.memory_space<semaphore_mem>>) src(%dma_wait3A_148 : memref<120xf32, #tpu.memory_space<hbm>>) dst(%dma_wait3A_147 : memref<120xf32, #tpu.memory_space<vmem>>)
        tpu.yield
      }) : () -> ()
      "tpu.region"() ({
        %run_scoped3A = tpu.sem_alloc : memref<!tpu.dma_semaphore, #tpu.memory_space<semaphore_mem>>
        %dma_start3A_137 = arith.constant 0 : i32
        %dma_start3A_138 = tpu.memref_slice %arg25[%dma_start3A_137] : memref<120xf32, #tpu.memory_space<vmem>> -> memref<120xf32, #tpu.memory_space<vmem>>
        %dma_start3A_139 = arith.constant 0 : i32
        %dma_start3A_140 = tpu.memref_slice %arg29[%dma_start3A_139] : memref<10240xf32, #tpu.memory_space<vmem_shared>> -> memref<10240xf32, #tpu.memory_space<vmem_shared>>
        tpu.enqueue_indirect_dma source(%dma_start3A_140 : memref<10240xf32, #tpu.memory_space<vmem_shared>>) target(%dma_start3A_138 : memref<120xf32, #tpu.memory_space<vmem>>) offsets(%arg19 : memref<120xi32, #tpu.memory_space<vmem>>) semaphore(%run_scoped3A : memref<!tpu.dma_semaphore, #tpu.memory_space<semaphore_mem>>)
        %dma_wait3A_141 = arith.constant 0 : i32
        %dma_wait3A_142 = tpu.memref_slice %arg25[%dma_wait3A_141] : memref<120xf32, #tpu.memory_space<vmem>> -> memref<120xf32, #tpu.memory_space<vmem>>
        %dma_wait3A_143 = arith.constant 0 : i32
        %dma_wait3A_144 = tpu.memref_slice %arg29[%dma_wait3A_143] : memref<10240xf32, #tpu.memory_space<vmem_shared>> -> memref<10240xf32, #tpu.memory_space<vmem_shared>>
        tpu.wait_indirect_dma semaphore(%run_scoped3A : memref<!tpu.dma_semaphore, #tpu.memory_space<semaphore_mem>>) src(%dma_wait3A_144 : memref<10240xf32, #tpu.memory_space<vmem_shared>>) dst(%dma_wait3A_142 : memref<120xf32, #tpu.memory_space<vmem>>)
        tpu.yield
      }) : () -> ()
      %scan3A_127 = arith.constant 0 : i32
      %scan3A_128 = arith.constant 8 : i32
      %scan3A_129 = arith.addi %scan3A_127, %scan3A_128 : i32
      %scan3A_130 = arith.constant 1 : i32
      scf.for %scan3A_137 = %scan3A_127 to %scan3A_129 step %scan3A_130  : i32 {
        %mul3A_138 = arith.constant 16 : i32
        %mul3A_139 = arith.muli %scan3A_137, %mul3A_138 : i32
        %add3A_140 = arith.constant 0 : i32
        %add3A_141 = arith.addi %add3A_140, %mul3A_139 : i32
        %get3A = arith.index_cast %add3A_141 : i32 to index
        %get3A_142 = tpu.vector_load %arg24[%get3A] {strides = array<i32>} : memref<120xf32, #tpu.memory_space<vmem>>, vector<16xf32>,
        %get3A_143 = arith.index_cast %add3A_141 : i32 to index
        %get3A_144 = tpu.vector_load %arg25[%get3A_143] {strides = array<i32>} : memref<120xf32, #tpu.memory_space<vmem>>, vector<16xf32>,
        %mul3A_145 = arith.mulf %get3A_142, %get3A_144 : vector<16xf32>
        %swap3A = arith.index_cast %add3A_141 : i32 to index
        %swap3A_146 = tpu.vector_load %arg24[%swap3A] {strides = array<i32>} : memref<120xf32, #tpu.memory_space<vmem>>, vector<16xf32>,
        tpu.vector_store %arg24[%swap3A], %mul3A_145 {strides = array<i32>} : memref<120xf32, #tpu.memory_space<vmem>>, vector<16xf32>,
      }
      %scan3A_131 = arith.constant 8 : i32
      %scan3A_132 = arith.constant 0 : i32
      %scan3A_133 = arith.constant 120 : i32
      %scan3A_134 = arith.addi %scan3A_132, %scan3A_133 : i32
      %scan3A_135 = arith.constant 1 : i32
      scf.for %scan3A_137 = %scan3A_132 to %scan3A_134 step %scan3A_135  : i32 {
        %mul3A_138 = arith.constant 1 : i32
        %mul3A_139 = arith.muli %scan3A_137, %mul3A_138 : i32
        %add3A_140 = arith.constant 0 : i32
        %add3A_141 = arith.addi %add3A_140, %mul3A_139 : i32
        %broadcast_in_dim3A = arith.constant 0 : i32
        %broadcast_in_dim3A_142 = vector.broadcast %broadcast_in_dim3A : i32 to vector<16xi32>
        %add3A_143 = vector.broadcast %add3A_141 : i32 to vector<16xi32>
        %add3A_144 = arith.addi %broadcast_in_dim3A_142, %add3A_143 : vector<16xi32>
        %gather3A = tpu.vector_load_idx %arg24[%add3A_144] : memref<120xf32, #tpu.memory_space<vmem>>[vector<16xi32>], vector<16xf32>,
        %get3A = arith.index_cast %add3A_141 : i32 to index
        %get3A_145 = arith.constant 0 : index
        %get3A_146 = tpu.vector_load %arg23[%get3A, %get3A_145] {strides = array<i32>} : memref<120x128xf32, #tpu.memory_space<vmem>>, vector<16xf32>,
        %mul3A_147 = arith.mulf %get3A_146, %gather3A : vector<16xf32>
        %swap3A = arith.index_cast %add3A_141 : i32 to index
        %swap3A_148 = arith.constant 0 : index
        %swap3A_149 = tpu.vector_load %arg23[%swap3A, %swap3A_148] {strides = array<i32>} : memref<120x128xf32, #tpu.memory_space<vmem>>, vector<16xf32>,
        tpu.vector_store %arg23[%swap3A, %swap3A_148], %mul3A_147 {strides = array<i32>} : memref<120x128xf32, #tpu.memory_space<vmem>>, vector<16xf32>,
        %get3A_150 = arith.index_cast %add3A_141 : i32 to index
        %get3A_151 = arith.constant 16 : index
        %get3A_152 = tpu.vector_load %arg23[%get3A_150, %get3A_151] {strides = array<i32>} : memref<120x128xf32, #tpu.memory_space<vmem>>, vector<16xf32>,
        %mul3A_153 = arith.mulf %get3A_152, %gather3A : vector<16xf32>
        %swap3A_154 = arith.index_cast %add3A_141 : i32 to index
        %swap3A_155 = arith.constant 16 : index
        %swap3A_156 = tpu.vector_load %arg23[%swap3A_154, %swap3A_155] {strides = array<i32>} : memref<120x128xf32, #tpu.memory_space<vmem>>, vector<16xf32>,
        tpu.vector_store %arg23[%swap3A_154, %swap3A_155], %mul3A_153 {strides = array<i32>} : memref<120x128xf32, #tpu.memory_space<vmem>>, vector<16xf32>,
        %get3A_157 = arith.index_cast %add3A_141 : i32 to index
        %get3A_158 = arith.constant 32 : index
        %get3A_159 = tpu.vector_load %arg23[%get3A_157, %get3A_158] {strides = array<i32>} : memref<120x128xf32, #tpu.memory_space<vmem>>, vector<16xf32>,
        %mul3A_160 = arith.mulf %get3A_159, %gather3A : vector<16xf32>
        %swap3A_161 = arith.index_cast %add3A_141 : i32 to index
        %swap3A_162 = arith.constant 32 : index
        %swap3A_163 = tpu.vector_load %arg23[%swap3A_161, %swap3A_162] {strides = array<i32>} : memref<120x128xf32, #tpu.memory_space<vmem>>, vector<16xf32>,
        tpu.vector_store %arg23[%swap3A_161, %swap3A_162], %mul3A_160 {strides = array<i32>} : memref<120x128xf32, #tpu.memory_space<vmem>>, vector<16xf32>,
        %get3A_164 = arith.index_cast %add3A_141 : i32 to index
        %get3A_165 = arith.constant 48 : index
        %get3A_166 = tpu.vector_load %arg23[%get3A_164, %get3A_165] {strides = array<i32>} : memref<120x128xf32, #tpu.memory_space<vmem>>, vector<16xf32>,
        %mul3A_167 = arith.mulf %get3A_166, %gather3A : vector<16xf32>
        %swap3A_168 = arith.index_cast %add3A_141 : i32 to index
        %swap3A_169 = arith.constant 48 : index
        %swap3A_170 = tpu.vector_load %arg23[%swap3A_168, %swap3A_169] {strides = array<i32>} : memref<120x128xf32, #tpu.memory_space<vmem>>, vector<16xf32>,
        tpu.vector_store %arg23[%swap3A_168, %swap3A_169], %mul3A_167 {strides = array<i32>} : memref<120x128xf32, #tpu.memory_space<vmem>>, vector<16xf32>,
        %get3A_171 = arith.index_cast %add3A_141 : i32 to index
        %get3A_172 = arith.constant 64 : index
        %get3A_173 = tpu.vector_load %arg23[%get3A_171, %get3A_172] {strides = array<i32>} : memref<120x128xf32, #tpu.memory_space<vmem>>, vector<16xf32>,
        %mul3A_174 = arith.mulf %get3A_173, %gather3A : vector<16xf32>
        %swap3A_175 = arith.index_cast %add3A_141 : i32 to index
        %swap3A_176 = arith.constant 64 : index
        %swap3A_177 = tpu.vector_load %arg23[%swap3A_175, %swap3A_176] {strides = array<i32>} : memref<120x128xf32, #tpu.memory_space<vmem>>, vector<16xf32>,
        tpu.vector_store %arg23[%swap3A_175, %swap3A_176], %mul3A_174 {strides = array<i32>} : memref<120x128xf32, #tpu.memory_space<vmem>>, vector<16xf32>,
        %get3A_178 = arith.index_cast %add3A_141 : i32 to index
        %get3A_179 = arith.constant 80 : index
        %get3A_180 = tpu.vector_load %arg23[%get3A_178, %get3A_179] {strides = array<i32>} : memref<120x128xf32, #tpu.memory_space<vmem>>, vector<16xf32>,
        %mul3A_181 = arith.mulf %get3A_180, %gather3A : vector<16xf32>
        %swap3A_182 = arith.index_cast %add3A_141 : i32 to index
        %swap3A_183 = arith.constant 80 : index
        %swap3A_184 = tpu.vector_load %arg23[%swap3A_182, %swap3A_183] {strides = array<i32>} : memref<120x128xf32, #tpu.memory_space<vmem>>, vector<16xf32>,
        tpu.vector_store %arg23[%swap3A_182, %swap3A_183], %mul3A_181 {strides = array<i32>} : memref<120x128xf32, #tpu.memory_space<vmem>>, vector<16xf32>,
        %get3A_185 = arith.index_cast %add3A_141 : i32 to index
        %get3A_186 = arith.constant 96 : index
        %get3A_187 = tpu.vector_load %arg23[%get3A_185, %get3A_186] {strides = array<i32>} : memref<120x128xf32, #tpu.memory_space<vmem>>, vector<16xf32>,
        %mul3A_188 = arith.mulf %get3A_187, %gather3A : vector<16xf32>
        %swap3A_189 = arith.index_cast %add3A_141 : i32 to index
        %swap3A_190 = arith.constant 96 : index
        %swap3A_191 = tpu.vector_load %arg23[%swap3A_189, %swap3A_190] {strides = array<i32>} : memref<120x128xf32, #tpu.memory_space<vmem>>, vector<16xf32>,
        tpu.vector_store %arg23[%swap3A_189, %swap3A_190], %mul3A_188 {strides = array<i32>} : memref<120x128xf32, #tpu.memory_space<vmem>>, vector<16xf32>,
        %get3A_192 = arith.index_cast %add3A_141 : i32 to index
        %get3A_193 = arith.constant 112 : index
        %get3A_194 = tpu.vector_load %arg23[%get3A_192, %get3A_193] {strides = array<i32>} : memref<120x128xf32, #tpu.memory_space<vmem>>, vector<16xf32>,
        %mul3A_195 = arith.mulf %get3A_194, %gather3A : vector<16xf32>
        %swap3A_196 = arith.index_cast %add3A_141 : i32 to index
        %swap3A_197 = arith.constant 112 : index
        %swap3A_198 = tpu.vector_load %arg23[%swap3A_196, %swap3A_197] {strides = array<i32>} : memref<120x128xf32, #tpu.memory_space<vmem>>, vector<16xf32>,
        tpu.vector_store %arg23[%swap3A_196, %swap3A_197], %mul3A_195 {strides = array<i32>} : memref<120x128xf32, #tpu.memory_space<vmem>>, vector<16xf32>,
      }
      %scan3A_136 = arith.constant 120 : i32
      "tpu.region"() ({
        %run_scoped3A = tpu.sem_alloc : memref<!tpu.dma_semaphore, #tpu.memory_space<semaphore_mem>>
        %dma_start3A_137 = arith.constant 0 : i32
        %dma_start3A_138 = arith.constant 0 : i32
        %dma_start3A_139 = tpu.memref_slice %arg28[%dma_start3A_137, %dma_start3A_138] : memref<10240x128xf32, #tpu.memory_space<vmem_shared>> -> memref<10240x128xf32, #tpu.memory_space<vmem_shared>>
        tpu.enqueue_indirect_dma source(%arg23 : memref<120x128xf32, #tpu.memory_space<vmem>>) target(%dma_start3A_139 : memref<10240x128xf32, #tpu.memory_space<vmem_shared>>) offsets(%arg19 : memref<120xi32, #tpu.memory_space<vmem>>) semaphore(%run_scoped3A : memref<!tpu.dma_semaphore, #tpu.memory_space<semaphore_mem>>) {add = true}
        %dma_wait3A_140 = arith.constant 0 : i32
        %dma_wait3A_141 = arith.constant 0 : i32
        %dma_wait3A_142 = tpu.memref_slice %arg28[%dma_wait3A_140, %dma_wait3A_141] : memref<10240x128xf32, #tpu.memory_space<vmem_shared>> -> memref<10240x128xf32, #tpu.memory_space<vmem_shared>>
        tpu.wait_indirect_dma semaphore(%run_scoped3A : memref<!tpu.dma_semaphore, #tpu.memory_space<semaphore_mem>>) src(%arg23 : memref<120x128xf32, #tpu.memory_space<vmem>>) dst(%dma_wait3A_142 : memref<10240x128xf32, #tpu.memory_space<vmem_shared>>)
        tpu.yield
      }) : () -> ()
    }
    %scan3A_63 = arith.constant 43 : i32
    %barrier3A_64 = arith.constant 0 : index
    tpu.barrier barrier_id(%barrier3A_64)
    %mul3A_65 = arith.constant 640 : i32
    %mul3A_66 = arith.muli %arg1, %mul3A_65 : i32
    %mul3A_67 = arith.constant 10240 : i32
    %mul3A_68 = arith.muli %arg0, %mul3A_67 : i32
    %mul3A_69 = arith.constant 640 : i32
    %mul3A_70 = arith.muli %arg1, %mul3A_69 : i32
    %add3A_71 = arith.addi %mul3A_68, %mul3A_70 : i32
    "tpu.region"() ({
      %run_scoped3A = tpu.sem_alloc : memref<!tpu.dma_semaphore, #tpu.memory_space<semaphore_mem>>
      %dma_start3A_72 = arith.constant 0 : i32
      %dma_start3A_73 = tpu.memref_slice %arg8[%add3A_71, %dma_start3A_72] : memref<20480x128xf32, #tpu.memory_space<hbm>> -> memref<640x128xf32, #tpu.memory_space<hbm>>
      %dma_start3A_74 = arith.constant 0 : i32
      %dma_start3A_75 = tpu.memref_slice %arg28[%mul3A_66, %dma_start3A_74] : memref<10240x128xf32, #tpu.memory_space<vmem_shared>> -> memref<640x128xf32, #tpu.memory_space<vmem_shared>>
      tpu.enqueue_dma source(%dma_start3A_75 : memref<640x128xf32, #tpu.memory_space<vmem_shared>>) target(%dma_start3A_73 : memref<640x128xf32, #tpu.memory_space<hbm>>) target_semaphore(%run_scoped3A : memref<!tpu.dma_semaphore, #tpu.memory_space<semaphore_mem>>)
      %dma_wait3A = arith.constant 0 : i32
      %dma_wait3A_76 = tpu.memref_slice %arg8[%add3A_71, %dma_wait3A] : memref<20480x128xf32, #tpu.memory_space<hbm>> -> memref<640x128xf32, #tpu.memory_space<hbm>>
      %dma_wait3A_77 = arith.constant 0 : i32
      %dma_wait3A_78 = tpu.memref_slice %arg28[%mul3A_66, %dma_wait3A_77] : memref<10240x128xf32, #tpu.memory_space<vmem_shared>> -> memref<640x128xf32, #tpu.memory_space<vmem_shared>>
      tpu.wait_dma2 semaphore(%run_scoped3A : memref<!tpu.dma_semaphore, #tpu.memory_space<semaphore_mem>>) src(%dma_wait3A_78 : memref<640x128xf32, #tpu.memory_space<vmem_shared>>) dst(%dma_wait3A_76 : memref<640x128xf32, #tpu.memory_space<hbm>>)
      tpu.yield
    }) : () -> ()
    return
  }
}

module attributes {stable_mosaic.version = 14 : i64} {
  func.func @_tc1_body(%arg0: i32, %arg1: memref<1000x128xf32, #tpu.memory_space<vmem>>, %arg2: memref<128x256xf32, #tpu.memory_space<vmem>>, %arg3: memref<256x128xf32, #tpu.memory_space<vmem>>, %arg4: memref<256x128xf32, #tpu.memory_space<vmem>>, %arg5: memref<2x1000x128xf32, #tpu.memory_space<vmem>>, %arg6: memref<1000x128xf32, #tpu.memory_space<vmem>>, %arg7: memref<1000x128xf32, #tpu.memory_space<vmem>>) attributes {dimension_semantics = [#tpu.dimension_semantics<arbitrary>], iteration_bounds = array<i64: 10>, scalar_prefetch = 0 : i64, scratch_operands = 0 : i64, tpu.core_type = #tpu.core_type<tc>, window_params = [{transform_indices = @transform_0, window_bounds = array<i64: 1000, 128>}, {pipeline_mode = #tpu.pipeline_mode<synchronous>, transform_indices = @transform_1, window_bounds = array<i64: 128, 256>}, {pipeline_mode = #tpu.pipeline_mode<synchronous>, transform_indices = @transform_2, window_bounds = array<i64: 256, 128>}, {pipeline_mode = #tpu.pipeline_mode<synchronous>, transform_indices = @transform_3, window_bounds = array<i64: 256, 128>}, {transform_indices = @transform_4, window_bounds = array<i64: 2, 1000, 128>}, {transform_indices = @transform_5, window_bounds = array<i64: 1000, 128>}, {transform_indices = @transform_6, window_bounds = array<i64: 1000, 128>}]} {
    %get3A = arith.constant 0 : index
    %get3A_0 = arith.constant 0 : index
    %get3A_1 = vector.load %arg1[%get3A, %get3A_0] : memref<1000x128xf32, #tpu.memory_space<vmem>>, vector<1000x128xf32>
    %get3A_2 = arith.constant 0 : index
    %get3A_3 = arith.constant 0 : index
    %get3A_4 = vector.load %arg2[%get3A_2, %get3A_3] : memref<128x256xf32, #tpu.memory_space<vmem>>, vector<128x256xf32>
    %dot_general3A = arith.constant dense<0.000000e+00> : vector<1000x256xf32>
    %dot_general3A_5 = tpu.matmul %get3A_1, %get3A_4, %dot_general3A {dimension_numbers = #tpu.dot_dimension_numbers<[1], [0], [0], [1], [0, 0, 1, 1], [], []>, transpose_lhs_hint = false} : vector<1000x128xf32>, vector<128x256xf32>, vector<1000x256xf32> -> vector<1000x256xf32>
    %slice3A = vector.extract_strided_slice %dot_general3A_5 {offsets = [0, 0], sizes = [1000, 128], strides = [1, 1]} : vector<1000x256xf32> to vector<1000x128xf32>
    %swap3A = arith.constant 0 : index
    %swap3A_6 = arith.constant 0 : index
    %swap3A_7 = arith.constant 0 : index
    %swap3A_8 = vector.load %arg5[%swap3A, %swap3A_6, %swap3A_7] : memref<2x1000x128xf32, #tpu.memory_space<vmem>>, vector<1x1000x128xf32>
    %swap3A_9 = vector.shape_cast %swap3A_8 : vector<1x1000x128xf32> to vector<1000x128xf32>
    %swap3A_10 = vector.shape_cast %slice3A : vector<1000x128xf32> to vector<1x1000x128xf32>
    tpu.vector_store %arg5[%swap3A, %swap3A_6, %swap3A_7], %swap3A_10 {strides = array<i32>} : memref<2x1000x128xf32, #tpu.memory_space<vmem>>, vector<1x1000x128xf32>,
    %slice3A_11 = vector.extract_strided_slice %dot_general3A_5 {offsets = [0, 128], sizes = [1000, 128], strides = [1, 1]} : vector<1000x256xf32> to vector<1000x128xf32>
    %swap3A_12 = arith.constant 1 : index
    %swap3A_13 = arith.constant 0 : index
    %swap3A_14 = arith.constant 0 : index
    %swap3A_15 = vector.load %arg5[%swap3A_12, %swap3A_13, %swap3A_14] : memref<2x1000x128xf32, #tpu.memory_space<vmem>>, vector<1x1000x128xf32>
    %swap3A_16 = vector.shape_cast %swap3A_15 : vector<1x1000x128xf32> to vector<1000x128xf32>
    %swap3A_17 = vector.shape_cast %slice3A_11 : vector<1000x128xf32> to vector<1x1000x128xf32>
    tpu.vector_store %arg5[%swap3A_12, %swap3A_13, %swap3A_14], %swap3A_17 {strides = array<i32>} : memref<2x1000x128xf32, #tpu.memory_space<vmem>>, vector<1x1000x128xf32>,
    %get3A_18 = arith.constant 0 : index
    %get3A_19 = arith.constant 0 : index
    %get3A_20 = vector.load %arg3[%get3A_18, %get3A_19] : memref<256x128xf32, #tpu.memory_space<vmem>>, vector<256x128xf32>
    %dot_general3A_21 = arith.constant dense<0.000000e+00> : vector<1000x128xf32>
    %dot_general3A_22 = tpu.matmul %dot_general3A_5, %get3A_20, %dot_general3A_21 {dimension_numbers = #tpu.dot_dimension_numbers<[1], [0], [0], [1], [0, 0, 1, 1], [], []>, transpose_lhs_hint = false} : vector<1000x256xf32>, vector<256x128xf32>, vector<1000x128xf32> -> vector<1000x128xf32>
    %swap3A_23 = arith.constant 0 : index
    %swap3A_24 = arith.constant 0 : index
    %swap3A_25 = vector.load %arg6[%swap3A_23, %swap3A_24] : memref<1000x128xf32, #tpu.memory_space<vmem>>, vector<1000x128xf32>
    tpu.vector_store %arg6[%swap3A_23, %swap3A_24], %dot_general3A_22 {strides = array<i32>} : memref<1000x128xf32, #tpu.memory_space<vmem>>, vector<1000x128xf32>,
    %get3A_26 = arith.constant 0 : index
    %get3A_27 = arith.constant 0 : index
    %get3A_28 = vector.load %arg4[%get3A_26, %get3A_27] : memref<256x128xf32, #tpu.memory_space<vmem>>, vector<256x128xf32>
    %dot_general3A_29 = arith.constant dense<0.000000e+00> : vector<1000x128xf32>
    %dot_general3A_30 = tpu.matmul %dot_general3A_5, %get3A_28, %dot_general3A_29 {dimension_numbers = #tpu.dot_dimension_numbers<[1], [0], [0], [1], [0, 0, 1, 1], [], []>, transpose_lhs_hint = false} : vector<1000x256xf32>, vector<256x128xf32>, vector<1000x128xf32> -> vector<1000x128xf32>
    %swap3A_31 = arith.constant 0 : index
    %swap3A_32 = arith.constant 0 : index
    %swap3A_33 = vector.load %arg7[%swap3A_31, %swap3A_32] : memref<1000x128xf32, #tpu.memory_space<vmem>>, vector<1000x128xf32>
    tpu.vector_store %arg7[%swap3A_31, %swap3A_32], %dot_general3A_30 {strides = array<i32>} : memref<1000x128xf32, #tpu.memory_space<vmem>>, vector<1000x128xf32>,
    return
  }
  func.func @transform_0(%arg0: i32) -> (i32, i32) {
    %c0_i32 = arith.constant 0 : i32
    %c0_i32_0 = arith.constant 0 : i32
    return %arg0, %c0_i32 : i32, i32
  }
  func.func @transform_1(%arg0: i32) -> (i32, i32) {
    %c0_i32 = arith.constant 0 : i32
    %c0_i32_0 = arith.constant 0 : i32
    %c0_i32_1 = arith.constant 0 : i32
    return %c0_i32, %c0_i32_0 : i32, i32
  }
  func.func @transform_2(%arg0: i32) -> (i32, i32) {
    %c0_i32 = arith.constant 0 : i32
    %c0_i32_0 = arith.constant 0 : i32
    %c0_i32_1 = arith.constant 0 : i32
    return %c0_i32, %c0_i32_0 : i32, i32
  }
  func.func @transform_3(%arg0: i32) -> (i32, i32) {
    %c0_i32 = arith.constant 0 : i32
    %c0_i32_0 = arith.constant 0 : i32
    %c0_i32_1 = arith.constant 0 : i32
    return %c0_i32, %c0_i32_0 : i32, i32
  }
  func.func @transform_4(%arg0: i32) -> (i32, i32, i32) {
    %c0_i32 = arith.constant 0 : i32
    %c0_i32_0 = arith.constant 0 : i32
    %c0_i32_1 = arith.constant 0 : i32
    return %c0_i32, %arg0, %c0_i32_0 : i32, i32, i32
  }
  func.func @transform_5(%arg0: i32) -> (i32, i32) {
    %c0_i32 = arith.constant 0 : i32
    %c0_i32_0 = arith.constant 0 : i32
    return %arg0, %c0_i32 : i32, i32
  }
  func.func @transform_6(%arg0: i32) -> (i32, i32) {
    %c0_i32 = arith.constant 0 : i32
    %c0_i32_0 = arith.constant 0 : i32
    return %arg0, %c0_i32 : i32, i32
  }
}

module attributes {stable_mosaic.version = 14 : i64} {
  func.func @_tc2_body(%arg0: i32, %arg1: memref<1000x256xf32, #tpu.memory_space<vmem>>, %arg2: memref<256x128xf32, #tpu.memory_space<vmem>>, %arg3: memref<128x128xf32, #tpu.memory_space<vmem>>, %arg4: memref<128x128xf32, #tpu.memory_space<vmem>>, %arg5: memref<1000x128xf32, #tpu.memory_space<vmem>>, %arg6: memref<1000x128xf32, #tpu.memory_space<vmem>>, %arg7: memref<1000x128xf32, #tpu.memory_space<vmem>>) attributes {dimension_semantics = [#tpu.dimension_semantics<arbitrary>], iteration_bounds = array<i64: 10>, scalar_prefetch = 0 : i64, scratch_operands = 0 : i64, tpu.core_type = #tpu.core_type<tc>, window_params = [{transform_indices = @transform_0, window_bounds = array<i64: 1000, 256>}, {pipeline_mode = #tpu.pipeline_mode<synchronous>, transform_indices = @transform_1, window_bounds = array<i64: 256, 128>}, {pipeline_mode = #tpu.pipeline_mode<synchronous>, transform_indices = @transform_2, window_bounds = array<i64: 128, 128>}, {pipeline_mode = #tpu.pipeline_mode<synchronous>, transform_indices = @transform_3, window_bounds = array<i64: 128, 128>}, {transform_indices = @transform_4, window_bounds = array<i64: 1000, 128>}, {transform_indices = @transform_5, window_bounds = array<i64: 1000, 128>}, {transform_indices = @transform_6, window_bounds = array<i64: 1000, 128>}]} {
    %get3A = arith.constant 0 : index
    %get3A_0 = arith.constant 0 : index
    %get3A_1 = vector.load %arg1[%get3A, %get3A_0] : memref<1000x256xf32, #tpu.memory_space<vmem>>, vector<1000x256xf32>
    %mul3A = arith.constant 0.00999999977 : f32
    %mul3A_2 = vector.broadcast %mul3A : f32 to vector<1000x256xf32>
    %mul3A_3 = arith.mulf %mul3A_2, %get3A_1 : vector<1000x256xf32>
    %max3A = arith.maximumf %get3A_1, %mul3A_3 : vector<1000x256xf32>
    %get3A_4 = arith.constant 0 : index
    %get3A_5 = arith.constant 0 : index
    %get3A_6 = vector.load %arg2[%get3A_4, %get3A_5] : memref<256x128xf32, #tpu.memory_space<vmem>>, vector<256x128xf32>
    %dot_general3A = arith.constant dense<0.000000e+00> : vector<1000x128xf32>
    %dot_general3A_7 = tpu.matmul %max3A, %get3A_6, %dot_general3A {dimension_numbers = #tpu.dot_dimension_numbers<[1], [0], [0], [1], [0, 0, 1, 1], [], []>, transpose_lhs_hint = false} : vector<1000x256xf32>, vector<256x128xf32>, vector<1000x128xf32> -> vector<1000x128xf32>
    %swap3A = arith.constant 0 : index
    %swap3A_8 = arith.constant 0 : index
    %swap3A_9 = vector.load %arg5[%swap3A, %swap3A_8] : memref<1000x128xf32, #tpu.memory_space<vmem>>, vector<1000x128xf32>
    tpu.vector_store %arg5[%swap3A, %swap3A_8], %dot_general3A_7 {strides = array<i32>} : memref<1000x128xf32, #tpu.memory_space<vmem>>, vector<1000x128xf32>,
    %get3A_10 = arith.constant 0 : index
    %get3A_11 = arith.constant 0 : index
    %get3A_12 = vector.load %arg3[%get3A_10, %get3A_11] : memref<128x128xf32, #tpu.memory_space<vmem>>, vector<128x128xf32>
    %dot_general3A_13 = arith.constant dense<0.000000e+00> : vector<1000x128xf32>
    %dot_general3A_14 = tpu.matmul %dot_general3A_7, %get3A_12, %dot_general3A_13 {dimension_numbers = #tpu.dot_dimension_numbers<[1], [0], [0], [1], [0, 0, 1, 1], [], []>, transpose_lhs_hint = false} : vector<1000x128xf32>, vector<128x128xf32>, vector<1000x128xf32> -> vector<1000x128xf32>
    %swap3A_15 = arith.constant 0 : index
    %swap3A_16 = arith.constant 0 : index
    %swap3A_17 = vector.load %arg6[%swap3A_15, %swap3A_16] : memref<1000x128xf32, #tpu.memory_space<vmem>>, vector<1000x128xf32>
    tpu.vector_store %arg6[%swap3A_15, %swap3A_16], %dot_general3A_14 {strides = array<i32>} : memref<1000x128xf32, #tpu.memory_space<vmem>>, vector<1000x128xf32>,
    %get3A_18 = arith.constant 0 : index
    %get3A_19 = arith.constant 0 : index
    %get3A_20 = vector.load %arg4[%get3A_18, %get3A_19] : memref<128x128xf32, #tpu.memory_space<vmem>>, vector<128x128xf32>
    %dot_general3A_21 = arith.constant dense<0.000000e+00> : vector<1000x128xf32>
    %dot_general3A_22 = tpu.matmul %dot_general3A_7, %get3A_20, %dot_general3A_21 {dimension_numbers = #tpu.dot_dimension_numbers<[1], [0], [0], [1], [0, 0, 1, 1], [], []>, transpose_lhs_hint = false} : vector<1000x128xf32>, vector<128x128xf32>, vector<1000x128xf32> -> vector<1000x128xf32>
    %swap3A_23 = arith.constant 0 : index
    %swap3A_24 = arith.constant 0 : index
    %swap3A_25 = vector.load %arg7[%swap3A_23, %swap3A_24] : memref<1000x128xf32, #tpu.memory_space<vmem>>, vector<1000x128xf32>
    tpu.vector_store %arg7[%swap3A_23, %swap3A_24], %dot_general3A_22 {strides = array<i32>} : memref<1000x128xf32, #tpu.memory_space<vmem>>, vector<1000x128xf32>,
    return
  }
  func.func @transform_0(%arg0: i32) -> (i32, i32) {
    %c0_i32 = arith.constant 0 : i32
    %c0_i32_0 = arith.constant 0 : i32
    return %arg0, %c0_i32 : i32, i32
  }
  func.func @transform_1(%arg0: i32) -> (i32, i32) {
    %c0_i32 = arith.constant 0 : i32
    %c0_i32_0 = arith.constant 0 : i32
    %c0_i32_1 = arith.constant 0 : i32
    return %c0_i32, %c0_i32_0 : i32, i32
  }
  func.func @transform_2(%arg0: i32) -> (i32, i32) {
    %c0_i32 = arith.constant 0 : i32
    %c0_i32_0 = arith.constant 0 : i32
    %c0_i32_1 = arith.constant 0 : i32
    return %c0_i32, %c0_i32_0 : i32, i32
  }
  func.func @transform_3(%arg0: i32) -> (i32, i32) {
    %c0_i32 = arith.constant 0 : i32
    %c0_i32_0 = arith.constant 0 : i32
    %c0_i32_1 = arith.constant 0 : i32
    return %c0_i32, %c0_i32_0 : i32, i32
  }
  func.func @transform_4(%arg0: i32) -> (i32, i32) {
    %c0_i32 = arith.constant 0 : i32
    %c0_i32_0 = arith.constant 0 : i32
    return %arg0, %c0_i32 : i32, i32
  }
  func.func @transform_5(%arg0: i32) -> (i32, i32) {
    %c0_i32 = arith.constant 0 : i32
    %c0_i32_0 = arith.constant 0 : i32
    return %arg0, %c0_i32 : i32, i32
  }
  func.func @transform_6(%arg0: i32) -> (i32, i32) {
    %c0_i32 = arith.constant 0 : i32
    %c0_i32_0 = arith.constant 0 : i32
    return %arg0, %c0_i32 : i32, i32
  }
}

</mosaic_0001>

<sc_bundles>
// kernel: kernel.6.cloned.1.call-start
scs
__scs_entry_jumppad:
0x0: {  	(pc) =	sbr.rel $0x88, $3  }
0x1: {  	(tag) =	ssettag $0x0;
	lr =	simm.s32 $0x1  }
0x2: {  	[smem:$0x3F97] =	sst lr;
	_ =	strace $0xD0000000  }
0x3: {  	_ = 	snop  }
0x4: {  	_ = 	snop  }
0x5: {  	_ = 	snop  }
0x6: {  	_ = 	snop  }
0x7: {  	_ = 	snop  }
__scs_overlays_trampoline_lowered:
0x8: {  	[smem:$0x3FA6] =	sst s0  }
0x9: {  	[smem:$0x3FA7] =	sst s1  }
0xa: {  	[smem:$0x3FA8] =	sst s2  }
0xb: {  	[smem:$0x3FA9] =	sst s3  }
0xc: {  	[smem:$0x3FAA] =	sst s4  }
0xd: {  	[smem:$0x3FAB] =	sst s5  }
0xe: {  	[smem:$0x3FAC] =	sst s6  }
0xf: {  	[smem:$0x3FAD] =	sst s7  }
0x10: {  	[smem:$0x3FAE] =	sst s8  }
0x11: {  	[smem:$0x3FAF] =	sst s9;
	s0 =	simm.s32 @!p0 $0x0  }
0x12: {  	s1 =	sld [smem:$0x3F95];
	s0 =	simm.s32 @p0 $0x1  }
0x13: {  	[smem:$0x3FB0] =	sst s0;
	s0 =	simm.s32 @!p1 $0x0  }
0x14: {  	s2 =	sld [smem:$0x3F94];
	s0 =	simm.s32 @p1 $0x1  }
0x15: {  	[smem:$0x3FB1] =	sst s0;
	s0 =	simm.s32 @!p2 $0x0  }
0x16: {  	s3 =	sld [smem:$0x3FDB];
	s0 =	simm.s32 @p2 $0x1  }
0x17: {  	s4 =	simm.s32 $0x1BF5;
	[smem:$0x3FB3] =	sst s0  }
0x18: {  	s0 =	sld [smem:$0x3F96];
	_ =	swait.ge [sflag:s4], $0x0  }
0x19: {  	s7 =	sld [smem:$0x3F97]  }
0x1a: {  	s8 =	sadd.s32 $0xFFFFE003, lr  }
0x1b: {  	s9 =	sadd.s32 $0xFFFFFEF7, lr;
	s5 =	simm.s32 $0xFFFFFFFF;
	p2 =	slt.u32 s8, $0xFFFFF086  }
0x1c: {  	p1 =	slt.u32 s9, $0xF7A;
	s5 =	simm.s32 @!p2 $0x0  }
0x1d: {  	s5 =	simm.s32 @p1 $0x1;
	p0 =	seq.s32 s7, s2  }
0x1e: {  	s7 =	smul.u32 @!p0 $0xF7A, s2;
	p2 =	seq.s32 @!p0 s5, $0x0  }
0x1f: {  	s9 =	smul.u32 $0xF7A, s1;
	s8 =	simm.s32 @!p0 $0x1BF5;
	p2 =	por !p2, p0  }
0x20: {  	[sflag:s8] =	ssyncset.s32 @!p0 $0xFFFFF086;
	s6 =	sadd.s32 @!p0 s3, s7;
	s7 =	simm.s32 @!p0 $0x108  }
0x21: {  	s3 =	sadd.s32 s3, s9;
	s6 =	sadd.s32 @!p0 $0x88, s6;
	s7 =	simm.s32 @p2 $0x1082  }
0x22: {  	[simem:s7], [sflag:s8] =	dma.local @!p0 [hbm:s6], $0xF7A  }
0x23: {  	s9 =	sor.u32 $0xD0000000, s2;
	s6 =	simm.s32 $0x108;
	_ =	swait.ge @!p0 [sflag:s8], $0x0  }
0x24: {  	s3 =	sadd.s32 $0x88, s3;
	s6 =	simm.s32 @!p1 $0x1082;
	[sflag:s4] =	ssyncset.s32 $0xFFFFF086  }
0x25: {  	[simem:s6], [sflag:s4] =	dma.local [hbm:s3], $0xF7A  }
0x26: {  	[smem:$0x3F97] =	sst s1;
	(tag) =	ssettag s2;
	_ =	strace s9  }
0x27: {  	s1 =	sld [smem:$0x3FA7]  }
0x28: {  	s2 =	sld [smem:$0x3FA8]  }
0x29: {  	s4 =	sld [smem:$0x3FAA]  }
0x2a: {  	p0 =	seq.s32 s5, $0x0;
	s5 =	sld [smem:$0x3FAB]  }
0x2b: {  	s6 =	sld [smem:$0x3FAC]  }
0x2c: {  	s7 =	sld [smem:$0x3FAD]  }
0x2d: {  	s3 =	simm.s32 $0x108;
	s8 =	sld [smem:$0x3FAE]  }
0x2e: {  	s3 =	simm.s32 @!p0 $0x1082;
	s9 =	sld [smem:$0x3FAF]  }
0x2f: {  	lr =	sadd.s32 s0, s3;
	s0 =	sld [smem:$0x3FA6]  }
0x30: {  	s3 =	sld [smem:$0x3FA9]  }
0x31: {  	[smem:$0x3FB2] =	sst s10  }
0x32: {  	s10 =	sld [smem:$0x3FB0];
	_ =	sdelay $0x3  }
0x33: {  	p0 =	seq.s32 s10, $0x1;
	s10 =	sld [smem:$0x3FB2];
	_ =	sdelay $0x3  }
0x34: {  	[smem:$0x3FB2] =	sst s10  }
0x35: {  	s10 =	sld [smem:$0x3FB1];
	_ =	sdelay $0x3  }
0x36: {  	p1 =	seq.s32 s10, $0x1;
	s10 =	sld [smem:$0x3FB2];
	_ =	sdelay $0x3  }
0x37: {  	[smem:$0x3FB2] =	sst s10  }
0x38: {  	s10 =	sld [smem:$0x3FB3]  }
0x39: {  	_ = 	snop;
	(pc) =	sbr.ind lr, $3  }
0x3a: {  	_ = 	snop  }
0x3b: {  	_ = 	snop  }
0x3c: {  	p2 =	seq.s32 s10, $0x1;
	s10 =	sld [smem:$0x3FB2]  }
0x3d: {  	_ =	shalt  }
0x3e: {  	_ =	shalt  }
0x3f: {  	_ =	shalt  }
0x40: {  	_ =	shalt  }
0x41: {  	_ =	shalt  }
0x42: {  	_ =	shalt  }
0x43: {  	_ =	shalt  }
0x44: {  	_ =	shalt  }
0x45: {  	_ =	shalt  }
0x46: {  	_ =	shalt  }
0x47: {  	_ =	shalt  }
0x48: {  	_ =	shalt  }
0x49: {  	_ =	shalt  }
0x4a: {  	_ =	shalt  }
0x4b: {  	_ =	shalt  }
0x4c: {  	_ =	shalt  }
0x4d: {  	_ =	shalt  }
0x4e: {  	_ =	shalt  }
0x4f: {  	_ =	shalt  }
0x50: {  	_ =	shalt  }
0x51: {  	_ =	shalt  }
0x52: {  	_ =	shalt  }
0x53: {  	_ =	shalt  }
0x54: {  	_ =	shalt  }
0x55: {  	_ =	shalt  }
0x56: {  	_ =	shalt  }
0x57: {  	_ =	shalt  }
0x58: {  	_ =	shalt  }
0x59: {  	_ =	shalt  }
0x5a: {  	_ =	shalt  }
0x5b: {  	_ =	shalt  }
0x5c: {  	_ =	shalt  }
0x5d: {  	_ =	shalt  }
0x5e: {  	_ =	shalt  }
0x5f: {  	_ =	shalt  }
0x60: {  	_ =	shalt  }
0x61: {  	_ =	shalt  }
0x62: {  	_ =	shalt  }
0x63: {  	_ =	shalt  }
0x64: {  	_ =	shalt  }
0x65: {  	_ =	shalt  }
0x66: {  	_ =	shalt  }
0x67: {  	_ =	shalt  }
0x68: {  	_ =	shalt  }
0x69: {  	_ =	shalt  }
0x6a: {  	_ =	shalt  }
0x6b: {  	_ =	shalt  }
0x6c: {  	_ =	shalt  }
0x6d: {  	_ =	shalt  }
0x6e: {  	_ =	shalt  }
0x6f: {  	_ =	shalt  }
0x70: {  	_ =	shalt  }
0x71: {  	_ =	shalt  }
0x72: {  	_ =	shalt  }
0x73: {  	_ =	shalt  }
0x74: {  	_ =	shalt  }
0x75: {  	_ =	shalt  }
0x76: {  	_ =	shalt  }
0x77: {  	_ =	shalt  }
0x78: {  	_ =	shalt  }
0x79: {  	_ =	shalt  }
0x7a: {  	_ =	shalt  }
0x7b: {  	_ =	shalt  }
0x7c: {  	_ =	shalt  }
0x7d: {  	_ =	shalt  }
0x7e: {  	_ =	shalt  }
0x7f: {  	_ =	shalt  }
0x80: {  	_ =	shalt  }
0x81: {  	_ =	shalt  }
0x82: {  	_ =	shalt  }
0x83: {  	_ =	shalt  }
0x84: {  	_ =	shalt  }
0x85: {  	_ =	shalt  }
0x86: {  	_ =	shalt  }
0x87: {  	_ =	shalt  }
.Lfunc_end0:
.L_simem_size_0:
called_computation_lowered:
.L_overlay_start_0:
0x88: {  	s2 =	sld [smem:$0x3FD9]  }
0x89: {  	s3 =	sld [smem:$0x3FFE];
	_ =	sdelay $0x1  }
0x8a: {  	s1 =	srdreg.scid  }
0x8b: {  	s0 =	sand.u32 $0x1, s1  }
0x8c: {  	s17 =	sshll.u32 s0, $0xA;
	s2 =	sadd.s32 s3, s2  }
0x8d: {  	s2 =	sadd.s32 s2, s17  }
0x8e: {  	[smem:$0x3FBE] =	sst s2  }
0x8f: {  	_ = 	snop  }
0x90: {  	s2 =	sld [smem:$0x3FC4]  }
0x91: {  	s18 =	sld [smem:$0x3FD0];
	(tm) =	ssettm $0x1  }
0x92: {  	s4 =	sld [smem:$0x3FFB];
	_ =	sdelay $0x3  }
0x93: {  	_ =	strace s4  }
0x94: {  	s4 =	sld [smem:$0x3FFC];
	_ =	sdelay $0x3  }
0x95: {  	_ =	strace s4  }
0x96: {  	s4 =	sld [smem:$0x3FFD];
	_ =	sdelay $0x3  }
0x97: {  	_ =	strace s4  }
0x98: {  	_ =	strace $0x8FFFFFFF  }
0x99: {  	s19 =	sld [smem:$0x3FDB];
	_ =	sdelay $0x1  }
0x9a: {  	s5 =	simm.s32 $_scs_section_size  }
0x9b: {  	s6 =	simm.s32 $_size__tile_overlayer_lowered;
	s7 =	simm.s32 $_tile_overlayer_lowered  }
0x9c: {  	s22 =	simm.s32 $0x1BFF;
	s21 =	sshll.u32 s7, $0x1;
	s4 =	sadd.s32 s5, s19  }
0x9d: {  	s8 =	simm.s32 $0x0;
	s20 =	sshll.u32 s6, $0x1;
	s6 =	sadd.s32 s21, s4  }
0x9e: {  	[timem:s8], [sflag:s22] =	dma.local [hbm:s6], s20  }
0x9f: {  	_ =	swait.ge [sflag:s22], s20  }
0xa0: {  	s5 =	ssub.s32 $0x0, s20;
	[sflag:s22] =	ssyncset.done $0x0  }
0xa1: {  	[sflag:s22] =	ssyncadd.s32 s5;
	_ =	sdelay $0x1  }
0xa2: {  	s23 =	simm.s32 $0x1B8B  }
0xa3: {  	_ =	swait.ge [sflag:s23], $0x1  }
0xa4: {  	[sflag:s23] =	ssyncset.done $0x0  }
0xa5: {  	s25 =	simm.s32 $0x1B8E;
	s24 =	sld [smem:$0x3FFE];
	[sflag:s23] =	ssyncadd.s32 $0xFFFFFFFF  }
0xa6: {  	s26 =	simm.s32 $execute0_lowered;
	[smem:$0x3FD2] =	sst s25  }
0xa7: {  	s6 =	sshll.u32 s26, $0x1;
	_ =	strace $0x80000046;
	[dreg:$0x1] =	wrdreg $0xFFFFFFFF  }
0xa8: {  	s28 =	simm.s32 $_size_execute0_lowered;
	s4 =	sadd.s32 s4, s6;
	[dreg:$0x0] =	wrdreg $0x0  }
0xa9: {  	s6 =	sshll.u32 s28, $0x1;
	[dreg:$0x2] =	wrdreg s4  }
0xaa: {  	[dreg:$0x3] =	wrdreg s6  }
0xab: {  	[dreg:$0x4] =	wrdreg $0xC0  }
0xac: {  	_ =	task [dreg:s8], $0x5FFFF  }
0xad: {  	[dreg:$0x1] =	wrdreg $0xFFFFFFFF  }
0xae: {  	[dreg:$0x0] =	wrdreg $0x60  }
0xaf: {  	[dreg:$0x2] =	wrdreg s24  }
0xb0: {  	[dreg:$0x3] =	wrdreg s18  }
0xb1: {  	[dreg:$0x4] =	wrdreg s2  }
0xb2: {  	[dreg:$0x5] =	wrdreg $0x8C000  }
0xb3: {  	[dreg:$0x6] =	wrdreg $0x1CC000  }
0xb4: {  	[dreg:$0x7] =	wrdreg $0x1CE800  }
0xb5: {  	[dreg:$0x8] =	wrdreg $0x1D1000  }
0xb6: {  	[dreg:$0x9] =	wrdreg $0x1D6000  }
0xb7: {  	[dreg:$0xa] =	wrdreg $0x1D3800  }
0xb8: {  	[dreg:$0xb] =	wrdreg $0x1D8800  }
0xb9: {  	[dreg:$0xc] =	wrdreg $0x9  }
0xba: {  	_ =	task.clear_ibuf [dreg:s8], $0xDFFFF;
	_ =	strace $0x90000046  }
0xbb: {  	s29 =	simm.s32 $0x9;
	_ =	strace $0x80000048  }
0xbc: {  	_ =	swait.ge [sflag:s29], $0x1  }
0xbd: {  	[sflag:s29] =	ssyncadd.s32 $0xFFFFFFFF  }
0xbe: {  	_ =	strace $0x90000048  }
0xbf: {  	_ =	sfence  }
0xc0: {  	s30 =	sld [smem:$0x0];
	_ =	sdelay $0x2  }
0xc1: {  	s31 =	sshll.u32 s1, $0xD;
	s1 =	sshrl.u32 s1, $0x2  }
0xc2: {  	s3 =	sand.u32 $0x4000, s31;
	s1 =	sadd.s32 s1, s30  }
0xc3: {  	s0 =	sor.u32 s3, s0;
	s1 =	sshll.u32 s1, $0x11  }
0xc4: {  	s0 =	sor.u32 s1, s0  }
0xc5: {  	s0 =	sadd.s32 $0x8F2B, s0  }
0xc6: {  	[sflag:s0] =	ssyncadd.remote.s32 $0x1  }
0xc7: {  	_ =	sfence.sel $0xFFFF  }
0xc8: {  	[dreg:$0x0] =	wrdreg $0xFFFFFFFF;
	(pc) =	sbr.abs _section_cstart, $3  }
0xc9: {  	[dreg:$0x1] =	wrdreg $0xFFFFFFFF  }
0xca: {  	_ =	task.clear_ibuf [dreg:s8], $0x2FFFF;
	_ =	strace $0x9FFFFFFF  }
0xcb: {  	(tm) =	ssettm $0x7FFFFFFF  }
tec
execute0_lowered:
.L_overlay_start_1:
0x0: {  	(tag) =	ssettag $0x1  }
0x1: {  	s14 =	rddreg [dreg:$0x0]  }
0x2: {  	s0 =	rddreg [dreg:$0x1]  }
0x3: {  	s1 =	rddreg [dreg:$0x2]  }
0x4: {  	s15 =	rddreg [dreg:$0x3]  }
0x5: {  	s2 =	rddreg [dreg:$0x4]  }
0x6: {  	s4 =	rddreg [dreg:$0x5]  }
0x7: {  	s17 =	rddreg [dreg:$0x6]  }
0x8: {  	s23 =	rddreg [dreg:$0x7];
	s3 =	srdreg.scid  }
0x9: {  	s16 =	stileid.u32;
	s6 =	simm.s32 $0x0;
	s30 =	simm.s32 $0x1000  }
0xa: {  	s31 =	simm.s32 $0x78;
	s29 =	simm.s32 $0x1080;
	s5 =	smul.u32 $0x280, s16  }
0xb: {  	s3 =	sand.u32 $0x1, s3;
	[smem:$0x7FF] =	sst s6;
	s12 =	smul.u32 $0x50A0, s16  }
0xc: {  	s11 =	sadd.s32 $0x4E200, s14;
	s7 =	sadd.s32 $0x62600, s14;
	s22 =	smul.u32 $0x50000, s16  }
0xd: {  	p0 =	sne.s32 s16, $0x0;
	s28 =	sadd.s32 $0x63A00, s14;
	s19 =	smul.u32 $0x2800, s3  }
0xe: {  	_ =	strace $0x80000047;
	s8 =	ssub.s32 $0x2, s3;
	s10 =	smul.u32 $0x5000, s3  }
0xf: {  	s20 =	smul.u32 $0xA00, s3;
	s25 =	sshll.u32 s3, $0x4;
	s9 =	sshrl.u32 s8, $0x1  }
0x10: {  	s13 =	sadd.s32 s5, s2;
	s26 =	sshrl.u32 s22, $0x2;
	s22 =	sadd.s32 $0x58400, s14  }
0x11: {  	s6 =	sadd.s32 s5, s19;
	s8 =	ssub.s32 s8, s9;
	s9 =	smul.u32 $0x2710, s3  }
0x12: {  	[dreg:$0xb] =	wrdreg s13;
	s10 =	sshrl.u32 s10, $0x3;
	s5 =	sadd.s32 s5, s4  }
0x13: {  	s18 =	sadd.s32 s0, s20;
	s13 =	sadd.s32 s7, s20;
	[dreg:$0xc] =	wrdreg s5  }
0x14: {  	s20 =	sadd.s32 s26, s15;
	s26 =	smov.u32 s14;
	[dreg:$0xd] =	wrdreg s18  }
0x15: {  	s6 =	sshll.u32 s6, $0x4;
	s21 =	sadd.s32 $0x500, s10;
	[dreg:$0xe] =	wrdreg s13  }
0x16: {  	s5 =	sshrl.u32 s12, $0x3;
	s13 =	smax.u32 s8, $0x1;
	[dreg:$0x12] =	wrdreg s20  }
0x17: {  	s15 =	sadd.s32 $0x7800, s20;
	s16 =	sadd.s32 $0xB400, s20;
	[dreg:$0x16] =	wrdreg s13  }
0x18: {  	s18 =	sadd.s32 $0xF000, s20;
	s19 =	sadd.s32 $0x12C00, s20;
	[dreg:$0x18] =	wrdreg s15  }
0x19: {  	s8 =	simm.s32 $0x2;
	s6 =	sadd.s32 s6, s14;
	[dreg:$0x19] =	wrdreg s16  }
0x1a: {  	s0 =	sadd.s32 s0, s21;
	s24 =	sadd.s32 s7, s21;
	[dreg:$0x1a] =	wrdreg s18  }
0x1b: {  	s21 =	smul.u32 $0xA1400, s3;
	s7 =	sadd.s32 s11, s5;
	[dreg:$0x1b] =	wrdreg s19  }
0x1c: {  	s14 =	sadd.s32 $0x3C00, s20;
	s18 =	simm.s32 $0x600;
	[dreg:$0xf] =	wrdreg s0  }
0x1d: {  	s19 =	simm.s32 $0x3;
	s3 =	simm.s32 $0x1;
	[dreg:$0x10] =	wrdreg s24  }
0x1e: {  	s13 =	simm.s32 $0x4E00;
	s0 =	sadd.s32 s1, s25;
	[dreg:$0x13] =	wrdreg s7  }
0x1f: {  	s10 =	sadd.s32 $0x8C000, s6;
	[dreg:$0x17] =	wrdreg s14;
	s24 =	sadd.s32 $0x78, s12  }
0x20: {  	s25 =	sadd.s32 $0xF0, s12;
	s14 =	simm.s32 $0x8A00;
	[dreg:$0x11] =	wrdreg s0  }
0x21: {  	s6 =	simm.s32 $0x8A78;
	s7 =	simm.s32 $0x8B78;
	[dreg:$0x15] =	wrdreg s10  }
0x22: {  	s1 =	simm.s32 $0x0;
	s0 =	sadd.s32 s22, s5;
	[dreg:$0x1c] =	wrdreg s24  }
0x23: {  	s15 =	sadd.s32 $0x50A00, s21;
	[dreg:$0x1d] =	wrdreg s25;
	s24 =	simm.s32 $0x300  }
0x24: {  	v1 =	vimm.f32 $0.0e+00;
	v0 =	vmov s9;
	s25 =	simm.s32 $0x2B0;
	s5 =	simm.s32 $0x8B00;
	[dreg:$0x14] =	wrdreg s0  }
.LBB2_1:
0x25: {  	[tilespmem:$0x600] =	vst v1  }
0x26: {  	[tilespmem:$0x610] =	vst v1  }
0x27: {  	[tilespmem:$0x620] =	vst v1  }
0x28: {  	[tilespmem:$0x630] =	vst v1  }
0x29: {  	[tilespmem:$0x640] =	vst v1  }
0x2a: {  	[tilespmem:$0x650] =	vst v1  }
0x2b: {  	[tilespmem:$0x660] =	vst v1  }
0x2c: {  	[tilespmem:$0x670] =	vst v1  }
0x2d: {  	[tilespmem:$0x680] =	vst v1  }
0x2e: {  	[tilespmem:$0x690] =	vst v1  }
0x2f: {  	[tilespmem:$0x6A0] =	vst v1  }
0x30: {  	[tilespmem:$0x6B0] =	vst v1  }
0x31: {  	[tilespmem:$0x6C0] =	vst v1  }
0x32: {  	[tilespmem:$0x6D0] =	vst v1  }
0x33: {  	[tilespmem:$0x6E0] =	vst v1  }
0x34: {  	[tilespmem:$0x6F0] =	vst v1  }
0x35: {  	[tilespmem:$0x700] =	vst v1  }
0x36: {  	[tilespmem:$0x710] =	vst v1  }
0x37: {  	[tilespmem:$0x720] =	vst v1  }
0x38: {  	[tilespmem:$0x730] =	vst v1  }
0x39: {  	[tilespmem:$0x740] =	vst v1  }
0x3a: {  	[tilespmem:$0x750] =	vst v1  }
0x3b: {  	[tilespmem:$0x760] =	vst v1  }
0x3c: {  	[tilespmem:$0x770] =	vst v1  }
0x3d: {  	[tilespmem:$0x780] =	vst v1  }
0x3e: {  	[tilespmem:$0x790] =	vst v1  }
0x3f: {  	[tilespmem:$0x7A0] =	vst v1  }
0x40: {  	[tilespmem:$0x7B0] =	vst v1  }
0x41: {  	[tilespmem:$0x7C0] =	vst v1  }
0x42: {  	[tilespmem:$0x7D0] =	vst v1  }
0x43: {  	[tilespmem:$0x7E0] =	vst v1  }
0x44: {  	[tilespmem:$0x7F0] =	vst v1  }
0x45: {  	[tilespmem:$0x800] =	vst v1  }
0x46: {  	[tilespmem:$0x810] =	vst v1  }
0x47: {  	[tilespmem:$0x820] =	vst v1  }
0x48: {  	[tilespmem:$0x830] =	vst v1  }
0x49: {  	[tilespmem:$0x840] =	vst v1  }
0x4a: {  	[tilespmem:$0x850] =	vst v1  }
0x4b: {  	[tilespmem:$0x860] =	vst v1  }
0x4c: {  	[tilespmem:$0x870] =	vst v1  }
0x4d: {  	[tilespmem:$0x880] =	vst v1  }
0x4e: {  	[dreg:$0x1e] =	wrdreg s1;
	[tilespmem:$0x890] =	vst v1  }
0x4f: {  	[tilespmem:$0x8A0] =	vst v1;
	s0 =	rddreg [dreg:$0xb]  }
0x50: {  	[spmem:s0] =	stream.linear.scatter [tilespmem:s18], [sflag:$0x3], $0x280, $0x38;
	[tilespmem:$0x1DB00] =	vst v63  }
0x51: {  	_ =	swait.ge [sflag:s19], $0x280  }
0x52: {  	[sflag:s19] =	ssyncset.done $0x0  }
0x53: {  	s1 =	rddreg [dreg:$0xc];
	[sflag:s19] =	ssyncadd.s32 $0xFFFFFD80  }
0x54: {  	[spmem:s1] =	stream.linear.scatter [tilespmem:s18], [sflag:$0x3], $0x280, $0x38;
	[tilespmem:$0x1DB00] =	vst v63  }
0x55: {  	_ =	swait.ge [sflag:s19], $0x280  }
0x56: {  	s0 =	sshrl.u32 @!p0 s17, $0x3;
	[sflag:s19] =	ssyncset.done $0x0  }
0x57: {  	s1 =	simm.s32 @!p0 $0x1C03;
	s9 =	rddreg [dreg:$0xd];
	[sflag:s19] =	ssyncadd.s32 $0xFFFFFD80  }
0x58: {  	[spmem:s0], [sflag:s1] =	dma.local @!p0 [hbm:s9], $0x500  }
0x59: {  	s0 =	simm.s32 @!p0 $0x3  }
0x5a: {  	_ =	swait.ge @!p0 [sflag:s0], $0x500  }
0x5b: {  	[sflag:s0] =	ssyncset.done @!p0 $0x0  }
0x5c: {  	s9 =	sshrl.u32 @!p0 s23, $0x3;
	s10 =	rddreg [dreg:$0xe];
	[sflag:s0] =	ssyncadd.s32 @!p0 $0xFFFFFB00  }
0x5d: {  	[spmem:s9], [sflag:s1] =	dma.local @!p0 [hbm:s10], $0x500  }
0x5e: {  	_ =	swait.ge @!p0 [sflag:s0], $0x500  }
0x5f: {  	[sflag:s0] =	ssyncset.done @!p0 $0x0  }
0x60: {  	[sflag:s0] =	ssyncadd.s32 @!p0 $0xFFFFFB00  }
0x61: {  	s9 =	rddreg [dreg:$0x8]  }
0x62: {  	s10 =	rddreg [dreg:$0xf];
	s9 =	sshrl.u32 @!p0 s9, $0x3  }
0x63: {  	[spmem:s9], [sflag:s1] =	dma.local @!p0 [hbm:s10], $0x500  }
0x64: {  	_ =	swait.ge @!p0 [sflag:s0], $0x500  }
0x65: {  	[sflag:s0] =	ssyncset.done @!p0 $0x0  }
0x66: {  	[sflag:s0] =	ssyncadd.s32 @!p0 $0xFFFFFB00  }
0x67: {  	s9 =	rddreg [dreg:$0x9]  }
0x68: {  	s10 =	rddreg [dreg:$0x10];
	s9 =	sshrl.u32 @!p0 s9, $0x3  }
0x69: {  	[spmem:s9], [sflag:s1] =	dma.local @!p0 [hbm:s10], $0x500  }
0x6a: {  	_ =	swait.ge @!p0 [sflag:s0], $0x500  }
0x6b: {  	s16 =	simm.s32 $0xC00;
	[sflag:s0] =	ssyncset.done @!p0 $0x0  }
0x6c: {  	s9 =	simm.s32 $0x0;
	s10 =	rddreg [dreg:$0x11];
	[sflag:s0] =	ssyncadd.s32 @!p0 $0xFFFFFB00  }
0x6d: {  	[tilespmem:s16], [sflag:$0x3] =	stream.linear.gather [hbm4b:s10+s9], $0x80, $0x38;
	[tilespmem:$0x1DB00] =	vst v63  }
0x6e: {  	_ =	swait.ge [sflag:s19], $0x80  }
0x6f: {  	[sflag:s19] =	ssyncset.done $0x0  }
0x70: {  	[sflag:s19] =	ssyncadd.s32 $0xFFFFFF80  }
0x71: {  	s1 =	simm.s32 $0x200;
	s9 =	simm.s32 $0x0;
	v2 =	vld [tilespmem:$0xC00]  }
.LBB2_2:
0x72: {  	p1 =	sne.s32 s1, $0xEE00;
	_ =	sdelay $0x2  }
0x73: {  	s0 =	sshra.s32 s9, $0x2;
	s9 =	smov.u32 s1  }
0x74: {  	[tilespmem:s0+$0x1200] =	vst v2  }
0x75: {  	v2 =	vld [tilespmem:$0xC10];
	_ =	sdelay $0x4  }
0x76: {  	[tilespmem:s0+$0x1210] =	vst v2  }
0x77: {  	v2 =	vld [tilespmem:$0xC20];
	_ =	sdelay $0x4  }
0x78: {  	[tilespmem:s0+$0x1220] =	vst v2  }
0x79: {  	v2 =	vld [tilespmem:$0xC30];
	_ =	sdelay $0x4  }
0x7a: {  	[tilespmem:s0+$0x1230] =	vst v2  }
0x7b: {  	v2 =	vld [tilespmem:$0xC40];
	_ =	sdelay $0x4  }
0x7c: {  	[tilespmem:s0+$0x1240] =	vst v2  }
0x7d: {  	v2 =	vld [tilespmem:$0xC50];
	_ =	sdelay $0x4  }
0x7e: {  	[tilespmem:s0+$0x1250] =	vst v2  }
0x7f: {  	v2 =	vld [tilespmem:$0xC60];
	_ =	sdelay $0x4  }
0x80: {  	[tilespmem:s0+$0x1260] =	vst v2  }
0x81: {  	v2 =	vld [tilespmem:$0xC70];
	_ =	sdelay $0x1  }
.Ltmp0:
0x82: {  	(pc) =	sbr.rel @p1 .LBB2_2-.Ltmp0, $3  }
0x83: {  	_ =	sdelay $0x1  }
0x84: {  	[tilespmem:s0+$0x1270] =	vst v2  }
0x85: {  	s1 =	sadd.s32 $0x200, s1;
	v2 =	vld [tilespmem:$0xC00]  }
0x86: {  	_ =	sdelay $0x2  }
0x87: {  	s0 =	sshra.s32 s9, $0x2  }
0x88: {  	[tilespmem:s0+$0x1200] =	vst v2  }
0x89: {  	v2 =	vld [tilespmem:$0xC10];
	_ =	sdelay $0x4  }
0x8a: {  	[tilespmem:s0+$0x1210] =	vst v2  }
0x8b: {  	v2 =	vld [tilespmem:$0xC20];
	_ =	sdelay $0x4  }
0x8c: {  	[tilespmem:s0+$0x1220] =	vst v2  }
0x8d: {  	v2 =	vld [tilespmem:$0xC30];
	_ =	sdelay $0x4  }
0x8e: {  	[tilespmem:s0+$0x1230] =	vst v2  }
0x8f: {  	v2 =	vld [tilespmem:$0xC40];
	_ =	sdelay $0x4  }
0x90: {  	[tilespmem:s0+$0x1240] =	vst v2  }
0x91: {  	v2 =	vld [tilespmem:$0xC50];
	_ =	sdelay $0x4  }
0x92: {  	[tilespmem:s0+$0x1250] =	vst v2  }
0x93: {  	v2 =	vld [tilespmem:$0xC60];
	_ =	sdelay $0x4  }
0x94: {  	[tilespmem:s0+$0x1260] =	vst v2  }
0x95: {  	v2 =	vld [tilespmem:$0xC70];
	_ =	sdelay $0x4  }
0x96: {  	s1 =	simm.s32 $0x1200;
	[tilespmem:s0+$0x1270] =	vst v2  }
0x97: {  	[spmem:s20] =	stream.linear.scatter [tilespmem:s1], [sflag:$0x3], $0x3C00, $0x38;
	[tilespmem:$0x1DB00] =	vst v63  }
0x98: {  	_ =	swait.ge [sflag:s19], $0x3C00  }
0x99: {  	[sflag:s19] =	ssyncset.done $0x0  }
0x9a: {  	s20 =	rddreg [dreg:$0x17];
	[sflag:s19] =	ssyncadd.s32 $0xFFFFC400  }
0x9b: {  	[spmem:s20] =	stream.linear.scatter [tilespmem:s1], [sflag:$0x3], $0x3C00, $0x38;
	[tilespmem:$0x1DB00] =	vst v63  }
0x9c: {  	_ =	swait.ge [sflag:s19], $0x3C00  }
0x9d: {  	[sflag:s19] =	ssyncset.done $0x0  }
0x9e: {  	s9 =	rddreg [dreg:$0x18];
	[sflag:s19] =	ssyncadd.s32 $0xFFFFC400  }
0x9f: {  	[spmem:s9] =	stream.linear.scatter [tilespmem:s1], [sflag:$0x3], $0x3C00, $0x38;
	[tilespmem:$0x1DB00] =	vst v63  }
0xa0: {  	_ =	swait.ge [sflag:s19], $0x3C00  }
0xa1: {  	[sflag:s19] =	ssyncset.done $0x0  }
0xa2: {  	s10 =	rddreg [dreg:$0x19];
	[sflag:s19] =	ssyncadd.s32 $0xFFFFC400  }
0xa3: {  	[spmem:s10] =	stream.linear.scatter [tilespmem:s1], [sflag:$0x3], $0x3C00, $0x38;
	[tilespmem:$0x1DB00] =	vst v63  }
0xa4: {  	_ =	swait.ge [sflag:s19], $0x3C00  }
0xa5: {  	[sflag:s19] =	ssyncset.done $0x0  }
0xa6: {  	s16 =	rddreg [dreg:$0x1a];
	[sflag:s19] =	ssyncadd.s32 $0xFFFFC400  }
0xa7: {  	[spmem:s16] =	stream.linear.scatter [tilespmem:s1], [sflag:$0x3], $0x3C00, $0x38;
	[tilespmem:$0x1DB00] =	vst v63  }
0xa8: {  	_ =	swait.ge [sflag:s19], $0x3C00  }
0xa9: {  	[sflag:s19] =	ssyncset.done $0x0  }
0xaa: {  	s20 =	rddreg [dreg:$0x1b];
	[sflag:s19] =	ssyncadd.s32 $0xFFFFC400  }
0xab: {  	[spmem:s20] =	stream.linear.scatter [tilespmem:s1], [sflag:$0x3], $0x1400, $0x38;
	[tilespmem:$0x1DB00] =	vst v63  }
0xac: {  	_ =	swait.ge [sflag:s19], $0x1400  }
0xad: {  	[sflag:s19] =	ssyncset.done $0x0  }
0xae: {  	[sflag:s19] =	ssyncadd.s32 $0xFFFFEC00  }
0xaf: {  	s9 =	simm.s32 $0x0;
	s10 =	simm.s32 $0x0;
	[bflag:$0x0] =	sbarrier.arrive $0xFFFF  }
.LBB2_4:
0xb0: {  	s0 =	smul.u32 $0x2B0, s10;
	_ =	sdelay $0x1  }
0xb1: {  	s20 =	sadd.s32 s12, s0  }
0xb2: {  	s0 =	sshrl.u32 s20, $0x3  }
0xb3: {  	s1 =	sadd.s32 s11, s0  }
0xb4: {  	[tilespmem:s9], [sflag:$0x3] =	stream.linear.gather [hbm4b:s1+s9], $0x2B0, $0x38;
	[tilespmem:$0x1DB00] =	vst v63  }
0xb5: {  	_ =	swait.ge [sflag:s19], $0x2B0  }
0xb6: {  	[sflag:s19] =	ssyncset.done $0x0  }
0xb7: {  	s0 =	sadd.s32 s22, s0;
	[sflag:s19] =	ssyncadd.s32 $0xFFFFFD50  }
0xb8: {  	[tilespmem:s24], [sflag:$0x3] =	stream.linear.gather [hbm4b:s0+s9], $0x2B0, $0x38;
	[tilespmem:$0x1DB00] =	vst v63  }
0xb9: {  	_ =	swait.ge [sflag:s19], $0x2B0  }
0xba: {  	[sflag:s19] =	ssyncset.done $0x0  }
0xbb: {  	[sflag:s19] =	ssyncadd.s32 $0xFFFFFD50  }
0xbc: {  	[tilespmem:s18], [sflag:$0x3] =	stream.indirect.gather [spmem:s17], $0x1, s9, s25, $0xb8;
	[tilespmem:$0x1DB00] =	vst v63  }
0xbd: {  	_ =	swait.ge [sflag:s19], $0x2B0  }
0xbe: {  	[sflag:s19] =	ssyncset.done $0x0  }
0xbf: {  	s16 =	simm.s32 $0x900;
	[sflag:s19] =	ssyncadd.s32 $0xFFFFFD50  }
0xc0: {  	[tilespmem:s16], [sflag:$0x3] =	stream.indirect.gather [spmem:s23], $0x1, s24, s25, $0xb8;
	[tilespmem:$0x1DB00] =	vst v63  }
0xc1: {  	_ =	swait.ge [sflag:s19], $0x2B0  }
0xc2: {  	[sflag:s19] =	ssyncset.done $0x0  }
0xc3: {  	s0 =	simm.s32 $0x0;
	[sflag:s19] =	ssyncadd.s32 $0xFFFFFD50  }
0xc4: {  	s1 =	simm.s32 $0x40;
	v2 =	vld [tilespmem:s0+$0x900]  }
.LBB2_5:
0xc5: {  	p1 =	sne.s32 s1, $0xA80;
	v3 =	vld [tilespmem:s0+$0x600];
	_ =	sdelay $0x4  }
0xc6: {  	v2 =	vadd.f32 v2, v3;
	_ =	sdelay $0x1  }
0xc7: {  	v3 =	vmul.f32 $2.000000030e-01, v2;
	_ =	sdelay $0x1  }
0xc8: {  	v2 =	vmax.f32 v2, v3  }
0xc9: {  	v2 =	vmul.f32 $1.442695020e+00, v2;
	_ =	sdelay $0x1  }
0xca: {  	(erf) = vpow2.f32 v2;
	_ =	sdelay $0x5  }
.Ltmp1:
0xcb: {  	(pc) =	sbr.rel @p1 .LBB2_5-.Ltmp1, $3  }
0xcc: {  	_ =	sdelay $0x1  }
0xcd: {  	s16 =	sshra.s32 s1, $0x2;
	v3 =	vpop (erf)  }
0xce: {  	s1 =	sadd.s32 $0x40, s1;
	v2 =	vld [tilespmem:s16+$0x900];
	[tilespmem:s0+$0x600] =	vst v3;
	s0 =	smov.u32 s16  }
0xcf: {  	v3 =	vld [tilespmem:s0+$0x600];
	_ =	sdelay $0x4  }
0xd0: {  	v2 =	vadd.f32 v2, v3;
	_ =	sdelay $0x1  }
0xd1: {  	v3 =	vmul.f32 $2.000000030e-01, v2;
	_ =	sdelay $0x1  }
0xd2: {  	v2 =	vmax.f32 v2, v3  }
0xd3: {  	v2 =	vmul.f32 $1.442695020e+00, v2;
	_ =	sdelay $0x1  }
0xd4: {  	(erf) = vpow2.f32 v2;
	_ =	sdelay $0x7  }
0xd5: {  	s1 =	sadd.s32 s21, s20  }
0xd6: {  	s1 =	sshrl.u32 s1, $0x3;
	v2 =	vpop (erf)  }
0xd7: {  	s16 =	sadd.s32 s28, s1;
	s1 =	simm.s32 $0x0;
	[tilespmem:s0+$0x600] =	vst v2  }
0xd8: {  	[hbm4b:s16+s1] =	stream.linear.scatter [tilespmem:s18], [sflag:$0x3], $0x2B0, $0x38;
	[tilespmem:$0x1DB00] =	vst v63  }
0xd9: {  	_ =	swait.ge [sflag:s19], $0x2B0  }
0xda: {  	[sflag:s19] =	ssyncset.done $0x0  }
0xdb: {  	[sflag:s19] =	ssyncadd.s32 $0xFFFFFD50  }
0xdc: {  	[spmem:s2] =	stream.indirect.scatter.add.f32 [tilespmem:s18], [sflag:$0x3], $0x1, s24, s25, $0xb8;
	[tilespmem:$0x1DB00] =	vst v63  }
0xdd: {  	_ =	swait.ge [sflag:s19], $0x2B0  }
0xde: {  	[sflag:s19] =	ssyncset.done $0x0  }
0xdf: {  	[sflag:s19] =	ssyncadd.s32 $0xFFFFFD50  }
0xe0: {  	s16 =	rddreg [dreg:$0x8]  }
0xe1: {  	[tilespmem:s18], [sflag:$0x3] =	stream.indirect.gather [spmem:s16], $0x1, s1, s25, $0xb8;
	[tilespmem:$0x1DB00] =	vst v63  }
0xe2: {  	_ =	swait.ge [sflag:s19], $0x2B0  }
0xe3: {  	[sflag:s19] =	ssyncset.done $0x0  }
0xe4: {  	[sflag:s19] =	ssyncadd.s32 $0xFFFFFD50  }
0xe5: {  	s16 =	simm.s32 $0x900;
	s1 =	rddreg [dreg:$0x9]  }
0xe6: {  	[tilespmem:s16], [sflag:$0x3] =	stream.indirect.gather [spmem:s1], $0x1, s24, s25, $0xb8;
	[tilespmem:$0x1DB00] =	vst v63  }
0xe7: {  	_ =	swait.ge [sflag:s19], $0x2B0  }
0xe8: {  	[sflag:s19] =	ssyncset.done $0x0  }
0xe9: {  	s0 =	simm.s32 $0x0;
	[sflag:s19] =	ssyncadd.s32 $0xFFFFFD50  }
0xea: {  	s1 =	simm.s32 $0x40;
	v2 =	vld [tilespmem:s0+$0x900]  }
.LBB2_7:
0xeb: {  	p1 =	sne.s32 s1, $0xA80;
	v3 =	vld [tilespmem:s0+$0x600];
	_ =	sdelay $0x4  }
0xec: {  	v2 =	vadd.f32 v2, v3;
	_ =	sdelay $0x1  }
0xed: {  	v3 =	vmul.f32 $2.000000030e-01, v2;
	_ =	sdelay $0x1  }
0xee: {  	v2 =	vmax.f32 v2, v3  }
0xef: {  	v2 =	vmul.f32 $1.442695020e+00, v2;
	_ =	sdelay $0x1  }
0xf0: {  	(erf) = vpow2.f32 v2;
	_ =	sdelay $0x5  }
.Ltmp2:
0xf1: {  	(pc) =	sbr.rel @p1 .LBB2_7-.Ltmp2, $3  }
0xf2: {  	_ =	sdelay $0x1  }
0xf3: {  	s16 =	sshra.s32 s1, $0x2;
	v3 =	vpop (erf)  }
0xf4: {  	s1 =	sadd.s32 $0x40, s1;
	v2 =	vld [tilespmem:s16+$0x900];
	[tilespmem:s0+$0x600] =	vst v3;
	s0 =	smov.u32 s16  }
0xf5: {  	v3 =	vld [tilespmem:s0+$0x600];
	_ =	sdelay $0x4  }
0xf6: {  	v2 =	vadd.f32 v2, v3;
	_ =	sdelay $0x1  }
0xf7: {  	v3 =	vmul.f32 $2.000000030e-01, v2;
	_ =	sdelay $0x1  }
0xf8: {  	v2 =	vmax.f32 v2, v3  }
0xf9: {  	v2 =	vmul.f32 $1.442695020e+00, v2;
	_ =	sdelay $0x1  }
0xfa: {  	(erf) = vpow2.f32 v2;
	_ =	sdelay $0x7  }
0xfb: {  	s1 =	sadd.s32 s20, s15  }
0xfc: {  	s1 =	sshrl.u32 s1, $0x3;
	v2 =	vpop (erf)  }
0xfd: {  	s20 =	simm.s32 $0x0;
	s16 =	sadd.s32 s28, s1;
	[tilespmem:s0+$0x600] =	vst v2  }
0xfe: {  	[hbm4b:s16+s20] =	stream.linear.scatter [tilespmem:s18], [sflag:$0x3], $0x2B0, $0x38;
	[tilespmem:$0x1DB00] =	vst v63  }
0xff: {  	s10 =	sadd.s32 $0x1, s10;
	_ =	swait.ge [sflag:s19], $0x2B0  }
0x100: {  	p1 =	sne.s32 s10, $0x1E;
	[sflag:s19] =	ssyncset.done $0x0  }
.Ltmp3:
0x101: {  	[sflag:s19] =	ssyncadd.s32 $0xFFFFFD50;
	(pc) =	sbr.rel @p1 .LBB2_4-.Ltmp3, $4  }
0x102: {  	[spmem:s4] =	stream.indirect.scatter.add.f32 [tilespmem:s18], [sflag:$0x3], $0x1, s24, s25, $0xb8;
	[tilespmem:$0x1DB00] =	vst v63  }
0x103: {  	_ =	swait.ge [sflag:s19], $0x2B0  }
0x104: {  	[sflag:s19] =	ssyncset.done $0x0  }
0x105: {  	[sflag:s19] =	ssyncadd.s32 $0xFFFFFD50  }
0x106: {  	[bflag:$0x0] =	sbarrier.arrive $0xFFFF  }
0x107: {  	s9 =	simm.s32 $0xC80;
	s0 =	rddreg [dreg:$0xb]  }
0x108: {  	[tilespmem:s9], [sflag:$0x3] =	stream.linear.gather [spmem:s0], $0x280, $0x38;
	[tilespmem:$0x1DB00] =	vst v63  }
0x109: {  	_ =	swait.ge [sflag:s19], $0x280  }
0x10a: {  	[sflag:s19] =	ssyncset.done $0x0  }
0x10b: {  	s1 =	simm.s32 $0x40;
	s0 =	simm.s32 $0x0;
	[sflag:s19] =	ssyncadd.s32 $0xFFFFFD80  }
.LBB2_10:
0x10c: {  	p1 =	sne.s32 s1, $0x9C0;
	v2 =	vld [tilespmem:s0+$0xC80];
	_ =	sdelay $0x4  }
0x10d: {  	v2 =	vadd.f32 $1.000000020e-16, v2;
	_ =	sdelay $0x1  }
0x10e: {  	(erf) = vrcp.f32 v2;
	_ =	sdelay $0x5  }
.Ltmp4:
0x10f: {  	(pc) =	sbr.rel @p1 .LBB2_10-.Ltmp4, $3  }
0x110: {  	_ =	sdelay $0x1  }
0x111: {  	v2 =	vpop (erf)  }
0x112: {  	[tilespmem:s0+$0xC80] =	vst v2;
	s0 =	sshra.s32 s1, $0x2;
	s1 =	sadd.s32 $0x40, s1  }
0x113: {  	v2 =	vld [tilespmem:s0+$0xC80];
	_ =	sdelay $0x4  }
0x114: {  	v2 =	vadd.f32 $1.000000020e-16, v2;
	_ =	sdelay $0x1  }
0x115: {  	(erf) = vrcp.f32 v2;
	_ =	sdelay $0x8  }
0x116: {  	v2 =	vpop (erf)  }
0x117: {  	s20 =	rddreg [dreg:$0xb];
	[tilespmem:s0+$0xC80] =	vst v2  }
0x118: {  	[spmem:s20] =	stream.linear.scatter [tilespmem:s9], [sflag:$0x3], $0x280, $0x38;
	[tilespmem:$0x1DB00] =	vst v63  }
0x119: {  	_ =	swait.ge [sflag:s19], $0x280  }
0x11a: {  	[sflag:s19] =	ssyncset.done $0x0  }
0x11b: {  	s23 =	rddreg [dreg:$0xc];
	[sflag:s19] =	ssyncadd.s32 $0xFFFFFD80  }
0x11c: {  	[tilespmem:s9], [sflag:$0x3] =	stream.linear.gather [spmem:s23], $0x280, $0x38;
	[tilespmem:$0x1DB00] =	vst v63  }
0x11d: {  	_ =	swait.ge [sflag:s19], $0x280  }
0x11e: {  	[sflag:s19] =	ssyncset.done $0x0  }
0x11f: {  	s1 =	simm.s32 $0x40;
	s0 =	simm.s32 $0x0;
	[sflag:s19] =	ssyncadd.s32 $0xFFFFFD80  }
.LBB2_12:
0x120: {  	p1 =	sne.s32 s1, $0x9C0;
	v2 =	vld [tilespmem:s0+$0xC80];
	_ =	sdelay $0x4  }
0x121: {  	v2 =	vadd.f32 $1.000000020e-16, v2;
	_ =	sdelay $0x1  }
0x122: {  	(erf) = vrcp.f32 v2;
	_ =	sdelay $0x5  }
.Ltmp5:
0x123: {  	(pc) =	sbr.rel @p1 .LBB2_12-.Ltmp5, $3  }
0x124: {  	_ =	sdelay $0x1  }
0x125: {  	v2 =	vpop (erf)  }
0x126: {  	[tilespmem:s0+$0xC80] =	vst v2;
	s0 =	sshra.s32 s1, $0x2;
	s1 =	sadd.s32 $0x40, s1  }
0x127: {  	v2 =	vld [tilespmem:s0+$0xC80];
	_ =	sdelay $0x4  }
0x128: {  	v2 =	vadd.f32 $1.000000020e-16, v2;
	_ =	sdelay $0x1  }
0x129: {  	(erf) = vrcp.f32 v2;
	_ =	sdelay $0x8  }
0x12a: {  	v2 =	vpop (erf)  }
0x12b: {  	s10 =	rddreg [dreg:$0xc];
	[tilespmem:s0+$0xC80] =	vst v2  }
0x12c: {  	[spmem:s10] =	stream.linear.scatter [tilespmem:s9], [sflag:$0x3], $0x280, $0x38;
	[tilespmem:$0x1DB00] =	vst v63  }
0x12d: {  	_ =	swait.ge [sflag:s19], $0x280  }
0x12e: {  	[sflag:s19] =	ssyncset.done $0x0  }
0x12f: {  	[sflag:s19] =	ssyncadd.s32 $0xFFFFFD80  }
0x130: {  	[bflag:$0x0] =	sbarrier.arrive $0xFFFF  }
0x131: {  	s1 =	simm.s32 $0xF00;
	s10 =	simm.s32 $0x0;
	s16 =	rddreg [dreg:$0x13]  }
0x132: {  	[tilespmem:s1], [sflag:$0x3] =	stream.linear.gather [hbm4b:s16+s10], $0x78, $0x38;
	[tilespmem:$0x1DB00] =	vst v63  }
0x133: {  	_ =	swait.ge [sflag:s19], $0x78  }
0x134: {  	[sflag:s19] =	ssyncset.done $0x0  }
0x135: {  	s17 =	rddreg [dreg:$0x14];
	[sflag:s19] =	ssyncadd.s32 $0xFFFFFF88  }
0x136: {  	[tilespmem:s30], [sflag:$0x3] =	stream.linear.gather [hbm4b:s17+s10], $0x78, $0x38;
	[tilespmem:$0x1DB00] =	vst v63  }
0x137: {  	_ =	swait.ge [sflag:s19], $0x78  }
0x138: {  	[sflag:s19] =	ssyncset.done $0x0  }
0x139: {  	[sflag:s19] =	ssyncadd.s32 $0xFFFFFF88  }
0x13a: {  	v2 =	vld [tilespmem:$0xF00]  }
0x13b: {  	v3 =	vld [tilespmem:$0xF10]  }
0x13c: {  	v4 =	vld [tilespmem:$0xF20]  }
0x13d: {  	v5 =	vld [tilespmem:$0xF30]  }
0x13e: {  	v6 =	vld [tilespmem:$0xF40]  }
0x13f: {  	v7 =	vld [tilespmem:$0xF50];
	v2 =	vadd.s32 v0, v2  }
0x140: {  	[tilespmem:$0x1100] =	vst v2;
	v2 =	vadd.s32 v0, v3;
	v3 =	vld [tilespmem:$0xF60]  }
0x141: {  	v63 =	vld [tilespmem:$0xF70];
	[tilespmem:$0x1110] =	vst v2;
	v2 =	vadd.s32 v0, v4  }
0x142: {  	[tilespmem:$0x1120] =	vst v2;
	v2 =	vadd.s32 v0, v5  }
0x143: {  	[tilespmem:$0x1130] =	vst v2;
	v2 =	vadd.s32 v0, v6  }
0x144: {  	[tilespmem:$0x1140] =	vst v2;
	v2 =	vadd.s32 v0, v7  }
0x145: {  	[tilespmem:$0x1150] =	vst v2;
	v2 =	vadd.s32 v0, v3  }
0x146: {  	[tilespmem:$0x1160] =	vst v2;
	v2 =	vadd.s32 v0, v63  }
0x147: {  	s20 =	simm.s32 $0x1200;
	s23 =	simm.s32 $0x1100;
	s9 =	simm.s32 $0x0;
	[tilespmem:$0x1170] =	vst v2  }
0x148: {  	[tilespmem:s20], [sflag:$0x1] =	stream.indirect.gather [hbm4b:s26+s31], $0x80, s23, s31, $0xb8;
	[tilespmem:$0x1DB00] =	vst v63  }
.LBB2_14:
0x149: {  	s23 =	smul.u32 $0xF0, s9;
	_ =	swait.ge [sflag:s3], $0x3C00  }
0x14a: {  	s0 =	rddreg [dreg:$0x1c]  }
0x14b: {  	s20 =	sadd.s32 s23, s0  }
0x14c: {  	[sflag:s3] =	ssyncset.done $0x0;
	s0 =	sshrl.u32 s20, $0x3  }
0x14d: {  	s16 =	simm.s32 $0xF80;
	[sflag:s3] =	ssyncadd.s32 $0xFFFFC400;
	s1 =	sadd.s32 s11, s0  }
0x14e: {  	[tilespmem:s16], [sflag:$0x3] =	stream.linear.gather [hbm4b:s1+s10], $0x78, $0x38;
	[tilespmem:$0x1DB00] =	vst v63  }
0x14f: {  	_ =	swait.ge [sflag:s19], $0x78  }
0x150: {  	[sflag:s19] =	ssyncset.done $0x0  }
0x151: {  	s0 =	sadd.s32 s22, s0;
	[sflag:s19] =	ssyncadd.s32 $0xFFFFFF88  }
0x152: {  	[tilespmem:s29], [sflag:$0x3] =	stream.linear.gather [hbm4b:s0+s10], $0x78, $0x38;
	[tilespmem:$0x1DB00] =	vst v63  }
0x153: {  	_ =	swait.ge [sflag:s19], $0x78  }
0x154: {  	[sflag:s19] =	ssyncset.done $0x0  }
0x155: {  	[sflag:s19] =	ssyncadd.s32 $0xFFFFFF88  }
0x156: {  	v2 =	vld [tilespmem:$0xF80]  }
0x157: {  	v3 =	vld [tilespmem:$0xF90]  }
0x158: {  	v4 =	vld [tilespmem:$0xFA0]  }
0x159: {  	v5 =	vld [tilespmem:$0xFB0]  }
0x15a: {  	v6 =	vld [tilespmem:$0xFC0]  }
0x15b: {  	v7 =	vld [tilespmem:$0xFD0];
	v2 =	vadd.s32 v0, v2  }
0x15c: {  	[tilespmem:$0x1180] =	vst v2;
	v2 =	vadd.s32 v0, v3;
	v3 =	vld [tilespmem:$0xFE0]  }
0x15d: {  	[tilespmem:$0x1190] =	vst v2;
	v2 =	vadd.s32 v0, v4;
	v4 =	vld [tilespmem:$0xFF0]  }
0x15e: {  	[tilespmem:$0x11A0] =	vst v2;
	v2 =	vadd.s32 v0, v5  }
0x15f: {  	[tilespmem:$0x11B0] =	vst v2;
	v2 =	vadd.s32 v0, v6  }
0x160: {  	[tilespmem:$0x11C0] =	vst v2;
	v2 =	vadd.s32 v0, v7  }
0x161: {  	[tilespmem:$0x11D0] =	vst v2;
	v2 =	vadd.s32 v0, v3  }
0x162: {  	s16 =	sadd.s32 s12, s23;
	[tilespmem:$0x11E0] =	vst v2;
	v2 =	vadd.s32 v0, v4  }
0x163: {  	s1 =	simm.s32 $0x1180;
	s17 =	sadd.s32 s21, s16;
	[tilespmem:$0x11F0] =	vst v2  }
0x164: {  	[tilespmem:s13], [sflag:$0x2] =	stream.indirect.gather [hbm4b:s26+s31], $0x80, s1, s31, $0xb8;
	[tilespmem:$0x1DB00] =	vst v63  }
0x165: {  	s1 =	sshrl.u32 s17, $0x3  }
0x166: {  	s1 =	sadd.s32 s28, s1  }
0x167: {  	[tilespmem:s14], [sflag:$0x3] =	stream.linear.gather [hbm4b:s1+s10], $0x78, $0x38;
	[tilespmem:$0x1DB00] =	vst v63  }
0x168: {  	_ =	swait.ge [sflag:s19], $0x78  }
0x169: {  	[sflag:s19] =	ssyncset.done $0x0  }
0x16a: {  	[sflag:s19] =	ssyncadd.s32 $0xFFFFFF88  }
0x16b: {  	[tilespmem:s5], [sflag:$0x3] =	stream.indirect.gather [spmem:s2], $0x1, s30, s31, $0xb8;
	[tilespmem:$0x1DB00] =	vst v63  }
0x16c: {  	s0 =	sadd.s32 s15, s16;
	_ =	swait.ge [sflag:s19], $0x78  }
0x16d: {  	s0 =	sshrl.u32 s0, $0x3;
	[sflag:s19] =	ssyncset.done $0x0  }
0x16e: {  	s0 =	sadd.s32 s28, s0;
	[sflag:s19] =	ssyncadd.s32 $0xFFFFFF88  }
0x16f: {  	[tilespmem:s6], [sflag:$0x3] =	stream.linear.gather [hbm4b:s0+s10], $0x78, $0x38;
	[tilespmem:$0x1DB00] =	vst v63  }
0x170: {  	_ =	swait.ge [sflag:s19], $0x78  }
0x171: {  	[sflag:s19] =	ssyncset.done $0x0  }
0x172: {  	[sflag:s19] =	ssyncadd.s32 $0xFFFFFF88  }
0x173: {  	[tilespmem:s7], [sflag:$0x3] =	stream.indirect.gather [spmem:s4], $0x1, s30, s31, $0xb8;
	[tilespmem:$0x1DB00] =	vst v63  }
0x174: {  	_ =	swait.ge [sflag:s19], $0x78  }
0x175: {  	[sflag:s19] =	ssyncset.done $0x0  }
0x176: {  	[sflag:s19] =	ssyncadd.s32 $0xFFFFFF88  }
0x177: {  	v2 =	vld [tilespmem:$0x8A00]  }
0x178: {  	v3 =	vld [tilespmem:$0x8B00]  }
0x179: {  	v4 =	vld [tilespmem:$0x8A10]  }
0x17a: {  	v5 =	vld [tilespmem:$0x8B10]  }
0x17b: {  	v6 =	vld [tilespmem:$0x8A20]  }
0x17c: {  	v7 =	vld [tilespmem:$0x8B20]  }
0x17d: {  	v8 =	vld [tilespmem:$0x8A30]  }
0x17e: {  	v9 =	vld [tilespmem:$0x8B30]  }
0x17f: {  	v10 =	vld [tilespmem:$0x8A40]  }
0x180: {  	v11 =	vld [tilespmem:$0x8B40]  }
0x181: {  	v12 =	vld [tilespmem:$0x8A50]  }
0x182: {  	v13 =	vld [tilespmem:$0x8B50]  }
0x183: {  	v14 =	vld [tilespmem:$0x8A60]  }
0x184: {  	v15 =	vld [tilespmem:$0x8B60]  }
0x185: {  	v16 =	vld [tilespmem:$0x8A70]  }
0x186: {  	v17 =	vld [tilespmem:$0x8B70]  }
0x187: {  	v18 =	vld [tilespmem:$0x8A80]  }
0x188: {  	v19 =	vld [tilespmem:$0x8B80]  }
0x189: {  	v20 =	vld [tilespmem:$0x8A90]  }
0x18a: {  	v21 =	vld [tilespmem:$0x8B90];
	v2 =	vmul.f32 v3, v2  }
0x18b: {  	v61 =	vld [tilespmem:$0x8AE0]  }
0x18c: {  	v62 =	vld [tilespmem:$0x8BE0];
	[tilespmem:$0x8A00] =	vst v2;
	v2 =	vmul.f32 v7, v6  }
0x18d: {  	v3 =	vld [tilespmem:$0x8AA0];
	v4 =	vmul.f32 v5, v4  }
0x18e: {  	v5 =	vld [tilespmem:$0x8BA0];
	[tilespmem:$0x8A20] =	vst v2;
	v2 =	vmul.f32 v11, v10  }
0x18f: {  	v6 =	vld [tilespmem:$0x8AB0];
	[tilespmem:$0x8A10] =	vst v4;
	v4 =	vmul.f32 v9, v8  }
0x190: {  	v8 =	vld [tilespmem:$0x8AC0];
	[tilespmem:$0x8A40] =	vst v2;
	v2 =	vmul.f32 v15, v14  }
0x191: {  	v9 =	vld [tilespmem:$0x8BC0];
	[tilespmem:$0x8A30] =	vst v4;
	v4 =	vmul.f32 v13, v12  }
0x192: {  	v7 =	vld [tilespmem:$0x8BB0];
	[tilespmem:$0x8A60] =	vst v2;
	v2 =	vmul.f32 v19, v18  }
0x193: {  	v10 =	vld [tilespmem:$0x8AD0];
	[tilespmem:$0x8A50] =	vst v4;
	v4 =	vmul.f32 v17, v16  }
0x194: {  	v11 =	vld [tilespmem:$0x8BD0];
	[tilespmem:$0x8A80] =	vst v2;
	v2 =	vmul.f32 v5, v3  }
0x195: {  	[tilespmem:$0x8A70] =	vst v4;
	v4 =	vmul.f32 v21, v20  }
0x196: {  	[tilespmem:$0x8AA0] =	vst v2;
	v2 =	vmul.f32 v9, v8  }
0x197: {  	[tilespmem:$0x8A90] =	vst v4;
	v3 =	vmul.f32 v7, v6  }
0x198: {  	[tilespmem:$0x8AC0] =	vst v2;
	v2 =	vmul.f32 v62, v61  }
0x199: {  	[tilespmem:$0x8AB0] =	vst v3;
	v3 =	vmul.f32 v11, v10  }
0x19a: {  	[tilespmem:$0x8AE0] =	vst v2;
	v2 =	vmov s10  }
0x19b: {  	s1 =	simm.s32 $0x1240;
	[tilespmem:$0x8AD0] =	vst v3;
	v3 =	vadd.s32 $0x78, v2  }
0x19c: {  	v4 =	vld [tilespmem:s1+$0xFFFFFFF0]  }
0x19d: {  	v5 =	vld [tilespmem:s1+$0xFFFFFFC0]  }
0x19e: {  	v7 =	vld [tilespmem:s1+$0x0]  }
0x19f: {  	v10 =	vld.idx.msk [tilespmem:v2+s14+$0x0], $0xffff  }
0x1a0: {  	v3 =	vld.idx.msk [tilespmem:v3+s14+$0x0], $0xffff  }
0x1a1: {  	v8 =	vld [tilespmem:s1+$0xFFFFFFE0]  }
0x1a2: {  	v6 =	vld [tilespmem:s1+$0xFFFFFFD0]  }
0x1a3: {  	v11 =	vld [tilespmem:s1+$0x20]  }
0x1a4: {  	v2 =	vld [tilespmem:s1+$0x30]  }
0x1a5: {  	v63 =	vmul.f32 v5, v10;
	v5 =	vmul.f32 v7, v3;
	v7 =	vld [tilespmem:s1+$0x10];
	_ =	sdelay $0x1  }
0x1a6: {  	v6 =	vmul.f32 v6, v10;
	v9 =	vmul.f32 v4, v10  }
0x1a7: {  	s16 =	simm.s32 $0x1240;
	s0 =	simm.s32 $0x1;
	v8 =	vmul.f32 v8, v10;
	v4 =	vmul.f32 v11, v3;
	[tilespmem:s1+$0xFFFFFFC0] =	vst v63  }
.LBB2_15:
0x1a8: {  	p1 =	sne.s32 s0, $0x77  }
0x1a9: {  	[tilespmem:s1+$0xFFFFFFF0] =	vst v9;
	v7 =	vmul.f32 v7, v3;
	v2 =	vmul.f32 v2, v3;
	s16 =	sadd.s32 $0x80, s16;
	s17 =	smov.u32 s0;
	s0 =	sadd.s32 $0x1, s0  }
0x1aa: {  	[tilespmem:s1+$0xFFFFFFD0] =	vst v6  }
0x1ab: {  	v3 =	vmov s17;
	v9 =	vld [tilespmem:s16+$0xFFFFFFF0];
	[tilespmem:s1+$0xFFFFFFE0] =	vst v8  }
0x1ac: {  	v6 =	vadd.s32 $0x78, v3;
	v8 =	vld [tilespmem:s16+$0xFFFFFFC0];
	[tilespmem:s1+$0x0] =	vst v5  }
0x1ad: {  	v10 =	vld [tilespmem:s16+$0xFFFFFFE0];
	[tilespmem:s1+$0x30] =	vst v2  }
0x1ae: {  	v2 =	vld [tilespmem:s16+$0x30];
	[tilespmem:s1+$0x10] =	vst v7  }
0x1af: {  	v5 =	vld [tilespmem:s16+$0xFFFFFFD0];
	[tilespmem:s1+$0x20] =	vst v4;
	s1 =	smov.u32 s16  }
0x1b0: {  	v4 =	vld.idx.msk [tilespmem:v3+s14+$0x0], $0xffff  }
0x1b1: {  	v3 =	vld.idx.msk [tilespmem:v6+s14+$0x0], $0xffff  }
0x1b2: {  	v11 =	vld [tilespmem:s16+$0x0]  }
0x1b3: {  	v12 =	vld [tilespmem:s16+$0x20]  }
.Ltmp6:
0x1b4: {  	v7 =	vld [tilespmem:s16+$0x10];
	(pc) =	sbr.rel @p1 .LBB2_15-.Ltmp6, $4  }
0x1b5: {  	_ = 	snop  }
0x1b6: {  	v8 =	vmul.f32 v8, v4;
	v6 =	vmul.f32 v5, v4  }
0x1b7: {  	v9 =	vmul.f32 v9, v4;
	v5 =	vmul.f32 v11, v3  }
0x1b8: {  	[tilespmem:s16+$0xFFFFFFC0] =	vst v8;
	v8 =	vmul.f32 v10, v4;
	v4 =	vmul.f32 v12, v3  }
0x1b9: {  	[tilespmem:s1+$0xFFFFFFF0] =	vst v9  }
0x1ba: {  	[tilespmem:s1+$0xFFFFFFD0] =	vst v6  }
0x1bb: {  	[tilespmem:s1+$0x0] =	vst v5  }
0x1bc: {  	v2 =	vmul.f32 v2, v3;
	[tilespmem:s1+$0xFFFFFFE0] =	vst v8  }
0x1bd: {  	v3 =	vmul.f32 v7, v3;
	[tilespmem:s1+$0x20] =	vst v4  }
0x1be: {  	[tilespmem:s1+$0x30] =	vst v2  }
0x1bf: {  	s0 =	rddreg [dreg:$0x3];
	s17 =	simm.s32 $0x1200;
	[tilespmem:s1+$0x10] =	vst v3  }
0x1c0: {  	[spmem:s0] =	stream.indirect.scatter.add.f32 [tilespmem:s17], [sflag:$0x3], $0x80, s30, s31, $0xb8;
	[tilespmem:$0x1DB00] =	vst v63  }
0x1c1: {  	_ =	swait.ge [sflag:s19], $0x3C00  }
0x1c2: {  	[sflag:s19] =	ssyncset.done $0x0  }
0x1c3: {  	[sflag:s19] =	ssyncadd.s32 $0xFFFFC400  }
0x1c4: {  	_ =	swait.ge [sflag:s8], $0x3C00  }
0x1c5: {  	p1 =	seq.s32 s9, $0x55;
	s0 =	rddreg [dreg:$0x1d]  }
0x1c6: {  	s0 =	sadd.s32 @!p1 s23, s0  }
0x1c7: {  	s16 =	simm.s32 @!p1 $0x0;
	[sflag:s8] =	ssyncset.done $0x0;
	s0 =	sshrl.u32 @!p1 s0, $0x3  }
0x1c8: {  	s17 =	simm.s32 @!p1 $0xF00;
	[sflag:s8] =	ssyncadd.s32 $0xFFFFC400;
	s1 =	sadd.s32 @!p1 s11, s0  }
0x1c9: {  	[tilespmem:s17], [sflag:$0x3] =	stream.linear.gather @!p1 [hbm4b:s1+s16], $0x78, $0x38;
	[tilespmem:$0x1DB00] =	vst v63  }
0x1ca: {  	s1 =	simm.s32 @!p1 $0x3  }
0x1cb: {  	_ =	swait.ge @!p1 [sflag:s1], $0x78  }
0x1cc: {  	[sflag:s1] =	ssyncset.done @!p1 $0x0  }
0x1cd: {  	s0 =	sadd.s32 @!p1 s22, s0;
	s17 =	simm.s32 @!p1 $0x1000;
	[sflag:s1] =	ssyncadd.s32 @!p1 $0xFFFFFF88  }
0x1ce: {  	[tilespmem:s17], [sflag:$0x3] =	stream.linear.gather @!p1 [hbm4b:s0+s16], $0x78, $0x38;
	[tilespmem:$0x1DB00] =	vst v63  }
0x1cf: {  	_ =	swait.ge @!p1 [sflag:s1], $0x78  }
0x1d0: {  	[sflag:s1] =	ssyncset.done @!p1 $0x0  }
0x1d1: {  	[sflag:s1] =	ssyncadd.s32 @!p1 $0xFFFFFF88  }
0x1d2: {  	v2 =	vld @!p1 [tilespmem:$0xF00]  }
0x1d3: {  	v3 =	vld @!p1 [tilespmem:$0xF10]  }
0x1d4: {  	v4 =	vld @!p1 [tilespmem:$0xF20]  }
0x1d5: {  	v5 =	vld @!p1 [tilespmem:$0xF30]  }
0x1d6: {  	v6 =	vld @!p1 [tilespmem:$0xF40]  }
0x1d7: {  	v7 =	vld @!p1 [tilespmem:$0xF50];
	v2 =	vadd.s32 @!p1 v0, v2  }
0x1d8: {  	[tilespmem:$0x1100] =	vst @!p1 v2;
	v2 =	vadd.s32 @!p1 v0, v3;
	v3 =	vld @!p1 [tilespmem:$0xF60]  }
0x1d9: {  	[tilespmem:$0x1110] =	vst @!p1 v2;
	v2 =	vadd.s32 @!p1 v0, v4;
	v4 =	vld @!p1 [tilespmem:$0xF70]  }
0x1da: {  	[tilespmem:$0x1120] =	vst @!p1 v2;
	v2 =	vadd.s32 @!p1 v0, v5  }
0x1db: {  	[tilespmem:$0x1130] =	vst @!p1 v2;
	v2 =	vadd.s32 @!p1 v0, v6  }
0x1dc: {  	[tilespmem:$0x1140] =	vst @!p1 v2;
	v2 =	vadd.s32 @!p1 v0, v7  }
0x1dd: {  	[tilespmem:$0x1150] =	vst @!p1 v2;
	v2 =	vadd.s32 @!p1 v0, v3  }
0x1de: {  	[tilespmem:$0x1160] =	vst @!p1 v2;
	v2 =	vadd.s32 @!p1 v0, v4  }
0x1df: {  	s0 =	simm.s32 @!p1 $0x78;
	s16 =	simm.s32 @!p1 $0x1200;
	s1 =	simm.s32 @!p1 $0x1100;
	[tilespmem:$0x1170] =	vst @!p1 v2  }
0x1e0: {  	[tilespmem:s16], [sflag:$0x1] =	stream.indirect.gather @!p1 [hbm4b:s26+s0], $0x80, s1, s0, $0xb8;
	[tilespmem:$0x1DB00] =	vst v63  }
0x1e1: {  	s16 =	sadd.s32 s21, s20  }
0x1e2: {  	s0 =	sshrl.u32 s16, $0x3  }
0x1e3: {  	s17 =	simm.s32 $0x0;
	s0 =	sadd.s32 s28, s0  }
0x1e4: {  	[tilespmem:s14], [sflag:$0x3] =	stream.linear.gather [hbm4b:s0+s17], $0x78, $0x38;
	[tilespmem:$0x1DB00] =	vst v63  }
0x1e5: {  	_ =	swait.ge [sflag:s19], $0x78  }
0x1e6: {  	[sflag:s19] =	ssyncset.done $0x0  }
0x1e7: {  	[sflag:s19] =	ssyncadd.s32 $0xFFFFFF88  }
0x1e8: {  	[tilespmem:s5], [sflag:$0x3] =	stream.indirect.gather [spmem:s2], $0x1, s29, s31, $0xb8;
	[tilespmem:$0x1DB00] =	vst v63  }
0x1e9: {  	s20 =	sadd.s32 s15, s20;
	_ =	swait.ge [sflag:s19], $0x78  }
0x1ea: {  	s0 =	sshrl.u32 s20, $0x3;
	[sflag:s19] =	ssyncset.done $0x0  }
0x1eb: {  	s0 =	sadd.s32 s28, s0;
	[sflag:s19] =	ssyncadd.s32 $0xFFFFFF88  }
0x1ec: {  	[tilespmem:s6], [sflag:$0x3] =	stream.linear.gather [hbm4b:s0+s17], $0x78, $0x38;
	[tilespmem:$0x1DB00] =	vst v63  }
0x1ed: {  	_ =	swait.ge [sflag:s19], $0x78  }
0x1ee: {  	[sflag:s19] =	ssyncset.done $0x0  }
0x1ef: {  	[sflag:s19] =	ssyncadd.s32 $0xFFFFFF88  }
0x1f0: {  	[tilespmem:s7], [sflag:$0x3] =	stream.indirect.gather [spmem:s4], $0x1, s29, s31, $0xb8;
	[tilespmem:$0x1DB00] =	vst v63  }
0x1f1: {  	_ =	swait.ge [sflag:s19], $0x78  }
0x1f2: {  	[sflag:s19] =	ssyncset.done $0x0  }
0x1f3: {  	[sflag:s19] =	ssyncadd.s32 $0xFFFFFF88  }
0x1f4: {  	v2 =	vld [tilespmem:$0x8A00]  }
0x1f5: {  	v3 =	vld [tilespmem:$0x8B00]  }
0x1f6: {  	v4 =	vld [tilespmem:$0x8A10]  }
0x1f7: {  	v5 =	vld [tilespmem:$0x8B10]  }
0x1f8: {  	v6 =	vld [tilespmem:$0x8A20]  }
0x1f9: {  	v7 =	vld [tilespmem:$0x8B20]  }
0x1fa: {  	v8 =	vld [tilespmem:$0x8A30]  }
0x1fb: {  	v9 =	vld [tilespmem:$0x8B30]  }
0x1fc: {  	v10 =	vld [tilespmem:$0x8A40]  }
0x1fd: {  	v11 =	vld [tilespmem:$0x8B40]  }
0x1fe: {  	v12 =	vld [tilespmem:$0x8A50]  }
0x1ff: {  	v13 =	vld [tilespmem:$0x8B50]  }
0x200: {  	v14 =	vld [tilespmem:$0x8A60]  }
0x201: {  	v15 =	vld [tilespmem:$0x8B60]  }
0x202: {  	v16 =	vld [tilespmem:$0x8A70]  }
0x203: {  	v17 =	vld [tilespmem:$0x8B70]  }
0x204: {  	v18 =	vld [tilespmem:$0x8A80]  }
0x205: {  	v19 =	vld [tilespmem:$0x8B80]  }
0x206: {  	v20 =	vld [tilespmem:$0x8A90]  }
0x207: {  	v21 =	vld [tilespmem:$0x8B90];
	v2 =	vmul.f32 v3, v2  }
0x208: {  	v61 =	vld [tilespmem:$0x8AE0]  }
0x209: {  	v62 =	vld [tilespmem:$0x8BE0];
	[tilespmem:$0x8A00] =	vst v2;
	v2 =	vmul.f32 v7, v6  }
0x20a: {  	v3 =	vld [tilespmem:$0x8AA0];
	v4 =	vmul.f32 v5, v4  }
0x20b: {  	v5 =	vld [tilespmem:$0x8BA0];
	[tilespmem:$0x8A20] =	vst v2;
	v2 =	vmul.f32 v11, v10  }
0x20c: {  	v6 =	vld [tilespmem:$0x8AB0];
	[tilespmem:$0x8A10] =	vst v4;
	v4 =	vmul.f32 v9, v8  }
0x20d: {  	v8 =	vld [tilespmem:$0x8AC0];
	[tilespmem:$0x8A40] =	vst v2;
	v2 =	vmul.f32 v15, v14  }
0x20e: {  	v9 =	vld [tilespmem:$0x8BC0];
	[tilespmem:$0x8A30] =	vst v4;
	v4 =	vmul.f32 v13, v12  }
0x20f: {  	v7 =	vld [tilespmem:$0x8BB0];
	[tilespmem:$0x8A60] =	vst v2;
	v2 =	vmul.f32 v19, v18  }
0x210: {  	v10 =	vld [tilespmem:$0x8AD0];
	[tilespmem:$0x8A50] =	vst v4;
	v4 =	vmul.f32 v17, v16  }
0x211: {  	v11 =	vld [tilespmem:$0x8BD0];
	[tilespmem:$0x8A80] =	vst v2;
	v2 =	vmul.f32 v5, v3  }
0x212: {  	[tilespmem:$0x8A70] =	vst v4;
	v4 =	vmul.f32 v21, v20  }
0x213: {  	[tilespmem:$0x8AA0] =	vst v2;
	v2 =	vmul.f32 v9, v8  }
0x214: {  	[tilespmem:$0x8A90] =	vst v4;
	v3 =	vmul.f32 v7, v6  }
0x215: {  	[tilespmem:$0x8AC0] =	vst v2;
	v2 =	vmul.f32 v62, v61  }
0x216: {  	[tilespmem:$0x8AB0] =	vst v3;
	v3 =	vmul.f32 v11, v10  }
0x217: {  	[tilespmem:$0x8AE0] =	vst v2;
	v2 =	vmov s17  }
0x218: {  	s1 =	simm.s32 $0x4E40;
	[tilespmem:$0x8AD0] =	vst v3;
	v3 =	vadd.s32 $0x78, v2  }
0x219: {  	v4 =	vld [tilespmem:s1+$0xFFFFFFF0]  }
0x21a: {  	v5 =	vld [tilespmem:s1+$0xFFFFFFC0]  }
0x21b: {  	v7 =	vld [tilespmem:s1+$0x0]  }
0x21c: {  	v10 =	vld.idx.msk [tilespmem:v2+s14+$0x0], $0xffff  }
0x21d: {  	v3 =	vld.idx.msk [tilespmem:v3+s14+$0x0], $0xffff  }
0x21e: {  	v8 =	vld [tilespmem:s1+$0xFFFFFFE0]  }
0x21f: {  	v6 =	vld [tilespmem:s1+$0xFFFFFFD0]  }
0x220: {  	v11 =	vld [tilespmem:s1+$0x20]  }
0x221: {  	v2 =	vld [tilespmem:s1+$0x30]  }
0x222: {  	v63 =	vmul.f32 v5, v10;
	v5 =	vmul.f32 v7, v3;
	v7 =	vld [tilespmem:s1+$0x10];
	_ =	sdelay $0x1  }
0x223: {  	v6 =	vmul.f32 v6, v10;
	v9 =	vmul.f32 v4, v10  }
0x224: {  	s16 =	simm.s32 $0x4E40;
	s0 =	simm.s32 $0x1;
	v8 =	vmul.f32 v8, v10;
	v4 =	vmul.f32 v11, v3;
	[tilespmem:s1+$0xFFFFFFC0] =	vst v63  }
.LBB2_17:
0x225: {  	p1 =	sne.s32 s0, $0x77  }
0x226: {  	[tilespmem:s1+$0xFFFFFFF0] =	vst v9;
	v7 =	vmul.f32 v7, v3;
	v2 =	vmul.f32 v2, v3;
	s16 =	sadd.s32 $0x80, s16;
	s17 =	smov.u32 s0;
	s0 =	sadd.s32 $0x1, s0  }
0x227: {  	[tilespmem:s1+$0xFFFFFFD0] =	vst v6  }
0x228: {  	v3 =	vmov s17;
	v9 =	vld [tilespmem:s16+$0xFFFFFFF0];
	[tilespmem:s1+$0xFFFFFFE0] =	vst v8  }
0x229: {  	v6 =	vadd.s32 $0x78, v3;
	v8 =	vld [tilespmem:s16+$0xFFFFFFC0];
	[tilespmem:s1+$0x0] =	vst v5  }
0x22a: {  	v10 =	vld [tilespmem:s16+$0xFFFFFFE0];
	[tilespmem:s1+$0x30] =	vst v2  }
0x22b: {  	v2 =	vld [tilespmem:s16+$0x30];
	[tilespmem:s1+$0x10] =	vst v7  }
0x22c: {  	v5 =	vld [tilespmem:s16+$0xFFFFFFD0];
	[tilespmem:s1+$0x20] =	vst v4;
	s1 =	smov.u32 s16  }
0x22d: {  	v4 =	vld.idx.msk [tilespmem:v3+s14+$0x0], $0xffff  }
0x22e: {  	v3 =	vld.idx.msk [tilespmem:v6+s14+$0x0], $0xffff  }
0x22f: {  	v11 =	vld [tilespmem:s16+$0x0]  }
0x230: {  	v12 =	vld [tilespmem:s16+$0x20]  }
.Ltmp7:
0x231: {  	v7 =	vld [tilespmem:s16+$0x10];
	(pc) =	sbr.rel @p1 .LBB2_17-.Ltmp7, $4  }
0x232: {  	_ = 	snop  }
0x233: {  	v8 =	vmul.f32 v8, v4;
	v6 =	vmul.f32 v5, v4  }
0x234: {  	v9 =	vmul.f32 v9, v4;
	v5 =	vmul.f32 v11, v3  }
0x235: {  	[tilespmem:s16+$0xFFFFFFC0] =	vst v8;
	v8 =	vmul.f32 v10, v4;
	v4 =	vmul.f32 v12, v3  }
0x236: {  	[tilespmem:s1+$0xFFFFFFF0] =	vst v9  }
0x237: {  	[tilespmem:s1+$0xFFFFFFD0] =	vst v6  }
0x238: {  	[tilespmem:s1+$0x0] =	vst v5  }
0x239: {  	v2 =	vmul.f32 v2, v3;
	[tilespmem:s1+$0xFFFFFFE0] =	vst v8  }
0x23a: {  	v3 =	vmul.f32 v7, v3;
	s9 =	sadd.s32 $0x1, s9;
	[tilespmem:s1+$0x20] =	vst v4  }
0x23b: {  	p1 =	sne.s32 s9, $0x56;
	[tilespmem:s1+$0x30] =	vst v2  }
.Ltmp8:
0x23c: {  	s0 =	rddreg [dreg:$0x3];
	[tilespmem:s1+$0x10] =	vst v3;
	(pc) =	sbr.rel @p1 .LBB2_14-.Ltmp8, $4  }
0x23d: {  	[spmem:s0] =	stream.indirect.scatter.add.f32 [tilespmem:s13], [sflag:$0x3], $0x80, s29, s31, $0xb8;
	[tilespmem:$0x1DB00] =	vst v63  }
0x23e: {  	_ =	swait.ge [sflag:s19], $0x3C00  }
0x23f: {  	[sflag:s19] =	ssyncset.done $0x0  }
0x240: {  	[sflag:s19] =	ssyncadd.s32 $0xFFFFC400  }
0x241: {  	s0 =	stileid.u32;
	[bflag:$0x0] =	sbarrier.arrive $0xFFFF  }
0x242: {  	s0 =	sshll.u32 s0, $0x6;
	s20 =	rddreg [dreg:$0x12]  }
0x243: {  	s9 =	rddreg [dreg:$0x15];
	s0 =	sor.u32 $0x1C03, s0;
	s1 =	sshrl.u32 s20, $0x3  }
0x244: {  	[hbm:s9], [sflag:s0] =	dma.local [spmem:s1], $0x2800  }
0x245: {  	_ =	swait.ge [sflag:s19], $0x2800  }
0x246: {  	s17 =	rddreg [dreg:$0x1e]  }
0x247: {  	s23 =	rddreg [dreg:$0x16];
	s1 =	sadd.s32 $0x1, s17  }
0x248: {  	p1 =	sne.s32 s1, s23  }
.Ltmp9:
0x249: {  	_ = 	snop;
	(pc) =	sbr.rel @p1 .LBB2_1-.Ltmp9, $4  }
0x24a: {  	[sflag:s19] =	ssyncset.done $0x0  }
0x24b: {  	[sflag:s19] =	ssyncadd.s32 $0xFFFFD800  }
0x24c: {  	s17 =	rddreg [dreg:$0x6]  }
0x24d: {  	s23 =	rddreg [dreg:$0x7]  }
0x24e: {  	_ =	sfence.sel $0x180000  }
0x24f: {  	[bflag:$0x0] =	sbarrier.arrive $0xFFFF  }
0x250: {  	_ =	strace $0x90000047  }
0x251: {  	[bflag:$0x2] =	sbarrier.arrive $0xFFFF  }
0x252: {  	s0 =	rddreg [dreg:$0xa]  }
0x253: {  	s0 =	sadd.s32 @!p0 $0x100000, s0  }
0x254: {  	[sflag:s0] =	ssyncadd.tile.s32 @!p0 $0x1;
	_ =	shalt  }
.Lfunc_end2:
_tile_overlayer_lowered:
.L_overlay_start_2:
0x255: {  	(tag) =	ssettag $0x2  }
0x256: {  	s0 =	rddreg [dreg:$0x0];
	s2 =	stileid.u32  }
0x257: {  	s1 =	rddreg [dreg:$0x1];
	p0 =	sne.s32 s2, $0x0  }
0x258: {  	s3 =	rddreg [dreg:$0x2];
	[bflag:$0x3] =	sbarrier.arrive $0xFFFF;
	s2 =	simm.s32 @!p0 $0x1C03  }
0x259: {  	[timem:s3], [sflag:s2] =	dma.local @!p0 [hbm:s0], s1  }
0x25a: {  	s0 =	simm.s32 @!p0 $0x3  }
0x25b: {  	_ =	swait.ge @!p0 [sflag:s0], s1  }
0x25c: {  	s1 =	ssub.s32 @!p0 $0x0, s1;
	[sflag:s0] =	ssyncset.done @!p0 $0x0  }
0x25d: {  	[sflag:s0] =	ssyncadd.s32 @!p0 s1  }
0x25e: {  	[bflag:$0x3] =	sbarrier.arrive $0xFFFF  }
0x25f: {  	_ =	shalt  }

// kernel: kernel.9.cloned.1.call-start
scs
__scs_entry_jumppad:
0x0: {  	(pc) =	sbr.rel $0x88, $3  }
0x1: {  	(tag) =	ssettag $0x0;
	lr =	simm.s32 $0x1  }
0x2: {  	[smem:$0x3F97] =	sst lr;
	_ =	strace $0xD0000000  }
0x3: {  	_ = 	snop  }
0x4: {  	_ = 	snop  }
0x5: {  	_ = 	snop  }
0x6: {  	_ = 	snop  }
0x7: {  	_ = 	snop  }
__scs_overlays_trampoline_lowered:
0x8: {  	[smem:$0x3FA6] =	sst s0  }
0x9: {  	[smem:$0x3FA7] =	sst s1  }
0xa: {  	[smem:$0x3FA8] =	sst s2  }
0xb: {  	[smem:$0x3FA9] =	sst s3  }
0xc: {  	[smem:$0x3FAA] =	sst s4  }
0xd: {  	[smem:$0x3FAB] =	sst s5  }
0xe: {  	[smem:$0x3FAC] =	sst s6  }
0xf: {  	[smem:$0x3FAD] =	sst s7  }
0x10: {  	[smem:$0x3FAE] =	sst s8  }
0x11: {  	[smem:$0x3FAF] =	sst s9;
	s0 =	simm.s32 @!p0 $0x0  }
0x12: {  	s1 =	sld [smem:$0x3F95];
	s0 =	simm.s32 @p0 $0x1  }
0x13: {  	[smem:$0x3FB0] =	sst s0;
	s0 =	simm.s32 @!p1 $0x0  }
0x14: {  	s2 =	sld [smem:$0x3F94];
	s0 =	simm.s32 @p1 $0x1  }
0x15: {  	[smem:$0x3FB1] =	sst s0;
	s0 =	simm.s32 @!p2 $0x0  }
0x16: {  	s3 =	sld [smem:$0x3FDB];
	s0 =	simm.s32 @p2 $0x1  }
0x17: {  	s4 =	simm.s32 $0x1BF5;
	[smem:$0x3FB3] =	sst s0  }
0x18: {  	s0 =	sld [smem:$0x3F96];
	_ =	swait.ge [sflag:s4], $0x0  }
0x19: {  	s7 =	sld [smem:$0x3F97]  }
0x1a: {  	s8 =	sadd.s32 $0xFFFFE003, lr  }
0x1b: {  	s9 =	sadd.s32 $0xFFFFFEF7, lr;
	s5 =	simm.s32 $0xFFFFFFFF;
	p2 =	slt.u32 s8, $0xFFFFF086  }
0x1c: {  	p1 =	slt.u32 s9, $0xF7A;
	s5 =	simm.s32 @!p2 $0x0  }
0x1d: {  	s5 =	simm.s32 @p1 $0x1;
	p0 =	seq.s32 s7, s2  }
0x1e: {  	s7 =	smul.u32 @!p0 $0xF7A, s2;
	p2 =	seq.s32 @!p0 s5, $0x0  }
0x1f: {  	s9 =	smul.u32 $0xF7A, s1;
	s8 =	simm.s32 @!p0 $0x1BF5;
	p2 =	por !p2, p0  }
0x20: {  	[sflag:s8] =	ssyncset.s32 @!p0 $0xFFFFF086;
	s6 =	sadd.s32 @!p0 s3, s7;
	s7 =	simm.s32 @!p0 $0x108  }
0x21: {  	s3 =	sadd.s32 s3, s9;
	s6 =	sadd.s32 @!p0 $0x88, s6;
	s7 =	simm.s32 @p2 $0x1082  }
0x22: {  	[simem:s7], [sflag:s8] =	dma.local @!p0 [hbm:s6], $0xF7A  }
0x23: {  	s9 =	sor.u32 $0xD0000000, s2;
	s6 =	simm.s32 $0x108;
	_ =	swait.ge @!p0 [sflag:s8], $0x0  }
0x24: {  	s3 =	sadd.s32 $0x88, s3;
	s6 =	simm.s32 @!p1 $0x1082;
	[sflag:s4] =	ssyncset.s32 $0xFFFFF086  }
0x25: {  	[simem:s6], [sflag:s4] =	dma.local [hbm:s3], $0xF7A  }
0x26: {  	[smem:$0x3F97] =	sst s1;
	(tag) =	ssettag s2;
	_ =	strace s9  }
0x27: {  	s1 =	sld [smem:$0x3FA7]  }
0x28: {  	s2 =	sld [smem:$0x3FA8]  }
0x29: {  	s4 =	sld [smem:$0x3FAA]  }
0x2a: {  	p0 =	seq.s32 s5, $0x0;
	s5 =	sld [smem:$0x3FAB]  }
0x2b: {  	s6 =	sld [smem:$0x3FAC]  }
0x2c: {  	s7 =	sld [smem:$0x3FAD]  }
0x2d: {  	s3 =	simm.s32 $0x108;
	s8 =	sld [smem:$0x3FAE]  }
0x2e: {  	s3 =	simm.s32 @!p0 $0x1082;
	s9 =	sld [smem:$0x3FAF]  }
0x2f: {  	lr =	sadd.s32 s0, s3;
	s0 =	sld [smem:$0x3FA6]  }
0x30: {  	s3 =	sld [smem:$0x3FA9]  }
0x31: {  	[smem:$0x3FB2] =	sst s10  }
0x32: {  	s10 =	sld [smem:$0x3FB0];
	_ =	sdelay $0x3  }
0x33: {  	p0 =	seq.s32 s10, $0x1;
	s10 =	sld [smem:$0x3FB2];
	_ =	sdelay $0x3  }
0x34: {  	[smem:$0x3FB2] =	sst s10  }
0x35: {  	s10 =	sld [smem:$0x3FB1];
	_ =	sdelay $0x3  }
0x36: {  	p1 =	seq.s32 s10, $0x1;
	s10 =	sld [smem:$0x3FB2];
	_ =	sdelay $0x3  }
0x37: {  	[smem:$0x3FB2] =	sst s10  }
0x38: {  	s10 =	sld [smem:$0x3FB3]  }
0x39: {  	_ = 	snop;
	(pc) =	sbr.ind lr, $3  }
0x3a: {  	_ = 	snop  }
0x3b: {  	_ = 	snop  }
0x3c: {  	p2 =	seq.s32 s10, $0x1;
	s10 =	sld [smem:$0x3FB2]  }
0x3d: {  	_ =	shalt  }
0x3e: {  	_ =	shalt  }
0x3f: {  	_ =	shalt  }
0x40: {  	_ =	shalt  }
0x41: {  	_ =	shalt  }
0x42: {  	_ =	shalt  }
0x43: {  	_ =	shalt  }
0x44: {  	_ =	shalt  }
0x45: {  	_ =	shalt  }
0x46: {  	_ =	shalt  }
0x47: {  	_ =	shalt  }
0x48: {  	_ =	shalt  }
0x49: {  	_ =	shalt  }
0x4a: {  	_ =	shalt  }
0x4b: {  	_ =	shalt  }
0x4c: {  	_ =	shalt  }
0x4d: {  	_ =	shalt  }
0x4e: {  	_ =	shalt  }
0x4f: {  	_ =	shalt  }
0x50: {  	_ =	shalt  }
0x51: {  	_ =	shalt  }
0x52: {  	_ =	shalt  }
0x53: {  	_ =	shalt  }
0x54: {  	_ =	shalt  }
0x55: {  	_ =	shalt  }
0x56: {  	_ =	shalt  }
0x57: {  	_ =	shalt  }
0x58: {  	_ =	shalt  }
0x59: {  	_ =	shalt  }
0x5a: {  	_ =	shalt  }
0x5b: {  	_ =	shalt  }
0x5c: {  	_ =	shalt  }
0x5d: {  	_ =	shalt  }
0x5e: {  	_ =	shalt  }
0x5f: {  	_ =	shalt  }
0x60: {  	_ =	shalt  }
0x61: {  	_ =	shalt  }
0x62: {  	_ =	shalt  }
0x63: {  	_ =	shalt  }
0x64: {  	_ =	shalt  }
0x65: {  	_ =	shalt  }
0x66: {  	_ =	shalt  }
0x67: {  	_ =	shalt  }
0x68: {  	_ =	shalt  }
0x69: {  	_ =	shalt  }
0x6a: {  	_ =	shalt  }
0x6b: {  	_ =	shalt  }
0x6c: {  	_ =	shalt  }
0x6d: {  	_ =	shalt  }
0x6e: {  	_ =	shalt  }
0x6f: {  	_ =	shalt  }
0x70: {  	_ =	shalt  }
0x71: {  	_ =	shalt  }
0x72: {  	_ =	shalt  }
0x73: {  	_ =	shalt  }
0x74: {  	_ =	shalt  }
0x75: {  	_ =	shalt  }
0x76: {  	_ =	shalt  }
0x77: {  	_ =	shalt  }
0x78: {  	_ =	shalt  }
0x79: {  	_ =	shalt  }
0x7a: {  	_ =	shalt  }
0x7b: {  	_ =	shalt  }
0x7c: {  	_ =	shalt  }
0x7d: {  	_ =	shalt  }
0x7e: {  	_ =	shalt  }
0x7f: {  	_ =	shalt  }
0x80: {  	_ =	shalt  }
0x81: {  	_ =	shalt  }
0x82: {  	_ =	shalt  }
0x83: {  	_ =	shalt  }
0x84: {  	_ =	shalt  }
0x85: {  	_ =	shalt  }
0x86: {  	_ =	shalt  }
0x87: {  	_ =	shalt  }
.Lfunc_end0:
.L_simem_size_0:
called_computation.1_lowered:
.L_overlay_start_0:
0x88: {  	s2 =	sld [smem:$0x3FD9]  }
0x89: {  	s3 =	sld [smem:$0x3FFE];
	_ =	sdelay $0x1  }
0x8a: {  	s1 =	srdreg.scid  }
0x8b: {  	s0 =	sand.u32 $0x1, s1  }
0x8c: {  	s17 =	sshll.u32 s0, $0xA;
	s2 =	sadd.s32 s3, s2  }
0x8d: {  	s2 =	sadd.s32 s2, s17  }
0x8e: {  	[smem:$0x3FBE] =	sst s2  }
0x8f: {  	_ = 	snop  }
0x90: {  	s2 =	sld [smem:$0x3FD0];
	(tm) =	ssettm $0x1  }
0x91: {  	s18 =	sld [smem:$0x3FFB];
	_ =	sdelay $0x3  }
0x92: {  	_ =	strace s18  }
0x93: {  	s3 =	sld [smem:$0x3FFC];
	_ =	sdelay $0x3  }
0x94: {  	_ =	strace s3  }
0x95: {  	s3 =	sld [smem:$0x3FFD];
	_ =	sdelay $0x3  }
0x96: {  	_ =	strace s3  }
0x97: {  	_ =	strace $0x8FFFFFFF  }
0x98: {  	s19 =	sld [smem:$0x3FDB];
	_ =	sdelay $0x1  }
0x99: {  	s4 =	simm.s32 $_scs_section_size  }
0x9a: {  	s5 =	simm.s32 $_size__tile_overlayer_lowered;
	s6 =	simm.s32 $_tile_overlayer_lowered  }
0x9b: {  	s22 =	simm.s32 $0x1BFF;
	s21 =	sshll.u32 s6, $0x1;
	s3 =	sadd.s32 s4, s19  }
0x9c: {  	s7 =	simm.s32 $0x0;
	s20 =	sshll.u32 s5, $0x1;
	s5 =	sadd.s32 s21, s3  }
0x9d: {  	[timem:s7], [sflag:s22] =	dma.local [hbm:s5], s20  }
0x9e: {  	_ =	swait.ge [sflag:s22], s20  }
0x9f: {  	s4 =	ssub.s32 $0x0, s20;
	[sflag:s22] =	ssyncset.done $0x0  }
0xa0: {  	[sflag:s22] =	ssyncadd.s32 s4;
	_ =	sdelay $0x1  }
0xa1: {  	s23 =	simm.s32 $0x1B8B  }
0xa2: {  	_ =	swait.ge [sflag:s23], $0x1  }
0xa3: {  	[sflag:s23] =	ssyncset.done $0x0  }
0xa4: {  	s25 =	simm.s32 $0x1B8E;
	s24 =	sld [smem:$0x3FFE];
	[sflag:s23] =	ssyncadd.s32 $0xFFFFFFFF  }
0xa5: {  	s26 =	simm.s32 $execute0_lowered;
	[smem:$0x3FD2] =	sst s25  }
0xa6: {  	s5 =	sshll.u32 s26, $0x1;
	_ =	strace $0x80000049;
	[dreg:$0x1] =	wrdreg $0xFFFFFFFF  }
0xa7: {  	s28 =	simm.s32 $_size_execute0_lowered;
	s3 =	sadd.s32 s3, s5;
	[dreg:$0x0] =	wrdreg $0x0  }
0xa8: {  	s5 =	sshll.u32 s28, $0x1;
	[dreg:$0x2] =	wrdreg s3  }
0xa9: {  	[dreg:$0x3] =	wrdreg s5  }
0xaa: {  	[dreg:$0x4] =	wrdreg $0xC0  }
0xab: {  	_ =	task [dreg:s7], $0x5FFFF  }
0xac: {  	[dreg:$0x1] =	wrdreg $0xFFFFFFFF  }
0xad: {  	[dreg:$0x0] =	wrdreg $0x60  }
0xae: {  	[dreg:$0x2] =	wrdreg s2  }
0xaf: {  	[dreg:$0x3] =	wrdreg s24  }
0xb0: {  	[dreg:$0x4] =	wrdreg $0x8B000  }
0xb1: {  	[dreg:$0x5] =	wrdreg $0x1CB000  }
0xb2: {  	[dreg:$0x6] =	wrdreg $0x1CD800  }
0xb3: {  	[dreg:$0x7] =	wrdreg $0x1D0000  }
0xb4: {  	[dreg:$0x8] =	wrdreg $0x9  }
0xb5: {  	_ =	task.clear_ibuf [dreg:s7], $0x9FFFF;
	_ =	strace $0x90000049  }
0xb6: {  	s29 =	simm.s32 $0x9;
	_ =	strace $0x8000004B  }
0xb7: {  	_ =	swait.ge [sflag:s29], $0x1  }
0xb8: {  	[sflag:s29] =	ssyncadd.s32 $0xFFFFFFFF  }
0xb9: {  	_ =	strace $0x9000004B  }
0xba: {  	_ =	sfence  }
0xbb: {  	s30 =	sld [smem:$0x0];
	_ =	sdelay $0x2  }
0xbc: {  	s31 =	sshll.u32 s1, $0xD;
	s1 =	sshrl.u32 s1, $0x2  }
0xbd: {  	s3 =	sand.u32 $0x4000, s31;
	s1 =	sadd.s32 s1, s30  }
0xbe: {  	s0 =	sor.u32 s3, s0;
	s1 =	sshll.u32 s1, $0x11  }
0xbf: {  	s0 =	sor.u32 s1, s0  }
0xc0: {  	s0 =	sadd.s32 $0x8F2B, s0  }
0xc1: {  	[sflag:s0] =	ssyncadd.remote.s32 $0x1  }
0xc2: {  	_ =	sfence.sel $0xFFFF  }
0xc3: {  	[dreg:$0x0] =	wrdreg $0xFFFFFFFF;
	(pc) =	sbr.abs _section_cstart, $3  }
0xc4: {  	[dreg:$0x1] =	wrdreg $0xFFFFFFFF  }
0xc5: {  	_ =	task.clear_ibuf [dreg:s7], $0x2FFFF;
	_ =	strace $0x9FFFFFFF  }
0xc6: {  	(tm) =	ssettm $0x7FFFFFFF  }
0xc7: {  	_ =	shalt  }
tec
execute0_lowered:
.L_overlay_start_1:
0x0: {  	(tag) =	ssettag $0x1  }
0x1: {  	s0 =	rddreg [dreg:$0x0]  }
0x2: {  	s12 =	rddreg [dreg:$0x1]  }
0x3: {  	s3 =	rddreg [dreg:$0x2]  }
0x4: {  	s4 =	rddreg [dreg:$0x3]  }
0x5: {  	s26 =	rddreg [dreg:$0x4];
	s1 =	simm.s32 $0x0  }
0x6: {  	s20 =	srdreg.scid;
	s15 =	stileid.u32;
	s31 =	simm.s32 $0x600  }
0x7: {  	s28 =	simm.s32 $0x4E00;
	s29 =	simm.s32 $0x8A00;
	s30 =	simm.s32 $0x8A80  }
0x8: {  	[smem:$0x7FF] =	sst s1;
	s9 =	sadd.s32 $0x4E200, s12;
	s2 =	smul.u32 $0x280, s15  }
0x9: {  	s1 =	sand.u32 $0x1, s20;
	s10 =	sadd.s32 $0x58400, s12;
	s11 =	smul.u32 $0x2850, s15  }
0xa: {  	s7 =	sadd.s32 $0x600, s12;
	s14 =	smul.u32 $0x50000, s15;
	p0 =	sne.s32 s15, $0x0  }
0xb: {  	_ =	strace $0x8000004A;
	s5 =	sshll.u32 s1, $0x4;
	s6 =	smul.u32 $0x2800, s1  }
0xc: {  	[dreg:$0x7] =	wrdreg s7;
	s21 =	smul.u32 $0x28500, s1;
	s8 =	ssub.s32 $0x2, s1  }
0xd: {  	s18 =	smul.u32 $0x50A00, s1;
	s5 =	sadd.s32 s5, s12;
	s13 =	sshrl.u32 s8, $0x1  }
0xe: {  	s22 =	sshrl.u32 s14, $0x2;
	s6 =	sadd.s32 s2, s6;
	s8 =	ssub.s32 s8, s13  }
0xf: {  	s13 =	smul.u32 $0x50A0, s15;
	s7 =	sadd.s32 s11, s21;
	s2 =	sadd.s32 s2, s4  }
0x10: {  	s23 =	sadd.s32 $0xDC000, s5;
	s25 =	sadd.s32 s22, s3;
	[dreg:$0x8] =	wrdreg s2  }
0x11: {  	s6 =	sshll.u32 s6, $0x4;
	[dreg:$0x9] =	wrdreg s23;
	s24 =	sadd.s32 $0x3C00, s25  }
0x12: {  	s5 =	sshrl.u32 s7, $0x3;
	s21 =	sadd.s32 $0x78, s7;
	s22 =	sadd.s32 s18, s7  }
0x13: {  	s23 =	sadd.s32 $0xF0, s7;
	s16 =	smax.u32 s8, $0x1;
	[dreg:$0xa] =	wrdreg s25  }
0x14: {  	s17 =	sadd.s32 $0x7800, s25;
	s19 =	sadd.s32 $0xB400, s25;
	[dreg:$0xb] =	wrdreg s24  }
0x15: {  	s20 =	sadd.s32 $0xF000, s25;
	s2 =	simm.s32 $0x300;
	[dreg:$0xf] =	wrdreg s16  }
0x16: {  	s6 =	sadd.s32 s6, s12;
	s12 =	sadd.s32 $0xC00, s12;
	[dreg:$0x10] =	wrdreg s17  }
0x17: {  	s11 =	sadd.s32 s9, s5;
	s1 =	sadd.s32 s10, s5;
	[dreg:$0x11] =	wrdreg s19  }
0x18: {  	[dreg:$0x12] =	wrdreg s20;
	s24 =	sadd.s32 $0x12C00, s25;
	s19 =	simm.s32 $0x1000  }
0x19: {  	s20 =	simm.s32 $0x78;
	s17 =	simm.s32 $0x1080;
	[dreg:$0xc] =	wrdreg s11  }
0x1a: {  	s16 =	simm.s32 $0x2;
	[dreg:$0xd] =	wrdreg s1;
	s14 =	sadd.s32 $0x62600, s6  }
0x1b: {  	[dreg:$0x13] =	wrdreg s24;
	s1 =	simm.s32 $0x3;
	s11 =	simm.s32 $0x2B0  }
0x1c: {  	v0 =	vimm.f32 $0.0e+00;
	s24 =	simm.s32 $0x1;
	s6 =	simm.s32 $0x0;
	[dreg:$0xe] =	wrdreg s14  }
.LBB2_1:
0x1d: {  	[tilespmem:$0x600] =	vst v0  }
0x1e: {  	[tilespmem:$0x610] =	vst v0  }
0x1f: {  	[tilespmem:$0x620] =	vst v0  }
0x20: {  	[tilespmem:$0x630] =	vst v0  }
0x21: {  	[tilespmem:$0x640] =	vst v0  }
0x22: {  	[tilespmem:$0x650] =	vst v0  }
0x23: {  	[tilespmem:$0x660] =	vst v0  }
0x24: {  	[tilespmem:$0x670] =	vst v0  }
0x25: {  	[tilespmem:$0x680] =	vst v0  }
0x26: {  	[tilespmem:$0x690] =	vst v0  }
0x27: {  	[tilespmem:$0x6A0] =	vst v0  }
0x28: {  	[tilespmem:$0x6B0] =	vst v0  }
0x29: {  	[tilespmem:$0x6C0] =	vst v0  }
0x2a: {  	[tilespmem:$0x6D0] =	vst v0  }
0x2b: {  	[tilespmem:$0x6E0] =	vst v0  }
0x2c: {  	[tilespmem:$0x6F0] =	vst v0  }
0x2d: {  	[tilespmem:$0x700] =	vst v0  }
0x2e: {  	[tilespmem:$0x710] =	vst v0  }
0x2f: {  	[tilespmem:$0x720] =	vst v0  }
0x30: {  	[tilespmem:$0x730] =	vst v0  }
0x31: {  	[tilespmem:$0x740] =	vst v0  }
0x32: {  	[tilespmem:$0x750] =	vst v0  }
0x33: {  	[tilespmem:$0x760] =	vst v0  }
0x34: {  	[tilespmem:$0x770] =	vst v0  }
0x35: {  	[tilespmem:$0x780] =	vst v0  }
0x36: {  	[tilespmem:$0x790] =	vst v0  }
0x37: {  	[tilespmem:$0x7A0] =	vst v0  }
0x38: {  	[tilespmem:$0x7B0] =	vst v0  }
0x39: {  	[tilespmem:$0x7C0] =	vst v0  }
0x3a: {  	[tilespmem:$0x7D0] =	vst v0  }
0x3b: {  	[tilespmem:$0x7E0] =	vst v0  }
0x3c: {  	[tilespmem:$0x7F0] =	vst v0  }
0x3d: {  	[tilespmem:$0x800] =	vst v0  }
0x3e: {  	[tilespmem:$0x810] =	vst v0  }
0x3f: {  	[tilespmem:$0x820] =	vst v0  }
0x40: {  	[tilespmem:$0x830] =	vst v0  }
0x41: {  	[tilespmem:$0x840] =	vst v0  }
0x42: {  	[tilespmem:$0x850] =	vst v0  }
0x43: {  	[tilespmem:$0x860] =	vst v0  }
0x44: {  	[tilespmem:$0x870] =	vst v0  }
0x45: {  	[tilespmem:$0x880] =	vst v0  }
0x46: {  	[dreg:$0x14] =	wrdreg s6;
	[tilespmem:$0x890] =	vst v0  }
0x47: {  	[tilespmem:$0x8A0] =	vst v0;
	s5 =	rddreg [dreg:$0x8]  }
0x48: {  	[spmem:s5] =	stream.linear.scatter [tilespmem:s31], [sflag:$0x3], $0x280, $0x38;
	[tilespmem:$0x1D280] =	vst v63  }
0x49: {  	_ =	swait.ge [sflag:s1], $0x280  }
0x4a: {  	[sflag:s1] =	ssyncset.done $0x0  }
0x4b: {  	[sflag:s1] =	ssyncadd.s32 $0xFFFFFD80  }
0x4c: {  	s6 =	simm.s32 @!p0 $0x1C03;
	s5 =	sshrl.u32 @!p0 s26, $0x3;
	s7 =	rddreg [dreg:$0x1]  }
0x4d: {  	[spmem:s5], [sflag:s6] =	dma.local @!p0 [hbm:s7], $0x500  }
0x4e: {  	s5 =	simm.s32 @!p0 $0x3  }
0x4f: {  	_ =	swait.ge @!p0 [sflag:s5], $0x500  }
0x50: {  	[sflag:s5] =	ssyncset.done @!p0 $0x0  }
0x51: {  	[sflag:s5] =	ssyncadd.s32 @!p0 $0xFFFFFB00  }
0x52: {  	s8 =	rddreg [dreg:$0x5]  }
0x53: {  	s14 =	rddreg [dreg:$0x7];
	s7 =	sshrl.u32 @!p0 s8, $0x3  }
0x54: {  	[spmem:s7], [sflag:s6] =	dma.local @!p0 [hbm:s14], $0x500  }
0x55: {  	_ =	swait.ge @!p0 [sflag:s5], $0x500  }
0x56: {  	s15 =	simm.s32 $0xC00;
	[sflag:s5] =	ssyncset.done @!p0 $0x0  }
0x57: {  	s7 =	simm.s32 $0x0;
	s14 =	rddreg [dreg:$0x9];
	[sflag:s5] =	ssyncadd.s32 @!p0 $0xFFFFFB00  }
0x58: {  	[tilespmem:s15], [sflag:$0x3] =	stream.linear.gather [hbm4b:s14+s7], $0x80, $0x38;
	[tilespmem:$0x1D280] =	vst v63  }
0x59: {  	_ =	swait.ge [sflag:s1], $0x80  }
0x5a: {  	[sflag:s1] =	ssyncset.done $0x0  }
0x5b: {  	[sflag:s1] =	ssyncadd.s32 $0xFFFFFF80  }
0x5c: {  	s6 =	simm.s32 $0x0;
	s5 =	simm.s32 $0x200;
	v1 =	vld [tilespmem:$0xC00]  }
.LBB2_2:
0x5d: {  	p1 =	sne.s32 s5, $0xEE00;
	_ =	sdelay $0x2  }
0x5e: {  	s7 =	sshra.s32 s6, $0x2;
	s6 =	smov.u32 s5  }
0x5f: {  	[tilespmem:s7+$0x1200] =	vst v1  }
0x60: {  	v1 =	vld [tilespmem:$0xC10];
	_ =	sdelay $0x4  }
0x61: {  	[tilespmem:s7+$0x1210] =	vst v1  }
0x62: {  	v1 =	vld [tilespmem:$0xC20];
	_ =	sdelay $0x4  }
0x63: {  	[tilespmem:s7+$0x1220] =	vst v1  }
0x64: {  	v1 =	vld [tilespmem:$0xC30];
	_ =	sdelay $0x4  }
0x65: {  	[tilespmem:s7+$0x1230] =	vst v1  }
0x66: {  	v1 =	vld [tilespmem:$0xC40];
	_ =	sdelay $0x4  }
0x67: {  	[tilespmem:s7+$0x1240] =	vst v1  }
0x68: {  	v1 =	vld [tilespmem:$0xC50];
	_ =	sdelay $0x4  }
0x69: {  	[tilespmem:s7+$0x1250] =	vst v1  }
0x6a: {  	v1 =	vld [tilespmem:$0xC60];
	_ =	sdelay $0x4  }
0x6b: {  	[tilespmem:s7+$0x1260] =	vst v1  }
0x6c: {  	v1 =	vld [tilespmem:$0xC70];
	_ =	sdelay $0x1  }
.Ltmp0:
0x6d: {  	(pc) =	sbr.rel @p1 .LBB2_2-.Ltmp0, $3  }
0x6e: {  	_ =	sdelay $0x1  }
0x6f: {  	[tilespmem:s7+$0x1270] =	vst v1  }
0x70: {  	s5 =	sadd.s32 $0x200, s5;
	v1 =	vld [tilespmem:$0xC00]  }
0x71: {  	_ =	sdelay $0x2  }
0x72: {  	s5 =	sshra.s32 s6, $0x2  }
0x73: {  	[tilespmem:s5+$0x1200] =	vst v1  }
0x74: {  	v1 =	vld [tilespmem:$0xC10];
	_ =	sdelay $0x4  }
0x75: {  	[tilespmem:s5+$0x1210] =	vst v1  }
0x76: {  	v1 =	vld [tilespmem:$0xC20];
	_ =	sdelay $0x4  }
0x77: {  	[tilespmem:s5+$0x1220] =	vst v1  }
0x78: {  	v1 =	vld [tilespmem:$0xC30];
	_ =	sdelay $0x4  }
0x79: {  	[tilespmem:s5+$0x1230] =	vst v1  }
0x7a: {  	v1 =	vld [tilespmem:$0xC40];
	_ =	sdelay $0x4  }
0x7b: {  	[tilespmem:s5+$0x1240] =	vst v1  }
0x7c: {  	v1 =	vld [tilespmem:$0xC50];
	_ =	sdelay $0x4  }
0x7d: {  	[tilespmem:s5+$0x1250] =	vst v1  }
0x7e: {  	v1 =	vld [tilespmem:$0xC60];
	_ =	sdelay $0x4  }
0x7f: {  	[tilespmem:s5+$0x1260] =	vst v1  }
0x80: {  	v1 =	vld [tilespmem:$0xC70];
	_ =	sdelay $0x4  }
0x81: {  	s6 =	simm.s32 $0x1200;
	[tilespmem:s5+$0x1270] =	vst v1  }
0x82: {  	[spmem:s25] =	stream.linear.scatter [tilespmem:s6], [sflag:$0x3], $0x3C00, $0x38;
	[tilespmem:$0x1D280] =	vst v63  }
0x83: {  	_ =	swait.ge [sflag:s1], $0x3C00  }
0x84: {  	[sflag:s1] =	ssyncset.done $0x0  }
0x85: {  	s25 =	rddreg [dreg:$0xb];
	[sflag:s1] =	ssyncadd.s32 $0xFFFFC400  }
0x86: {  	[spmem:s25] =	stream.linear.scatter [tilespmem:s6], [sflag:$0x3], $0x3C00, $0x38;
	[tilespmem:$0x1D280] =	vst v63  }
0x87: {  	_ =	swait.ge [sflag:s1], $0x3C00  }
0x88: {  	[sflag:s1] =	ssyncset.done $0x0  }
0x89: {  	s7 =	rddreg [dreg:$0x10];
	[sflag:s1] =	ssyncadd.s32 $0xFFFFC400  }
0x8a: {  	[spmem:s7] =	stream.linear.scatter [tilespmem:s6], [sflag:$0x3], $0x3C00, $0x38;
	[tilespmem:$0x1D280] =	vst v63  }
0x8b: {  	_ =	swait.ge [sflag:s1], $0x3C00  }
0x8c: {  	[sflag:s1] =	ssyncset.done $0x0  }
0x8d: {  	s14 =	rddreg [dreg:$0x11];
	[sflag:s1] =	ssyncadd.s32 $0xFFFFC400  }
0x8e: {  	[spmem:s14] =	stream.linear.scatter [tilespmem:s6], [sflag:$0x3], $0x3C00, $0x38;
	[tilespmem:$0x1D280] =	vst v63  }
0x8f: {  	_ =	swait.ge [sflag:s1], $0x3C00  }
0x90: {  	[sflag:s1] =	ssyncset.done $0x0  }
0x91: {  	s15 =	rddreg [dreg:$0x12];
	[sflag:s1] =	ssyncadd.s32 $0xFFFFC400  }
0x92: {  	[spmem:s15] =	stream.linear.scatter [tilespmem:s6], [sflag:$0x3], $0x3C00, $0x38;
	[tilespmem:$0x1D280] =	vst v63  }
0x93: {  	_ =	swait.ge [sflag:s1], $0x3C00  }
0x94: {  	[sflag:s1] =	ssyncset.done $0x0  }
0x95: {  	s25 =	rddreg [dreg:$0x13];
	[sflag:s1] =	ssyncadd.s32 $0xFFFFC400  }
0x96: {  	[spmem:s25] =	stream.linear.scatter [tilespmem:s6], [sflag:$0x3], $0x1400, $0x38;
	[tilespmem:$0x1D280] =	vst v63  }
0x97: {  	_ =	swait.ge [sflag:s1], $0x1400  }
0x98: {  	[sflag:s1] =	ssyncset.done $0x0  }
0x99: {  	[sflag:s1] =	ssyncadd.s32 $0xFFFFEC00  }
0x9a: {  	s5 =	simm.s32 $0x0;
	s6 =	simm.s32 $0x0;
	[bflag:$0x0] =	sbarrier.arrive $0xFFFF  }
.LBB2_4:
0x9b: {  	s7 =	smul.u32 $0x2B0, s6;
	_ =	sdelay $0x1  }
0x9c: {  	s7 =	sadd.s32 s13, s7  }
0x9d: {  	s14 =	sshrl.u32 s7, $0x3  }
0x9e: {  	s15 =	sadd.s32 s9, s14  }
0x9f: {  	[tilespmem:s5], [sflag:$0x3] =	stream.linear.gather [hbm4b:s15+s5], $0x2B0, $0x38;
	[tilespmem:$0x1D280] =	vst v63  }
0xa0: {  	_ =	swait.ge [sflag:s1], $0x2B0  }
0xa1: {  	[sflag:s1] =	ssyncset.done $0x0  }
0xa2: {  	s14 =	sadd.s32 s10, s14;
	[sflag:s1] =	ssyncadd.s32 $0xFFFFFD50  }
0xa3: {  	[tilespmem:s2], [sflag:$0x3] =	stream.linear.gather [hbm4b:s14+s5], $0x2B0, $0x38;
	[tilespmem:$0x1D280] =	vst v63  }
0xa4: {  	_ =	swait.ge [sflag:s1], $0x2B0  }
0xa5: {  	[sflag:s1] =	ssyncset.done $0x0  }
0xa6: {  	[sflag:s1] =	ssyncadd.s32 $0xFFFFFD50  }
0xa7: {  	[tilespmem:s31], [sflag:$0x3] =	stream.indirect.gather [spmem:s26], $0x1, s5, s11, $0xb8;
	[tilespmem:$0x1D280] =	vst v63  }
0xa8: {  	_ =	swait.ge [sflag:s1], $0x2B0  }
0xa9: {  	[sflag:s1] =	ssyncset.done $0x0  }
0xaa: {  	s25 =	simm.s32 $0x900;
	[sflag:s1] =	ssyncadd.s32 $0xFFFFFD50  }
0xab: {  	[tilespmem:s25], [sflag:$0x3] =	stream.indirect.gather [spmem:s8], $0x1, s2, s11, $0xb8;
	[tilespmem:$0x1D280] =	vst v63  }
0xac: {  	_ =	swait.ge [sflag:s1], $0x2B0  }
0xad: {  	[sflag:s1] =	ssyncset.done $0x0  }
0xae: {  	s14 =	simm.s32 $0x0;
	[sflag:s1] =	ssyncadd.s32 $0xFFFFFD50  }
0xaf: {  	s15 =	simm.s32 $0x40;
	v1 =	vld [tilespmem:s14+$0x900]  }
.LBB2_5:
0xb0: {  	p1 =	sne.s32 s15, $0xA80;
	v2 =	vld [tilespmem:s14+$0x600];
	_ =	sdelay $0x4  }
0xb1: {  	v1 =	vadd.f32 v1, v2;
	_ =	sdelay $0x1  }
0xb2: {  	v2 =	vmul.f32 $2.000000030e-01, v1;
	_ =	sdelay $0x1  }
0xb3: {  	v1 =	vmax.f32 v1, v2  }
0xb4: {  	v1 =	vmul.f32 $1.442695020e+00, v1;
	_ =	sdelay $0x1  }
0xb5: {  	(erf) = vpow2.f32 v1;
	_ =	sdelay $0x5  }
.Ltmp1:
0xb6: {  	(pc) =	sbr.rel @p1 .LBB2_5-.Ltmp1, $3  }
0xb7: {  	_ =	sdelay $0x1  }
0xb8: {  	s25 =	sshra.s32 s15, $0x2;
	v2 =	vpop (erf)  }
0xb9: {  	s15 =	sadd.s32 $0x40, s15;
	v1 =	vld [tilespmem:s25+$0x900];
	[tilespmem:s14+$0x600] =	vst v2;
	s14 =	smov.u32 s25  }
0xba: {  	v2 =	vld [tilespmem:s14+$0x600];
	_ =	sdelay $0x4  }
0xbb: {  	v1 =	vadd.f32 v1, v2;
	_ =	sdelay $0x1  }
0xbc: {  	v2 =	vmul.f32 $2.000000030e-01, v1;
	_ =	sdelay $0x1  }
0xbd: {  	v1 =	vmax.f32 v1, v2  }
0xbe: {  	v1 =	vmul.f32 $1.442695020e+00, v1;
	_ =	sdelay $0x1  }
0xbf: {  	(erf) = vpow2.f32 v1;
	_ =	sdelay $0x7  }
0xc0: {  	s7 =	sadd.s32 s18, s7  }
0xc1: {  	s7 =	sshrl.u32 s7, $0x3;
	v1 =	vpop (erf)  }
0xc2: {  	s25 =	simm.s32 $0x0;
	s7 =	sadd.s32 s12, s7;
	[tilespmem:s14+$0x600] =	vst v1  }
0xc3: {  	[hbm4b:s7+s25] =	stream.linear.scatter [tilespmem:s31], [sflag:$0x3], $0x2B0, $0x38;
	[tilespmem:$0x1D280] =	vst v63  }
0xc4: {  	s6 =	sadd.s32 $0x1, s6;
	_ =	swait.ge [sflag:s1], $0x2B0  }
0xc5: {  	p1 =	sne.s32 s6, $0x1E;
	[sflag:s1] =	ssyncset.done $0x0  }
.Ltmp2:
0xc6: {  	[sflag:s1] =	ssyncadd.s32 $0xFFFFFD50;
	(pc) =	sbr.rel @p1 .LBB2_4-.Ltmp2, $4  }
0xc7: {  	[spmem:s4] =	stream.indirect.scatter.add.f32 [tilespmem:s31], [sflag:$0x3], $0x1, s2, s11, $0xb8;
	[tilespmem:$0x1D280] =	vst v63  }
0xc8: {  	_ =	swait.ge [sflag:s1], $0x2B0  }
0xc9: {  	[sflag:s1] =	ssyncset.done $0x0  }
0xca: {  	[sflag:s1] =	ssyncadd.s32 $0xFFFFFD50  }
0xcb: {  	[bflag:$0x0] =	sbarrier.arrive $0xFFFF  }
0xcc: {  	s6 =	simm.s32 $0xC80;
	s5 =	rddreg [dreg:$0x8]  }
0xcd: {  	[tilespmem:s6], [sflag:$0x3] =	stream.linear.gather [spmem:s5], $0x280, $0x38;
	[tilespmem:$0x1D280] =	vst v63  }
0xce: {  	_ =	swait.ge [sflag:s1], $0x280  }
0xcf: {  	[sflag:s1] =	ssyncset.done $0x0  }
0xd0: {  	s5 =	simm.s32 $0x0;
	s6 =	simm.s32 $0x40;
	[sflag:s1] =	ssyncadd.s32 $0xFFFFFD80  }
.LBB2_8:
0xd1: {  	p1 =	sne.s32 s6, $0x9C0;
	v1 =	vld [tilespmem:s5+$0xC80];
	_ =	sdelay $0x4  }
0xd2: {  	v1 =	vadd.f32 $1.000000020e-16, v1;
	_ =	sdelay $0x1  }
0xd3: {  	(erf) = vrcp.f32 v1;
	_ =	sdelay $0x5  }
.Ltmp3:
0xd4: {  	(pc) =	sbr.rel @p1 .LBB2_8-.Ltmp3, $3  }
0xd5: {  	_ =	sdelay $0x1  }
0xd6: {  	v1 =	vpop (erf)  }
0xd7: {  	[tilespmem:s5+$0xC80] =	vst v1;
	s5 =	sshra.s32 s6, $0x2;
	s6 =	sadd.s32 $0x40, s6  }
0xd8: {  	v1 =	vld [tilespmem:s5+$0xC80];
	_ =	sdelay $0x4  }
0xd9: {  	v1 =	vadd.f32 $1.000000020e-16, v1;
	_ =	sdelay $0x1  }
0xda: {  	(erf) = vrcp.f32 v1;
	_ =	sdelay $0x8  }
0xdb: {  	v1 =	vpop (erf)  }
0xdc: {  	s26 =	rddreg [dreg:$0x8];
	s6 =	simm.s32 $0xC80;
	[tilespmem:s5+$0xC80] =	vst v1  }
0xdd: {  	[spmem:s26] =	stream.linear.scatter [tilespmem:s6], [sflag:$0x3], $0x280, $0x38;
	[tilespmem:$0x1D280] =	vst v63  }
0xde: {  	_ =	swait.ge [sflag:s1], $0x280  }
0xdf: {  	[sflag:s1] =	ssyncset.done $0x0  }
0xe0: {  	[sflag:s1] =	ssyncadd.s32 $0xFFFFFD80  }
0xe1: {  	[bflag:$0x0] =	sbarrier.arrive $0xFFFF  }
0xe2: {  	s14 =	simm.s32 $0x0;
	s8 =	simm.s32 $0xF00;
	s7 =	rddreg [dreg:$0xc]  }
0xe3: {  	[tilespmem:s8], [sflag:$0x3] =	stream.linear.gather [hbm4b:s7+s14], $0x78, $0x38;
	[tilespmem:$0x1D280] =	vst v63  }
0xe4: {  	_ =	swait.ge [sflag:s1], $0x78  }
0xe5: {  	[sflag:s1] =	ssyncset.done $0x0  }
0xe6: {  	s15 =	rddreg [dreg:$0xd];
	[sflag:s1] =	ssyncadd.s32 $0xFFFFFF88  }
0xe7: {  	[tilespmem:s19], [sflag:$0x3] =	stream.linear.gather [hbm4b:s15+s14], $0x78, $0x38;
	[tilespmem:$0x1D280] =	vst v63  }
0xe8: {  	_ =	swait.ge [sflag:s1], $0x78  }
0xe9: {  	[sflag:s1] =	ssyncset.done $0x0  }
0xea: {  	[sflag:s1] =	ssyncadd.s32 $0xFFFFFF88  }
0xeb: {  	v1 =	vld [tilespmem:$0xF00]  }
0xec: {  	v2 =	vld [tilespmem:$0xF10]  }
0xed: {  	v3 =	vld [tilespmem:$0xF20]  }
0xee: {  	v4 =	vld [tilespmem:$0xF30]  }
0xef: {  	v5 =	vld [tilespmem:$0xF40]  }
0xf0: {  	[tilespmem:$0x1100] =	vst v1;
	v1 =	vld [tilespmem:$0xF50]  }
0xf1: {  	[tilespmem:$0x1110] =	vst v2;
	v2 =	vld [tilespmem:$0xF60]  }
0xf2: {  	[tilespmem:$0x1120] =	vst v3;
	v3 =	vld [tilespmem:$0xF70]  }
0xf3: {  	[tilespmem:$0x1130] =	vst v4  }
0xf4: {  	[tilespmem:$0x1140] =	vst v5  }
0xf5: {  	[tilespmem:$0x1150] =	vst v1  }
0xf6: {  	[tilespmem:$0x1160] =	vst v2  }
0xf7: {  	s25 =	simm.s32 $0x1200;
	s5 =	simm.s32 $0x0;
	s26 =	simm.s32 $0x1100;
	[tilespmem:$0x1170] =	vst v3  }
0xf8: {  	[tilespmem:s25], [sflag:$0x1] =	stream.indirect.gather [hbm4b:s0+s20], $0x80, s26, s20, $0xb8;
	[tilespmem:$0x1D280] =	vst v63  }
.LBB2_10:
0xf9: {  	s7 =	smul.u32 $0xF0, s5;
	_ =	sdelay $0x1  }
0xfa: {  	_ =	swait.ge [sflag:s24], $0x3C00;
	s6 =	sadd.s32 s7, s21  }
0xfb: {  	[sflag:s24] =	ssyncset.done $0x0;
	s15 =	sshrl.u32 s6, $0x3  }
0xfc: {  	s8 =	simm.s32 $0xF80;
	[sflag:s24] =	ssyncadd.s32 $0xFFFFC400;
	s25 =	sadd.s32 s9, s15  }
0xfd: {  	[tilespmem:s8], [sflag:$0x3] =	stream.linear.gather [hbm4b:s25+s14], $0x78, $0x38;
	[tilespmem:$0x1D280] =	vst v63  }
0xfe: {  	_ =	swait.ge [sflag:s1], $0x78  }
0xff: {  	[sflag:s1] =	ssyncset.done $0x0  }
0x100: {  	s15 =	sadd.s32 s10, s15;
	[sflag:s1] =	ssyncadd.s32 $0xFFFFFF88  }
0x101: {  	[tilespmem:s17], [sflag:$0x3] =	stream.linear.gather [hbm4b:s15+s14], $0x78, $0x38;
	[tilespmem:$0x1D280] =	vst v63  }
0x102: {  	_ =	swait.ge [sflag:s1], $0x78  }
0x103: {  	[sflag:s1] =	ssyncset.done $0x0  }
0x104: {  	[sflag:s1] =	ssyncadd.s32 $0xFFFFFF88  }
0x105: {  	v1 =	vld [tilespmem:$0xF80]  }
0x106: {  	v2 =	vld [tilespmem:$0xF90]  }
0x107: {  	v3 =	vld [tilespmem:$0xFA0]  }
0x108: {  	v4 =	vld [tilespmem:$0xFB0]  }
0x109: {  	v5 =	vld [tilespmem:$0xFC0]  }
0x10a: {  	[tilespmem:$0x1180] =	vst v1;
	v1 =	vld [tilespmem:$0xFD0]  }
0x10b: {  	[tilespmem:$0x1190] =	vst v2;
	v2 =	vld [tilespmem:$0xFE0]  }
0x10c: {  	[tilespmem:$0x11A0] =	vst v3;
	v3 =	vld [tilespmem:$0xFF0]  }
0x10d: {  	[tilespmem:$0x11B0] =	vst v4  }
0x10e: {  	[tilespmem:$0x11C0] =	vst v5  }
0x10f: {  	[tilespmem:$0x11D0] =	vst v1  }
0x110: {  	s26 =	sadd.s32 s7, s22;
	[tilespmem:$0x11E0] =	vst v2  }
0x111: {  	s25 =	simm.s32 $0x1180;
	s15 =	sshrl.u32 s26, $0x3;
	[tilespmem:$0x11F0] =	vst v3  }
0x112: {  	[tilespmem:s28], [sflag:$0x2] =	stream.indirect.gather [hbm4b:s0+s20], $0x80, s25, s20, $0xb8;
	[tilespmem:$0x1D280] =	vst v63  }
0x113: {  	s15 =	sadd.s32 s12, s15  }
0x114: {  	[tilespmem:s29], [sflag:$0x3] =	stream.linear.gather [hbm4b:s15+s14], $0x78, $0x38;
	[tilespmem:$0x1D280] =	vst v63  }
0x115: {  	_ =	swait.ge [sflag:s1], $0x78  }
0x116: {  	[sflag:s1] =	ssyncset.done $0x0  }
0x117: {  	[sflag:s1] =	ssyncadd.s32 $0xFFFFFF88  }
0x118: {  	[tilespmem:s30], [sflag:$0x3] =	stream.indirect.gather [spmem:s4], $0x1, s19, s20, $0xb8;
	[tilespmem:$0x1D280] =	vst v63  }
0x119: {  	_ =	swait.ge [sflag:s1], $0x78  }
0x11a: {  	[sflag:s1] =	ssyncset.done $0x0  }
0x11b: {  	[sflag:s1] =	ssyncadd.s32 $0xFFFFFF88  }
0x11c: {  	v1 =	vld [tilespmem:$0x8A00]  }
0x11d: {  	v2 =	vld [tilespmem:$0x8A80]  }
0x11e: {  	v3 =	vld [tilespmem:$0x8A10]  }
0x11f: {  	v4 =	vld [tilespmem:$0x8A90]  }
0x120: {  	v5 =	vld [tilespmem:$0x8A20]  }
0x121: {  	v6 =	vld [tilespmem:$0x8AA0]  }
0x122: {  	v7 =	vld [tilespmem:$0x8A30]  }
0x123: {  	v8 =	vld [tilespmem:$0x8AB0]  }
0x124: {  	v9 =	vld [tilespmem:$0x8A40]  }
0x125: {  	v10 =	vld [tilespmem:$0x8AC0]  }
0x126: {  	v11 =	vld [tilespmem:$0x8A50]  }
0x127: {  	v12 =	vld [tilespmem:$0x8AD0]  }
0x128: {  	v13 =	vld [tilespmem:$0x8A60]  }
0x129: {  	v1 =	vmul.f32 v2, v1;
	v2 =	vld [tilespmem:$0x8AE0]  }
0x12a: {  	v3 =	vmul.f32 v4, v3;
	v4 =	vld [tilespmem:$0x8A70]  }
0x12b: {  	[tilespmem:$0x8A00] =	vst v1;
	v1 =	vmul.f32 v6, v5;
	v5 =	vld [tilespmem:$0x8AF0]  }
0x12c: {  	[tilespmem:$0x8A10] =	vst v3;
	v3 =	vmul.f32 v8, v7  }
0x12d: {  	[tilespmem:$0x8A20] =	vst v1;
	v1 =	vmul.f32 v10, v9  }
0x12e: {  	[tilespmem:$0x8A30] =	vst v3;
	v3 =	vmul.f32 v12, v11  }
0x12f: {  	[tilespmem:$0x8A40] =	vst v1;
	v1 =	vmul.f32 v2, v13  }
0x130: {  	[tilespmem:$0x8A50] =	vst v3;
	v2 =	vmul.f32 v5, v4  }
0x131: {  	[tilespmem:$0x8A60] =	vst v1;
	v1 =	vmov s14  }
0x132: {  	s15 =	simm.s32 $0x1240;
	[tilespmem:$0x8A70] =	vst v2  }
0x133: {  	v5 =	vld [tilespmem:s15+$0x30]  }
0x134: {  	v8 =	vld [tilespmem:s15+$0x10]  }
0x135: {  	v6 =	vld [tilespmem:s15+$0xFFFFFFC0]  }
0x136: {  	v2 =	vld.idx.msk [tilespmem:v1+s29+$0x0], $0xffff  }
0x137: {  	v10 =	vld [tilespmem:s15+$0xFFFFFFE0]  }
0x138: {  	v3 =	vld [tilespmem:s15+$0x20]  }
0x139: {  	v4 =	vld [tilespmem:s15+$0xFFFFFFD0]  }
0x13a: {  	v1 =	vld [tilespmem:s15+$0xFFFFFFF0]  }
0x13b: {  	v9 =	vmul.f32 v5, v2;
	v5 =	vld [tilespmem:s15+$0x0]  }
0x13c: {  	v7 =	vmul.f32 v6, v2  }
0x13d: {  	s26 =	simm.s32 $0x1240;
	s25 =	simm.s32 $0x1;
	v6 =	vmul.f32 v10, v2;
	v8 =	vmul.f32 v8, v2  }
.LBB2_11:
0x13e: {  	p1 =	sne.s32 s25, $0x77  }
0x13f: {  	v4 =	vmul.f32 v4, v2;
	v3 =	vmul.f32 v3, v2;
	[tilespmem:s15+$0x30] =	vst v9;
	s26 =	sadd.s32 $0x80, s26;
	s8 =	smov.u32 s25;
	s25 =	sadd.s32 $0x1, s25  }
0x140: {  	[tilespmem:s15+$0xFFFFFFC0] =	vst v7;
	v7 =	vmul.f32 v1, v2;
	v2 =	vmul.f32 v5, v2  }
0x141: {  	[tilespmem:s15+$0x10] =	vst v8  }
0x142: {  	v5 =	vmov s8;
	[tilespmem:s15+$0xFFFFFFE0] =	vst v6  }
0x143: {  	v1 =	vld [tilespmem:s26+$0xFFFFFFF0];
	[tilespmem:s15+$0xFFFFFFF0] =	vst v7  }
0x144: {  	v6 =	vld [tilespmem:s26+$0x30];
	[tilespmem:s15+$0x0] =	vst v2  }
0x145: {  	v8 =	vld [tilespmem:s26+$0x10];
	[tilespmem:s15+$0x20] =	vst v3  }
0x146: {  	v7 =	vld [tilespmem:s26+$0xFFFFFFC0];
	[tilespmem:s15+$0xFFFFFFD0] =	vst v4;
	s15 =	smov.u32 s26  }
0x147: {  	v2 =	vld.idx.msk [tilespmem:v5+s29+$0x0], $0xffff  }
0x148: {  	v10 =	vld [tilespmem:s26+$0xFFFFFFE0]  }
0x149: {  	v3 =	vld [tilespmem:s26+$0x20]  }
.Ltmp4:
0x14a: {  	v4 =	vld [tilespmem:s26+$0xFFFFFFD0];
	(pc) =	sbr.rel @p1 .LBB2_11-.Ltmp4, $3  }
0x14b: {  	v5 =	vld [tilespmem:s26+$0x0];
	_ =	sdelay $0x1  }
0x14c: {  	v7 =	vmul.f32 v7, v2;
	v9 =	vmul.f32 v6, v2  }
0x14d: {  	v8 =	vmul.f32 v8, v2;
	v6 =	vmul.f32 v10, v2  }
0x14e: {  	[tilespmem:s15+$0x30] =	vst v9  }
0x14f: {  	[tilespmem:s15+$0xFFFFFFC0] =	vst v7  }
0x150: {  	v1 =	vmul.f32 v1, v2;
	[tilespmem:s15+$0x10] =	vst v8  }
0x151: {  	v3 =	vmul.f32 v3, v2;
	[tilespmem:s15+$0xFFFFFFE0] =	vst v6  }
0x152: {  	v5 =	vmul.f32 v5, v2;
	[tilespmem:s15+$0xFFFFFFF0] =	vst v1  }
0x153: {  	v1 =	vmul.f32 v4, v2;
	[tilespmem:s15+$0x20] =	vst v3  }
0x154: {  	[tilespmem:s15+$0x0] =	vst v5  }
0x155: {  	s8 =	simm.s32 $0x1200;
	[tilespmem:s15+$0xFFFFFFD0] =	vst v1  }
0x156: {  	[spmem:s3] =	stream.indirect.scatter.add.f32 [tilespmem:s8], [sflag:$0x3], $0x80, s19, s20, $0xb8;
	[tilespmem:$0x1D280] =	vst v63  }
0x157: {  	_ =	swait.ge [sflag:s1], $0x3C00  }
0x158: {  	[sflag:s1] =	ssyncset.done $0x0  }
0x159: {  	p1 =	seq.s32 s5, $0x2A;
	[sflag:s1] =	ssyncadd.s32 $0xFFFFC400  }
0x15a: {  	s7 =	sadd.s32 @!p1 s7, s23;
	_ =	swait.ge [sflag:s16], $0x3C00  }
0x15b: {  	s25 =	simm.s32 @!p1 $0xF00;
	s7 =	sshrl.u32 @!p1 s7, $0x3;
	[sflag:s16] =	ssyncset.done $0x0  }
0x15c: {  	s15 =	simm.s32 @!p1 $0x0;
	s8 =	sadd.s32 @!p1 s9, s7;
	[sflag:s16] =	ssyncadd.s32 $0xFFFFC400  }
0x15d: {  	[tilespmem:s25], [sflag:$0x3] =	stream.linear.gather @!p1 [hbm4b:s8+s15], $0x78, $0x38;
	[tilespmem:$0x1D280] =	vst v63  }
0x15e: {  	s8 =	simm.s32 @!p1 $0x3  }
0x15f: {  	_ =	swait.ge @!p1 [sflag:s8], $0x78  }
0x160: {  	[sflag:s8] =	ssyncset.done @!p1 $0x0  }
0x161: {  	s7 =	sadd.s32 @!p1 s10, s7;
	s25 =	simm.s32 @!p1 $0x1000;
	[sflag:s8] =	ssyncadd.s32 @!p1 $0xFFFFFF88  }
0x162: {  	[tilespmem:s25], [sflag:$0x3] =	stream.linear.gather @!p1 [hbm4b:s7+s15], $0x78, $0x38;
	[tilespmem:$0x1D280] =	vst v63  }
0x163: {  	_ =	swait.ge @!p1 [sflag:s8], $0x78  }
0x164: {  	[sflag:s8] =	ssyncset.done @!p1 $0x0  }
0x165: {  	[sflag:s8] =	ssyncadd.s32 @!p1 $0xFFFFFF88  }
0x166: {  	v1 =	vld @!p1 [tilespmem:$0xF00]  }
0x167: {  	v2 =	vld @!p1 [tilespmem:$0xF10]  }
0x168: {  	v3 =	vld @!p1 [tilespmem:$0xF20]  }
0x169: {  	v4 =	vld @!p1 [tilespmem:$0xF30]  }
0x16a: {  	v5 =	vld @!p1 [tilespmem:$0xF40]  }
0x16b: {  	[tilespmem:$0x1100] =	vst @!p1 v1;
	v1 =	vld @!p1 [tilespmem:$0xF50]  }
0x16c: {  	[tilespmem:$0x1110] =	vst @!p1 v2;
	v2 =	vld @!p1 [tilespmem:$0xF60]  }
0x16d: {  	[tilespmem:$0x1120] =	vst @!p1 v3;
	v3 =	vld @!p1 [tilespmem:$0xF70]  }
0x16e: {  	[tilespmem:$0x1130] =	vst @!p1 v4  }
0x16f: {  	[tilespmem:$0x1140] =	vst @!p1 v5  }
0x170: {  	s6 =	sadd.s32 s18, s6;
	[tilespmem:$0x1150] =	vst @!p1 v1  }
0x171: {  	s6 =	sshrl.u32 s6, $0x3;
	[tilespmem:$0x1160] =	vst @!p1 v2  }
0x172: {  	s7 =	simm.s32 @!p1 $0x78;
	s15 =	simm.s32 @!p1 $0x1200;
	s8 =	simm.s32 @!p1 $0x1100;
	[tilespmem:$0x1170] =	vst @!p1 v3  }
0x173: {  	[tilespmem:s15], [sflag:$0x1] =	stream.indirect.gather @!p1 [hbm4b:s0+s7], $0x80, s8, s7, $0xb8;
	[tilespmem:$0x1D280] =	vst v63  }
0x174: {  	s26 =	simm.s32 $0x0;
	s6 =	sadd.s32 s12, s6  }
0x175: {  	[tilespmem:s29], [sflag:$0x3] =	stream.linear.gather [hbm4b:s6+s26], $0x78, $0x38;
	[tilespmem:$0x1D280] =	vst v63  }
0x176: {  	_ =	swait.ge [sflag:s1], $0x78  }
0x177: {  	[sflag:s1] =	ssyncset.done $0x0  }
0x178: {  	[sflag:s1] =	ssyncadd.s32 $0xFFFFFF88  }
0x179: {  	[tilespmem:s30], [sflag:$0x3] =	stream.indirect.gather [spmem:s4], $0x1, s17, s20, $0xb8;
	[tilespmem:$0x1D280] =	vst v63  }
0x17a: {  	_ =	swait.ge [sflag:s1], $0x78  }
0x17b: {  	[sflag:s1] =	ssyncset.done $0x0  }
0x17c: {  	[sflag:s1] =	ssyncadd.s32 $0xFFFFFF88  }
0x17d: {  	v1 =	vld [tilespmem:$0x8A00]  }
0x17e: {  	v2 =	vld [tilespmem:$0x8A80]  }
0x17f: {  	v3 =	vld [tilespmem:$0x8A10]  }
0x180: {  	v4 =	vld [tilespmem:$0x8A90]  }
0x181: {  	v5 =	vld [tilespmem:$0x8A20]  }
0x182: {  	v6 =	vld [tilespmem:$0x8AA0]  }
0x183: {  	v7 =	vld [tilespmem:$0x8A30]  }
0x184: {  	v8 =	vld [tilespmem:$0x8AB0]  }
0x185: {  	v9 =	vld [tilespmem:$0x8A40]  }
0x186: {  	v10 =	vld [tilespmem:$0x8AC0]  }
0x187: {  	v11 =	vld [tilespmem:$0x8A50]  }
0x188: {  	v12 =	vld [tilespmem:$0x8AD0]  }
0x189: {  	v13 =	vld [tilespmem:$0x8A60]  }
0x18a: {  	v1 =	vmul.f32 v2, v1;
	v2 =	vld [tilespmem:$0x8AE0]  }
0x18b: {  	v3 =	vmul.f32 v4, v3;
	v4 =	vld [tilespmem:$0x8A70]  }
0x18c: {  	[tilespmem:$0x8A00] =	vst v1;
	v1 =	vmul.f32 v6, v5;
	v5 =	vld [tilespmem:$0x8AF0]  }
0x18d: {  	[tilespmem:$0x8A10] =	vst v3;
	v3 =	vmul.f32 v8, v7  }
0x18e: {  	[tilespmem:$0x8A20] =	vst v1;
	v1 =	vmul.f32 v10, v9  }
0x18f: {  	[tilespmem:$0x8A30] =	vst v3;
	v3 =	vmul.f32 v12, v11  }
0x190: {  	[tilespmem:$0x8A40] =	vst v1;
	v1 =	vmul.f32 v2, v13  }
0x191: {  	[tilespmem:$0x8A50] =	vst v3;
	v2 =	vmul.f32 v5, v4  }
0x192: {  	[tilespmem:$0x8A60] =	vst v1;
	v1 =	vmov s26  }
0x193: {  	s6 =	simm.s32 $0x4E40;
	[tilespmem:$0x8A70] =	vst v2  }
0x194: {  	v5 =	vld [tilespmem:s6+$0x30]  }
0x195: {  	v8 =	vld [tilespmem:s6+$0x10]  }
0x196: {  	v6 =	vld [tilespmem:s6+$0xFFFFFFC0]  }
0x197: {  	v2 =	vld.idx.msk [tilespmem:v1+s29+$0x0], $0xffff  }
0x198: {  	v10 =	vld [tilespmem:s6+$0xFFFFFFE0]  }
0x199: {  	v3 =	vld [tilespmem:s6+$0x20]  }
0x19a: {  	v4 =	vld [tilespmem:s6+$0xFFFFFFD0]  }
0x19b: {  	v1 =	vld [tilespmem:s6+$0xFFFFFFF0]  }
0x19c: {  	v9 =	vmul.f32 v5, v2;
	v5 =	vld [tilespmem:s6+$0x0]  }
0x19d: {  	v7 =	vmul.f32 v6, v2  }
0x19e: {  	s7 =	simm.s32 $0x1;
	s15 =	simm.s32 $0x4E40;
	v6 =	vmul.f32 v10, v2;
	v8 =	vmul.f32 v8, v2  }
.LBB2_13:
0x19f: {  	p1 =	sne.s32 s7, $0x77  }
0x1a0: {  	v4 =	vmul.f32 v4, v2;
	v3 =	vmul.f32 v3, v2;
	[tilespmem:s6+$0x30] =	vst v9;
	s15 =	sadd.s32 $0x80, s15;
	s8 =	smov.u32 s7;
	s7 =	sadd.s32 $0x1, s7  }
0x1a1: {  	[tilespmem:s6+$0xFFFFFFC0] =	vst v7;
	v7 =	vmul.f32 v1, v2;
	v2 =	vmul.f32 v5, v2  }
0x1a2: {  	[tilespmem:s6+$0x10] =	vst v8  }
0x1a3: {  	v5 =	vmov s8;
	[tilespmem:s6+$0xFFFFFFE0] =	vst v6  }
0x1a4: {  	v1 =	vld [tilespmem:s15+$0xFFFFFFF0];
	[tilespmem:s6+$0xFFFFFFF0] =	vst v7  }
0x1a5: {  	v6 =	vld [tilespmem:s15+$0x30];
	[tilespmem:s6+$0x0] =	vst v2  }
0x1a6: {  	v8 =	vld [tilespmem:s15+$0x10];
	[tilespmem:s6+$0x20] =	vst v3  }
0x1a7: {  	v7 =	vld [tilespmem:s15+$0xFFFFFFC0];
	[tilespmem:s6+$0xFFFFFFD0] =	vst v4;
	s6 =	smov.u32 s15  }
0x1a8: {  	v2 =	vld.idx.msk [tilespmem:v5+s29+$0x0], $0xffff  }
0x1a9: {  	v10 =	vld [tilespmem:s15+$0xFFFFFFE0]  }
0x1aa: {  	v3 =	vld [tilespmem:s15+$0x20]  }
.Ltmp5:
0x1ab: {  	v4 =	vld [tilespmem:s15+$0xFFFFFFD0];
	(pc) =	sbr.rel @p1 .LBB2_13-.Ltmp5, $3  }
0x1ac: {  	v5 =	vld [tilespmem:s15+$0x0];
	_ =	sdelay $0x1  }
0x1ad: {  	v7 =	vmul.f32 v7, v2;
	v9 =	vmul.f32 v6, v2  }
0x1ae: {  	v8 =	vmul.f32 v8, v2;
	v6 =	vmul.f32 v10, v2  }
0x1af: {  	[tilespmem:s6+$0x30] =	vst v9  }
0x1b0: {  	[tilespmem:s6+$0xFFFFFFC0] =	vst v7  }
0x1b1: {  	v1 =	vmul.f32 v1, v2;
	[tilespmem:s6+$0x10] =	vst v8  }
0x1b2: {  	v3 =	vmul.f32 v3, v2;
	[tilespmem:s6+$0xFFFFFFE0] =	vst v6  }
0x1b3: {  	v5 =	vmul.f32 v5, v2;
	[tilespmem:s6+$0xFFFFFFF0] =	vst v1  }
0x1b4: {  	s5 =	sadd.s32 $0x1, s5;
	v1 =	vmul.f32 v4, v2;
	[tilespmem:s6+$0x20] =	vst v3  }
0x1b5: {  	p1 =	sne.s32 s5, $0x2B;
	[tilespmem:s6+$0x0] =	vst v5  }
.Ltmp6:
0x1b6: {  	[tilespmem:s6+$0xFFFFFFD0] =	vst v1;
	(pc) =	sbr.rel @p1 .LBB2_10-.Ltmp6, $4  }
0x1b7: {  	[spmem:s3] =	stream.indirect.scatter.add.f32 [tilespmem:s28], [sflag:$0x3], $0x80, s17, s20, $0xb8;
	[tilespmem:$0x1D280] =	vst v63  }
0x1b8: {  	_ =	swait.ge [sflag:s1], $0x3C00  }
0x1b9: {  	[sflag:s1] =	ssyncset.done $0x0  }
0x1ba: {  	[sflag:s1] =	ssyncadd.s32 $0xFFFFC400  }
0x1bb: {  	s5 =	stileid.u32;
	[bflag:$0x0] =	sbarrier.arrive $0xFFFF  }
0x1bc: {  	s5 =	sshll.u32 s5, $0x6;
	s25 =	rddreg [dreg:$0xa]  }
0x1bd: {  	s7 =	rddreg [dreg:$0xe];
	s5 =	sor.u32 $0x1C03, s5;
	s6 =	sshrl.u32 s25, $0x3  }
0x1be: {  	[hbm:s7], [sflag:s5] =	dma.local [spmem:s6], $0x2800  }
0x1bf: {  	_ =	swait.ge [sflag:s1], $0x2800  }
0x1c0: {  	s15 =	rddreg [dreg:$0x14]  }
0x1c1: {  	s26 =	rddreg [dreg:$0xf];
	s6 =	sadd.s32 $0x1, s15  }
0x1c2: {  	p1 =	sne.s32 s6, s26  }
.Ltmp7:
0x1c3: {  	_ = 	snop;
	(pc) =	sbr.rel @p1 .LBB2_1-.Ltmp7, $4  }
0x1c4: {  	_ = 	snop  }
0x1c5: {  	[sflag:s1] =	ssyncset.done $0x0  }
0x1c6: {  	[sflag:s1] =	ssyncadd.s32 $0xFFFFD800  }
0x1c7: {  	s26 =	rddreg [dreg:$0x4]  }
0x1c8: {  	_ =	sfence.sel $0x180000  }
0x1c9: {  	[bflag:$0x0] =	sbarrier.arrive $0xFFFF  }
0x1ca: {  	_ =	strace $0x9000004A  }
0x1cb: {  	[bflag:$0x2] =	sbarrier.arrive $0xFFFF  }
0x1cc: {  	s0 =	rddreg [dreg:$0x6]  }
0x1cd: {  	s0 =	sadd.s32 @!p0 $0x100000, s0  }
0x1ce: {  	[sflag:s0] =	ssyncadd.tile.s32 @!p0 $0x1;
	_ =	shalt  }
.Lfunc_end2:
_tile_overlayer_lowered:
.L_overlay_start_2:
0x1cf: {  	(tag) =	ssettag $0x2  }
0x1d0: {  	s0 =	rddreg [dreg:$0x0];
	s2 =	stileid.u32  }
0x1d1: {  	s1 =	rddreg [dreg:$0x1];
	p0 =	sne.s32 s2, $0x0  }
0x1d2: {  	s3 =	rddreg [dreg:$0x2];
	[bflag:$0x3] =	sbarrier.arrive $0xFFFF;
	s2 =	simm.s32 @!p0 $0x1C03  }
0x1d3: {  	[timem:s3], [sflag:s2] =	dma.local @!p0 [hbm:s0], s1  }
0x1d4: {  	s0 =	simm.s32 @!p0 $0x3  }
0x1d5: {  	_ =	swait.ge @!p0 [sflag:s0], s1  }
0x1d6: {  	s1 =	ssub.s32 @!p0 $0x0, s1;
	[sflag:s0] =	ssyncset.done @!p0 $0x0  }
0x1d7: {  	[sflag:s0] =	ssyncadd.s32 @!p0 s1  }
0x1d8: {  	[bflag:$0x3] =	sbarrier.arrive $0xFFFF  }
0x1d9: {  	_ =	shalt  }

</sc_bundles>
